<compile_context>
chip_gen: v7x
topology: tpu7x:2x2x1
jax: 0.10.2.dev20260603
libtpu: 0.0.44.dev20260713+nightly
codegen_flags: <defaults>
</compile_context>

<pallas_src>
import functools

import jax
import jax.numpy as jnp
from jax import lax
from jax.experimental import pallas as pl
from jax.experimental.pallas import tpu as pltpu
from jax.experimental.pallas import tpu_sc as plsc

N_IN = 1000000
NP = 1 << 20
ROWS, COLS = NP // 128, 128
BLK = 256
NTILES = 32
PER_TILE = NP // NTILES
CHUNK = 16384
NCHUNK = PER_TILE // CHUNK
SENTINEL = 0xFFFFFFFF


def _terms(p, y):
    return jnp.maximum(p, 0.0) - p * y + jnp.log1p(jnp.exp(-jnp.abs(p)))


def _stats_keys_body(p_ref, y_ref, keys_ref, stats_ref):
    i = pl.program_id(0)
    p = p_ref[...]
    y = y_ref[...]
    is_pos = y > 0.0
    is_neg = y == 0.0
    term = _terms(p, y)
    bu = lax.bitcast_convert_type(p, jnp.uint32)
    sign = bu >= jnp.uint32(0x80000000)
    ukey = jnp.where(sign, ~bu, bu | jnp.uint32(0x80000000))
    keys_ref[...] = jnp.where(is_neg, ukey, jnp.uint32(SENTINEL))
    npos = jnp.sum(is_pos.astype(jnp.float32))
    nneg = jnp.sum(is_neg.astype(jnp.float32))
    spos = jnp.sum(jnp.where(is_pos, term, 0.0))
    sneg = jnp.sum(jnp.where(is_neg, term, 0.0))
    mneg = jnp.max(jnp.where(is_neg, p, -jnp.inf))
    mpos = jnp.max(jnp.where(is_pos, p, -jnp.inf))
    col = lax.broadcasted_iota(jnp.int32, (1, 128), 1)
    addv = (jnp.where(col == 0, npos, 0.0) + jnp.where(col == 1, nneg, 0.0)
            + jnp.where(col == 2, spos, 0.0) + jnp.where(col == 3, sneg, 0.0))
    maxv = jnp.maximum(jnp.where(col == 4, mneg, -jnp.inf),
                       jnp.where(col == 5, mpos, -jnp.inf))

    @pl.when(i == 0)
    def _():
        stats_ref[...] = jnp.where(col >= 4, -jnp.inf, 0.0)

    stats_ref[...] = stats_ref[...] + addv
    stats_ref[...] = jnp.maximum(stats_ref[...], maxv)


def _stats_keys(p2, y2):
    return pl.pallas_call(
        _stats_keys_body,
        grid=(ROWS // BLK,),
        in_specs=[pl.BlockSpec((BLK, COLS), lambda i: (i, 0)),
                  pl.BlockSpec((BLK, COLS), lambda i: (i, 0))],
        out_specs=[pl.BlockSpec((BLK, COLS), lambda i: (i, 0)),
                   pl.BlockSpec((1, 128), lambda i: (0, 0))],
        out_shape=[jax.ShapeDtypeStruct((ROWS, COLS), jnp.uint32),
                   jax.ShapeDtypeStruct((1, 128), jnp.float32)],
    )(p2, y2)


@functools.lru_cache(maxsize=None)
def _make_hist(shift, nbuckets, span):
    mesh = plsc.VectorSubcoreMesh(core_axis_name="c", subcore_axis_name="s",
                                  num_cores=2, num_subcores=16)
    nin = 2
    scratch = [
        pltpu.VMEM((CHUNK,), jnp.uint32),
        pltpu.VMEM((CHUNK,), jnp.uint32),
        pltpu.VMEM((16,), jnp.uint32),
        pltpu.VMEM((16 * nbuckets + 16,), jnp.int32),
        pltpu.VMEM((nbuckets,), jnp.int32),
        pltpu.SemaphoreType.DMA,
        pltpu.SemaphoreType.DMA,
    ]

    @functools.partial(
        pl.kernel,
        out_type=jax.ShapeDtypeStruct((NTILES, nbuckets), jnp.int32),
        mesh=mesh,
        compiler_params=pltpu.CompilerParams(needs_layout_passes=False),
        scratch_types=scratch,
    )
    def hist(*refs):
        args, rest = refs[:nin], refs[nin:]
        keys_hbm = args[0]
        out_hbm = rest[0]
        (buf0, buf1, lo_v, hist_v, merged_v, sem0, sem1) = rest[1:]
        bufs, sems = (buf0, buf1), (sem0, sem1)
        wid = lax.axis_index("s") * 2 + lax.axis_index("c")
        base0 = wid * PER_TILE
        cps = [None, None]
        cps[0] = pltpu.async_copy(keys_hbm.at[pl.ds(base0, CHUNK)], buf0,
                                  sem0)
        pltpu.sync_copy(args[1], lo_v)
        lo = lo_v[...]
        span_u = jnp.uint32(span)
        zero16 = jnp.zeros((16,), jnp.int32)

        def zbody(j, carry):
            for u in range(16):
                hist_v[pl.ds((j * 16 + u) * 16, 16)] = zero16
            return carry

        lax.fori_loop(0, nbuckets // 16, zbody, 0)
        hist_v[pl.ds(nbuckets * 16, 16)] = zero16
        lane_off = lax.iota(jnp.int32, 16) * (nbuckets + 1)
        ones = jnp.ones((16,), jnp.int32)

        for c in range(NCHUNK):
            cps[c % 2].wait()
            if c + 1 < NCHUNK:
                cps[(c + 1) % 2] = pltpu.async_copy(
                    keys_hbm.at[pl.ds(base0 + (c + 1) * CHUNK, CHUNK)],
                    bufs[(c + 1) % 2], sems[(c + 1) % 2])
            buf = bufs[c % 2]

            def vbody(t, carry2):
                for u in range(16):
                    k = buf[pl.ds((t * 16 + u) * 16, 16)]
                    d = k - lo
                    valid = d <= span_u
                    bucket = (d >> shift).astype(jnp.int32)
                    plsc.addupdate_scatter(hist_v, [lane_off + bucket],
                                           ones, mask=valid)
                return carry2

            lax.fori_loop(0, CHUNK // 256, vbody, 0)

        def mbody(j, carry):
            for u in range(2):
                jj = j * 2 + u
                acc = hist_v[pl.ds(jj * 16, 16)]
                for l in range(1, 16):
                    acc = acc + hist_v[pl.ds(l * (nbuckets + 1) + jj * 16,
                                             16)]
                merged_v[pl.ds(jj * 16, 16)] = acc
            return carry

        lax.fori_loop(0, nbuckets // 32, mbody, 0)
        pltpu.sync_copy(merged_v, out_hbm.at[wid])

    return hist


def _sless_body(keys_ref, kstar_ref, out_ref):
    i = pl.program_id(0)
    k = keys_ref[...]
    kstar = kstar_ref[0, 0]
    sel = k < kstar
    neg = k < jnp.uint32(0x80000000)
    bu = jnp.where(neg, ~k, k ^ jnp.uint32(0x80000000))
    p = lax.bitcast_convert_type(bu, jnp.float32)
    term = jnp.maximum(p, 0.0) + jnp.log1p(jnp.exp(-jnp.abs(p)))
    part = jnp.sum(jnp.where(sel, term, 0.0), axis=0)[None, :]

    @pl.when(i == 0)
    def _():
        out_ref[...] = jnp.zeros_like(out_ref)

    out_ref[...] = out_ref[...] + part


def _sless(keys2, kstar):
    return pl.pallas_call(
        _sless_body,
        grid=(ROWS // 512,),
        in_specs=[pl.BlockSpec((512, COLS), lambda i: (i, 0)),
                  pl.BlockSpec(memory_space=pltpu.SMEM)],
        out_specs=pl.BlockSpec((1, 128), lambda i: (0, 0)),
        out_shape=jax.ShapeDtypeStruct((1, 128), jnp.float32),
    )(keys2, kstar)


def _bucket_step(hist32, rank):
    h = jnp.sum(hist32, axis=0)
    c = jnp.cumsum(h)
    b = jnp.argmax(c > rank).astype(jnp.int32)
    below = jnp.where(b > 0, c[jnp.maximum(b - 1, 0)], 0)
    return b, below


def kernel(logit, target):
    npad = NP - logit.shape[0]
    p2 = jnp.pad(logit, ((0, npad), (0, 0))).reshape(ROWS, COLS)
    y2 = jnp.pad(target, ((0, npad), (0, 0)),
                 constant_values=-1.0).reshape(ROWS, COLS)
    keys2, stats = _stats_keys(p2, y2)
    s = stats[0]
    num_pos = s[0].astype(jnp.int32)
    num_neg = s[1].astype(jnp.int32)
    s_pos, s_negall, max_neg, max_pos = s[2], s[3], s[4], s[5]
    topm = jnp.minimum(num_pos, num_neg) - 1
    take = topm > 0
    r = jnp.maximum(topm - 1, 0)

    keys_flat = keys2.reshape(-1)
    full = lambda v: jnp.full((16,), v, jnp.uint32)
    h1 = _make_hist(21, 2048, 0xFFFFFFFE)(keys_flat, full(jnp.uint32(0)))
    b1, cb1 = _bucket_step(h1, r)
    lo1 = b1.astype(jnp.uint32) << 21
    h2 = _make_hist(10, 2048, (1 << 21) - 1)(keys_flat, full(lo1))
    b2, cb2 = _bucket_step(h2, r - cb1)
    lo2 = lo1 + (b2.astype(jnp.uint32) << 10)
    h3 = _make_hist(0, 1024, 1023)(keys_flat, full(lo2))
    lo2_eff = jnp.where(take, lo2, jnp.uint32(0))
    s12 = jnp.sum(_sless(keys2, lo2_eff.reshape(1, 1)))

    htot3 = jnp.sum(h3, axis=0)
    c3 = jnp.cumsum(htot3)
    b3 = jnp.argmax(c3 > (r - cb1 - cb2)).astype(jnp.int32)
    cb3 = jnp.where(b3 > 0, c3[jnp.maximum(b3 - 1, 0)], 0)
    kstar = lo2 + b3.astype(jnp.uint32)
    cnt_less = cb1 + cb2 + cb3

    jidx = jnp.arange(1024, dtype=jnp.uint32)
    kj = lo2 + jidx
    buj = jnp.where(kj >= jnp.uint32(0x80000000),
                    kj ^ jnp.uint32(0x80000000), ~kj)
    vj = lax.bitcast_convert_type(buj, jnp.float32)
    tj = jnp.maximum(vj, 0.0) + jnp.log1p(jnp.exp(-jnp.abs(vj)))
    selj = (jidx < b3.astype(jnp.uint32)) & (htot3 > 0)
    s3 = jnp.sum(jnp.where(selj, htot3.astype(jnp.float32) * tj, 0.0))
    s_less = s12 + s3

    bu = jnp.where(kstar >= jnp.uint32(0x80000000),
                   kstar ^ jnp.uint32(0x80000000), ~kstar)
    vstar = lax.bitcast_convert_type(bu, jnp.float32)
    tstar = jnp.maximum(vstar, 0.0) + jnp.log1p(jnp.exp(-jnp.abs(vstar)))
    s_sel = s_less + (topm - cnt_less).astype(jnp.float32) * tstar

    loss_bce = jnp.where(take, s_pos + s_sel, s_pos + s_negall)
    rank_val = jnp.maximum(0.0, 1.0 - max_neg + max_pos)
    loss_total = loss_bce + 0.1 * jnp.where(take, rank_val, 0.0)
    count = jnp.where(take, num_pos + topm, num_pos + num_neg).astype(jnp.int32)
    return loss_total, count

# --- scband reference (transcript-rebuilt; emitter-appended) ---
"""Pipeline reference for scband-actionness-loss-49821620633613 (READ-ONLY COPY).

The authoritative reference and input builder live on the scoring server;
editing this copy changes nothing except your own understanding.
"""

import jax, jax.numpy as jnp
import numpy as np

N = 1000000

def setup_inputs(seed: int = 0) -> dict:
    key = jax.random.key(seed)
    k1, k2 = jax.random.split(key)
    logit = jax.random.normal(k1, (N, 1), dtype=jnp.float32)
    target = jax.random.randint(k2, (N, 1), 0, 2).astype(jnp.float32)
    return {"logit": logit, "target": target}

def _bce_with_logits_sum(x, y):
    # numerically stable binary_cross_entropy_with_logits, reduction='sum'
    return jnp.sum(jnp.maximum(x, 0.0) - x * y + jnp.log1p(jnp.exp(-jnp.abs(x))))

def reference(logit, target):
    # logit.dim() == 2 so the >2 reshape branch is skipped
    label = target.reshape(-1)
    pred = logit.reshape(-1)  # logit.size(-1) == 1
    pos_mask = label > 0
    neg_mask = label == 0
    num_pos = jnp.sum(pos_mask)
    num_neg = jnp.sum(neg_mask)
    topM = jnp.minimum(num_pos, num_neg) - 1
    take = topM > 0
    terms = jnp.maximum(pred, 0.0) - pred * label + jnp.log1p(jnp.exp(-jnp.abs(pred)))
    sort_key = jnp.where(neg_mask, pred, jnp.inf)
    order = jnp.argsort(sort_key)  # stable ascending, negatives first in original relative order
    sorted_terms = terms[order]
    ranks = jnp.arange(pred.shape[0])
    loss_bce_top = jnp.sum(jnp.where(pos_mask, terms, 0.0)) + jnp.sum(jnp.where(ranks < topM, sorted_terms, 0.0))
    loss_bce_all = _bce_with_logits_sum(pred, label)
    loss_bce = jnp.where(take, loss_bce_top, loss_bce_all)
    count = jnp.where(take, num_pos + topM, num_pos + num_neg).astype(jnp.int32)
    neg_noisy_pred = jnp.max(jnp.where(neg_mask, pred, -jnp.inf))   # max over ALL negatives (pre-filter)
    pos_clean_pred = jnp.max(jnp.where(pos_mask, pred, -jnp.inf))
    rank_val = jnp.maximum(jnp.float32(0.0), 1.0 - neg_noisy_pred + jax.lax.stop_gradient(pos_clean_pred))
    loss_rank = jnp.where(take, rank_val, jnp.float32(0.0))
    loss_total = loss_bce + 0.1 * loss_rank
    return (loss_total, count)

if __name__ == "__main__":
    import jax
    _d = setup_inputs()
    print(jax.jit(kernel)(*tuple(_d.values())))

</pallas_src>

<mosaic_0001>
#map = affine_map<(d0, d1) -> (0)>
#map1 = affine_map<(d0, d1) -> (0, 0)>
module attributes {stable_mosaic.version = 14 : i64} {
  func.func @hist(%arg0: i32, %arg1: i32, %arg2: memref<1048576xi32, #tpu.memory_space<hbm>>, %arg3: memref<16xi32, #tpu.memory_space<hbm>>, %arg4: memref<32x2048xi32, #tpu.memory_space<hbm>>, %arg5: memref<16384xi32, #tpu.memory_space<vmem>>, %arg6: memref<16384xi32, #tpu.memory_space<vmem>>, %arg7: memref<16xi32, #tpu.memory_space<vmem>>, %arg8: memref<32784xi32, #tpu.memory_space<vmem>>, %arg9: memref<2048xi32, #tpu.memory_space<vmem>>, %arg10: memref<!tpu.dma_semaphore, #tpu.memory_space<semaphore_mem>>, %arg11: memref<!tpu.dma_semaphore, #tpu.memory_space<semaphore_mem>>) attributes {dimension_semantics = [#tpu.dimension_semantics<core_parallel>, #tpu.dimension_semantics<subcore_parallel>], iteration_bounds = array<i64: 2, 16>, scalar_prefetch = 0 : i64, scratch_operands = 7 : i64, tpu.core_type = #tpu.core_type<sc_vector_subcore>, window_params = [{transform_indices = #map}, {transform_indices = #map}, {transform_indices = #map1}]} {
    %mul3A = arith.constant 2 : i32
    %mul3A_0 = arith.muli %arg1, %mul3A : i32
    %add3A = arith.addi %mul3A_0, %arg0 : i32
    %mul3A_1 = arith.constant 32768 : i32
    %mul3A_2 = arith.muli %add3A, %mul3A_1 : i32
    %dma_start3A = tpu.memref_slice %arg2[%mul3A_2] : memref<1048576xi32, #tpu.memory_space<hbm>> -> memref<16384xi32, #tpu.memory_space<hbm>>
    %dma_start3A_3 = tpu.memref_slice %arg2[%mul3A_2] : memref<1048576xi32, #tpu.memory_space<hbm>> -> memref<16384xi32, #tpu.memory_space<hbm>>
    tpu.enqueue_dma source(%dma_start3A_3 : memref<16384xi32, #tpu.memory_space<hbm>>) target(%arg5 : memref<16384xi32, #tpu.memory_space<vmem>>) target_semaphore(%arg10 : memref<!tpu.dma_semaphore, #tpu.memory_space<semaphore_mem>>)
    "tpu.region"() ({
      %run_scoped3A = tpu.sem_alloc : memref<!tpu.dma_semaphore, #tpu.memory_space<semaphore_mem>>
      tpu.enqueue_dma source(%arg3 : memref<16xi32, #tpu.memory_space<hbm>>) target(%arg7 : memref<16xi32, #tpu.memory_space<vmem>>) target_semaphore(%run_scoped3A : memref<!tpu.dma_semaphore, #tpu.memory_space<semaphore_mem>>)
      tpu.wait_dma2 semaphore(%run_scoped3A : memref<!tpu.dma_semaphore, #tpu.memory_space<semaphore_mem>>) src(%arg3 : memref<16xi32, #tpu.memory_space<hbm>>) dst(%arg7 : memref<16xi32, #tpu.memory_space<vmem>>)
      tpu.yield
    }) : () -> ()
    %get3A = arith.constant 0 : index
    %get3A_4 = tpu.vector_load %arg7[%get3A] {strides = array<i32>} : memref<16xi32, #tpu.memory_space<vmem>>, vector<16xi32>,
    %broadcast_in_dim3A = arith.constant 0 : i32
    %broadcast_in_dim3A_5 = vector.broadcast %broadcast_in_dim3A : i32 to vector<16xi32>
    %scan3A = arith.constant 0 : i32
    %scan3A_6 = arith.constant 0 : i32
    %scan3A_7 = arith.constant 128 : i32
    %scan3A_8 = arith.addi %scan3A_6, %scan3A_7 : i32
    %scan3A_9 = arith.constant 1 : i32
    scf.for %scan3A_44 = %scan3A_6 to %scan3A_8 step %scan3A_9  : i32 {
      %mul3A_45 = arith.constant 16 : i32
      %mul3A_46 = arith.muli %scan3A_44, %mul3A_45 : i32
      %add3A_47 = arith.constant 0 : i32
      %add3A_48 = arith.addi %mul3A_46, %add3A_47 : i32
      %mul3A_49 = arith.constant 16 : i32
      %mul3A_50 = arith.muli %add3A_48, %mul3A_49 : i32
      %swap3A_51 = arith.index_cast %mul3A_50 : i32 to index
      %swap3A_52 = tpu.vector_load %arg8[%swap3A_51] {strides = array<i32>} : memref<32784xi32, #tpu.memory_space<vmem>>, vector<16xi32>,
      tpu.vector_store %arg8[%swap3A_51], %broadcast_in_dim3A_5 {strides = array<i32>} : memref<32784xi32, #tpu.memory_space<vmem>>, vector<16xi32>,
      %mul3A_53 = arith.constant 16 : i32
      %mul3A_54 = arith.muli %scan3A_44, %mul3A_53 : i32
      %add3A_55 = arith.constant 1 : i32
      %add3A_56 = arith.addi %mul3A_54, %add3A_55 : i32
      %mul3A_57 = arith.constant 16 : i32
      %mul3A_58 = arith.muli %add3A_56, %mul3A_57 : i32
      %swap3A_59 = arith.index_cast %mul3A_58 : i32 to index
      %swap3A_60 = tpu.vector_load %arg8[%swap3A_59] {strides = array<i32>} : memref<32784xi32, #tpu.memory_space<vmem>>, vector<16xi32>,
      tpu.vector_store %arg8[%swap3A_59], %broadcast_in_dim3A_5 {strides = array<i32>} : memref<32784xi32, #tpu.memory_space<vmem>>, vector<16xi32>,
      %mul3A_61 = arith.constant 16 : i32
      %mul3A_62 = arith.muli %scan3A_44, %mul3A_61 : i32
      %add3A_63 = arith.constant 2 : i32
      %add3A_64 = arith.addi %mul3A_62, %add3A_63 : i32
      %mul3A_65 = arith.constant 16 : i32
      %mul3A_66 = arith.muli %add3A_64, %mul3A_65 : i32
      %swap3A_67 = arith.index_cast %mul3A_66 : i32 to index
      %swap3A_68 = tpu.vector_load %arg8[%swap3A_67] {strides = array<i32>} : memref<32784xi32, #tpu.memory_space<vmem>>, vector<16xi32>,
      tpu.vector_store %arg8[%swap3A_67], %broadcast_in_dim3A_5 {strides = array<i32>} : memref<32784xi32, #tpu.memory_space<vmem>>, vector<16xi32>,
      %mul3A_69 = arith.constant 16 : i32
      %mul3A_70 = arith.muli %scan3A_44, %mul3A_69 : i32
      %add3A_71 = arith.constant 3 : i32
      %add3A_72 = arith.addi %mul3A_70, %add3A_71 : i32
      %mul3A_73 = arith.constant 16 : i32
      %mul3A_74 = arith.muli %add3A_72, %mul3A_73 : i32
      %swap3A_75 = arith.index_cast %mul3A_74 : i32 to index
      %swap3A_76 = tpu.vector_load %arg8[%swap3A_75] {strides = array<i32>} : memref<32784xi32, #tpu.memory_space<vmem>>, vector<16xi32>,
      tpu.vector_store %arg8[%swap3A_75], %broadcast_in_dim3A_5 {strides = array<i32>} : memref<32784xi32, #tpu.memory_space<vmem>>, vector<16xi32>,
      %mul3A_77 = arith.constant 16 : i32
      %mul3A_78 = arith.muli %scan3A_44, %mul3A_77 : i32
      %add3A_79 = arith.constant 4 : i32
      %add3A_80 = arith.addi %mul3A_78, %add3A_79 : i32
      %mul3A_81 = arith.constant 16 : i32
      %mul3A_82 = arith.muli %add3A_80, %mul3A_81 : i32
      %swap3A_83 = arith.index_cast %mul3A_82 : i32 to index
      %swap3A_84 = tpu.vector_load %arg8[%swap3A_83] {strides = array<i32>} : memref<32784xi32, #tpu.memory_space<vmem>>, vector<16xi32>,
      tpu.vector_store %arg8[%swap3A_83], %broadcast_in_dim3A_5 {strides = array<i32>} : memref<32784xi32, #tpu.memory_space<vmem>>, vector<16xi32>,
      %mul3A_85 = arith.constant 16 : i32
      %mul3A_86 = arith.muli %scan3A_44, %mul3A_85 : i32
      %add3A_87 = arith.constant 5 : i32
      %add3A_88 = arith.addi %mul3A_86, %add3A_87 : i32
      %mul3A_89 = arith.constant 16 : i32
      %mul3A_90 = arith.muli %add3A_88, %mul3A_89 : i32
      %swap3A_91 = arith.index_cast %mul3A_90 : i32 to index
      %swap3A_92 = tpu.vector_load %arg8[%swap3A_91] {strides = array<i32>} : memref<32784xi32, #tpu.memory_space<vmem>>, vector<16xi32>,
      tpu.vector_store %arg8[%swap3A_91], %broadcast_in_dim3A_5 {strides = array<i32>} : memref<32784xi32, #tpu.memory_space<vmem>>, vector<16xi32>,
      %mul3A_93 = arith.constant 16 : i32
      %mul3A_94 = arith.muli %scan3A_44, %mul3A_93 : i32
      %add3A_95 = arith.constant 6 : i32
      %add3A_96 = arith.addi %mul3A_94, %add3A_95 : i32
      %mul3A_97 = arith.constant 16 : i32
      %mul3A_98 = arith.muli %add3A_96, %mul3A_97 : i32
      %swap3A_99 = arith.index_cast %mul3A_98 : i32 to index
      %swap3A_100 = tpu.vector_load %arg8[%swap3A_99] {strides = array<i32>} : memref<32784xi32, #tpu.memory_space<vmem>>, vector<16xi32>,
      tpu.vector_store %arg8[%swap3A_99], %broadcast_in_dim3A_5 {strides = array<i32>} : memref<32784xi32, #tpu.memory_space<vmem>>, vector<16xi32>,
      %mul3A_101 = arith.constant 16 : i32
      %mul3A_102 = arith.muli %scan3A_44, %mul3A_101 : i32
      %add3A_103 = arith.constant 7 : i32
      %add3A_104 = arith.addi %mul3A_102, %add3A_103 : i32
      %mul3A_105 = arith.constant 16 : i32
      %mul3A_106 = arith.muli %add3A_104, %mul3A_105 : i32
      %swap3A_107 = arith.index_cast %mul3A_106 : i32 to index
      %swap3A_108 = tpu.vector_load %arg8[%swap3A_107] {strides = array<i32>} : memref<32784xi32, #tpu.memory_space<vmem>>, vector<16xi32>,
      tpu.vector_store %arg8[%swap3A_107], %broadcast_in_dim3A_5 {strides = array<i32>} : memref<32784xi32, #tpu.memory_space<vmem>>, vector<16xi32>,
      %mul3A_109 = arith.constant 16 : i32
      %mul3A_110 = arith.muli %scan3A_44, %mul3A_109 : i32
      %add3A_111 = arith.constant 8 : i32
      %add3A_112 = arith.addi %mul3A_110, %add3A_111 : i32
      %mul3A_113 = arith.constant 16 : i32
      %mul3A_114 = arith.muli %add3A_112, %mul3A_113 : i32
      %swap3A_115 = arith.index_cast %mul3A_114 : i32 to index
      %swap3A_116 = tpu.vector_load %arg8[%swap3A_115] {strides = array<i32>} : memref<32784xi32, #tpu.memory_space<vmem>>, vector<16xi32>,
      tpu.vector_store %arg8[%swap3A_115], %broadcast_in_dim3A_5 {strides = array<i32>} : memref<32784xi32, #tpu.memory_space<vmem>>, vector<16xi32>,
      %mul3A_117 = arith.constant 16 : i32
      %mul3A_118 = arith.muli %scan3A_44, %mul3A_117 : i32
      %add3A_119 = arith.constant 9 : i32
      %add3A_120 = arith.addi %mul3A_118, %add3A_119 : i32
      %mul3A_121 = arith.constant 16 : i32
      %mul3A_122 = arith.muli %add3A_120, %mul3A_121 : i32
      %swap3A_123 = arith.index_cast %mul3A_122 : i32 to index
      %swap3A_124 = tpu.vector_load %arg8[%swap3A_123] {strides = array<i32>} : memref<32784xi32, #tpu.memory_space<vmem>>, vector<16xi32>,
      tpu.vector_store %arg8[%swap3A_123], %broadcast_in_dim3A_5 {strides = array<i32>} : memref<32784xi32, #tpu.memory_space<vmem>>, vector<16xi32>,
      %mul3A_125 = arith.constant 16 : i32
      %mul3A_126 = arith.muli %scan3A_44, %mul3A_125 : i32
      %add3A_127 = arith.constant 10 : i32
      %add3A_128 = arith.addi %mul3A_126, %add3A_127 : i32
      %mul3A_129 = arith.constant 16 : i32
      %mul3A_130 = arith.muli %add3A_128, %mul3A_129 : i32
      %swap3A_131 = arith.index_cast %mul3A_130 : i32 to index
      %swap3A_132 = tpu.vector_load %arg8[%swap3A_131] {strides = array<i32>} : memref<32784xi32, #tpu.memory_space<vmem>>, vector<16xi32>,
      tpu.vector_store %arg8[%swap3A_131], %broadcast_in_dim3A_5 {strides = array<i32>} : memref<32784xi32, #tpu.memory_space<vmem>>, vector<16xi32>,
      %mul3A_133 = arith.constant 16 : i32
      %mul3A_134 = arith.muli %scan3A_44, %mul3A_133 : i32
      %add3A_135 = arith.constant 11 : i32
      %add3A_136 = arith.addi %mul3A_134, %add3A_135 : i32
      %mul3A_137 = arith.constant 16 : i32
      %mul3A_138 = arith.muli %add3A_136, %mul3A_137 : i32
      %swap3A_139 = arith.index_cast %mul3A_138 : i32 to index
      %swap3A_140 = tpu.vector_load %arg8[%swap3A_139] {strides = array<i32>} : memref<32784xi32, #tpu.memory_space<vmem>>, vector<16xi32>,
      tpu.vector_store %arg8[%swap3A_139], %broadcast_in_dim3A_5 {strides = array<i32>} : memref<32784xi32, #tpu.memory_space<vmem>>, vector<16xi32>,
      %mul3A_141 = arith.constant 16 : i32
      %mul3A_142 = arith.muli %scan3A_44, %mul3A_141 : i32
      %add3A_143 = arith.constant 12 : i32
      %add3A_144 = arith.addi %mul3A_142, %add3A_143 : i32
      %mul3A_145 = arith.constant 16 : i32
      %mul3A_146 = arith.muli %add3A_144, %mul3A_145 : i32
      %swap3A_147 = arith.index_cast %mul3A_146 : i32 to index
      %swap3A_148 = tpu.vector_load %arg8[%swap3A_147] {strides = array<i32>} : memref<32784xi32, #tpu.memory_space<vmem>>, vector<16xi32>,
      tpu.vector_store %arg8[%swap3A_147], %broadcast_in_dim3A_5 {strides = array<i32>} : memref<32784xi32, #tpu.memory_space<vmem>>, vector<16xi32>,
      %mul3A_149 = arith.constant 16 : i32
      %mul3A_150 = arith.muli %scan3A_44, %mul3A_149 : i32
      %add3A_151 = arith.constant 13 : i32
      %add3A_152 = arith.addi %mul3A_150, %add3A_151 : i32
      %mul3A_153 = arith.constant 16 : i32
      %mul3A_154 = arith.muli %add3A_152, %mul3A_153 : i32
      %swap3A_155 = arith.index_cast %mul3A_154 : i32 to index
      %swap3A_156 = tpu.vector_load %arg8[%swap3A_155] {strides = array<i32>} : memref<32784xi32, #tpu.memory_space<vmem>>, vector<16xi32>,
      tpu.vector_store %arg8[%swap3A_155], %broadcast_in_dim3A_5 {strides = array<i32>} : memref<32784xi32, #tpu.memory_space<vmem>>, vector<16xi32>,
      %mul3A_157 = arith.constant 16 : i32
      %mul3A_158 = arith.muli %scan3A_44, %mul3A_157 : i32
      %add3A_159 = arith.constant 14 : i32
      %add3A_160 = arith.addi %mul3A_158, %add3A_159 : i32
      %mul3A_161 = arith.constant 16 : i32
      %mul3A_162 = arith.muli %add3A_160, %mul3A_161 : i32
      %swap3A_163 = arith.index_cast %mul3A_162 : i32 to index
      %swap3A_164 = tpu.vector_load %arg8[%swap3A_163] {strides = array<i32>} : memref<32784xi32, #tpu.memory_space<vmem>>, vector<16xi32>,
      tpu.vector_store %arg8[%swap3A_163], %broadcast_in_dim3A_5 {strides = array<i32>} : memref<32784xi32, #tpu.memory_space<vmem>>, vector<16xi32>,
      %mul3A_165 = arith.constant 16 : i32
      %mul3A_166 = arith.muli %scan3A_44, %mul3A_165 : i32
      %add3A_167 = arith.constant 15 : i32
      %add3A_168 = arith.addi %mul3A_166, %add3A_167 : i32
      %mul3A_169 = arith.constant 16 : i32
      %mul3A_170 = arith.muli %add3A_168, %mul3A_169 : i32
      %swap3A_171 = arith.index_cast %mul3A_170 : i32 to index
      %swap3A_172 = tpu.vector_load %arg8[%swap3A_171] {strides = array<i32>} : memref<32784xi32, #tpu.memory_space<vmem>>, vector<16xi32>,
      tpu.vector_store %arg8[%swap3A_171], %broadcast_in_dim3A_5 {strides = array<i32>} : memref<32784xi32, #tpu.memory_space<vmem>>, vector<16xi32>,
    }
    %scan3A_10 = arith.constant 128 : i32
    %swap3A = arith.constant 32768 : index
    %swap3A_11 = tpu.vector_load %arg8[%swap3A] {strides = array<i32>} : memref<32784xi32, #tpu.memory_space<vmem>>, vector<16xi32>,
    tpu.vector_store %arg8[%swap3A], %broadcast_in_dim3A_5 {strides = array<i32>} : memref<32784xi32, #tpu.memory_space<vmem>>, vector<16xi32>,
    %iota3A = tpu.iota {dimensions = array<i32: 0>} : vector<16xi32>
    %mul3A_12 = arith.constant 2049 : i32
    %mul3A_13 = vector.broadcast %mul3A_12 : i32 to vector<16xi32>
    %mul3A_14 = arith.muli %iota3A, %mul3A_13 : vector<16xi32>
    %broadcast_in_dim3A_15 = arith.constant 1 : i32
    %broadcast_in_dim3A_16 = vector.broadcast %broadcast_in_dim3A_15 : i32 to vector<16xi32>
    %dma_wait3A = tpu.memref_slice %arg2[%mul3A_2] : memref<1048576xi32, #tpu.memory_space<hbm>> -> memref<16384xi32, #tpu.memory_space<hbm>>
    %dma_wait3A_17 = tpu.memref_slice %arg2[%mul3A_2] : memref<1048576xi32, #tpu.memory_space<hbm>> -> memref<16384xi32, #tpu.memory_space<hbm>>
    tpu.wait_dma2 semaphore(%arg10 : memref<!tpu.dma_semaphore, #tpu.memory_space<semaphore_mem>>) src(%dma_wait3A_17 : memref<16384xi32, #tpu.memory_space<hbm>>) dst(%arg5 : memref<16384xi32, #tpu.memory_space<vmem>>)
    %add3A_18 = arith.constant 16384 : i32
    %add3A_19 = arith.addi %mul3A_2, %add3A_18 : i32
    %dma_start3A_20 = tpu.memref_slice %arg2[%add3A_19] : memref<1048576xi32, #tpu.memory_space<hbm>> -> memref<16384xi32, #tpu.memory_space<hbm>>
    %dma_start3A_21 = tpu.memref_slice %arg2[%add3A_19] : memref<1048576xi32, #tpu.memory_space<hbm>> -> memref<16384xi32, #tpu.memory_space<hbm>>
    tpu.enqueue_dma source(%dma_start3A_21 : memref<16384xi32, #tpu.memory_space<hbm>>) target(%arg6 : memref<16384xi32, #tpu.memory_space<vmem>>) target_semaphore(%arg11 : memref<!tpu.dma_semaphore, #tpu.memory_space<semaphore_mem>>)
    %scan3A_22 = arith.constant 0 : i32
    %scan3A_23 = arith.constant -2 : i32
    %scan3A_24 = arith.constant 0 : i32
    %scan3A_25 = arith.constant 64 : i32
    %scan3A_26 = arith.addi %scan3A_24, %scan3A_25 : i32
    %scan3A_27 = arith.constant 1 : i32
    scf.for %scan3A_44 = %scan3A_24 to %scan3A_26 step %scan3A_27  : i32 {
      %mul3A_45 = arith.constant 16 : i32
      %mul3A_46 = arith.muli %scan3A_44, %mul3A_45 : i32
      %add3A_47 = arith.constant 0 : i32
      %add3A_48 = arith.addi %mul3A_46, %add3A_47 : i32
      %mul3A_49 = arith.constant 16 : i32
      %mul3A_50 = arith.muli %add3A_48, %mul3A_49 : i32
      %get3A_51 = arith.index_cast %mul3A_50 : i32 to index
      %get3A_52 = tpu.vector_load %arg5[%get3A_51] {strides = array<i32>} : memref<16384xi32, #tpu.memory_space<vmem>>, vector<16xi32>,
      %sub3A = arith.subi %get3A_52, %get3A_4 : vector<16xi32>
      %le3A = vector.broadcast %scan3A_23 : i32 to vector<16xi32>
      %le3A_53 = arith.cmpi ule, %sub3A, %le3A : vector<16xi32>
      %shift_right_logical3A = arith.constant 21 : i32
      %shift_right_logical3A_54 = vector.broadcast %shift_right_logical3A : i32 to vector<16xi32>
      %shift_right_logical3A_55 = arith.shrui %sub3A, %shift_right_logical3A_54 : vector<16xi32>
      %add3A_56 = arith.addi %mul3A_14, %shift_right_logical3A_55 : vector<16xi32>
      tpu.vector_store_idx %arg8[%add3A_56], %broadcast_in_dim3A_16 masked %le3A_53 {add = true} : memref<32784xi32, #tpu.memory_space<vmem>>[vector<16xi32>], vector<16xi32>, vector<16xi1>
      %mul3A_57 = arith.constant 16 : i32
      %mul3A_58 = arith.muli %scan3A_44, %mul3A_57 : i32
      %add3A_59 = arith.constant 1 : i32
      %add3A_60 = arith.addi %mul3A_58, %add3A_59 : i32
      %mul3A_61 = arith.constant 16 : i32
      %mul3A_62 = arith.muli %add3A_60, %mul3A_61 : i32
      %get3A_63 = arith.index_cast %mul3A_62 : i32 to index
      %get3A_64 = tpu.vector_load %arg5[%get3A_63] {strides = array<i32>} : memref<16384xi32, #tpu.memory_space<vmem>>, vector<16xi32>,
      %sub3A_65 = arith.subi %get3A_64, %get3A_4 : vector<16xi32>
      %le3A_66 = vector.broadcast %scan3A_23 : i32 to vector<16xi32>
      %le3A_67 = arith.cmpi ule, %sub3A_65, %le3A_66 : vector<16xi32>
      %shift_right_logical3A_68 = arith.constant 21 : i32
      %shift_right_logical3A_69 = vector.broadcast %shift_right_logical3A_68 : i32 to vector<16xi32>
      %shift_right_logical3A_70 = arith.shrui %sub3A_65, %shift_right_logical3A_69 : vector<16xi32>
      %add3A_71 = arith.addi %mul3A_14, %shift_right_logical3A_70 : vector<16xi32>
      tpu.vector_store_idx %arg8[%add3A_71], %broadcast_in_dim3A_16 masked %le3A_67 {add = true} : memref<32784xi32, #tpu.memory_space<vmem>>[vector<16xi32>], vector<16xi32>, vector<16xi1>
      %mul3A_72 = arith.constant 16 : i32
      %mul3A_73 = arith.muli %scan3A_44, %mul3A_72 : i32
      %add3A_74 = arith.constant 2 : i32
      %add3A_75 = arith.addi %mul3A_73, %add3A_74 : i32
      %mul3A_76 = arith.constant 16 : i32
      %mul3A_77 = arith.muli %add3A_75, %mul3A_76 : i32
      %get3A_78 = arith.index_cast %mul3A_77 : i32 to index
      %get3A_79 = tpu.vector_load %arg5[%get3A_78] {strides = array<i32>} : memref<16384xi32, #tpu.memory_space<vmem>>, vector<16xi32>,
      %sub3A_80 = arith.subi %get3A_79, %get3A_4 : vector<16xi32>
      %le3A_81 = vector.broadcast %scan3A_23 : i32 to vector<16xi32>
      %le3A_82 = arith.cmpi ule, %sub3A_80, %le3A_81 : vector<16xi32>
      %shift_right_logical3A_83 = arith.constant 21 : i32
      %shift_right_logical3A_84 = vector.broadcast %shift_right_logical3A_83 : i32 to vector<16xi32>
      %shift_right_logical3A_85 = arith.shrui %sub3A_80, %shift_right_logical3A_84 : vector<16xi32>
      %add3A_86 = arith.addi %mul3A_14, %shift_right_logical3A_85 : vector<16xi32>
      tpu.vector_store_idx %arg8[%add3A_86], %broadcast_in_dim3A_16 masked %le3A_82 {add = true} : memref<32784xi32, #tpu.memory_space<vmem>>[vector<16xi32>], vector<16xi32>, vector<16xi1>
      %mul3A_87 = arith.constant 16 : i32
      %mul3A_88 = arith.muli %scan3A_44, %mul3A_87 : i32
      %add3A_89 = arith.constant 3 : i32
      %add3A_90 = arith.addi %mul3A_88, %add3A_89 : i32
      %mul3A_91 = arith.constant 16 : i32
      %mul3A_92 = arith.muli %add3A_90, %mul3A_91 : i32
      %get3A_93 = arith.index_cast %mul3A_92 : i32 to index
      %get3A_94 = tpu.vector_load %arg5[%get3A_93] {strides = array<i32>} : memref<16384xi32, #tpu.memory_space<vmem>>, vector<16xi32>,
      %sub3A_95 = arith.subi %get3A_94, %get3A_4 : vector<16xi32>
      %le3A_96 = vector.broadcast %scan3A_23 : i32 to vector<16xi32>
      %le3A_97 = arith.cmpi ule, %sub3A_95, %le3A_96 : vector<16xi32>
      %shift_right_logical3A_98 = arith.constant 21 : i32
      %shift_right_logical3A_99 = vector.broadcast %shift_right_logical3A_98 : i32 to vector<16xi32>
      %shift_right_logical3A_100 = arith.shrui %sub3A_95, %shift_right_logical3A_99 : vector<16xi32>
      %add3A_101 = arith.addi %mul3A_14, %shift_right_logical3A_100 : vector<16xi32>
      tpu.vector_store_idx %arg8[%add3A_101], %broadcast_in_dim3A_16 masked %le3A_97 {add = true} : memref<32784xi32, #tpu.memory_space<vmem>>[vector<16xi32>], vector<16xi32>, vector<16xi1>
      %mul3A_102 = arith.constant 16 : i32
      %mul3A_103 = arith.muli %scan3A_44, %mul3A_102 : i32
      %add3A_104 = arith.constant 4 : i32
      %add3A_105 = arith.addi %mul3A_103, %add3A_104 : i32
      %mul3A_106 = arith.constant 16 : i32
      %mul3A_107 = arith.muli %add3A_105, %mul3A_106 : i32
      %get3A_108 = arith.index_cast %mul3A_107 : i32 to index
      %get3A_109 = tpu.vector_load %arg5[%get3A_108] {strides = array<i32>} : memref<16384xi32, #tpu.memory_space<vmem>>, vector<16xi32>,
      %sub3A_110 = arith.subi %get3A_109, %get3A_4 : vector<16xi32>
      %le3A_111 = vector.broadcast %scan3A_23 : i32 to vector<16xi32>
      %le3A_112 = arith.cmpi ule, %sub3A_110, %le3A_111 : vector<16xi32>
      %shift_right_logical3A_113 = arith.constant 21 : i32
      %shift_right_logical3A_114 = vector.broadcast %shift_right_logical3A_113 : i32 to vector<16xi32>
      %shift_right_logical3A_115 = arith.shrui %sub3A_110, %shift_right_logical3A_114 : vector<16xi32>
      %add3A_116 = arith.addi %mul3A_14, %shift_right_logical3A_115 : vector<16xi32>
      tpu.vector_store_idx %arg8[%add3A_116], %broadcast_in_dim3A_16 masked %le3A_112 {add = true} : memref<32784xi32, #tpu.memory_space<vmem>>[vector<16xi32>], vector<16xi32>, vector<16xi1>
      %mul3A_117 = arith.constant 16 : i32
      %mul3A_118 = arith.muli %scan3A_44, %mul3A_117 : i32
      %add3A_119 = arith.constant 5 : i32
      %add3A_120 = arith.addi %mul3A_118, %add3A_119 : i32
      %mul3A_121 = arith.constant 16 : i32
      %mul3A_122 = arith.muli %add3A_120, %mul3A_121 : i32
      %get3A_123 = arith.index_cast %mul3A_122 : i32 to index
      %get3A_124 = tpu.vector_load %arg5[%get3A_123] {strides = array<i32>} : memref<16384xi32, #tpu.memory_space<vmem>>, vector<16xi32>,
      %sub3A_125 = arith.subi %get3A_124, %get3A_4 : vector<16xi32>
      %le3A_126 = vector.broadcast %scan3A_23 : i32 to vector<16xi32>
      %le3A_127 = arith.cmpi ule, %sub3A_125, %le3A_126 : vector<16xi32>
      %shift_right_logical3A_128 = arith.constant 21 : i32
      %shift_right_logical3A_129 = vector.broadcast %shift_right_logical3A_128 : i32 to vector<16xi32>
      %shift_right_logical3A_130 = arith.shrui %sub3A_125, %shift_right_logical3A_129 : vector<16xi32>
      %add3A_131 = arith.addi %mul3A_14, %shift_right_logical3A_130 : vector<16xi32>
      tpu.vector_store_idx %arg8[%add3A_131], %broadcast_in_dim3A_16 masked %le3A_127 {add = true} : memref<32784xi32, #tpu.memory_space<vmem>>[vector<16xi32>], vector<16xi32>, vector<16xi1>
      %mul3A_132 = arith.constant 16 : i32
      %mul3A_133 = arith.muli %scan3A_44, %mul3A_132 : i32
      %add3A_134 = arith.constant 6 : i32
      %add3A_135 = arith.addi %mul3A_133, %add3A_134 : i32
      %mul3A_136 = arith.constant 16 : i32
      %mul3A_137 = arith.muli %add3A_135, %mul3A_136 : i32
      %get3A_138 = arith.index_cast %mul3A_137 : i32 to index
      %get3A_139 = tpu.vector_load %arg5[%get3A_138] {strides = array<i32>} : memref<16384xi32, #tpu.memory_space<vmem>>, vector<16xi32>,
      %sub3A_140 = arith.subi %get3A_139, %get3A_4 : vector<16xi32>
      %le3A_141 = vector.broadcast %scan3A_23 : i32 to vector<16xi32>
      %le3A_142 = arith.cmpi ule, %sub3A_140, %le3A_141 : vector<16xi32>
      %shift_right_logical3A_143 = arith.constant 21 : i32
      %shift_right_logical3A_144 = vector.broadcast %shift_right_logical3A_143 : i32 to vector<16xi32>
      %shift_right_logical3A_145 = arith.shrui %sub3A_140, %shift_right_logical3A_144 : vector<16xi32>
      %add3A_146 = arith.addi %mul3A_14, %shift_right_logical3A_145 : vector<16xi32>
      tpu.vector_store_idx %arg8[%add3A_146], %broadcast_in_dim3A_16 masked %le3A_142 {add = true} : memref<32784xi32, #tpu.memory_space<vmem>>[vector<16xi32>], vector<16xi32>, vector<16xi1>
      %mul3A_147 = arith.constant 16 : i32
      %mul3A_148 = arith.muli %scan3A_44, %mul3A_147 : i32
      %add3A_149 = arith.constant 7 : i32
      %add3A_150 = arith.addi %mul3A_148, %add3A_149 : i32
      %mul3A_151 = arith.constant 16 : i32
      %mul3A_152 = arith.muli %add3A_150, %mul3A_151 : i32
      %get3A_153 = arith.index_cast %mul3A_152 : i32 to index
      %get3A_154 = tpu.vector_load %arg5[%get3A_153] {strides = array<i32>} : memref<16384xi32, #tpu.memory_space<vmem>>, vector<16xi32>,
      %sub3A_155 = arith.subi %get3A_154, %get3A_4 : vector<16xi32>
      %le3A_156 = vector.broadcast %scan3A_23 : i32 to vector<16xi32>
      %le3A_157 = arith.cmpi ule, %sub3A_155, %le3A_156 : vector<16xi32>
      %shift_right_logical3A_158 = arith.constant 21 : i32
      %shift_right_logical3A_159 = vector.broadcast %shift_right_logical3A_158 : i32 to vector<16xi32>
      %shift_right_logical3A_160 = arith.shrui %sub3A_155, %shift_right_logical3A_159 : vector<16xi32>
      %add3A_161 = arith.addi %mul3A_14, %shift_right_logical3A_160 : vector<16xi32>
      tpu.vector_store_idx %arg8[%add3A_161], %broadcast_in_dim3A_16 masked %le3A_157 {add = true} : memref<32784xi32, #tpu.memory_space<vmem>>[vector<16xi32>], vector<16xi32>, vector<16xi1>
      %mul3A_162 = arith.constant 16 : i32
      %mul3A_163 = arith.muli %scan3A_44, %mul3A_162 : i32
      %add3A_164 = arith.constant 8 : i32
      %add3A_165 = arith.addi %mul3A_163, %add3A_164 : i32
      %mul3A_166 = arith.constant 16 : i32
      %mul3A_167 = arith.muli %add3A_165, %mul3A_166 : i32
      %get3A_168 = arith.index_cast %mul3A_167 : i32 to index
      %get3A_169 = tpu.vector_load %arg5[%get3A_168] {strides = array<i32>} : memref<16384xi32, #tpu.memory_space<vmem>>, vector<16xi32>,
      %sub3A_170 = arith.subi %get3A_169, %get3A_4 : vector<16xi32>
      %le3A_171 = vector.broadcast %scan3A_23 : i32 to vector<16xi32>
      %le3A_172 = arith.cmpi ule, %sub3A_170, %le3A_171 : vector<16xi32>
      %shift_right_logical3A_173 = arith.constant 21 : i32
      %shift_right_logical3A_174 = vector.broadcast %shift_right_logical3A_173 : i32 to vector<16xi32>
      %shift_right_logical3A_175 = arith.shrui %sub3A_170, %shift_right_logical3A_174 : vector<16xi32>
      %add3A_176 = arith.addi %mul3A_14, %shift_right_logical3A_175 : vector<16xi32>
      tpu.vector_store_idx %arg8[%add3A_176], %broadcast_in_dim3A_16 masked %le3A_172 {add = true} : memref<32784xi32, #tpu.memory_space<vmem>>[vector<16xi32>], vector<16xi32>, vector<16xi1>
      %mul3A_177 = arith.constant 16 : i32
      %mul3A_178 = arith.muli %scan3A_44, %mul3A_177 : i32
      %add3A_179 = arith.constant 9 : i32
      %add3A_180 = arith.addi %mul3A_178, %add3A_179 : i32
      %mul3A_181 = arith.constant 16 : i32
      %mul3A_182 = arith.muli %add3A_180, %mul3A_181 : i32
      %get3A_183 = arith.index_cast %mul3A_182 : i32 to index
      %get3A_184 = tpu.vector_load %arg5[%get3A_183] {strides = array<i32>} : memref<16384xi32, #tpu.memory_space<vmem>>, vector<16xi32>,
      %sub3A_185 = arith.subi %get3A_184, %get3A_4 : vector<16xi32>
      %le3A_186 = vector.broadcast %scan3A_23 : i32 to vector<16xi32>
      %le3A_187 = arith.cmpi ule, %sub3A_185, %le3A_186 : vector<16xi32>
      %shift_right_logical3A_188 = arith.constant 21 : i32
      %shift_right_logical3A_189 = vector.broadcast %shift_right_logical3A_188 : i32 to vector<16xi32>
      %shift_right_logical3A_190 = arith.shrui %sub3A_185, %shift_right_logical3A_189 : vector<16xi32>
      %add3A_191 = arith.addi %mul3A_14, %shift_right_logical3A_190 : vector<16xi32>
      tpu.vector_store_idx %arg8[%add3A_191], %broadcast_in_dim3A_16 masked %le3A_187 {add = true} : memref<32784xi32, #tpu.memory_space<vmem>>[vector<16xi32>], vector<16xi32>, vector<16xi1>
      %mul3A_192 = arith.constant 16 : i32
      %mul3A_193 = arith.muli %scan3A_44, %mul3A_192 : i32
      %add3A_194 = arith.constant 10 : i32
      %add3A_195 = arith.addi %mul3A_193, %add3A_194 : i32
      %mul3A_196 = arith.constant 16 : i32
      %mul3A_197 = arith.muli %add3A_195, %mul3A_196 : i32
      %get3A_198 = arith.index_cast %mul3A_197 : i32 to index
      %get3A_199 = tpu.vector_load %arg5[%get3A_198] {strides = array<i32>} : memref<16384xi32, #tpu.memory_space<vmem>>, vector<16xi32>,
      %sub3A_200 = arith.subi %get3A_199, %get3A_4 : vector<16xi32>
      %le3A_201 = vector.broadcast %scan3A_23 : i32 to vector<16xi32>
      %le3A_202 = arith.cmpi ule, %sub3A_200, %le3A_201 : vector<16xi32>
      %shift_right_logical3A_203 = arith.constant 21 : i32
      %shift_right_logical3A_204 = vector.broadcast %shift_right_logical3A_203 : i32 to vector<16xi32>
      %shift_right_logical3A_205 = arith.shrui %sub3A_200, %shift_right_logical3A_204 : vector<16xi32>
      %add3A_206 = arith.addi %mul3A_14, %shift_right_logical3A_205 : vector<16xi32>
      tpu.vector_store_idx %arg8[%add3A_206], %broadcast_in_dim3A_16 masked %le3A_202 {add = true} : memref<32784xi32, #tpu.memory_space<vmem>>[vector<16xi32>], vector<16xi32>, vector<16xi1>
      %mul3A_207 = arith.constant 16 : i32
      %mul3A_208 = arith.muli %scan3A_44, %mul3A_207 : i32
      %add3A_209 = arith.constant 11 : i32
      %add3A_210 = arith.addi %mul3A_208, %add3A_209 : i32
      %mul3A_211 = arith.constant 16 : i32
      %mul3A_212 = arith.muli %add3A_210, %mul3A_211 : i32
      %get3A_213 = arith.index_cast %mul3A_212 : i32 to index
      %get3A_214 = tpu.vector_load %arg5[%get3A_213] {strides = array<i32>} : memref<16384xi32, #tpu.memory_space<vmem>>, vector<16xi32>,
      %sub3A_215 = arith.subi %get3A_214, %get3A_4 : vector<16xi32>
      %le3A_216 = vector.broadcast %scan3A_23 : i32 to vector<16xi32>
      %le3A_217 = arith.cmpi ule, %sub3A_215, %le3A_216 : vector<16xi32>
      %shift_right_logical3A_218 = arith.constant 21 : i32
      %shift_right_logical3A_219 = vector.broadcast %shift_right_logical3A_218 : i32 to vector<16xi32>
      %shift_right_logical3A_220 = arith.shrui %sub3A_215, %shift_right_logical3A_219 : vector<16xi32>
      %add3A_221 = arith.addi %mul3A_14, %shift_right_logical3A_220 : vector<16xi32>
      tpu.vector_store_idx %arg8[%add3A_221], %broadcast_in_dim3A_16 masked %le3A_217 {add = true} : memref<32784xi32, #tpu.memory_space<vmem>>[vector<16xi32>], vector<16xi32>, vector<16xi1>
      %mul3A_222 = arith.constant 16 : i32
      %mul3A_223 = arith.muli %scan3A_44, %mul3A_222 : i32
      %add3A_224 = arith.constant 12 : i32
      %add3A_225 = arith.addi %mul3A_223, %add3A_224 : i32
      %mul3A_226 = arith.constant 16 : i32
      %mul3A_227 = arith.muli %add3A_225, %mul3A_226 : i32
      %get3A_228 = arith.index_cast %mul3A_227 : i32 to index
      %get3A_229 = tpu.vector_load %arg5[%get3A_228] {strides = array<i32>} : memref<16384xi32, #tpu.memory_space<vmem>>, vector<16xi32>,
      %sub3A_230 = arith.subi %get3A_229, %get3A_4 : vector<16xi32>
      %le3A_231 = vector.broadcast %scan3A_23 : i32 to vector<16xi32>
      %le3A_232 = arith.cmpi ule, %sub3A_230, %le3A_231 : vector<16xi32>
      %shift_right_logical3A_233 = arith.constant 21 : i32
      %shift_right_logical3A_234 = vector.broadcast %shift_right_logical3A_233 : i32 to vector<16xi32>
      %shift_right_logical3A_235 = arith.shrui %sub3A_230, %shift_right_logical3A_234 : vector<16xi32>
      %add3A_236 = arith.addi %mul3A_14, %shift_right_logical3A_235 : vector<16xi32>
      tpu.vector_store_idx %arg8[%add3A_236], %broadcast_in_dim3A_16 masked %le3A_232 {add = true} : memref<32784xi32, #tpu.memory_space<vmem>>[vector<16xi32>], vector<16xi32>, vector<16xi1>
      %mul3A_237 = arith.constant 16 : i32
      %mul3A_238 = arith.muli %scan3A_44, %mul3A_237 : i32
      %add3A_239 = arith.constant 13 : i32
      %add3A_240 = arith.addi %mul3A_238, %add3A_239 : i32
      %mul3A_241 = arith.constant 16 : i32
      %mul3A_242 = arith.muli %add3A_240, %mul3A_241 : i32
      %get3A_243 = arith.index_cast %mul3A_242 : i32 to index
      %get3A_244 = tpu.vector_load %arg5[%get3A_243] {strides = array<i32>} : memref<16384xi32, #tpu.memory_space<vmem>>, vector<16xi32>,
      %sub3A_245 = arith.subi %get3A_244, %get3A_4 : vector<16xi32>
      %le3A_246 = vector.broadcast %scan3A_23 : i32 to vector<16xi32>
      %le3A_247 = arith.cmpi ule, %sub3A_245, %le3A_246 : vector<16xi32>
      %shift_right_logical3A_248 = arith.constant 21 : i32
      %shift_right_logical3A_249 = vector.broadcast %shift_right_logical3A_248 : i32 to vector<16xi32>
      %shift_right_logical3A_250 = arith.shrui %sub3A_245, %shift_right_logical3A_249 : vector<16xi32>
      %add3A_251 = arith.addi %mul3A_14, %shift_right_logical3A_250 : vector<16xi32>
      tpu.vector_store_idx %arg8[%add3A_251], %broadcast_in_dim3A_16 masked %le3A_247 {add = true} : memref<32784xi32, #tpu.memory_space<vmem>>[vector<16xi32>], vector<16xi32>, vector<16xi1>
      %mul3A_252 = arith.constant 16 : i32
      %mul3A_253 = arith.muli %scan3A_44, %mul3A_252 : i32
      %add3A_254 = arith.constant 14 : i32
      %add3A_255 = arith.addi %mul3A_253, %add3A_254 : i32
      %mul3A_256 = arith.constant 16 : i32
      %mul3A_257 = arith.muli %add3A_255, %mul3A_256 : i32
      %get3A_258 = arith.index_cast %mul3A_257 : i32 to index
      %get3A_259 = tpu.vector_load %arg5[%get3A_258] {strides = array<i32>} : memref<16384xi32, #tpu.memory_space<vmem>>, vector<16xi32>,
      %sub3A_260 = arith.subi %get3A_259, %get3A_4 : vector<16xi32>
      %le3A_261 = vector.broadcast %scan3A_23 : i32 to vector<16xi32>
      %le3A_262 = arith.cmpi ule, %sub3A_260, %le3A_261 : vector<16xi32>
      %shift_right_logical3A_263 = arith.constant 21 : i32
      %shift_right_logical3A_264 = vector.broadcast %shift_right_logical3A_263 : i32 to vector<16xi32>
      %shift_right_logical3A_265 = arith.shrui %sub3A_260, %shift_right_logical3A_264 : vector<16xi32>
      %add3A_266 = arith.addi %mul3A_14, %shift_right_logical3A_265 : vector<16xi32>
      tpu.vector_store_idx %arg8[%add3A_266], %broadcast_in_dim3A_16 masked %le3A_262 {add = true} : memref<32784xi32, #tpu.memory_space<vmem>>[vector<16xi32>], vector<16xi32>, vector<16xi1>
      %mul3A_267 = arith.constant 16 : i32
      %mul3A_268 = arith.muli %scan3A_44, %mul3A_267 : i32
      %add3A_269 = arith.constant 15 : i32
      %add3A_270 = arith.addi %mul3A_268, %add3A_269 : i32
      %mul3A_271 = arith.constant 16 : i32
      %mul3A_272 = arith.muli %add3A_270, %mul3A_271 : i32
      %get3A_273 = arith.index_cast %mul3A_272 : i32 to index
      %get3A_274 = tpu.vector_load %arg5[%get3A_273] {strides = array<i32>} : memref<16384xi32, #tpu.memory_space<vmem>>, vector<16xi32>,
      %sub3A_275 = arith.subi %get3A_274, %get3A_4 : vector<16xi32>
      %le3A_276 = vector.broadcast %scan3A_23 : i32 to vector<16xi32>
      %le3A_277 = arith.cmpi ule, %sub3A_275, %le3A_276 : vector<16xi32>
      %shift_right_logical3A_278 = arith.constant 21 : i32
      %shift_right_logical3A_279 = vector.broadcast %shift_right_logical3A_278 : i32 to vector<16xi32>
      %shift_right_logical3A_280 = arith.shrui %sub3A_275, %shift_right_logical3A_279 : vector<16xi32>
      %add3A_281 = arith.addi %mul3A_14, %shift_right_logical3A_280 : vector<16xi32>
      tpu.vector_store_idx %arg8[%add3A_281], %broadcast_in_dim3A_16 masked %le3A_277 {add = true} : memref<32784xi32, #tpu.memory_space<vmem>>[vector<16xi32>], vector<16xi32>, vector<16xi1>
    }
    %scan3A_28 = arith.constant 64 : i32
    %dma_wait3A_29 = tpu.memref_slice %arg2[%add3A_19] : memref<1048576xi32, #tpu.memory_space<hbm>> -> memref<16384xi32, #tpu.memory_space<hbm>>
    %dma_wait3A_30 = tpu.memref_slice %arg2[%add3A_19] : memref<1048576xi32, #tpu.memory_space<hbm>> -> memref<16384xi32, #tpu.memory_space<hbm>>
    tpu.wait_dma2 semaphore(%arg11 : memref<!tpu.dma_semaphore, #tpu.memory_space<semaphore_mem>>) src(%dma_wait3A_30 : memref<16384xi32, #tpu.memory_space<hbm>>) dst(%arg6 : memref<16384xi32, #tpu.memory_space<vmem>>)
    %scan3A_31 = arith.constant 0 : i32
    %scan3A_32 = arith.constant -2 : i32
    %scan3A_33 = arith.constant 0 : i32
    %scan3A_34 = arith.constant 64 : i32
    %scan3A_35 = arith.addi %scan3A_33, %scan3A_34 : i32
    %scan3A_36 = arith.constant 1 : i32
    scf.for %scan3A_44 = %scan3A_33 to %scan3A_35 step %scan3A_36  : i32 {
      %mul3A_45 = arith.constant 16 : i32
      %mul3A_46 = arith.muli %scan3A_44, %mul3A_45 : i32
      %add3A_47 = arith.constant 0 : i32
      %add3A_48 = arith.addi %mul3A_46, %add3A_47 : i32
      %mul3A_49 = arith.constant 16 : i32
      %mul3A_50 = arith.muli %add3A_48, %mul3A_49 : i32
      %get3A_51 = arith.index_cast %mul3A_50 : i32 to index
      %get3A_52 = tpu.vector_load %arg6[%get3A_51] {strides = array<i32>} : memref<16384xi32, #tpu.memory_space<vmem>>, vector<16xi32>,
      %sub3A = arith.subi %get3A_52, %get3A_4 : vector<16xi32>
      %le3A = vector.broadcast %scan3A_32 : i32 to vector<16xi32>
      %le3A_53 = arith.cmpi ule, %sub3A, %le3A : vector<16xi32>
      %shift_right_logical3A = arith.constant 21 : i32
      %shift_right_logical3A_54 = vector.broadcast %shift_right_logical3A : i32 to vector<16xi32>
      %shift_right_logical3A_55 = arith.shrui %sub3A, %shift_right_logical3A_54 : vector<16xi32>
      %add3A_56 = arith.addi %mul3A_14, %shift_right_logical3A_55 : vector<16xi32>
      tpu.vector_store_idx %arg8[%add3A_56], %broadcast_in_dim3A_16 masked %le3A_53 {add = true} : memref<32784xi32, #tpu.memory_space<vmem>>[vector<16xi32>], vector<16xi32>, vector<16xi1>
      %mul3A_57 = arith.constant 16 : i32
      %mul3A_58 = arith.muli %scan3A_44, %mul3A_57 : i32
      %add3A_59 = arith.constant 1 : i32
      %add3A_60 = arith.addi %mul3A_58, %add3A_59 : i32
      %mul3A_61 = arith.constant 16 : i32
      %mul3A_62 = arith.muli %add3A_60, %mul3A_61 : i32
      %get3A_63 = arith.index_cast %mul3A_62 : i32 to index
      %get3A_64 = tpu.vector_load %arg6[%get3A_63] {strides = array<i32>} : memref<16384xi32, #tpu.memory_space<vmem>>, vector<16xi32>,
      %sub3A_65 = arith.subi %get3A_64, %get3A_4 : vector<16xi32>
      %le3A_66 = vector.broadcast %scan3A_32 : i32 to vector<16xi32>
      %le3A_67 = arith.cmpi ule, %sub3A_65, %le3A_66 : vector<16xi32>
      %shift_right_logical3A_68 = arith.constant 21 : i32
      %shift_right_logical3A_69 = vector.broadcast %shift_right_logical3A_68 : i32 to vector<16xi32>
      %shift_right_logical3A_70 = arith.shrui %sub3A_65, %shift_right_logical3A_69 : vector<16xi32>
      %add3A_71 = arith.addi %mul3A_14, %shift_right_logical3A_70 : vector<16xi32>
      tpu.vector_store_idx %arg8[%add3A_71], %broadcast_in_dim3A_16 masked %le3A_67 {add = true} : memref<32784xi32, #tpu.memory_space<vmem>>[vector<16xi32>], vector<16xi32>, vector<16xi1>
      %mul3A_72 = arith.constant 16 : i32
      %mul3A_73 = arith.muli %scan3A_44, %mul3A_72 : i32
      %add3A_74 = arith.constant 2 : i32
      %add3A_75 = arith.addi %mul3A_73, %add3A_74 : i32
      %mul3A_76 = arith.constant 16 : i32
      %mul3A_77 = arith.muli %add3A_75, %mul3A_76 : i32
      %get3A_78 = arith.index_cast %mul3A_77 : i32 to index
      %get3A_79 = tpu.vector_load %arg6[%get3A_78] {strides = array<i32>} : memref<16384xi32, #tpu.memory_space<vmem>>, vector<16xi32>,
      %sub3A_80 = arith.subi %get3A_79, %get3A_4 : vector<16xi32>
      %le3A_81 = vector.broadcast %scan3A_32 : i32 to vector<16xi32>
      %le3A_82 = arith.cmpi ule, %sub3A_80, %le3A_81 : vector<16xi32>
      %shift_right_logical3A_83 = arith.constant 21 : i32
      %shift_right_logical3A_84 = vector.broadcast %shift_right_logical3A_83 : i32 to vector<16xi32>
      %shift_right_logical3A_85 = arith.shrui %sub3A_80, %shift_right_logical3A_84 : vector<16xi32>
      %add3A_86 = arith.addi %mul3A_14, %shift_right_logical3A_85 : vector<16xi32>
      tpu.vector_store_idx %arg8[%add3A_86], %broadcast_in_dim3A_16 masked %le3A_82 {add = true} : memref<32784xi32, #tpu.memory_space<vmem>>[vector<16xi32>], vector<16xi32>, vector<16xi1>
      %mul3A_87 = arith.constant 16 : i32
      %mul3A_88 = arith.muli %scan3A_44, %mul3A_87 : i32
      %add3A_89 = arith.constant 3 : i32
      %add3A_90 = arith.addi %mul3A_88, %add3A_89 : i32
      %mul3A_91 = arith.constant 16 : i32
      %mul3A_92 = arith.muli %add3A_90, %mul3A_91 : i32
      %get3A_93 = arith.index_cast %mul3A_92 : i32 to index
      %get3A_94 = tpu.vector_load %arg6[%get3A_93] {strides = array<i32>} : memref<16384xi32, #tpu.memory_space<vmem>>, vector<16xi32>,
      %sub3A_95 = arith.subi %get3A_94, %get3A_4 : vector<16xi32>
      %le3A_96 = vector.broadcast %scan3A_32 : i32 to vector<16xi32>
      %le3A_97 = arith.cmpi ule, %sub3A_95, %le3A_96 : vector<16xi32>
      %shift_right_logical3A_98 = arith.constant 21 : i32
      %shift_right_logical3A_99 = vector.broadcast %shift_right_logical3A_98 : i32 to vector<16xi32>
      %shift_right_logical3A_100 = arith.shrui %sub3A_95, %shift_right_logical3A_99 : vector<16xi32>
      %add3A_101 = arith.addi %mul3A_14, %shift_right_logical3A_100 : vector<16xi32>
      tpu.vector_store_idx %arg8[%add3A_101], %broadcast_in_dim3A_16 masked %le3A_97 {add = true} : memref<32784xi32, #tpu.memory_space<vmem>>[vector<16xi32>], vector<16xi32>, vector<16xi1>
      %mul3A_102 = arith.constant 16 : i32
      %mul3A_103 = arith.muli %scan3A_44, %mul3A_102 : i32
      %add3A_104 = arith.constant 4 : i32
      %add3A_105 = arith.addi %mul3A_103, %add3A_104 : i32
      %mul3A_106 = arith.constant 16 : i32
      %mul3A_107 = arith.muli %add3A_105, %mul3A_106 : i32
      %get3A_108 = arith.index_cast %mul3A_107 : i32 to index
      %get3A_109 = tpu.vector_load %arg6[%get3A_108] {strides = array<i32>} : memref<16384xi32, #tpu.memory_space<vmem>>, vector<16xi32>,
      %sub3A_110 = arith.subi %get3A_109, %get3A_4 : vector<16xi32>
      %le3A_111 = vector.broadcast %scan3A_32 : i32 to vector<16xi32>
      %le3A_112 = arith.cmpi ule, %sub3A_110, %le3A_111 : vector<16xi32>
      %shift_right_logical3A_113 = arith.constant 21 : i32
      %shift_right_logical3A_114 = vector.broadcast %shift_right_logical3A_113 : i32 to vector<16xi32>
      %shift_right_logical3A_115 = arith.shrui %sub3A_110, %shift_right_logical3A_114 : vector<16xi32>
      %add3A_116 = arith.addi %mul3A_14, %shift_right_logical3A_115 : vector<16xi32>
      tpu.vector_store_idx %arg8[%add3A_116], %broadcast_in_dim3A_16 masked %le3A_112 {add = true} : memref<32784xi32, #tpu.memory_space<vmem>>[vector<16xi32>], vector<16xi32>, vector<16xi1>
      %mul3A_117 = arith.constant 16 : i32
      %mul3A_118 = arith.muli %scan3A_44, %mul3A_117 : i32
      %add3A_119 = arith.constant 5 : i32
      %add3A_120 = arith.addi %mul3A_118, %add3A_119 : i32
      %mul3A_121 = arith.constant 16 : i32
      %mul3A_122 = arith.muli %add3A_120, %mul3A_121 : i32
      %get3A_123 = arith.index_cast %mul3A_122 : i32 to index
      %get3A_124 = tpu.vector_load %arg6[%get3A_123] {strides = array<i32>} : memref<16384xi32, #tpu.memory_space<vmem>>, vector<16xi32>,
      %sub3A_125 = arith.subi %get3A_124, %get3A_4 : vector<16xi32>
      %le3A_126 = vector.broadcast %scan3A_32 : i32 to vector<16xi32>
      %le3A_127 = arith.cmpi ule, %sub3A_125, %le3A_126 : vector<16xi32>
      %shift_right_logical3A_128 = arith.constant 21 : i32
      %shift_right_logical3A_129 = vector.broadcast %shift_right_logical3A_128 : i32 to vector<16xi32>
      %shift_right_logical3A_130 = arith.shrui %sub3A_125, %shift_right_logical3A_129 : vector<16xi32>
      %add3A_131 = arith.addi %mul3A_14, %shift_right_logical3A_130 : vector<16xi32>
      tpu.vector_store_idx %arg8[%add3A_131], %broadcast_in_dim3A_16 masked %le3A_127 {add = true} : memref<32784xi32, #tpu.memory_space<vmem>>[vector<16xi32>], vector<16xi32>, vector<16xi1>
      %mul3A_132 = arith.constant 16 : i32
      %mul3A_133 = arith.muli %scan3A_44, %mul3A_132 : i32
      %add3A_134 = arith.constant 6 : i32
      %add3A_135 = arith.addi %mul3A_133, %add3A_134 : i32
      %mul3A_136 = arith.constant 16 : i32
      %mul3A_137 = arith.muli %add3A_135, %mul3A_136 : i32
      %get3A_138 = arith.index_cast %mul3A_137 : i32 to index
      %get3A_139 = tpu.vector_load %arg6[%get3A_138] {strides = array<i32>} : memref<16384xi32, #tpu.memory_space<vmem>>, vector<16xi32>,
      %sub3A_140 = arith.subi %get3A_139, %get3A_4 : vector<16xi32>
      %le3A_141 = vector.broadcast %scan3A_32 : i32 to vector<16xi32>
      %le3A_142 = arith.cmpi ule, %sub3A_140, %le3A_141 : vector<16xi32>
      %shift_right_logical3A_143 = arith.constant 21 : i32
      %shift_right_logical3A_144 = vector.broadcast %shift_right_logical3A_143 : i32 to vector<16xi32>
      %shift_right_logical3A_145 = arith.shrui %sub3A_140, %shift_right_logical3A_144 : vector<16xi32>
      %add3A_146 = arith.addi %mul3A_14, %shift_right_logical3A_145 : vector<16xi32>
      tpu.vector_store_idx %arg8[%add3A_146], %broadcast_in_dim3A_16 masked %le3A_142 {add = true} : memref<32784xi32, #tpu.memory_space<vmem>>[vector<16xi32>], vector<16xi32>, vector<16xi1>
      %mul3A_147 = arith.constant 16 : i32
      %mul3A_148 = arith.muli %scan3A_44, %mul3A_147 : i32
      %add3A_149 = arith.constant 7 : i32
      %add3A_150 = arith.addi %mul3A_148, %add3A_149 : i32
      %mul3A_151 = arith.constant 16 : i32
      %mul3A_152 = arith.muli %add3A_150, %mul3A_151 : i32
      %get3A_153 = arith.index_cast %mul3A_152 : i32 to index
      %get3A_154 = tpu.vector_load %arg6[%get3A_153] {strides = array<i32>} : memref<16384xi32, #tpu.memory_space<vmem>>, vector<16xi32>,
      %sub3A_155 = arith.subi %get3A_154, %get3A_4 : vector<16xi32>
      %le3A_156 = vector.broadcast %scan3A_32 : i32 to vector<16xi32>
      %le3A_157 = arith.cmpi ule, %sub3A_155, %le3A_156 : vector<16xi32>
      %shift_right_logical3A_158 = arith.constant 21 : i32
      %shift_right_logical3A_159 = vector.broadcast %shift_right_logical3A_158 : i32 to vector<16xi32>
      %shift_right_logical3A_160 = arith.shrui %sub3A_155, %shift_right_logical3A_159 : vector<16xi32>
      %add3A_161 = arith.addi %mul3A_14, %shift_right_logical3A_160 : vector<16xi32>
      tpu.vector_store_idx %arg8[%add3A_161], %broadcast_in_dim3A_16 masked %le3A_157 {add = true} : memref<32784xi32, #tpu.memory_space<vmem>>[vector<16xi32>], vector<16xi32>, vector<16xi1>
      %mul3A_162 = arith.constant 16 : i32
      %mul3A_163 = arith.muli %scan3A_44, %mul3A_162 : i32
      %add3A_164 = arith.constant 8 : i32
      %add3A_165 = arith.addi %mul3A_163, %add3A_164 : i32
      %mul3A_166 = arith.constant 16 : i32
      %mul3A_167 = arith.muli %add3A_165, %mul3A_166 : i32
      %get3A_168 = arith.index_cast %mul3A_167 : i32 to index
      %get3A_169 = tpu.vector_load %arg6[%get3A_168] {strides = array<i32>} : memref<16384xi32, #tpu.memory_space<vmem>>, vector<16xi32>,
      %sub3A_170 = arith.subi %get3A_169, %get3A_4 : vector<16xi32>
      %le3A_171 = vector.broadcast %scan3A_32 : i32 to vector<16xi32>
      %le3A_172 = arith.cmpi ule, %sub3A_170, %le3A_171 : vector<16xi32>
      %shift_right_logical3A_173 = arith.constant 21 : i32
      %shift_right_logical3A_174 = vector.broadcast %shift_right_logical3A_173 : i32 to vector<16xi32>
      %shift_right_logical3A_175 = arith.shrui %sub3A_170, %shift_right_logical3A_174 : vector<16xi32>
      %add3A_176 = arith.addi %mul3A_14, %shift_right_logical3A_175 : vector<16xi32>
      tpu.vector_store_idx %arg8[%add3A_176], %broadcast_in_dim3A_16 masked %le3A_172 {add = true} : memref<32784xi32, #tpu.memory_space<vmem>>[vector<16xi32>], vector<16xi32>, vector<16xi1>
      %mul3A_177 = arith.constant 16 : i32
      %mul3A_178 = arith.muli %scan3A_44, %mul3A_177 : i32
      %add3A_179 = arith.constant 9 : i32
      %add3A_180 = arith.addi %mul3A_178, %add3A_179 : i32
      %mul3A_181 = arith.constant 16 : i32
      %mul3A_182 = arith.muli %add3A_180, %mul3A_181 : i32
      %get3A_183 = arith.index_cast %mul3A_182 : i32 to index
      %get3A_184 = tpu.vector_load %arg6[%get3A_183] {strides = array<i32>} : memref<16384xi32, #tpu.memory_space<vmem>>, vector<16xi32>,
      %sub3A_185 = arith.subi %get3A_184, %get3A_4 : vector<16xi32>
      %le3A_186 = vector.broadcast %scan3A_32 : i32 to vector<16xi32>
      %le3A_187 = arith.cmpi ule, %sub3A_185, %le3A_186 : vector<16xi32>
      %shift_right_logical3A_188 = arith.constant 21 : i32
      %shift_right_logical3A_189 = vector.broadcast %shift_right_logical3A_188 : i32 to vector<16xi32>
      %shift_right_logical3A_190 = arith.shrui %sub3A_185, %shift_right_logical3A_189 : vector<16xi32>
      %add3A_191 = arith.addi %mul3A_14, %shift_right_logical3A_190 : vector<16xi32>
      tpu.vector_store_idx %arg8[%add3A_191], %broadcast_in_dim3A_16 masked %le3A_187 {add = true} : memref<32784xi32, #tpu.memory_space<vmem>>[vector<16xi32>], vector<16xi32>, vector<16xi1>
      %mul3A_192 = arith.constant 16 : i32
      %mul3A_193 = arith.muli %scan3A_44, %mul3A_192 : i32
      %add3A_194 = arith.constant 10 : i32
      %add3A_195 = arith.addi %mul3A_193, %add3A_194 : i32
      %mul3A_196 = arith.constant 16 : i32
      %mul3A_197 = arith.muli %add3A_195, %mul3A_196 : i32
      %get3A_198 = arith.index_cast %mul3A_197 : i32 to index
      %get3A_199 = tpu.vector_load %arg6[%get3A_198] {strides = array<i32>} : memref<16384xi32, #tpu.memory_space<vmem>>, vector<16xi32>,
      %sub3A_200 = arith.subi %get3A_199, %get3A_4 : vector<16xi32>
      %le3A_201 = vector.broadcast %scan3A_32 : i32 to vector<16xi32>
      %le3A_202 = arith.cmpi ule, %sub3A_200, %le3A_201 : vector<16xi32>
      %shift_right_logical3A_203 = arith.constant 21 : i32
      %shift_right_logical3A_204 = vector.broadcast %shift_right_logical3A_203 : i32 to vector<16xi32>
      %shift_right_logical3A_205 = arith.shrui %sub3A_200, %shift_right_logical3A_204 : vector<16xi32>
      %add3A_206 = arith.addi %mul3A_14, %shift_right_logical3A_205 : vector<16xi32>
      tpu.vector_store_idx %arg8[%add3A_206], %broadcast_in_dim3A_16 masked %le3A_202 {add = true} : memref<32784xi32, #tpu.memory_space<vmem>>[vector<16xi32>], vector<16xi32>, vector<16xi1>
      %mul3A_207 = arith.constant 16 : i32
      %mul3A_208 = arith.muli %scan3A_44, %mul3A_207 : i32
      %add3A_209 = arith.constant 11 : i32
      %add3A_210 = arith.addi %mul3A_208, %add3A_209 : i32
      %mul3A_211 = arith.constant 16 : i32
      %mul3A_212 = arith.muli %add3A_210, %mul3A_211 : i32
      %get3A_213 = arith.index_cast %mul3A_212 : i32 to index
      %get3A_214 = tpu.vector_load %arg6[%get3A_213] {strides = array<i32>} : memref<16384xi32, #tpu.memory_space<vmem>>, vector<16xi32>,
      %sub3A_215 = arith.subi %get3A_214, %get3A_4 : vector<16xi32>
      %le3A_216 = vector.broadcast %scan3A_32 : i32 to vector<16xi32>
      %le3A_217 = arith.cmpi ule, %sub3A_215, %le3A_216 : vector<16xi32>
      %shift_right_logical3A_218 = arith.constant 21 : i32
      %shift_right_logical3A_219 = vector.broadcast %shift_right_logical3A_218 : i32 to vector<16xi32>
      %shift_right_logical3A_220 = arith.shrui %sub3A_215, %shift_right_logical3A_219 : vector<16xi32>
      %add3A_221 = arith.addi %mul3A_14, %shift_right_logical3A_220 : vector<16xi32>
      tpu.vector_store_idx %arg8[%add3A_221], %broadcast_in_dim3A_16 masked %le3A_217 {add = true} : memref<32784xi32, #tpu.memory_space<vmem>>[vector<16xi32>], vector<16xi32>, vector<16xi1>
      %mul3A_222 = arith.constant 16 : i32
      %mul3A_223 = arith.muli %scan3A_44, %mul3A_222 : i32
      %add3A_224 = arith.constant 12 : i32
      %add3A_225 = arith.addi %mul3A_223, %add3A_224 : i32
      %mul3A_226 = arith.constant 16 : i32
      %mul3A_227 = arith.muli %add3A_225, %mul3A_226 : i32
      %get3A_228 = arith.index_cast %mul3A_227 : i32 to index
      %get3A_229 = tpu.vector_load %arg6[%get3A_228] {strides = array<i32>} : memref<16384xi32, #tpu.memory_space<vmem>>, vector<16xi32>,
      %sub3A_230 = arith.subi %get3A_229, %get3A_4 : vector<16xi32>
      %le3A_231 = vector.broadcast %scan3A_32 : i32 to vector<16xi32>
      %le3A_232 = arith.cmpi ule, %sub3A_230, %le3A_231 : vector<16xi32>
      %shift_right_logical3A_233 = arith.constant 21 : i32
      %shift_right_logical3A_234 = vector.broadcast %shift_right_logical3A_233 : i32 to vector<16xi32>
      %shift_right_logical3A_235 = arith.shrui %sub3A_230, %shift_right_logical3A_234 : vector<16xi32>
      %add3A_236 = arith.addi %mul3A_14, %shift_right_logical3A_235 : vector<16xi32>
      tpu.vector_store_idx %arg8[%add3A_236], %broadcast_in_dim3A_16 masked %le3A_232 {add = true} : memref<32784xi32, #tpu.memory_space<vmem>>[vector<16xi32>], vector<16xi32>, vector<16xi1>
      %mul3A_237 = arith.constant 16 : i32
      %mul3A_238 = arith.muli %scan3A_44, %mul3A_237 : i32
      %add3A_239 = arith.constant 13 : i32
      %add3A_240 = arith.addi %mul3A_238, %add3A_239 : i32
      %mul3A_241 = arith.constant 16 : i32
      %mul3A_242 = arith.muli %add3A_240, %mul3A_241 : i32
      %get3A_243 = arith.index_cast %mul3A_242 : i32 to index
      %get3A_244 = tpu.vector_load %arg6[%get3A_243] {strides = array<i32>} : memref<16384xi32, #tpu.memory_space<vmem>>, vector<16xi32>,
      %sub3A_245 = arith.subi %get3A_244, %get3A_4 : vector<16xi32>
      %le3A_246 = vector.broadcast %scan3A_32 : i32 to vector<16xi32>
      %le3A_247 = arith.cmpi ule, %sub3A_245, %le3A_246 : vector<16xi32>
      %shift_right_logical3A_248 = arith.constant 21 : i32
      %shift_right_logical3A_249 = vector.broadcast %shift_right_logical3A_248 : i32 to vector<16xi32>
      %shift_right_logical3A_250 = arith.shrui %sub3A_245, %shift_right_logical3A_249 : vector<16xi32>
      %add3A_251 = arith.addi %mul3A_14, %shift_right_logical3A_250 : vector<16xi32>
      tpu.vector_store_idx %arg8[%add3A_251], %broadcast_in_dim3A_16 masked %le3A_247 {add = true} : memref<32784xi32, #tpu.memory_space<vmem>>[vector<16xi32>], vector<16xi32>, vector<16xi1>
      %mul3A_252 = arith.constant 16 : i32
      %mul3A_253 = arith.muli %scan3A_44, %mul3A_252 : i32
      %add3A_254 = arith.constant 14 : i32
      %add3A_255 = arith.addi %mul3A_253, %add3A_254 : i32
      %mul3A_256 = arith.constant 16 : i32
      %mul3A_257 = arith.muli %add3A_255, %mul3A_256 : i32
      %get3A_258 = arith.index_cast %mul3A_257 : i32 to index
      %get3A_259 = tpu.vector_load %arg6[%get3A_258] {strides = array<i32>} : memref<16384xi32, #tpu.memory_space<vmem>>, vector<16xi32>,
      %sub3A_260 = arith.subi %get3A_259, %get3A_4 : vector<16xi32>
      %le3A_261 = vector.broadcast %scan3A_32 : i32 to vector<16xi32>
      %le3A_262 = arith.cmpi ule, %sub3A_260, %le3A_261 : vector<16xi32>
      %shift_right_logical3A_263 = arith.constant 21 : i32
      %shift_right_logical3A_264 = vector.broadcast %shift_right_logical3A_263 : i32 to vector<16xi32>
      %shift_right_logical3A_265 = arith.shrui %sub3A_260, %shift_right_logical3A_264 : vector<16xi32>
      %add3A_266 = arith.addi %mul3A_14, %shift_right_logical3A_265 : vector<16xi32>
      tpu.vector_store_idx %arg8[%add3A_266], %broadcast_in_dim3A_16 masked %le3A_262 {add = true} : memref<32784xi32, #tpu.memory_space<vmem>>[vector<16xi32>], vector<16xi32>, vector<16xi1>
      %mul3A_267 = arith.constant 16 : i32
      %mul3A_268 = arith.muli %scan3A_44, %mul3A_267 : i32
      %add3A_269 = arith.constant 15 : i32
      %add3A_270 = arith.addi %mul3A_268, %add3A_269 : i32
      %mul3A_271 = arith.constant 16 : i32
      %mul3A_272 = arith.muli %add3A_270, %mul3A_271 : i32
      %get3A_273 = arith.index_cast %mul3A_272 : i32 to index
      %get3A_274 = tpu.vector_load %arg6[%get3A_273] {strides = array<i32>} : memref<16384xi32, #tpu.memory_space<vmem>>, vector<16xi32>,
      %sub3A_275 = arith.subi %get3A_274, %get3A_4 : vector<16xi32>
      %le3A_276 = vector.broadcast %scan3A_32 : i32 to vector<16xi32>
      %le3A_277 = arith.cmpi ule, %sub3A_275, %le3A_276 : vector<16xi32>
      %shift_right_logical3A_278 = arith.constant 21 : i32
      %shift_right_logical3A_279 = vector.broadcast %shift_right_logical3A_278 : i32 to vector<16xi32>
      %shift_right_logical3A_280 = arith.shrui %sub3A_275, %shift_right_logical3A_279 : vector<16xi32>
      %add3A_281 = arith.addi %mul3A_14, %shift_right_logical3A_280 : vector<16xi32>
      tpu.vector_store_idx %arg8[%add3A_281], %broadcast_in_dim3A_16 masked %le3A_277 {add = true} : memref<32784xi32, #tpu.memory_space<vmem>>[vector<16xi32>], vector<16xi32>, vector<16xi1>
    }
    %scan3A_37 = arith.constant 64 : i32
    %scan3A_38 = arith.constant 0 : i32
    %scan3A_39 = arith.constant 0 : i32
    %scan3A_40 = arith.constant 64 : i32
    %scan3A_41 = arith.addi %scan3A_39, %scan3A_40 : i32
    %scan3A_42 = arith.constant 1 : i32
    scf.for %scan3A_44 = %scan3A_39 to %scan3A_41 step %scan3A_42  : i32 {
      %mul3A_45 = arith.constant 2 : i32
      %mul3A_46 = arith.muli %scan3A_44, %mul3A_45 : i32
      %add3A_47 = arith.constant 0 : i32
      %add3A_48 = arith.addi %mul3A_46, %add3A_47 : i32
      %mul3A_49 = arith.constant 16 : i32
      %mul3A_50 = arith.muli %add3A_48, %mul3A_49 : i32
      %get3A_51 = arith.index_cast %mul3A_50 : i32 to index
      %get3A_52 = tpu.vector_load %arg8[%get3A_51] {strides = array<i32>} : memref<32784xi32, #tpu.memory_space<vmem>>, vector<16xi32>,
      %mul3A_53 = arith.constant 16 : i32
      %mul3A_54 = arith.muli %add3A_48, %mul3A_53 : i32
      %add3A_55 = arith.constant 2049 : i32
      %add3A_56 = arith.addi %add3A_55, %mul3A_54 : i32
      %get3A_57 = arith.index_cast %add3A_56 : i32 to index
      %get3A_58 = tpu.vector_load %arg8[%get3A_57] {strides = array<i32>} : memref<32784xi32, #tpu.memory_space<vmem>>, vector<16xi32>,
      %add3A_59 = arith.addi %get3A_52, %get3A_58 : vector<16xi32>
      %mul3A_60 = arith.constant 16 : i32
      %mul3A_61 = arith.muli %add3A_48, %mul3A_60 : i32
      %add3A_62 = arith.constant 4098 : i32
      %add3A_63 = arith.addi %add3A_62, %mul3A_61 : i32
      %get3A_64 = arith.index_cast %add3A_63 : i32 to index
      %get3A_65 = tpu.vector_load %arg8[%get3A_64] {strides = array<i32>} : memref<32784xi32, #tpu.memory_space<vmem>>, vector<16xi32>,
      %add3A_66 = arith.addi %add3A_59, %get3A_65 : vector<16xi32>
      %mul3A_67 = arith.constant 16 : i32
      %mul3A_68 = arith.muli %add3A_48, %mul3A_67 : i32
      %add3A_69 = arith.constant 6147 : i32
      %add3A_70 = arith.addi %add3A_69, %mul3A_68 : i32
      %get3A_71 = arith.index_cast %add3A_70 : i32 to index
      %get3A_72 = tpu.vector_load %arg8[%get3A_71] {strides = array<i32>} : memref<32784xi32, #tpu.memory_space<vmem>>, vector<16xi32>,
      %add3A_73 = arith.addi %add3A_66, %get3A_72 : vector<16xi32>
      %mul3A_74 = arith.constant 16 : i32
      %mul3A_75 = arith.muli %add3A_48, %mul3A_74 : i32
      %add3A_76 = arith.constant 8196 : i32
      %add3A_77 = arith.addi %add3A_76, %mul3A_75 : i32
      %get3A_78 = arith.index_cast %add3A_77 : i32 to index
      %get3A_79 = tpu.vector_load %arg8[%get3A_78] {strides = array<i32>} : memref<32784xi32, #tpu.memory_space<vmem>>, vector<16xi32>,
      %add3A_80 = arith.addi %add3A_73, %get3A_79 : vector<16xi32>
      %mul3A_81 = arith.constant 16 : i32
      %mul3A_82 = arith.muli %add3A_48, %mul3A_81 : i32
      %add3A_83 = arith.constant 10245 : i32
      %add3A_84 = arith.addi %add3A_83, %mul3A_82 : i32
      %get3A_85 = arith.index_cast %add3A_84 : i32 to index
      %get3A_86 = tpu.vector_load %arg8[%get3A_85] {strides = array<i32>} : memref<32784xi32, #tpu.memory_space<vmem>>, vector<16xi32>,
      %add3A_87 = arith.addi %add3A_80, %get3A_86 : vector<16xi32>
      %mul3A_88 = arith.constant 16 : i32
      %mul3A_89 = arith.muli %add3A_48, %mul3A_88 : i32
      %add3A_90 = arith.constant 12294 : i32
      %add3A_91 = arith.addi %add3A_90, %mul3A_89 : i32
      %get3A_92 = arith.index_cast %add3A_91 : i32 to index
      %get3A_93 = tpu.vector_load %arg8[%get3A_92] {strides = array<i32>} : memref<32784xi32, #tpu.memory_space<vmem>>, vector<16xi32>,
      %add3A_94 = arith.addi %add3A_87, %get3A_93 : vector<16xi32>
      %mul3A_95 = arith.constant 16 : i32
      %mul3A_96 = arith.muli %add3A_48, %mul3A_95 : i32
      %add3A_97 = arith.constant 14343 : i32
      %add3A_98 = arith.addi %add3A_97, %mul3A_96 : i32
      %get3A_99 = arith.index_cast %add3A_98 : i32 to index
      %get3A_100 = tpu.vector_load %arg8[%get3A_99] {strides = array<i32>} : memref<32784xi32, #tpu.memory_space<vmem>>, vector<16xi32>,
      %add3A_101 = arith.addi %add3A_94, %get3A_100 : vector<16xi32>
      %mul3A_102 = arith.constant 16 : i32
      %mul3A_103 = arith.muli %add3A_48, %mul3A_102 : i32
      %add3A_104 = arith.constant 16392 : i32
      %add3A_105 = arith.addi %add3A_104, %mul3A_103 : i32
      %get3A_106 = arith.index_cast %add3A_105 : i32 to index
      %get3A_107 = tpu.vector_load %arg8[%get3A_106] {strides = array<i32>} : memref<32784xi32, #tpu.memory_space<vmem>>, vector<16xi32>,
      %add3A_108 = arith.addi %add3A_101, %get3A_107 : vector<16xi32>
      %mul3A_109 = arith.constant 16 : i32
      %mul3A_110 = arith.muli %add3A_48, %mul3A_109 : i32
      %add3A_111 = arith.constant 18441 : i32
      %add3A_112 = arith.addi %add3A_111, %mul3A_110 : i32
      %get3A_113 = arith.index_cast %add3A_112 : i32 to index
      %get3A_114 = tpu.vector_load %arg8[%get3A_113] {strides = array<i32>} : memref<32784xi32, #tpu.memory_space<vmem>>, vector<16xi32>,
      %add3A_115 = arith.addi %add3A_108, %get3A_114 : vector<16xi32>
      %mul3A_116 = arith.constant 16 : i32
      %mul3A_117 = arith.muli %add3A_48, %mul3A_116 : i32
      %add3A_118 = arith.constant 20490 : i32
      %add3A_119 = arith.addi %add3A_118, %mul3A_117 : i32
      %get3A_120 = arith.index_cast %add3A_119 : i32 to index
      %get3A_121 = tpu.vector_load %arg8[%get3A_120] {strides = array<i32>} : memref<32784xi32, #tpu.memory_space<vmem>>, vector<16xi32>,
      %add3A_122 = arith.addi %add3A_115, %get3A_121 : vector<16xi32>
      %mul3A_123 = arith.constant 16 : i32
      %mul3A_124 = arith.muli %add3A_48, %mul3A_123 : i32
      %add3A_125 = arith.constant 22539 : i32
      %add3A_126 = arith.addi %add3A_125, %mul3A_124 : i32
      %get3A_127 = arith.index_cast %add3A_126 : i32 to index
      %get3A_128 = tpu.vector_load %arg8[%get3A_127] {strides = array<i32>} : memref<32784xi32, #tpu.memory_space<vmem>>, vector<16xi32>,
      %add3A_129 = arith.addi %add3A_122, %get3A_128 : vector<16xi32>
      %mul3A_130 = arith.constant 16 : i32
      %mul3A_131 = arith.muli %add3A_48, %mul3A_130 : i32
      %add3A_132 = arith.constant 24588 : i32
      %add3A_133 = arith.addi %add3A_132, %mul3A_131 : i32
      %get3A_134 = arith.index_cast %add3A_133 : i32 to index
      %get3A_135 = tpu.vector_load %arg8[%get3A_134] {strides = array<i32>} : memref<32784xi32, #tpu.memory_space<vmem>>, vector<16xi32>,
      %add3A_136 = arith.addi %add3A_129, %get3A_135 : vector<16xi32>
      %mul3A_137 = arith.constant 16 : i32
      %mul3A_138 = arith.muli %add3A_48, %mul3A_137 : i32
      %add3A_139 = arith.constant 26637 : i32
      %add3A_140 = arith.addi %add3A_139, %mul3A_138 : i32
      %get3A_141 = arith.index_cast %add3A_140 : i32 to index
      %get3A_142 = tpu.vector_load %arg8[%get3A_141] {strides = array<i32>} : memref<32784xi32, #tpu.memory_space<vmem>>, vector<16xi32>,
      %add3A_143 = arith.addi %add3A_136, %get3A_142 : vector<16xi32>
      %mul3A_144 = arith.constant 16 : i32
      %mul3A_145 = arith.muli %add3A_48, %mul3A_144 : i32
      %add3A_146 = arith.constant 28686 : i32
      %add3A_147 = arith.addi %add3A_146, %mul3A_145 : i32
      %get3A_148 = arith.index_cast %add3A_147 : i32 to index
      %get3A_149 = tpu.vector_load %arg8[%get3A_148] {strides = array<i32>} : memref<32784xi32, #tpu.memory_space<vmem>>, vector<16xi32>,
      %add3A_150 = arith.addi %add3A_143, %get3A_149 : vector<16xi32>
      %mul3A_151 = arith.constant 16 : i32
      %mul3A_152 = arith.muli %add3A_48, %mul3A_151 : i32
      %add3A_153 = arith.constant 30735 : i32
      %add3A_154 = arith.addi %add3A_153, %mul3A_152 : i32
      %get3A_155 = arith.index_cast %add3A_154 : i32 to index
      %get3A_156 = tpu.vector_load %arg8[%get3A_155] {strides = array<i32>} : memref<32784xi32, #tpu.memory_space<vmem>>, vector<16xi32>,
      %add3A_157 = arith.addi %add3A_150, %get3A_156 : vector<16xi32>
      %mul3A_158 = arith.constant 16 : i32
      %mul3A_159 = arith.muli %add3A_48, %mul3A_158 : i32
      %swap3A_160 = arith.index_cast %mul3A_159 : i32 to index
      %swap3A_161 = tpu.vector_load %arg9[%swap3A_160] {strides = array<i32>} : memref<2048xi32, #tpu.memory_space<vmem>>, vector<16xi32>,
      tpu.vector_store %arg9[%swap3A_160], %add3A_157 {strides = array<i32>} : memref<2048xi32, #tpu.memory_space<vmem>>, vector<16xi32>,
      %mul3A_162 = arith.constant 2 : i32
      %mul3A_163 = arith.muli %scan3A_44, %mul3A_162 : i32
      %add3A_164 = arith.constant 1 : i32
      %add3A_165 = arith.addi %mul3A_163, %add3A_164 : i32
      %mul3A_166 = arith.constant 16 : i32
      %mul3A_167 = arith.muli %add3A_165, %mul3A_166 : i32
      %get3A_168 = arith.index_cast %mul3A_167 : i32 to index
      %get3A_169 = tpu.vector_load %arg8[%get3A_168] {strides = array<i32>} : memref<32784xi32, #tpu.memory_space<vmem>>, vector<16xi32>,
      %mul3A_170 = arith.constant 16 : i32
      %mul3A_171 = arith.muli %add3A_165, %mul3A_170 : i32
      %add3A_172 = arith.constant 2049 : i32
      %add3A_173 = arith.addi %add3A_172, %mul3A_171 : i32
      %get3A_174 = arith.index_cast %add3A_173 : i32 to index
      %get3A_175 = tpu.vector_load %arg8[%get3A_174] {strides = array<i32>} : memref<32784xi32, #tpu.memory_space<vmem>>, vector<16xi32>,
      %add3A_176 = arith.addi %get3A_169, %get3A_175 : vector<16xi32>
      %mul3A_177 = arith.constant 16 : i32
      %mul3A_178 = arith.muli %add3A_165, %mul3A_177 : i32
      %add3A_179 = arith.constant 4098 : i32
      %add3A_180 = arith.addi %add3A_179, %mul3A_178 : i32
      %get3A_181 = arith.index_cast %add3A_180 : i32 to index
      %get3A_182 = tpu.vector_load %arg8[%get3A_181] {strides = array<i32>} : memref<32784xi32, #tpu.memory_space<vmem>>, vector<16xi32>,
      %add3A_183 = arith.addi %add3A_176, %get3A_182 : vector<16xi32>
      %mul3A_184 = arith.constant 16 : i32
      %mul3A_185 = arith.muli %add3A_165, %mul3A_184 : i32
      %add3A_186 = arith.constant 6147 : i32
      %add3A_187 = arith.addi %add3A_186, %mul3A_185 : i32
      %get3A_188 = arith.index_cast %add3A_187 : i32 to index
      %get3A_189 = tpu.vector_load %arg8[%get3A_188] {strides = array<i32>} : memref<32784xi32, #tpu.memory_space<vmem>>, vector<16xi32>,
      %add3A_190 = arith.addi %add3A_183, %get3A_189 : vector<16xi32>
      %mul3A_191 = arith.constant 16 : i32
      %mul3A_192 = arith.muli %add3A_165, %mul3A_191 : i32
      %add3A_193 = arith.constant 8196 : i32
      %add3A_194 = arith.addi %add3A_193, %mul3A_192 : i32
      %get3A_195 = arith.index_cast %add3A_194 : i32 to index
      %get3A_196 = tpu.vector_load %arg8[%get3A_195] {strides = array<i32>} : memref<32784xi32, #tpu.memory_space<vmem>>, vector<16xi32>,
      %add3A_197 = arith.addi %add3A_190, %get3A_196 : vector<16xi32>
      %mul3A_198 = arith.constant 16 : i32
      %mul3A_199 = arith.muli %add3A_165, %mul3A_198 : i32
      %add3A_200 = arith.constant 10245 : i32
      %add3A_201 = arith.addi %add3A_200, %mul3A_199 : i32
      %get3A_202 = arith.index_cast %add3A_201 : i32 to index
      %get3A_203 = tpu.vector_load %arg8[%get3A_202] {strides = array<i32>} : memref<32784xi32, #tpu.memory_space<vmem>>, vector<16xi32>,
      %add3A_204 = arith.addi %add3A_197, %get3A_203 : vector<16xi32>
      %mul3A_205 = arith.constant 16 : i32
      %mul3A_206 = arith.muli %add3A_165, %mul3A_205 : i32
      %add3A_207 = arith.constant 12294 : i32
      %add3A_208 = arith.addi %add3A_207, %mul3A_206 : i32
      %get3A_209 = arith.index_cast %add3A_208 : i32 to index
      %get3A_210 = tpu.vector_load %arg8[%get3A_209] {strides = array<i32>} : memref<32784xi32, #tpu.memory_space<vmem>>, vector<16xi32>,
      %add3A_211 = arith.addi %add3A_204, %get3A_210 : vector<16xi32>
      %mul3A_212 = arith.constant 16 : i32
      %mul3A_213 = arith.muli %add3A_165, %mul3A_212 : i32
      %add3A_214 = arith.constant 14343 : i32
      %add3A_215 = arith.addi %add3A_214, %mul3A_213 : i32
      %get3A_216 = arith.index_cast %add3A_215 : i32 to index
      %get3A_217 = tpu.vector_load %arg8[%get3A_216] {strides = array<i32>} : memref<32784xi32, #tpu.memory_space<vmem>>, vector<16xi32>,
      %add3A_218 = arith.addi %add3A_211, %get3A_217 : vector<16xi32>
      %mul3A_219 = arith.constant 16 : i32
      %mul3A_220 = arith.muli %add3A_165, %mul3A_219 : i32
      %add3A_221 = arith.constant 16392 : i32
      %add3A_222 = arith.addi %add3A_221, %mul3A_220 : i32
      %get3A_223 = arith.index_cast %add3A_222 : i32 to index
      %get3A_224 = tpu.vector_load %arg8[%get3A_223] {strides = array<i32>} : memref<32784xi32, #tpu.memory_space<vmem>>, vector<16xi32>,
      %add3A_225 = arith.addi %add3A_218, %get3A_224 : vector<16xi32>
      %mul3A_226 = arith.constant 16 : i32
      %mul3A_227 = arith.muli %add3A_165, %mul3A_226 : i32
      %add3A_228 = arith.constant 18441 : i32
      %add3A_229 = arith.addi %add3A_228, %mul3A_227 : i32
      %get3A_230 = arith.index_cast %add3A_229 : i32 to index
      %get3A_231 = tpu.vector_load %arg8[%get3A_230] {strides = array<i32>} : memref<32784xi32, #tpu.memory_space<vmem>>, vector<16xi32>,
      %add3A_232 = arith.addi %add3A_225, %get3A_231 : vector<16xi32>
      %mul3A_233 = arith.constant 16 : i32
      %mul3A_234 = arith.muli %add3A_165, %mul3A_233 : i32
      %add3A_235 = arith.constant 20490 : i32
      %add3A_236 = arith.addi %add3A_235, %mul3A_234 : i32
      %get3A_237 = arith.index_cast %add3A_236 : i32 to index
      %get3A_238 = tpu.vector_load %arg8[%get3A_237] {strides = array<i32>} : memref<32784xi32, #tpu.memory_space<vmem>>, vector<16xi32>,
      %add3A_239 = arith.addi %add3A_232, %get3A_238 : vector<16xi32>
      %mul3A_240 = arith.constant 16 : i32
      %mul3A_241 = arith.muli %add3A_165, %mul3A_240 : i32
      %add3A_242 = arith.constant 22539 : i32
      %add3A_243 = arith.addi %add3A_242, %mul3A_241 : i32
      %get3A_244 = arith.index_cast %add3A_243 : i32 to index
      %get3A_245 = tpu.vector_load %arg8[%get3A_244] {strides = array<i32>} : memref<32784xi32, #tpu.memory_space<vmem>>, vector<16xi32>,
      %add3A_246 = arith.addi %add3A_239, %get3A_245 : vector<16xi32>
      %mul3A_247 = arith.constant 16 : i32
      %mul3A_248 = arith.muli %add3A_165, %mul3A_247 : i32
      %add3A_249 = arith.constant 24588 : i32
      %add3A_250 = arith.addi %add3A_249, %mul3A_248 : i32
      %get3A_251 = arith.index_cast %add3A_250 : i32 to index
      %get3A_252 = tpu.vector_load %arg8[%get3A_251] {strides = array<i32>} : memref<32784xi32, #tpu.memory_space<vmem>>, vector<16xi32>,
      %add3A_253 = arith.addi %add3A_246, %get3A_252 : vector<16xi32>
      %mul3A_254 = arith.constant 16 : i32
      %mul3A_255 = arith.muli %add3A_165, %mul3A_254 : i32
      %add3A_256 = arith.constant 26637 : i32
      %add3A_257 = arith.addi %add3A_256, %mul3A_255 : i32
      %get3A_258 = arith.index_cast %add3A_257 : i32 to index
      %get3A_259 = tpu.vector_load %arg8[%get3A_258] {strides = array<i32>} : memref<32784xi32, #tpu.memory_space<vmem>>, vector<16xi32>,
      %add3A_260 = arith.addi %add3A_253, %get3A_259 : vector<16xi32>
      %mul3A_261 = arith.constant 16 : i32
      %mul3A_262 = arith.muli %add3A_165, %mul3A_261 : i32
      %add3A_263 = arith.constant 28686 : i32
      %add3A_264 = arith.addi %add3A_263, %mul3A_262 : i32
      %get3A_265 = arith.index_cast %add3A_264 : i32 to index
      %get3A_266 = tpu.vector_load %arg8[%get3A_265] {strides = array<i32>} : memref<32784xi32, #tpu.memory_space<vmem>>, vector<16xi32>,
      %add3A_267 = arith.addi %add3A_260, %get3A_266 : vector<16xi32>
      %mul3A_268 = arith.constant 16 : i32
      %mul3A_269 = arith.muli %add3A_165, %mul3A_268 : i32
      %add3A_270 = arith.constant 30735 : i32
      %add3A_271 = arith.addi %add3A_270, %mul3A_269 : i32
      %get3A_272 = arith.index_cast %add3A_271 : i32 to index
      %get3A_273 = tpu.vector_load %arg8[%get3A_272] {strides = array<i32>} : memref<32784xi32, #tpu.memory_space<vmem>>, vector<16xi32>,
      %add3A_274 = arith.addi %add3A_267, %get3A_273 : vector<16xi32>
      %mul3A_275 = arith.constant 16 : i32
      %mul3A_276 = arith.muli %add3A_165, %mul3A_275 : i32
      %swap3A_277 = arith.index_cast %mul3A_276 : i32 to index
      %swap3A_278 = tpu.vector_load %arg9[%swap3A_277] {strides = array<i32>} : memref<2048xi32, #tpu.memory_space<vmem>>, vector<16xi32>,
      tpu.vector_store %arg9[%swap3A_277], %add3A_274 {strides = array<i32>} : memref<2048xi32, #tpu.memory_space<vmem>>, vector<16xi32>,
    }
    %scan3A_43 = arith.constant 64 : i32
    "tpu.region"() ({
      %run_scoped3A = tpu.sem_alloc : memref<!tpu.dma_semaphore, #tpu.memory_space<semaphore_mem>>
      %dma_start3A_44 = arith.constant 0 : i32
      %dma_start3A_45 = tpu.memref_slice %arg4[%add3A, %dma_start3A_44] : memref<32x2048xi32, #tpu.memory_space<hbm>> -> memref<1x2048xi32, #tpu.memory_space<hbm>>
      %dma_start3A_46 = tpu.memref_squeeze %dma_start3A_45 : memref<1x2048xi32, #tpu.memory_space<hbm>> -> memref<2048xi32, #tpu.memory_space<hbm>>
      %dma_start3A_47 = arith.constant 0 : i32
      %dma_start3A_48 = tpu.memref_slice %arg4[%add3A, %dma_start3A_47] : memref<32x2048xi32, #tpu.memory_space<hbm>> -> memref<1x2048xi32, #tpu.memory_space<hbm>>
      %dma_start3A_49 = tpu.memref_squeeze %dma_start3A_48 : memref<1x2048xi32, #tpu.memory_space<hbm>> -> memref<2048xi32, #tpu.memory_space<hbm>>
      tpu.enqueue_dma source(%arg9 : memref<2048xi32, #tpu.memory_space<vmem>>) target(%dma_start3A_49 : memref<2048xi32, #tpu.memory_space<hbm>>) target_semaphore(%run_scoped3A : memref<!tpu.dma_semaphore, #tpu.memory_space<semaphore_mem>>)
      %dma_wait3A_50 = arith.constant 0 : i32
      %dma_wait3A_51 = tpu.memref_slice %arg4[%add3A, %dma_wait3A_50] : memref<32x2048xi32, #tpu.memory_space<hbm>> -> memref<1x2048xi32, #tpu.memory_space<hbm>>
      %dma_wait3A_52 = tpu.memref_squeeze %dma_wait3A_51 : memref<1x2048xi32, #tpu.memory_space<hbm>> -> memref<2048xi32, #tpu.memory_space<hbm>>
      %dma_wait3A_53 = arith.constant 0 : i32
      %dma_wait3A_54 = tpu.memref_slice %arg4[%add3A, %dma_wait3A_53] : memref<32x2048xi32, #tpu.memory_space<hbm>> -> memref<1x2048xi32, #tpu.memory_space<hbm>>
      %dma_wait3A_55 = tpu.memref_squeeze %dma_wait3A_54 : memref<1x2048xi32, #tpu.memory_space<hbm>> -> memref<2048xi32, #tpu.memory_space<hbm>>
      tpu.wait_dma2 semaphore(%run_scoped3A : memref<!tpu.dma_semaphore, #tpu.memory_space<semaphore_mem>>) src(%arg9 : memref<2048xi32, #tpu.memory_space<vmem>>) dst(%dma_wait3A_55 : memref<2048xi32, #tpu.memory_space<hbm>>)
      tpu.yield
    }) : () -> ()
    return
  }
}

#map = affine_map<(d0, d1) -> (0)>
#map1 = affine_map<(d0, d1) -> (0, 0)>
module attributes {stable_mosaic.version = 14 : i64} {
  func.func @hist(%arg0: i32, %arg1: i32, %arg2: memref<1048576xi32, #tpu.memory_space<hbm>>, %arg3: memref<16xi32, #tpu.memory_space<hbm>>, %arg4: memref<32x1024xi32, #tpu.memory_space<hbm>>, %arg5: memref<16384xi32, #tpu.memory_space<vmem>>, %arg6: memref<16384xi32, #tpu.memory_space<vmem>>, %arg7: memref<16xi32, #tpu.memory_space<vmem>>, %arg8: memref<16400xi32, #tpu.memory_space<vmem>>, %arg9: memref<1024xi32, #tpu.memory_space<vmem>>, %arg10: memref<!tpu.dma_semaphore, #tpu.memory_space<semaphore_mem>>, %arg11: memref<!tpu.dma_semaphore, #tpu.memory_space<semaphore_mem>>) attributes {dimension_semantics = [#tpu.dimension_semantics<core_parallel>, #tpu.dimension_semantics<subcore_parallel>], iteration_bounds = array<i64: 2, 16>, scalar_prefetch = 0 : i64, scratch_operands = 7 : i64, tpu.core_type = #tpu.core_type<sc_vector_subcore>, window_params = [{transform_indices = #map}, {transform_indices = #map}, {transform_indices = #map1}]} {
    %mul3A = arith.constant 2 : i32
    %mul3A_0 = arith.muli %arg1, %mul3A : i32
    %add3A = arith.addi %mul3A_0, %arg0 : i32
    %mul3A_1 = arith.constant 32768 : i32
    %mul3A_2 = arith.muli %add3A, %mul3A_1 : i32
    %dma_start3A = tpu.memref_slice %arg2[%mul3A_2] : memref<1048576xi32, #tpu.memory_space<hbm>> -> memref<16384xi32, #tpu.memory_space<hbm>>
    %dma_start3A_3 = tpu.memref_slice %arg2[%mul3A_2] : memref<1048576xi32, #tpu.memory_space<hbm>> -> memref<16384xi32, #tpu.memory_space<hbm>>
    tpu.enqueue_dma source(%dma_start3A_3 : memref<16384xi32, #tpu.memory_space<hbm>>) target(%arg5 : memref<16384xi32, #tpu.memory_space<vmem>>) target_semaphore(%arg10 : memref<!tpu.dma_semaphore, #tpu.memory_space<semaphore_mem>>)
    "tpu.region"() ({
      %run_scoped3A = tpu.sem_alloc : memref<!tpu.dma_semaphore, #tpu.memory_space<semaphore_mem>>
      tpu.enqueue_dma source(%arg3 : memref<16xi32, #tpu.memory_space<hbm>>) target(%arg7 : memref<16xi32, #tpu.memory_space<vmem>>) target_semaphore(%run_scoped3A : memref<!tpu.dma_semaphore, #tpu.memory_space<semaphore_mem>>)
      tpu.wait_dma2 semaphore(%run_scoped3A : memref<!tpu.dma_semaphore, #tpu.memory_space<semaphore_mem>>) src(%arg3 : memref<16xi32, #tpu.memory_space<hbm>>) dst(%arg7 : memref<16xi32, #tpu.memory_space<vmem>>)
      tpu.yield
    }) : () -> ()
    %get3A = arith.constant 0 : index
    %get3A_4 = tpu.vector_load %arg7[%get3A] {strides = array<i32>} : memref<16xi32, #tpu.memory_space<vmem>>, vector<16xi32>,
    %broadcast_in_dim3A = arith.constant 0 : i32
    %broadcast_in_dim3A_5 = vector.broadcast %broadcast_in_dim3A : i32 to vector<16xi32>
    %scan3A = arith.constant 0 : i32
    %scan3A_6 = arith.constant 0 : i32
    %scan3A_7 = arith.constant 64 : i32
    %scan3A_8 = arith.addi %scan3A_6, %scan3A_7 : i32
    %scan3A_9 = arith.constant 1 : i32
    scf.for %scan3A_44 = %scan3A_6 to %scan3A_8 step %scan3A_9  : i32 {
      %mul3A_45 = arith.constant 16 : i32
      %mul3A_46 = arith.muli %scan3A_44, %mul3A_45 : i32
      %add3A_47 = arith.constant 0 : i32
      %add3A_48 = arith.addi %mul3A_46, %add3A_47 : i32
      %mul3A_49 = arith.constant 16 : i32
      %mul3A_50 = arith.muli %add3A_48, %mul3A_49 : i32
      %swap3A_51 = arith.index_cast %mul3A_50 : i32 to index
      %swap3A_52 = tpu.vector_load %arg8[%swap3A_51] {strides = array<i32>} : memref<16400xi32, #tpu.memory_space<vmem>>, vector<16xi32>,
      tpu.vector_store %arg8[%swap3A_51], %broadcast_in_dim3A_5 {strides = array<i32>} : memref<16400xi32, #tpu.memory_space<vmem>>, vector<16xi32>,
      %mul3A_53 = arith.constant 16 : i32
      %mul3A_54 = arith.muli %scan3A_44, %mul3A_53 : i32
      %add3A_55 = arith.constant 1 : i32
      %add3A_56 = arith.addi %mul3A_54, %add3A_55 : i32
      %mul3A_57 = arith.constant 16 : i32
      %mul3A_58 = arith.muli %add3A_56, %mul3A_57 : i32
      %swap3A_59 = arith.index_cast %mul3A_58 : i32 to index
      %swap3A_60 = tpu.vector_load %arg8[%swap3A_59] {strides = array<i32>} : memref<16400xi32, #tpu.memory_space<vmem>>, vector<16xi32>,
      tpu.vector_store %arg8[%swap3A_59], %broadcast_in_dim3A_5 {strides = array<i32>} : memref<16400xi32, #tpu.memory_space<vmem>>, vector<16xi32>,
      %mul3A_61 = arith.constant 16 : i32
      %mul3A_62 = arith.muli %scan3A_44, %mul3A_61 : i32
      %add3A_63 = arith.constant 2 : i32
      %add3A_64 = arith.addi %mul3A_62, %add3A_63 : i32
      %mul3A_65 = arith.constant 16 : i32
      %mul3A_66 = arith.muli %add3A_64, %mul3A_65 : i32
      %swap3A_67 = arith.index_cast %mul3A_66 : i32 to index
      %swap3A_68 = tpu.vector_load %arg8[%swap3A_67] {strides = array<i32>} : memref<16400xi32, #tpu.memory_space<vmem>>, vector<16xi32>,
      tpu.vector_store %arg8[%swap3A_67], %broadcast_in_dim3A_5 {strides = array<i32>} : memref<16400xi32, #tpu.memory_space<vmem>>, vector<16xi32>,
      %mul3A_69 = arith.constant 16 : i32
      %mul3A_70 = arith.muli %scan3A_44, %mul3A_69 : i32
      %add3A_71 = arith.constant 3 : i32
      %add3A_72 = arith.addi %mul3A_70, %add3A_71 : i32
      %mul3A_73 = arith.constant 16 : i32
      %mul3A_74 = arith.muli %add3A_72, %mul3A_73 : i32
      %swap3A_75 = arith.index_cast %mul3A_74 : i32 to index
      %swap3A_76 = tpu.vector_load %arg8[%swap3A_75] {strides = array<i32>} : memref<16400xi32, #tpu.memory_space<vmem>>, vector<16xi32>,
      tpu.vector_store %arg8[%swap3A_75], %broadcast_in_dim3A_5 {strides = array<i32>} : memref<16400xi32, #tpu.memory_space<vmem>>, vector<16xi32>,
      %mul3A_77 = arith.constant 16 : i32
      %mul3A_78 = arith.muli %scan3A_44, %mul3A_77 : i32
      %add3A_79 = arith.constant 4 : i32
      %add3A_80 = arith.addi %mul3A_78, %add3A_79 : i32
      %mul3A_81 = arith.constant 16 : i32
      %mul3A_82 = arith.muli %add3A_80, %mul3A_81 : i32
      %swap3A_83 = arith.index_cast %mul3A_82 : i32 to index
      %swap3A_84 = tpu.vector_load %arg8[%swap3A_83] {strides = array<i32>} : memref<16400xi32, #tpu.memory_space<vmem>>, vector<16xi32>,
      tpu.vector_store %arg8[%swap3A_83], %broadcast_in_dim3A_5 {strides = array<i32>} : memref<16400xi32, #tpu.memory_space<vmem>>, vector<16xi32>,
      %mul3A_85 = arith.constant 16 : i32
      %mul3A_86 = arith.muli %scan3A_44, %mul3A_85 : i32
      %add3A_87 = arith.constant 5 : i32
      %add3A_88 = arith.addi %mul3A_86, %add3A_87 : i32
      %mul3A_89 = arith.constant 16 : i32
      %mul3A_90 = arith.muli %add3A_88, %mul3A_89 : i32
      %swap3A_91 = arith.index_cast %mul3A_90 : i32 to index
      %swap3A_92 = tpu.vector_load %arg8[%swap3A_91] {strides = array<i32>} : memref<16400xi32, #tpu.memory_space<vmem>>, vector<16xi32>,
      tpu.vector_store %arg8[%swap3A_91], %broadcast_in_dim3A_5 {strides = array<i32>} : memref<16400xi32, #tpu.memory_space<vmem>>, vector<16xi32>,
      %mul3A_93 = arith.constant 16 : i32
      %mul3A_94 = arith.muli %scan3A_44, %mul3A_93 : i32
      %add3A_95 = arith.constant 6 : i32
      %add3A_96 = arith.addi %mul3A_94, %add3A_95 : i32
      %mul3A_97 = arith.constant 16 : i32
      %mul3A_98 = arith.muli %add3A_96, %mul3A_97 : i32
      %swap3A_99 = arith.index_cast %mul3A_98 : i32 to index
      %swap3A_100 = tpu.vector_load %arg8[%swap3A_99] {strides = array<i32>} : memref<16400xi32, #tpu.memory_space<vmem>>, vector<16xi32>,
      tpu.vector_store %arg8[%swap3A_99], %broadcast_in_dim3A_5 {strides = array<i32>} : memref<16400xi32, #tpu.memory_space<vmem>>, vector<16xi32>,
      %mul3A_101 = arith.constant 16 : i32
      %mul3A_102 = arith.muli %scan3A_44, %mul3A_101 : i32
      %add3A_103 = arith.constant 7 : i32
      %add3A_104 = arith.addi %mul3A_102, %add3A_103 : i32
      %mul3A_105 = arith.constant 16 : i32
      %mul3A_106 = arith.muli %add3A_104, %mul3A_105 : i32
      %swap3A_107 = arith.index_cast %mul3A_106 : i32 to index
      %swap3A_108 = tpu.vector_load %arg8[%swap3A_107] {strides = array<i32>} : memref<16400xi32, #tpu.memory_space<vmem>>, vector<16xi32>,
      tpu.vector_store %arg8[%swap3A_107], %broadcast_in_dim3A_5 {strides = array<i32>} : memref<16400xi32, #tpu.memory_space<vmem>>, vector<16xi32>,
      %mul3A_109 = arith.constant 16 : i32
      %mul3A_110 = arith.muli %scan3A_44, %mul3A_109 : i32
      %add3A_111 = arith.constant 8 : i32
      %add3A_112 = arith.addi %mul3A_110, %add3A_111 : i32
      %mul3A_113 = arith.constant 16 : i32
      %mul3A_114 = arith.muli %add3A_112, %mul3A_113 : i32
      %swap3A_115 = arith.index_cast %mul3A_114 : i32 to index
      %swap3A_116 = tpu.vector_load %arg8[%swap3A_115] {strides = array<i32>} : memref<16400xi32, #tpu.memory_space<vmem>>, vector<16xi32>,
      tpu.vector_store %arg8[%swap3A_115], %broadcast_in_dim3A_5 {strides = array<i32>} : memref<16400xi32, #tpu.memory_space<vmem>>, vector<16xi32>,
      %mul3A_117 = arith.constant 16 : i32
      %mul3A_118 = arith.muli %scan3A_44, %mul3A_117 : i32
      %add3A_119 = arith.constant 9 : i32
      %add3A_120 = arith.addi %mul3A_118, %add3A_119 : i32
      %mul3A_121 = arith.constant 16 : i32
      %mul3A_122 = arith.muli %add3A_120, %mul3A_121 : i32
      %swap3A_123 = arith.index_cast %mul3A_122 : i32 to index
      %swap3A_124 = tpu.vector_load %arg8[%swap3A_123] {strides = array<i32>} : memref<16400xi32, #tpu.memory_space<vmem>>, vector<16xi32>,
      tpu.vector_store %arg8[%swap3A_123], %broadcast_in_dim3A_5 {strides = array<i32>} : memref<16400xi32, #tpu.memory_space<vmem>>, vector<16xi32>,
      %mul3A_125 = arith.constant 16 : i32
      %mul3A_126 = arith.muli %scan3A_44, %mul3A_125 : i32
      %add3A_127 = arith.constant 10 : i32
      %add3A_128 = arith.addi %mul3A_126, %add3A_127 : i32
      %mul3A_129 = arith.constant 16 : i32
      %mul3A_130 = arith.muli %add3A_128, %mul3A_129 : i32
      %swap3A_131 = arith.index_cast %mul3A_130 : i32 to index
      %swap3A_132 = tpu.vector_load %arg8[%swap3A_131] {strides = array<i32>} : memref<16400xi32, #tpu.memory_space<vmem>>, vector<16xi32>,
      tpu.vector_store %arg8[%swap3A_131], %broadcast_in_dim3A_5 {strides = array<i32>} : memref<16400xi32, #tpu.memory_space<vmem>>, vector<16xi32>,
      %mul3A_133 = arith.constant 16 : i32
      %mul3A_134 = arith.muli %scan3A_44, %mul3A_133 : i32
      %add3A_135 = arith.constant 11 : i32
      %add3A_136 = arith.addi %mul3A_134, %add3A_135 : i32
      %mul3A_137 = arith.constant 16 : i32
      %mul3A_138 = arith.muli %add3A_136, %mul3A_137 : i32
      %swap3A_139 = arith.index_cast %mul3A_138 : i32 to index
      %swap3A_140 = tpu.vector_load %arg8[%swap3A_139] {strides = array<i32>} : memref<16400xi32, #tpu.memory_space<vmem>>, vector<16xi32>,
      tpu.vector_store %arg8[%swap3A_139], %broadcast_in_dim3A_5 {strides = array<i32>} : memref<16400xi32, #tpu.memory_space<vmem>>, vector<16xi32>,
      %mul3A_141 = arith.constant 16 : i32
      %mul3A_142 = arith.muli %scan3A_44, %mul3A_141 : i32
      %add3A_143 = arith.constant 12 : i32
      %add3A_144 = arith.addi %mul3A_142, %add3A_143 : i32
      %mul3A_145 = arith.constant 16 : i32
      %mul3A_146 = arith.muli %add3A_144, %mul3A_145 : i32
      %swap3A_147 = arith.index_cast %mul3A_146 : i32 to index
      %swap3A_148 = tpu.vector_load %arg8[%swap3A_147] {strides = array<i32>} : memref<16400xi32, #tpu.memory_space<vmem>>, vector<16xi32>,
      tpu.vector_store %arg8[%swap3A_147], %broadcast_in_dim3A_5 {strides = array<i32>} : memref<16400xi32, #tpu.memory_space<vmem>>, vector<16xi32>,
      %mul3A_149 = arith.constant 16 : i32
      %mul3A_150 = arith.muli %scan3A_44, %mul3A_149 : i32
      %add3A_151 = arith.constant 13 : i32
      %add3A_152 = arith.addi %mul3A_150, %add3A_151 : i32
      %mul3A_153 = arith.constant 16 : i32
      %mul3A_154 = arith.muli %add3A_152, %mul3A_153 : i32
      %swap3A_155 = arith.index_cast %mul3A_154 : i32 to index
      %swap3A_156 = tpu.vector_load %arg8[%swap3A_155] {strides = array<i32>} : memref<16400xi32, #tpu.memory_space<vmem>>, vector<16xi32>,
      tpu.vector_store %arg8[%swap3A_155], %broadcast_in_dim3A_5 {strides = array<i32>} : memref<16400xi32, #tpu.memory_space<vmem>>, vector<16xi32>,
      %mul3A_157 = arith.constant 16 : i32
      %mul3A_158 = arith.muli %scan3A_44, %mul3A_157 : i32
      %add3A_159 = arith.constant 14 : i32
      %add3A_160 = arith.addi %mul3A_158, %add3A_159 : i32
      %mul3A_161 = arith.constant 16 : i32
      %mul3A_162 = arith.muli %add3A_160, %mul3A_161 : i32
      %swap3A_163 = arith.index_cast %mul3A_162 : i32 to index
      %swap3A_164 = tpu.vector_load %arg8[%swap3A_163] {strides = array<i32>} : memref<16400xi32, #tpu.memory_space<vmem>>, vector<16xi32>,
      tpu.vector_store %arg8[%swap3A_163], %broadcast_in_dim3A_5 {strides = array<i32>} : memref<16400xi32, #tpu.memory_space<vmem>>, vector<16xi32>,
      %mul3A_165 = arith.constant 16 : i32
      %mul3A_166 = arith.muli %scan3A_44, %mul3A_165 : i32
      %add3A_167 = arith.constant 15 : i32
      %add3A_168 = arith.addi %mul3A_166, %add3A_167 : i32
      %mul3A_169 = arith.constant 16 : i32
      %mul3A_170 = arith.muli %add3A_168, %mul3A_169 : i32
      %swap3A_171 = arith.index_cast %mul3A_170 : i32 to index
      %swap3A_172 = tpu.vector_load %arg8[%swap3A_171] {strides = array<i32>} : memref<16400xi32, #tpu.memory_space<vmem>>, vector<16xi32>,
      tpu.vector_store %arg8[%swap3A_171], %broadcast_in_dim3A_5 {strides = array<i32>} : memref<16400xi32, #tpu.memory_space<vmem>>, vector<16xi32>,
    }
    %scan3A_10 = arith.constant 64 : i32
    %swap3A = arith.constant 16384 : index
    %swap3A_11 = tpu.vector_load %arg8[%swap3A] {strides = array<i32>} : memref<16400xi32, #tpu.memory_space<vmem>>, vector<16xi32>,
    tpu.vector_store %arg8[%swap3A], %broadcast_in_dim3A_5 {strides = array<i32>} : memref<16400xi32, #tpu.memory_space<vmem>>, vector<16xi32>,
    %iota3A = tpu.iota {dimensions = array<i32: 0>} : vector<16xi32>
    %mul3A_12 = arith.constant 1025 : i32
    %mul3A_13 = vector.broadcast %mul3A_12 : i32 to vector<16xi32>
    %mul3A_14 = arith.muli %iota3A, %mul3A_13 : vector<16xi32>
    %broadcast_in_dim3A_15 = arith.constant 1 : i32
    %broadcast_in_dim3A_16 = vector.broadcast %broadcast_in_dim3A_15 : i32 to vector<16xi32>
    %dma_wait3A = tpu.memref_slice %arg2[%mul3A_2] : memref<1048576xi32, #tpu.memory_space<hbm>> -> memref<16384xi32, #tpu.memory_space<hbm>>
    %dma_wait3A_17 = tpu.memref_slice %arg2[%mul3A_2] : memref<1048576xi32, #tpu.memory_space<hbm>> -> memref<16384xi32, #tpu.memory_space<hbm>>
    tpu.wait_dma2 semaphore(%arg10 : memref<!tpu.dma_semaphore, #tpu.memory_space<semaphore_mem>>) src(%dma_wait3A_17 : memref<16384xi32, #tpu.memory_space<hbm>>) dst(%arg5 : memref<16384xi32, #tpu.memory_space<vmem>>)
    %add3A_18 = arith.constant 16384 : i32
    %add3A_19 = arith.addi %mul3A_2, %add3A_18 : i32
    %dma_start3A_20 = tpu.memref_slice %arg2[%add3A_19] : memref<1048576xi32, #tpu.memory_space<hbm>> -> memref<16384xi32, #tpu.memory_space<hbm>>
    %dma_start3A_21 = tpu.memref_slice %arg2[%add3A_19] : memref<1048576xi32, #tpu.memory_space<hbm>> -> memref<16384xi32, #tpu.memory_space<hbm>>
    tpu.enqueue_dma source(%dma_start3A_21 : memref<16384xi32, #tpu.memory_space<hbm>>) target(%arg6 : memref<16384xi32, #tpu.memory_space<vmem>>) target_semaphore(%arg11 : memref<!tpu.dma_semaphore, #tpu.memory_space<semaphore_mem>>)
    %scan3A_22 = arith.constant 0 : i32
    %scan3A_23 = arith.constant 1023 : i32
    %scan3A_24 = arith.constant 0 : i32
    %scan3A_25 = arith.constant 64 : i32
    %scan3A_26 = arith.addi %scan3A_24, %scan3A_25 : i32
    %scan3A_27 = arith.constant 1 : i32
    scf.for %scan3A_44 = %scan3A_24 to %scan3A_26 step %scan3A_27  : i32 {
      %mul3A_45 = arith.constant 16 : i32
      %mul3A_46 = arith.muli %scan3A_44, %mul3A_45 : i32
      %add3A_47 = arith.constant 0 : i32
      %add3A_48 = arith.addi %mul3A_46, %add3A_47 : i32
      %mul3A_49 = arith.constant 16 : i32
      %mul3A_50 = arith.muli %add3A_48, %mul3A_49 : i32
      %get3A_51 = arith.index_cast %mul3A_50 : i32 to index
      %get3A_52 = tpu.vector_load %arg5[%get3A_51] {strides = array<i32>} : memref<16384xi32, #tpu.memory_space<vmem>>, vector<16xi32>,
      %sub3A = arith.subi %get3A_52, %get3A_4 : vector<16xi32>
      %le3A = vector.broadcast %scan3A_23 : i32 to vector<16xi32>
      %le3A_53 = arith.cmpi ule, %sub3A, %le3A : vector<16xi32>
      %shift_right_logical3A = arith.constant 0 : i32
      %shift_right_logical3A_54 = vector.broadcast %shift_right_logical3A : i32 to vector<16xi32>
      %shift_right_logical3A_55 = arith.shrui %sub3A, %shift_right_logical3A_54 : vector<16xi32>
      %add3A_56 = arith.addi %mul3A_14, %shift_right_logical3A_55 : vector<16xi32>
      tpu.vector_store_idx %arg8[%add3A_56], %broadcast_in_dim3A_16 masked %le3A_53 {add = true} : memref<16400xi32, #tpu.memory_space<vmem>>[vector<16xi32>], vector<16xi32>, vector<16xi1>
      %mul3A_57 = arith.constant 16 : i32
      %mul3A_58 = arith.muli %scan3A_44, %mul3A_57 : i32
      %add3A_59 = arith.constant 1 : i32
      %add3A_60 = arith.addi %mul3A_58, %add3A_59 : i32
      %mul3A_61 = arith.constant 16 : i32
      %mul3A_62 = arith.muli %add3A_60, %mul3A_61 : i32
      %get3A_63 = arith.index_cast %mul3A_62 : i32 to index
      %get3A_64 = tpu.vector_load %arg5[%get3A_63] {strides = array<i32>} : memref<16384xi32, #tpu.memory_space<vmem>>, vector<16xi32>,
      %sub3A_65 = arith.subi %get3A_64, %get3A_4 : vector<16xi32>
      %le3A_66 = vector.broadcast %scan3A_23 : i32 to vector<16xi32>
      %le3A_67 = arith.cmpi ule, %sub3A_65, %le3A_66 : vector<16xi32>
      %shift_right_logical3A_68 = arith.constant 0 : i32
      %shift_right_logical3A_69 = vector.broadcast %shift_right_logical3A_68 : i32 to vector<16xi32>
      %shift_right_logical3A_70 = arith.shrui %sub3A_65, %shift_right_logical3A_69 : vector<16xi32>
      %add3A_71 = arith.addi %mul3A_14, %shift_right_logical3A_70 : vector<16xi32>
      tpu.vector_store_idx %arg8[%add3A_71], %broadcast_in_dim3A_16 masked %le3A_67 {add = true} : memref<16400xi32, #tpu.memory_space<vmem>>[vector<16xi32>], vector<16xi32>, vector<16xi1>
      %mul3A_72 = arith.constant 16 : i32
      %mul3A_73 = arith.muli %scan3A_44, %mul3A_72 : i32
      %add3A_74 = arith.constant 2 : i32
      %add3A_75 = arith.addi %mul3A_73, %add3A_74 : i32
      %mul3A_76 = arith.constant 16 : i32
      %mul3A_77 = arith.muli %add3A_75, %mul3A_76 : i32
      %get3A_78 = arith.index_cast %mul3A_77 : i32 to index
      %get3A_79 = tpu.vector_load %arg5[%get3A_78] {strides = array<i32>} : memref<16384xi32, #tpu.memory_space<vmem>>, vector<16xi32>,
      %sub3A_80 = arith.subi %get3A_79, %get3A_4 : vector<16xi32>
      %le3A_81 = vector.broadcast %scan3A_23 : i32 to vector<16xi32>
      %le3A_82 = arith.cmpi ule, %sub3A_80, %le3A_81 : vector<16xi32>
      %shift_right_logical3A_83 = arith.constant 0 : i32
      %shift_right_logical3A_84 = vector.broadcast %shift_right_logical3A_83 : i32 to vector<16xi32>
      %shift_right_logical3A_85 = arith.shrui %sub3A_80, %shift_right_logical3A_84 : vector<16xi32>
      %add3A_86 = arith.addi %mul3A_14, %shift_right_logical3A_85 : vector<16xi32>
      tpu.vector_store_idx %arg8[%add3A_86], %broadcast_in_dim3A_16 masked %le3A_82 {add = true} : memref<16400xi32, #tpu.memory_space<vmem>>[vector<16xi32>], vector<16xi32>, vector<16xi1>
      %mul3A_87 = arith.constant 16 : i32
      %mul3A_88 = arith.muli %scan3A_44, %mul3A_87 : i32
      %add3A_89 = arith.constant 3 : i32
      %add3A_90 = arith.addi %mul3A_88, %add3A_89 : i32
      %mul3A_91 = arith.constant 16 : i32
      %mul3A_92 = arith.muli %add3A_90, %mul3A_91 : i32
      %get3A_93 = arith.index_cast %mul3A_92 : i32 to index
      %get3A_94 = tpu.vector_load %arg5[%get3A_93] {strides = array<i32>} : memref<16384xi32, #tpu.memory_space<vmem>>, vector<16xi32>,
      %sub3A_95 = arith.subi %get3A_94, %get3A_4 : vector<16xi32>
      %le3A_96 = vector.broadcast %scan3A_23 : i32 to vector<16xi32>
      %le3A_97 = arith.cmpi ule, %sub3A_95, %le3A_96 : vector<16xi32>
      %shift_right_logical3A_98 = arith.constant 0 : i32
      %shift_right_logical3A_99 = vector.broadcast %shift_right_logical3A_98 : i32 to vector<16xi32>
      %shift_right_logical3A_100 = arith.shrui %sub3A_95, %shift_right_logical3A_99 : vector<16xi32>
      %add3A_101 = arith.addi %mul3A_14, %shift_right_logical3A_100 : vector<16xi32>
      tpu.vector_store_idx %arg8[%add3A_101], %broadcast_in_dim3A_16 masked %le3A_97 {add = true} : memref<16400xi32, #tpu.memory_space<vmem>>[vector<16xi32>], vector<16xi32>, vector<16xi1>
      %mul3A_102 = arith.constant 16 : i32
      %mul3A_103 = arith.muli %scan3A_44, %mul3A_102 : i32
      %add3A_104 = arith.constant 4 : i32
      %add3A_105 = arith.addi %mul3A_103, %add3A_104 : i32
      %mul3A_106 = arith.constant 16 : i32
      %mul3A_107 = arith.muli %add3A_105, %mul3A_106 : i32
      %get3A_108 = arith.index_cast %mul3A_107 : i32 to index
      %get3A_109 = tpu.vector_load %arg5[%get3A_108] {strides = array<i32>} : memref<16384xi32, #tpu.memory_space<vmem>>, vector<16xi32>,
      %sub3A_110 = arith.subi %get3A_109, %get3A_4 : vector<16xi32>
      %le3A_111 = vector.broadcast %scan3A_23 : i32 to vector<16xi32>
      %le3A_112 = arith.cmpi ule, %sub3A_110, %le3A_111 : vector<16xi32>
      %shift_right_logical3A_113 = arith.constant 0 : i32
      %shift_right_logical3A_114 = vector.broadcast %shift_right_logical3A_113 : i32 to vector<16xi32>
      %shift_right_logical3A_115 = arith.shrui %sub3A_110, %shift_right_logical3A_114 : vector<16xi32>
      %add3A_116 = arith.addi %mul3A_14, %shift_right_logical3A_115 : vector<16xi32>
      tpu.vector_store_idx %arg8[%add3A_116], %broadcast_in_dim3A_16 masked %le3A_112 {add = true} : memref<16400xi32, #tpu.memory_space<vmem>>[vector<16xi32>], vector<16xi32>, vector<16xi1>
      %mul3A_117 = arith.constant 16 : i32
      %mul3A_118 = arith.muli %scan3A_44, %mul3A_117 : i32
      %add3A_119 = arith.constant 5 : i32
      %add3A_120 = arith.addi %mul3A_118, %add3A_119 : i32
      %mul3A_121 = arith.constant 16 : i32
      %mul3A_122 = arith.muli %add3A_120, %mul3A_121 : i32
      %get3A_123 = arith.index_cast %mul3A_122 : i32 to index
      %get3A_124 = tpu.vector_load %arg5[%get3A_123] {strides = array<i32>} : memref<16384xi32, #tpu.memory_space<vmem>>, vector<16xi32>,
      %sub3A_125 = arith.subi %get3A_124, %get3A_4 : vector<16xi32>
      %le3A_126 = vector.broadcast %scan3A_23 : i32 to vector<16xi32>
      %le3A_127 = arith.cmpi ule, %sub3A_125, %le3A_126 : vector<16xi32>
      %shift_right_logical3A_128 = arith.constant 0 : i32
      %shift_right_logical3A_129 = vector.broadcast %shift_right_logical3A_128 : i32 to vector<16xi32>
      %shift_right_logical3A_130 = arith.shrui %sub3A_125, %shift_right_logical3A_129 : vector<16xi32>
      %add3A_131 = arith.addi %mul3A_14, %shift_right_logical3A_130 : vector<16xi32>
      tpu.vector_store_idx %arg8[%add3A_131], %broadcast_in_dim3A_16 masked %le3A_127 {add = true} : memref<16400xi32, #tpu.memory_space<vmem>>[vector<16xi32>], vector<16xi32>, vector<16xi1>
      %mul3A_132 = arith.constant 16 : i32
      %mul3A_133 = arith.muli %scan3A_44, %mul3A_132 : i32
      %add3A_134 = arith.constant 6 : i32
      %add3A_135 = arith.addi %mul3A_133, %add3A_134 : i32
      %mul3A_136 = arith.constant 16 : i32
      %mul3A_137 = arith.muli %add3A_135, %mul3A_136 : i32
      %get3A_138 = arith.index_cast %mul3A_137 : i32 to index
      %get3A_139 = tpu.vector_load %arg5[%get3A_138] {strides = array<i32>} : memref<16384xi32, #tpu.memory_space<vmem>>, vector<16xi32>,
      %sub3A_140 = arith.subi %get3A_139, %get3A_4 : vector<16xi32>
      %le3A_141 = vector.broadcast %scan3A_23 : i32 to vector<16xi32>
      %le3A_142 = arith.cmpi ule, %sub3A_140, %le3A_141 : vector<16xi32>
      %shift_right_logical3A_143 = arith.constant 0 : i32
      %shift_right_logical3A_144 = vector.broadcast %shift_right_logical3A_143 : i32 to vector<16xi32>
      %shift_right_logical3A_145 = arith.shrui %sub3A_140, %shift_right_logical3A_144 : vector<16xi32>
      %add3A_146 = arith.addi %mul3A_14, %shift_right_logical3A_145 : vector<16xi32>
      tpu.vector_store_idx %arg8[%add3A_146], %broadcast_in_dim3A_16 masked %le3A_142 {add = true} : memref<16400xi32, #tpu.memory_space<vmem>>[vector<16xi32>], vector<16xi32>, vector<16xi1>
      %mul3A_147 = arith.constant 16 : i32
      %mul3A_148 = arith.muli %scan3A_44, %mul3A_147 : i32
      %add3A_149 = arith.constant 7 : i32
      %add3A_150 = arith.addi %mul3A_148, %add3A_149 : i32
      %mul3A_151 = arith.constant 16 : i32
      %mul3A_152 = arith.muli %add3A_150, %mul3A_151 : i32
      %get3A_153 = arith.index_cast %mul3A_152 : i32 to index
      %get3A_154 = tpu.vector_load %arg5[%get3A_153] {strides = array<i32>} : memref<16384xi32, #tpu.memory_space<vmem>>, vector<16xi32>,
      %sub3A_155 = arith.subi %get3A_154, %get3A_4 : vector<16xi32>
      %le3A_156 = vector.broadcast %scan3A_23 : i32 to vector<16xi32>
      %le3A_157 = arith.cmpi ule, %sub3A_155, %le3A_156 : vector<16xi32>
      %shift_right_logical3A_158 = arith.constant 0 : i32
      %shift_right_logical3A_159 = vector.broadcast %shift_right_logical3A_158 : i32 to vector<16xi32>
      %shift_right_logical3A_160 = arith.shrui %sub3A_155, %shift_right_logical3A_159 : vector<16xi32>
      %add3A_161 = arith.addi %mul3A_14, %shift_right_logical3A_160 : vector<16xi32>
      tpu.vector_store_idx %arg8[%add3A_161], %broadcast_in_dim3A_16 masked %le3A_157 {add = true} : memref<16400xi32, #tpu.memory_space<vmem>>[vector<16xi32>], vector<16xi32>, vector<16xi1>
      %mul3A_162 = arith.constant 16 : i32
      %mul3A_163 = arith.muli %scan3A_44, %mul3A_162 : i32
      %add3A_164 = arith.constant 8 : i32
      %add3A_165 = arith.addi %mul3A_163, %add3A_164 : i32
      %mul3A_166 = arith.constant 16 : i32
      %mul3A_167 = arith.muli %add3A_165, %mul3A_166 : i32
      %get3A_168 = arith.index_cast %mul3A_167 : i32 to index
      %get3A_169 = tpu.vector_load %arg5[%get3A_168] {strides = array<i32>} : memref<16384xi32, #tpu.memory_space<vmem>>, vector<16xi32>,
      %sub3A_170 = arith.subi %get3A_169, %get3A_4 : vector<16xi32>
      %le3A_171 = vector.broadcast %scan3A_23 : i32 to vector<16xi32>
      %le3A_172 = arith.cmpi ule, %sub3A_170, %le3A_171 : vector<16xi32>
      %shift_right_logical3A_173 = arith.constant 0 : i32
      %shift_right_logical3A_174 = vector.broadcast %shift_right_logical3A_173 : i32 to vector<16xi32>
      %shift_right_logical3A_175 = arith.shrui %sub3A_170, %shift_right_logical3A_174 : vector<16xi32>
      %add3A_176 = arith.addi %mul3A_14, %shift_right_logical3A_175 : vector<16xi32>
      tpu.vector_store_idx %arg8[%add3A_176], %broadcast_in_dim3A_16 masked %le3A_172 {add = true} : memref<16400xi32, #tpu.memory_space<vmem>>[vector<16xi32>], vector<16xi32>, vector<16xi1>
      %mul3A_177 = arith.constant 16 : i32
      %mul3A_178 = arith.muli %scan3A_44, %mul3A_177 : i32
      %add3A_179 = arith.constant 9 : i32
      %add3A_180 = arith.addi %mul3A_178, %add3A_179 : i32
      %mul3A_181 = arith.constant 16 : i32
      %mul3A_182 = arith.muli %add3A_180, %mul3A_181 : i32
      %get3A_183 = arith.index_cast %mul3A_182 : i32 to index
      %get3A_184 = tpu.vector_load %arg5[%get3A_183] {strides = array<i32>} : memref<16384xi32, #tpu.memory_space<vmem>>, vector<16xi32>,
      %sub3A_185 = arith.subi %get3A_184, %get3A_4 : vector<16xi32>
      %le3A_186 = vector.broadcast %scan3A_23 : i32 to vector<16xi32>
      %le3A_187 = arith.cmpi ule, %sub3A_185, %le3A_186 : vector<16xi32>
      %shift_right_logical3A_188 = arith.constant 0 : i32
      %shift_right_logical3A_189 = vector.broadcast %shift_right_logical3A_188 : i32 to vector<16xi32>
      %shift_right_logical3A_190 = arith.shrui %sub3A_185, %shift_right_logical3A_189 : vector<16xi32>
      %add3A_191 = arith.addi %mul3A_14, %shift_right_logical3A_190 : vector<16xi32>
      tpu.vector_store_idx %arg8[%add3A_191], %broadcast_in_dim3A_16 masked %le3A_187 {add = true} : memref<16400xi32, #tpu.memory_space<vmem>>[vector<16xi32>], vector<16xi32>, vector<16xi1>
      %mul3A_192 = arith.constant 16 : i32
      %mul3A_193 = arith.muli %scan3A_44, %mul3A_192 : i32
      %add3A_194 = arith.constant 10 : i32
      %add3A_195 = arith.addi %mul3A_193, %add3A_194 : i32
      %mul3A_196 = arith.constant 16 : i32
      %mul3A_197 = arith.muli %add3A_195, %mul3A_196 : i32
      %get3A_198 = arith.index_cast %mul3A_197 : i32 to index
      %get3A_199 = tpu.vector_load %arg5[%get3A_198] {strides = array<i32>} : memref<16384xi32, #tpu.memory_space<vmem>>, vector<16xi32>,
      %sub3A_200 = arith.subi %get3A_199, %get3A_4 : vector<16xi32>
      %le3A_201 = vector.broadcast %scan3A_23 : i32 to vector<16xi32>
      %le3A_202 = arith.cmpi ule, %sub3A_200, %le3A_201 : vector<16xi32>
      %shift_right_logical3A_203 = arith.constant 0 : i32
      %shift_right_logical3A_204 = vector.broadcast %shift_right_logical3A_203 : i32 to vector<16xi32>
      %shift_right_logical3A_205 = arith.shrui %sub3A_200, %shift_right_logical3A_204 : vector<16xi32>
      %add3A_206 = arith.addi %mul3A_14, %shift_right_logical3A_205 : vector<16xi32>
      tpu.vector_store_idx %arg8[%add3A_206], %broadcast_in_dim3A_16 masked %le3A_202 {add = true} : memref<16400xi32, #tpu.memory_space<vmem>>[vector<16xi32>], vector<16xi32>, vector<16xi1>
      %mul3A_207 = arith.constant 16 : i32
      %mul3A_208 = arith.muli %scan3A_44, %mul3A_207 : i32
      %add3A_209 = arith.constant 11 : i32
      %add3A_210 = arith.addi %mul3A_208, %add3A_209 : i32
      %mul3A_211 = arith.constant 16 : i32
      %mul3A_212 = arith.muli %add3A_210, %mul3A_211 : i32
      %get3A_213 = arith.index_cast %mul3A_212 : i32 to index
      %get3A_214 = tpu.vector_load %arg5[%get3A_213] {strides = array<i32>} : memref<16384xi32, #tpu.memory_space<vmem>>, vector<16xi32>,
      %sub3A_215 = arith.subi %get3A_214, %get3A_4 : vector<16xi32>
      %le3A_216 = vector.broadcast %scan3A_23 : i32 to vector<16xi32>
      %le3A_217 = arith.cmpi ule, %sub3A_215, %le3A_216 : vector<16xi32>
      %shift_right_logical3A_218 = arith.constant 0 : i32
      %shift_right_logical3A_219 = vector.broadcast %shift_right_logical3A_218 : i32 to vector<16xi32>
      %shift_right_logical3A_220 = arith.shrui %sub3A_215, %shift_right_logical3A_219 : vector<16xi32>
      %add3A_221 = arith.addi %mul3A_14, %shift_right_logical3A_220 : vector<16xi32>
      tpu.vector_store_idx %arg8[%add3A_221], %broadcast_in_dim3A_16 masked %le3A_217 {add = true} : memref<16400xi32, #tpu.memory_space<vmem>>[vector<16xi32>], vector<16xi32>, vector<16xi1>
      %mul3A_222 = arith.constant 16 : i32
      %mul3A_223 = arith.muli %scan3A_44, %mul3A_222 : i32
      %add3A_224 = arith.constant 12 : i32
      %add3A_225 = arith.addi %mul3A_223, %add3A_224 : i32
      %mul3A_226 = arith.constant 16 : i32
      %mul3A_227 = arith.muli %add3A_225, %mul3A_226 : i32
      %get3A_228 = arith.index_cast %mul3A_227 : i32 to index
      %get3A_229 = tpu.vector_load %arg5[%get3A_228] {strides = array<i32>} : memref<16384xi32, #tpu.memory_space<vmem>>, vector<16xi32>,
      %sub3A_230 = arith.subi %get3A_229, %get3A_4 : vector<16xi32>
      %le3A_231 = vector.broadcast %scan3A_23 : i32 to vector<16xi32>
      %le3A_232 = arith.cmpi ule, %sub3A_230, %le3A_231 : vector<16xi32>
      %shift_right_logical3A_233 = arith.constant 0 : i32
      %shift_right_logical3A_234 = vector.broadcast %shift_right_logical3A_233 : i32 to vector<16xi32>
      %shift_right_logical3A_235 = arith.shrui %sub3A_230, %shift_right_logical3A_234 : vector<16xi32>
      %add3A_236 = arith.addi %mul3A_14, %shift_right_logical3A_235 : vector<16xi32>
      tpu.vector_store_idx %arg8[%add3A_236], %broadcast_in_dim3A_16 masked %le3A_232 {add = true} : memref<16400xi32, #tpu.memory_space<vmem>>[vector<16xi32>], vector<16xi32>, vector<16xi1>
      %mul3A_237 = arith.constant 16 : i32
      %mul3A_238 = arith.muli %scan3A_44, %mul3A_237 : i32
      %add3A_239 = arith.constant 13 : i32
      %add3A_240 = arith.addi %mul3A_238, %add3A_239 : i32
      %mul3A_241 = arith.constant 16 : i32
      %mul3A_242 = arith.muli %add3A_240, %mul3A_241 : i32
      %get3A_243 = arith.index_cast %mul3A_242 : i32 to index
      %get3A_244 = tpu.vector_load %arg5[%get3A_243] {strides = array<i32>} : memref<16384xi32, #tpu.memory_space<vmem>>, vector<16xi32>,
      %sub3A_245 = arith.subi %get3A_244, %get3A_4 : vector<16xi32>
      %le3A_246 = vector.broadcast %scan3A_23 : i32 to vector<16xi32>
      %le3A_247 = arith.cmpi ule, %sub3A_245, %le3A_246 : vector<16xi32>
      %shift_right_logical3A_248 = arith.constant 0 : i32
      %shift_right_logical3A_249 = vector.broadcast %shift_right_logical3A_248 : i32 to vector<16xi32>
      %shift_right_logical3A_250 = arith.shrui %sub3A_245, %shift_right_logical3A_249 : vector<16xi32>
      %add3A_251 = arith.addi %mul3A_14, %shift_right_logical3A_250 : vector<16xi32>
      tpu.vector_store_idx %arg8[%add3A_251], %broadcast_in_dim3A_16 masked %le3A_247 {add = true} : memref<16400xi32, #tpu.memory_space<vmem>>[vector<16xi32>], vector<16xi32>, vector<16xi1>
      %mul3A_252 = arith.constant 16 : i32
      %mul3A_253 = arith.muli %scan3A_44, %mul3A_252 : i32
      %add3A_254 = arith.constant 14 : i32
      %add3A_255 = arith.addi %mul3A_253, %add3A_254 : i32
      %mul3A_256 = arith.constant 16 : i32
      %mul3A_257 = arith.muli %add3A_255, %mul3A_256 : i32
      %get3A_258 = arith.index_cast %mul3A_257 : i32 to index
      %get3A_259 = tpu.vector_load %arg5[%get3A_258] {strides = array<i32>} : memref<16384xi32, #tpu.memory_space<vmem>>, vector<16xi32>,
      %sub3A_260 = arith.subi %get3A_259, %get3A_4 : vector<16xi32>
      %le3A_261 = vector.broadcast %scan3A_23 : i32 to vector<16xi32>
      %le3A_262 = arith.cmpi ule, %sub3A_260, %le3A_261 : vector<16xi32>
      %shift_right_logical3A_263 = arith.constant 0 : i32
      %shift_right_logical3A_264 = vector.broadcast %shift_right_logical3A_263 : i32 to vector<16xi32>
      %shift_right_logical3A_265 = arith.shrui %sub3A_260, %shift_right_logical3A_264 : vector<16xi32>
      %add3A_266 = arith.addi %mul3A_14, %shift_right_logical3A_265 : vector<16xi32>
      tpu.vector_store_idx %arg8[%add3A_266], %broadcast_in_dim3A_16 masked %le3A_262 {add = true} : memref<16400xi32, #tpu.memory_space<vmem>>[vector<16xi32>], vector<16xi32>, vector<16xi1>
      %mul3A_267 = arith.constant 16 : i32
      %mul3A_268 = arith.muli %scan3A_44, %mul3A_267 : i32
      %add3A_269 = arith.constant 15 : i32
      %add3A_270 = arith.addi %mul3A_268, %add3A_269 : i32
      %mul3A_271 = arith.constant 16 : i32
      %mul3A_272 = arith.muli %add3A_270, %mul3A_271 : i32
      %get3A_273 = arith.index_cast %mul3A_272 : i32 to index
      %get3A_274 = tpu.vector_load %arg5[%get3A_273] {strides = array<i32>} : memref<16384xi32, #tpu.memory_space<vmem>>, vector<16xi32>,
      %sub3A_275 = arith.subi %get3A_274, %get3A_4 : vector<16xi32>
      %le3A_276 = vector.broadcast %scan3A_23 : i32 to vector<16xi32>
      %le3A_277 = arith.cmpi ule, %sub3A_275, %le3A_276 : vector<16xi32>
      %shift_right_logical3A_278 = arith.constant 0 : i32
      %shift_right_logical3A_279 = vector.broadcast %shift_right_logical3A_278 : i32 to vector<16xi32>
      %shift_right_logical3A_280 = arith.shrui %sub3A_275, %shift_right_logical3A_279 : vector<16xi32>
      %add3A_281 = arith.addi %mul3A_14, %shift_right_logical3A_280 : vector<16xi32>
      tpu.vector_store_idx %arg8[%add3A_281], %broadcast_in_dim3A_16 masked %le3A_277 {add = true} : memref<16400xi32, #tpu.memory_space<vmem>>[vector<16xi32>], vector<16xi32>, vector<16xi1>
    }
    %scan3A_28 = arith.constant 64 : i32
    %dma_wait3A_29 = tpu.memref_slice %arg2[%add3A_19] : memref<1048576xi32, #tpu.memory_space<hbm>> -> memref<16384xi32, #tpu.memory_space<hbm>>
    %dma_wait3A_30 = tpu.memref_slice %arg2[%add3A_19] : memref<1048576xi32, #tpu.memory_space<hbm>> -> memref<16384xi32, #tpu.memory_space<hbm>>
    tpu.wait_dma2 semaphore(%arg11 : memref<!tpu.dma_semaphore, #tpu.memory_space<semaphore_mem>>) src(%dma_wait3A_30 : memref<16384xi32, #tpu.memory_space<hbm>>) dst(%arg6 : memref<16384xi32, #tpu.memory_space<vmem>>)
    %scan3A_31 = arith.constant 0 : i32
    %scan3A_32 = arith.constant 1023 : i32
    %scan3A_33 = arith.constant 0 : i32
    %scan3A_34 = arith.constant 64 : i32
    %scan3A_35 = arith.addi %scan3A_33, %scan3A_34 : i32
    %scan3A_36 = arith.constant 1 : i32
    scf.for %scan3A_44 = %scan3A_33 to %scan3A_35 step %scan3A_36  : i32 {
      %mul3A_45 = arith.constant 16 : i32
      %mul3A_46 = arith.muli %scan3A_44, %mul3A_45 : i32
      %add3A_47 = arith.constant 0 : i32
      %add3A_48 = arith.addi %mul3A_46, %add3A_47 : i32
      %mul3A_49 = arith.constant 16 : i32
      %mul3A_50 = arith.muli %add3A_48, %mul3A_49 : i32
      %get3A_51 = arith.index_cast %mul3A_50 : i32 to index
      %get3A_52 = tpu.vector_load %arg6[%get3A_51] {strides = array<i32>} : memref<16384xi32, #tpu.memory_space<vmem>>, vector<16xi32>,
      %sub3A = arith.subi %get3A_52, %get3A_4 : vector<16xi32>
      %le3A = vector.broadcast %scan3A_32 : i32 to vector<16xi32>
      %le3A_53 = arith.cmpi ule, %sub3A, %le3A : vector<16xi32>
      %shift_right_logical3A = arith.constant 0 : i32
      %shift_right_logical3A_54 = vector.broadcast %shift_right_logical3A : i32 to vector<16xi32>
      %shift_right_logical3A_55 = arith.shrui %sub3A, %shift_right_logical3A_54 : vector<16xi32>
      %add3A_56 = arith.addi %mul3A_14, %shift_right_logical3A_55 : vector<16xi32>
      tpu.vector_store_idx %arg8[%add3A_56], %broadcast_in_dim3A_16 masked %le3A_53 {add = true} : memref<16400xi32, #tpu.memory_space<vmem>>[vector<16xi32>], vector<16xi32>, vector<16xi1>
      %mul3A_57 = arith.constant 16 : i32
      %mul3A_58 = arith.muli %scan3A_44, %mul3A_57 : i32
      %add3A_59 = arith.constant 1 : i32
      %add3A_60 = arith.addi %mul3A_58, %add3A_59 : i32
      %mul3A_61 = arith.constant 16 : i32
      %mul3A_62 = arith.muli %add3A_60, %mul3A_61 : i32
      %get3A_63 = arith.index_cast %mul3A_62 : i32 to index
      %get3A_64 = tpu.vector_load %arg6[%get3A_63] {strides = array<i32>} : memref<16384xi32, #tpu.memory_space<vmem>>, vector<16xi32>,
      %sub3A_65 = arith.subi %get3A_64, %get3A_4 : vector<16xi32>
      %le3A_66 = vector.broadcast %scan3A_32 : i32 to vector<16xi32>
      %le3A_67 = arith.cmpi ule, %sub3A_65, %le3A_66 : vector<16xi32>
      %shift_right_logical3A_68 = arith.constant 0 : i32
      %shift_right_logical3A_69 = vector.broadcast %shift_right_logical3A_68 : i32 to vector<16xi32>
      %shift_right_logical3A_70 = arith.shrui %sub3A_65, %shift_right_logical3A_69 : vector<16xi32>
      %add3A_71 = arith.addi %mul3A_14, %shift_right_logical3A_70 : vector<16xi32>
      tpu.vector_store_idx %arg8[%add3A_71], %broadcast_in_dim3A_16 masked %le3A_67 {add = true} : memref<16400xi32, #tpu.memory_space<vmem>>[vector<16xi32>], vector<16xi32>, vector<16xi1>
      %mul3A_72 = arith.constant 16 : i32
      %mul3A_73 = arith.muli %scan3A_44, %mul3A_72 : i32
      %add3A_74 = arith.constant 2 : i32
      %add3A_75 = arith.addi %mul3A_73, %add3A_74 : i32
      %mul3A_76 = arith.constant 16 : i32
      %mul3A_77 = arith.muli %add3A_75, %mul3A_76 : i32
      %get3A_78 = arith.index_cast %mul3A_77 : i32 to index
      %get3A_79 = tpu.vector_load %arg6[%get3A_78] {strides = array<i32>} : memref<16384xi32, #tpu.memory_space<vmem>>, vector<16xi32>,
      %sub3A_80 = arith.subi %get3A_79, %get3A_4 : vector<16xi32>
      %le3A_81 = vector.broadcast %scan3A_32 : i32 to vector<16xi32>
      %le3A_82 = arith.cmpi ule, %sub3A_80, %le3A_81 : vector<16xi32>
      %shift_right_logical3A_83 = arith.constant 0 : i32
      %shift_right_logical3A_84 = vector.broadcast %shift_right_logical3A_83 : i32 to vector<16xi32>
      %shift_right_logical3A_85 = arith.shrui %sub3A_80, %shift_right_logical3A_84 : vector<16xi32>
      %add3A_86 = arith.addi %mul3A_14, %shift_right_logical3A_85 : vector<16xi32>
      tpu.vector_store_idx %arg8[%add3A_86], %broadcast_in_dim3A_16 masked %le3A_82 {add = true} : memref<16400xi32, #tpu.memory_space<vmem>>[vector<16xi32>], vector<16xi32>, vector<16xi1>
      %mul3A_87 = arith.constant 16 : i32
      %mul3A_88 = arith.muli %scan3A_44, %mul3A_87 : i32
      %add3A_89 = arith.constant 3 : i32
      %add3A_90 = arith.addi %mul3A_88, %add3A_89 : i32
      %mul3A_91 = arith.constant 16 : i32
      %mul3A_92 = arith.muli %add3A_90, %mul3A_91 : i32
      %get3A_93 = arith.index_cast %mul3A_92 : i32 to index
      %get3A_94 = tpu.vector_load %arg6[%get3A_93] {strides = array<i32>} : memref<16384xi32, #tpu.memory_space<vmem>>, vector<16xi32>,
      %sub3A_95 = arith.subi %get3A_94, %get3A_4 : vector<16xi32>
      %le3A_96 = vector.broadcast %scan3A_32 : i32 to vector<16xi32>
      %le3A_97 = arith.cmpi ule, %sub3A_95, %le3A_96 : vector<16xi32>
      %shift_right_logical3A_98 = arith.constant 0 : i32
      %shift_right_logical3A_99 = vector.broadcast %shift_right_logical3A_98 : i32 to vector<16xi32>
      %shift_right_logical3A_100 = arith.shrui %sub3A_95, %shift_right_logical3A_99 : vector<16xi32>
      %add3A_101 = arith.addi %mul3A_14, %shift_right_logical3A_100 : vector<16xi32>
      tpu.vector_store_idx %arg8[%add3A_101], %broadcast_in_dim3A_16 masked %le3A_97 {add = true} : memref<16400xi32, #tpu.memory_space<vmem>>[vector<16xi32>], vector<16xi32>, vector<16xi1>
      %mul3A_102 = arith.constant 16 : i32
      %mul3A_103 = arith.muli %scan3A_44, %mul3A_102 : i32
      %add3A_104 = arith.constant 4 : i32
      %add3A_105 = arith.addi %mul3A_103, %add3A_104 : i32
      %mul3A_106 = arith.constant 16 : i32
      %mul3A_107 = arith.muli %add3A_105, %mul3A_106 : i32
      %get3A_108 = arith.index_cast %mul3A_107 : i32 to index
      %get3A_109 = tpu.vector_load %arg6[%get3A_108] {strides = array<i32>} : memref<16384xi32, #tpu.memory_space<vmem>>, vector<16xi32>,
      %sub3A_110 = arith.subi %get3A_109, %get3A_4 : vector<16xi32>
      %le3A_111 = vector.broadcast %scan3A_32 : i32 to vector<16xi32>
      %le3A_112 = arith.cmpi ule, %sub3A_110, %le3A_111 : vector<16xi32>
      %shift_right_logical3A_113 = arith.constant 0 : i32
      %shift_right_logical3A_114 = vector.broadcast %shift_right_logical3A_113 : i32 to vector<16xi32>
      %shift_right_logical3A_115 = arith.shrui %sub3A_110, %shift_right_logical3A_114 : vector<16xi32>
      %add3A_116 = arith.addi %mul3A_14, %shift_right_logical3A_115 : vector<16xi32>
      tpu.vector_store_idx %arg8[%add3A_116], %broadcast_in_dim3A_16 masked %le3A_112 {add = true} : memref<16400xi32, #tpu.memory_space<vmem>>[vector<16xi32>], vector<16xi32>, vector<16xi1>
      %mul3A_117 = arith.constant 16 : i32
      %mul3A_118 = arith.muli %scan3A_44, %mul3A_117 : i32
      %add3A_119 = arith.constant 5 : i32
      %add3A_120 = arith.addi %mul3A_118, %add3A_119 : i32
      %mul3A_121 = arith.constant 16 : i32
      %mul3A_122 = arith.muli %add3A_120, %mul3A_121 : i32
      %get3A_123 = arith.index_cast %mul3A_122 : i32 to index
      %get3A_124 = tpu.vector_load %arg6[%get3A_123] {strides = array<i32>} : memref<16384xi32, #tpu.memory_space<vmem>>, vector<16xi32>,
      %sub3A_125 = arith.subi %get3A_124, %get3A_4 : vector<16xi32>
      %le3A_126 = vector.broadcast %scan3A_32 : i32 to vector<16xi32>
      %le3A_127 = arith.cmpi ule, %sub3A_125, %le3A_126 : vector<16xi32>
      %shift_right_logical3A_128 = arith.constant 0 : i32
      %shift_right_logical3A_129 = vector.broadcast %shift_right_logical3A_128 : i32 to vector<16xi32>
      %shift_right_logical3A_130 = arith.shrui %sub3A_125, %shift_right_logical3A_129 : vector<16xi32>
      %add3A_131 = arith.addi %mul3A_14, %shift_right_logical3A_130 : vector<16xi32>
      tpu.vector_store_idx %arg8[%add3A_131], %broadcast_in_dim3A_16 masked %le3A_127 {add = true} : memref<16400xi32, #tpu.memory_space<vmem>>[vector<16xi32>], vector<16xi32>, vector<16xi1>
      %mul3A_132 = arith.constant 16 : i32
      %mul3A_133 = arith.muli %scan3A_44, %mul3A_132 : i32
      %add3A_134 = arith.constant 6 : i32
      %add3A_135 = arith.addi %mul3A_133, %add3A_134 : i32
      %mul3A_136 = arith.constant 16 : i32
      %mul3A_137 = arith.muli %add3A_135, %mul3A_136 : i32
      %get3A_138 = arith.index_cast %mul3A_137 : i32 to index
      %get3A_139 = tpu.vector_load %arg6[%get3A_138] {strides = array<i32>} : memref<16384xi32, #tpu.memory_space<vmem>>, vector<16xi32>,
      %sub3A_140 = arith.subi %get3A_139, %get3A_4 : vector<16xi32>
      %le3A_141 = vector.broadcast %scan3A_32 : i32 to vector<16xi32>
      %le3A_142 = arith.cmpi ule, %sub3A_140, %le3A_141 : vector<16xi32>
      %shift_right_logical3A_143 = arith.constant 0 : i32
      %shift_right_logical3A_144 = vector.broadcast %shift_right_logical3A_143 : i32 to vector<16xi32>
      %shift_right_logical3A_145 = arith.shrui %sub3A_140, %shift_right_logical3A_144 : vector<16xi32>
      %add3A_146 = arith.addi %mul3A_14, %shift_right_logical3A_145 : vector<16xi32>
      tpu.vector_store_idx %arg8[%add3A_146], %broadcast_in_dim3A_16 masked %le3A_142 {add = true} : memref<16400xi32, #tpu.memory_space<vmem>>[vector<16xi32>], vector<16xi32>, vector<16xi1>
      %mul3A_147 = arith.constant 16 : i32
      %mul3A_148 = arith.muli %scan3A_44, %mul3A_147 : i32
      %add3A_149 = arith.constant 7 : i32
      %add3A_150 = arith.addi %mul3A_148, %add3A_149 : i32
      %mul3A_151 = arith.constant 16 : i32
      %mul3A_152 = arith.muli %add3A_150, %mul3A_151 : i32
      %get3A_153 = arith.index_cast %mul3A_152 : i32 to index
      %get3A_154 = tpu.vector_load %arg6[%get3A_153] {strides = array<i32>} : memref<16384xi32, #tpu.memory_space<vmem>>, vector<16xi32>,
      %sub3A_155 = arith.subi %get3A_154, %get3A_4 : vector<16xi32>
      %le3A_156 = vector.broadcast %scan3A_32 : i32 to vector<16xi32>
      %le3A_157 = arith.cmpi ule, %sub3A_155, %le3A_156 : vector<16xi32>
      %shift_right_logical3A_158 = arith.constant 0 : i32
      %shift_right_logical3A_159 = vector.broadcast %shift_right_logical3A_158 : i32 to vector<16xi32>
      %shift_right_logical3A_160 = arith.shrui %sub3A_155, %shift_right_logical3A_159 : vector<16xi32>
      %add3A_161 = arith.addi %mul3A_14, %shift_right_logical3A_160 : vector<16xi32>
      tpu.vector_store_idx %arg8[%add3A_161], %broadcast_in_dim3A_16 masked %le3A_157 {add = true} : memref<16400xi32, #tpu.memory_space<vmem>>[vector<16xi32>], vector<16xi32>, vector<16xi1>
      %mul3A_162 = arith.constant 16 : i32
      %mul3A_163 = arith.muli %scan3A_44, %mul3A_162 : i32
      %add3A_164 = arith.constant 8 : i32
      %add3A_165 = arith.addi %mul3A_163, %add3A_164 : i32
      %mul3A_166 = arith.constant 16 : i32
      %mul3A_167 = arith.muli %add3A_165, %mul3A_166 : i32
      %get3A_168 = arith.index_cast %mul3A_167 : i32 to index
      %get3A_169 = tpu.vector_load %arg6[%get3A_168] {strides = array<i32>} : memref<16384xi32, #tpu.memory_space<vmem>>, vector<16xi32>,
      %sub3A_170 = arith.subi %get3A_169, %get3A_4 : vector<16xi32>
      %le3A_171 = vector.broadcast %scan3A_32 : i32 to vector<16xi32>
      %le3A_172 = arith.cmpi ule, %sub3A_170, %le3A_171 : vector<16xi32>
      %shift_right_logical3A_173 = arith.constant 0 : i32
      %shift_right_logical3A_174 = vector.broadcast %shift_right_logical3A_173 : i32 to vector<16xi32>
      %shift_right_logical3A_175 = arith.shrui %sub3A_170, %shift_right_logical3A_174 : vector<16xi32>
      %add3A_176 = arith.addi %mul3A_14, %shift_right_logical3A_175 : vector<16xi32>
      tpu.vector_store_idx %arg8[%add3A_176], %broadcast_in_dim3A_16 masked %le3A_172 {add = true} : memref<16400xi32, #tpu.memory_space<vmem>>[vector<16xi32>], vector<16xi32>, vector<16xi1>
      %mul3A_177 = arith.constant 16 : i32
      %mul3A_178 = arith.muli %scan3A_44, %mul3A_177 : i32
      %add3A_179 = arith.constant 9 : i32
      %add3A_180 = arith.addi %mul3A_178, %add3A_179 : i32
      %mul3A_181 = arith.constant 16 : i32
      %mul3A_182 = arith.muli %add3A_180, %mul3A_181 : i32
      %get3A_183 = arith.index_cast %mul3A_182 : i32 to index
      %get3A_184 = tpu.vector_load %arg6[%get3A_183] {strides = array<i32>} : memref<16384xi32, #tpu.memory_space<vmem>>, vector<16xi32>,
      %sub3A_185 = arith.subi %get3A_184, %get3A_4 : vector<16xi32>
      %le3A_186 = vector.broadcast %scan3A_32 : i32 to vector<16xi32>
      %le3A_187 = arith.cmpi ule, %sub3A_185, %le3A_186 : vector<16xi32>
      %shift_right_logical3A_188 = arith.constant 0 : i32
      %shift_right_logical3A_189 = vector.broadcast %shift_right_logical3A_188 : i32 to vector<16xi32>
      %shift_right_logical3A_190 = arith.shrui %sub3A_185, %shift_right_logical3A_189 : vector<16xi32>
      %add3A_191 = arith.addi %mul3A_14, %shift_right_logical3A_190 : vector<16xi32>
      tpu.vector_store_idx %arg8[%add3A_191], %broadcast_in_dim3A_16 masked %le3A_187 {add = true} : memref<16400xi32, #tpu.memory_space<vmem>>[vector<16xi32>], vector<16xi32>, vector<16xi1>
      %mul3A_192 = arith.constant 16 : i32
      %mul3A_193 = arith.muli %scan3A_44, %mul3A_192 : i32
      %add3A_194 = arith.constant 10 : i32
      %add3A_195 = arith.addi %mul3A_193, %add3A_194 : i32
      %mul3A_196 = arith.constant 16 : i32
      %mul3A_197 = arith.muli %add3A_195, %mul3A_196 : i32
      %get3A_198 = arith.index_cast %mul3A_197 : i32 to index
      %get3A_199 = tpu.vector_load %arg6[%get3A_198] {strides = array<i32>} : memref<16384xi32, #tpu.memory_space<vmem>>, vector<16xi32>,
      %sub3A_200 = arith.subi %get3A_199, %get3A_4 : vector<16xi32>
      %le3A_201 = vector.broadcast %scan3A_32 : i32 to vector<16xi32>
      %le3A_202 = arith.cmpi ule, %sub3A_200, %le3A_201 : vector<16xi32>
      %shift_right_logical3A_203 = arith.constant 0 : i32
      %shift_right_logical3A_204 = vector.broadcast %shift_right_logical3A_203 : i32 to vector<16xi32>
      %shift_right_logical3A_205 = arith.shrui %sub3A_200, %shift_right_logical3A_204 : vector<16xi32>
      %add3A_206 = arith.addi %mul3A_14, %shift_right_logical3A_205 : vector<16xi32>
      tpu.vector_store_idx %arg8[%add3A_206], %broadcast_in_dim3A_16 masked %le3A_202 {add = true} : memref<16400xi32, #tpu.memory_space<vmem>>[vector<16xi32>], vector<16xi32>, vector<16xi1>
      %mul3A_207 = arith.constant 16 : i32
      %mul3A_208 = arith.muli %scan3A_44, %mul3A_207 : i32
      %add3A_209 = arith.constant 11 : i32
      %add3A_210 = arith.addi %mul3A_208, %add3A_209 : i32
      %mul3A_211 = arith.constant 16 : i32
      %mul3A_212 = arith.muli %add3A_210, %mul3A_211 : i32
      %get3A_213 = arith.index_cast %mul3A_212 : i32 to index
      %get3A_214 = tpu.vector_load %arg6[%get3A_213] {strides = array<i32>} : memref<16384xi32, #tpu.memory_space<vmem>>, vector<16xi32>,
      %sub3A_215 = arith.subi %get3A_214, %get3A_4 : vector<16xi32>
      %le3A_216 = vector.broadcast %scan3A_32 : i32 to vector<16xi32>
      %le3A_217 = arith.cmpi ule, %sub3A_215, %le3A_216 : vector<16xi32>
      %shift_right_logical3A_218 = arith.constant 0 : i32
      %shift_right_logical3A_219 = vector.broadcast %shift_right_logical3A_218 : i32 to vector<16xi32>
      %shift_right_logical3A_220 = arith.shrui %sub3A_215, %shift_right_logical3A_219 : vector<16xi32>
      %add3A_221 = arith.addi %mul3A_14, %shift_right_logical3A_220 : vector<16xi32>
      tpu.vector_store_idx %arg8[%add3A_221], %broadcast_in_dim3A_16 masked %le3A_217 {add = true} : memref<16400xi32, #tpu.memory_space<vmem>>[vector<16xi32>], vector<16xi32>, vector<16xi1>
      %mul3A_222 = arith.constant 16 : i32
      %mul3A_223 = arith.muli %scan3A_44, %mul3A_222 : i32
      %add3A_224 = arith.constant 12 : i32
      %add3A_225 = arith.addi %mul3A_223, %add3A_224 : i32
      %mul3A_226 = arith.constant 16 : i32
      %mul3A_227 = arith.muli %add3A_225, %mul3A_226 : i32
      %get3A_228 = arith.index_cast %mul3A_227 : i32 to index
      %get3A_229 = tpu.vector_load %arg6[%get3A_228] {strides = array<i32>} : memref<16384xi32, #tpu.memory_space<vmem>>, vector<16xi32>,
      %sub3A_230 = arith.subi %get3A_229, %get3A_4 : vector<16xi32>
      %le3A_231 = vector.broadcast %scan3A_32 : i32 to vector<16xi32>
      %le3A_232 = arith.cmpi ule, %sub3A_230, %le3A_231 : vector<16xi32>
      %shift_right_logical3A_233 = arith.constant 0 : i32
      %shift_right_logical3A_234 = vector.broadcast %shift_right_logical3A_233 : i32 to vector<16xi32>
      %shift_right_logical3A_235 = arith.shrui %sub3A_230, %shift_right_logical3A_234 : vector<16xi32>
      %add3A_236 = arith.addi %mul3A_14, %shift_right_logical3A_235 : vector<16xi32>
      tpu.vector_store_idx %arg8[%add3A_236], %broadcast_in_dim3A_16 masked %le3A_232 {add = true} : memref<16400xi32, #tpu.memory_space<vmem>>[vector<16xi32>], vector<16xi32>, vector<16xi1>
      %mul3A_237 = arith.constant 16 : i32
      %mul3A_238 = arith.muli %scan3A_44, %mul3A_237 : i32
      %add3A_239 = arith.constant 13 : i32
      %add3A_240 = arith.addi %mul3A_238, %add3A_239 : i32
      %mul3A_241 = arith.constant 16 : i32
      %mul3A_242 = arith.muli %add3A_240, %mul3A_241 : i32
      %get3A_243 = arith.index_cast %mul3A_242 : i32 to index
      %get3A_244 = tpu.vector_load %arg6[%get3A_243] {strides = array<i32>} : memref<16384xi32, #tpu.memory_space<vmem>>, vector<16xi32>,
      %sub3A_245 = arith.subi %get3A_244, %get3A_4 : vector<16xi32>
      %le3A_246 = vector.broadcast %scan3A_32 : i32 to vector<16xi32>
      %le3A_247 = arith.cmpi ule, %sub3A_245, %le3A_246 : vector<16xi32>
      %shift_right_logical3A_248 = arith.constant 0 : i32
      %shift_right_logical3A_249 = vector.broadcast %shift_right_logical3A_248 : i32 to vector<16xi32>
      %shift_right_logical3A_250 = arith.shrui %sub3A_245, %shift_right_logical3A_249 : vector<16xi32>
      %add3A_251 = arith.addi %mul3A_14, %shift_right_logical3A_250 : vector<16xi32>
      tpu.vector_store_idx %arg8[%add3A_251], %broadcast_in_dim3A_16 masked %le3A_247 {add = true} : memref<16400xi32, #tpu.memory_space<vmem>>[vector<16xi32>], vector<16xi32>, vector<16xi1>
      %mul3A_252 = arith.constant 16 : i32
      %mul3A_253 = arith.muli %scan3A_44, %mul3A_252 : i32
      %add3A_254 = arith.constant 14 : i32
      %add3A_255 = arith.addi %mul3A_253, %add3A_254 : i32
      %mul3A_256 = arith.constant 16 : i32
      %mul3A_257 = arith.muli %add3A_255, %mul3A_256 : i32
      %get3A_258 = arith.index_cast %mul3A_257 : i32 to index
      %get3A_259 = tpu.vector_load %arg6[%get3A_258] {strides = array<i32>} : memref<16384xi32, #tpu.memory_space<vmem>>, vector<16xi32>,
      %sub3A_260 = arith.subi %get3A_259, %get3A_4 : vector<16xi32>
      %le3A_261 = vector.broadcast %scan3A_32 : i32 to vector<16xi32>
      %le3A_262 = arith.cmpi ule, %sub3A_260, %le3A_261 : vector<16xi32>
      %shift_right_logical3A_263 = arith.constant 0 : i32
      %shift_right_logical3A_264 = vector.broadcast %shift_right_logical3A_263 : i32 to vector<16xi32>
      %shift_right_logical3A_265 = arith.shrui %sub3A_260, %shift_right_logical3A_264 : vector<16xi32>
      %add3A_266 = arith.addi %mul3A_14, %shift_right_logical3A_265 : vector<16xi32>
      tpu.vector_store_idx %arg8[%add3A_266], %broadcast_in_dim3A_16 masked %le3A_262 {add = true} : memref<16400xi32, #tpu.memory_space<vmem>>[vector<16xi32>], vector<16xi32>, vector<16xi1>
      %mul3A_267 = arith.constant 16 : i32
      %mul3A_268 = arith.muli %scan3A_44, %mul3A_267 : i32
      %add3A_269 = arith.constant 15 : i32
      %add3A_270 = arith.addi %mul3A_268, %add3A_269 : i32
      %mul3A_271 = arith.constant 16 : i32
      %mul3A_272 = arith.muli %add3A_270, %mul3A_271 : i32
      %get3A_273 = arith.index_cast %mul3A_272 : i32 to index
      %get3A_274 = tpu.vector_load %arg6[%get3A_273] {strides = array<i32>} : memref<16384xi32, #tpu.memory_space<vmem>>, vector<16xi32>,
      %sub3A_275 = arith.subi %get3A_274, %get3A_4 : vector<16xi32>
      %le3A_276 = vector.broadcast %scan3A_32 : i32 to vector<16xi32>
      %le3A_277 = arith.cmpi ule, %sub3A_275, %le3A_276 : vector<16xi32>
      %shift_right_logical3A_278 = arith.constant 0 : i32
      %shift_right_logical3A_279 = vector.broadcast %shift_right_logical3A_278 : i32 to vector<16xi32>
      %shift_right_logical3A_280 = arith.shrui %sub3A_275, %shift_right_logical3A_279 : vector<16xi32>
      %add3A_281 = arith.addi %mul3A_14, %shift_right_logical3A_280 : vector<16xi32>
      tpu.vector_store_idx %arg8[%add3A_281], %broadcast_in_dim3A_16 masked %le3A_277 {add = true} : memref<16400xi32, #tpu.memory_space<vmem>>[vector<16xi32>], vector<16xi32>, vector<16xi1>
    }
    %scan3A_37 = arith.constant 64 : i32
    %scan3A_38 = arith.constant 0 : i32
    %scan3A_39 = arith.constant 0 : i32
    %scan3A_40 = arith.constant 32 : i32
    %scan3A_41 = arith.addi %scan3A_39, %scan3A_40 : i32
    %scan3A_42 = arith.constant 1 : i32
    scf.for %scan3A_44 = %scan3A_39 to %scan3A_41 step %scan3A_42  : i32 {
      %mul3A_45 = arith.constant 2 : i32
      %mul3A_46 = arith.muli %scan3A_44, %mul3A_45 : i32
      %add3A_47 = arith.constant 0 : i32
      %add3A_48 = arith.addi %mul3A_46, %add3A_47 : i32
      %mul3A_49 = arith.constant 16 : i32
      %mul3A_50 = arith.muli %add3A_48, %mul3A_49 : i32
      %get3A_51 = arith.index_cast %mul3A_50 : i32 to index
      %get3A_52 = tpu.vector_load %arg8[%get3A_51] {strides = array<i32>} : memref<16400xi32, #tpu.memory_space<vmem>>, vector<16xi32>,
      %mul3A_53 = arith.constant 16 : i32
      %mul3A_54 = arith.muli %add3A_48, %mul3A_53 : i32
      %add3A_55 = arith.constant 1025 : i32
      %add3A_56 = arith.addi %add3A_55, %mul3A_54 : i32
      %get3A_57 = arith.index_cast %add3A_56 : i32 to index
      %get3A_58 = tpu.vector_load %arg8[%get3A_57] {strides = array<i32>} : memref<16400xi32, #tpu.memory_space<vmem>>, vector<16xi32>,
      %add3A_59 = arith.addi %get3A_52, %get3A_58 : vector<16xi32>
      %mul3A_60 = arith.constant 16 : i32
      %mul3A_61 = arith.muli %add3A_48, %mul3A_60 : i32
      %add3A_62 = arith.constant 2050 : i32
      %add3A_63 = arith.addi %add3A_62, %mul3A_61 : i32
      %get3A_64 = arith.index_cast %add3A_63 : i32 to index
      %get3A_65 = tpu.vector_load %arg8[%get3A_64] {strides = array<i32>} : memref<16400xi32, #tpu.memory_space<vmem>>, vector<16xi32>,
      %add3A_66 = arith.addi %add3A_59, %get3A_65 : vector<16xi32>
      %mul3A_67 = arith.constant 16 : i32
      %mul3A_68 = arith.muli %add3A_48, %mul3A_67 : i32
      %add3A_69 = arith.constant 3075 : i32
      %add3A_70 = arith.addi %add3A_69, %mul3A_68 : i32
      %get3A_71 = arith.index_cast %add3A_70 : i32 to index
      %get3A_72 = tpu.vector_load %arg8[%get3A_71] {strides = array<i32>} : memref<16400xi32, #tpu.memory_space<vmem>>, vector<16xi32>,
      %add3A_73 = arith.addi %add3A_66, %get3A_72 : vector<16xi32>
      %mul3A_74 = arith.constant 16 : i32
      %mul3A_75 = arith.muli %add3A_48, %mul3A_74 : i32
      %add3A_76 = arith.constant 4100 : i32
      %add3A_77 = arith.addi %add3A_76, %mul3A_75 : i32
      %get3A_78 = arith.index_cast %add3A_77 : i32 to index
      %get3A_79 = tpu.vector_load %arg8[%get3A_78] {strides = array<i32>} : memref<16400xi32, #tpu.memory_space<vmem>>, vector<16xi32>,
      %add3A_80 = arith.addi %add3A_73, %get3A_79 : vector<16xi32>
      %mul3A_81 = arith.constant 16 : i32
      %mul3A_82 = arith.muli %add3A_48, %mul3A_81 : i32
      %add3A_83 = arith.constant 5125 : i32
      %add3A_84 = arith.addi %add3A_83, %mul3A_82 : i32
      %get3A_85 = arith.index_cast %add3A_84 : i32 to index
      %get3A_86 = tpu.vector_load %arg8[%get3A_85] {strides = array<i32>} : memref<16400xi32, #tpu.memory_space<vmem>>, vector<16xi32>,
      %add3A_87 = arith.addi %add3A_80, %get3A_86 : vector<16xi32>
      %mul3A_88 = arith.constant 16 : i32
      %mul3A_89 = arith.muli %add3A_48, %mul3A_88 : i32
      %add3A_90 = arith.constant 6150 : i32
      %add3A_91 = arith.addi %add3A_90, %mul3A_89 : i32
      %get3A_92 = arith.index_cast %add3A_91 : i32 to index
      %get3A_93 = tpu.vector_load %arg8[%get3A_92] {strides = array<i32>} : memref<16400xi32, #tpu.memory_space<vmem>>, vector<16xi32>,
      %add3A_94 = arith.addi %add3A_87, %get3A_93 : vector<16xi32>
      %mul3A_95 = arith.constant 16 : i32
      %mul3A_96 = arith.muli %add3A_48, %mul3A_95 : i32
      %add3A_97 = arith.constant 7175 : i32
      %add3A_98 = arith.addi %add3A_97, %mul3A_96 : i32
      %get3A_99 = arith.index_cast %add3A_98 : i32 to index
      %get3A_100 = tpu.vector_load %arg8[%get3A_99] {strides = array<i32>} : memref<16400xi32, #tpu.memory_space<vmem>>, vector<16xi32>,
      %add3A_101 = arith.addi %add3A_94, %get3A_100 : vector<16xi32>
      %mul3A_102 = arith.constant 16 : i32
      %mul3A_103 = arith.muli %add3A_48, %mul3A_102 : i32
      %add3A_104 = arith.constant 8200 : i32
      %add3A_105 = arith.addi %add3A_104, %mul3A_103 : i32
      %get3A_106 = arith.index_cast %add3A_105 : i32 to index
      %get3A_107 = tpu.vector_load %arg8[%get3A_106] {strides = array<i32>} : memref<16400xi32, #tpu.memory_space<vmem>>, vector<16xi32>,
      %add3A_108 = arith.addi %add3A_101, %get3A_107 : vector<16xi32>
      %mul3A_109 = arith.constant 16 : i32
      %mul3A_110 = arith.muli %add3A_48, %mul3A_109 : i32
      %add3A_111 = arith.constant 9225 : i32
      %add3A_112 = arith.addi %add3A_111, %mul3A_110 : i32
      %get3A_113 = arith.index_cast %add3A_112 : i32 to index
      %get3A_114 = tpu.vector_load %arg8[%get3A_113] {strides = array<i32>} : memref<16400xi32, #tpu.memory_space<vmem>>, vector<16xi32>,
      %add3A_115 = arith.addi %add3A_108, %get3A_114 : vector<16xi32>
      %mul3A_116 = arith.constant 16 : i32
      %mul3A_117 = arith.muli %add3A_48, %mul3A_116 : i32
      %add3A_118 = arith.constant 10250 : i32
      %add3A_119 = arith.addi %add3A_118, %mul3A_117 : i32
      %get3A_120 = arith.index_cast %add3A_119 : i32 to index
      %get3A_121 = tpu.vector_load %arg8[%get3A_120] {strides = array<i32>} : memref<16400xi32, #tpu.memory_space<vmem>>, vector<16xi32>,
      %add3A_122 = arith.addi %add3A_115, %get3A_121 : vector<16xi32>
      %mul3A_123 = arith.constant 16 : i32
      %mul3A_124 = arith.muli %add3A_48, %mul3A_123 : i32
      %add3A_125 = arith.constant 11275 : i32
      %add3A_126 = arith.addi %add3A_125, %mul3A_124 : i32
      %get3A_127 = arith.index_cast %add3A_126 : i32 to index
      %get3A_128 = tpu.vector_load %arg8[%get3A_127] {strides = array<i32>} : memref<16400xi32, #tpu.memory_space<vmem>>, vector<16xi32>,
      %add3A_129 = arith.addi %add3A_122, %get3A_128 : vector<16xi32>
      %mul3A_130 = arith.constant 16 : i32
      %mul3A_131 = arith.muli %add3A_48, %mul3A_130 : i32
      %add3A_132 = arith.constant 12300 : i32
      %add3A_133 = arith.addi %add3A_132, %mul3A_131 : i32
      %get3A_134 = arith.index_cast %add3A_133 : i32 to index
      %get3A_135 = tpu.vector_load %arg8[%get3A_134] {strides = array<i32>} : memref<16400xi32, #tpu.memory_space<vmem>>, vector<16xi32>,
      %add3A_136 = arith.addi %add3A_129, %get3A_135 : vector<16xi32>
      %mul3A_137 = arith.constant 16 : i32
      %mul3A_138 = arith.muli %add3A_48, %mul3A_137 : i32
      %add3A_139 = arith.constant 13325 : i32
      %add3A_140 = arith.addi %add3A_139, %mul3A_138 : i32
      %get3A_141 = arith.index_cast %add3A_140 : i32 to index
      %get3A_142 = tpu.vector_load %arg8[%get3A_141] {strides = array<i32>} : memref<16400xi32, #tpu.memory_space<vmem>>, vector<16xi32>,
      %add3A_143 = arith.addi %add3A_136, %get3A_142 : vector<16xi32>
      %mul3A_144 = arith.constant 16 : i32
      %mul3A_145 = arith.muli %add3A_48, %mul3A_144 : i32
      %add3A_146 = arith.constant 14350 : i32
      %add3A_147 = arith.addi %add3A_146, %mul3A_145 : i32
      %get3A_148 = arith.index_cast %add3A_147 : i32 to index
      %get3A_149 = tpu.vector_load %arg8[%get3A_148] {strides = array<i32>} : memref<16400xi32, #tpu.memory_space<vmem>>, vector<16xi32>,
      %add3A_150 = arith.addi %add3A_143, %get3A_149 : vector<16xi32>
      %mul3A_151 = arith.constant 16 : i32
      %mul3A_152 = arith.muli %add3A_48, %mul3A_151 : i32
      %add3A_153 = arith.constant 15375 : i32
      %add3A_154 = arith.addi %add3A_153, %mul3A_152 : i32
      %get3A_155 = arith.index_cast %add3A_154 : i32 to index
      %get3A_156 = tpu.vector_load %arg8[%get3A_155] {strides = array<i32>} : memref<16400xi32, #tpu.memory_space<vmem>>, vector<16xi32>,
      %add3A_157 = arith.addi %add3A_150, %get3A_156 : vector<16xi32>
      %mul3A_158 = arith.constant 16 : i32
      %mul3A_159 = arith.muli %add3A_48, %mul3A_158 : i32
      %swap3A_160 = arith.index_cast %mul3A_159 : i32 to index
      %swap3A_161 = tpu.vector_load %arg9[%swap3A_160] {strides = array<i32>} : memref<1024xi32, #tpu.memory_space<vmem>>, vector<16xi32>,
      tpu.vector_store %arg9[%swap3A_160], %add3A_157 {strides = array<i32>} : memref<1024xi32, #tpu.memory_space<vmem>>, vector<16xi32>,
      %mul3A_162 = arith.constant 2 : i32
      %mul3A_163 = arith.muli %scan3A_44, %mul3A_162 : i32
      %add3A_164 = arith.constant 1 : i32
      %add3A_165 = arith.addi %mul3A_163, %add3A_164 : i32
      %mul3A_166 = arith.constant 16 : i32
      %mul3A_167 = arith.muli %add3A_165, %mul3A_166 : i32
      %get3A_168 = arith.index_cast %mul3A_167 : i32 to index
      %get3A_169 = tpu.vector_load %arg8[%get3A_168] {strides = array<i32>} : memref<16400xi32, #tpu.memory_space<vmem>>, vector<16xi32>,
      %mul3A_170 = arith.constant 16 : i32
      %mul3A_171 = arith.muli %add3A_165, %mul3A_170 : i32
      %add3A_172 = arith.constant 1025 : i32
      %add3A_173 = arith.addi %add3A_172, %mul3A_171 : i32
      %get3A_174 = arith.index_cast %add3A_173 : i32 to index
      %get3A_175 = tpu.vector_load %arg8[%get3A_174] {strides = array<i32>} : memref<16400xi32, #tpu.memory_space<vmem>>, vector<16xi32>,
      %add3A_176 = arith.addi %get3A_169, %get3A_175 : vector<16xi32>
      %mul3A_177 = arith.constant 16 : i32
      %mul3A_178 = arith.muli %add3A_165, %mul3A_177 : i32
      %add3A_179 = arith.constant 2050 : i32
      %add3A_180 = arith.addi %add3A_179, %mul3A_178 : i32
      %get3A_181 = arith.index_cast %add3A_180 : i32 to index
      %get3A_182 = tpu.vector_load %arg8[%get3A_181] {strides = array<i32>} : memref<16400xi32, #tpu.memory_space<vmem>>, vector<16xi32>,
      %add3A_183 = arith.addi %add3A_176, %get3A_182 : vector<16xi32>
      %mul3A_184 = arith.constant 16 : i32
      %mul3A_185 = arith.muli %add3A_165, %mul3A_184 : i32
      %add3A_186 = arith.constant 3075 : i32
      %add3A_187 = arith.addi %add3A_186, %mul3A_185 : i32
      %get3A_188 = arith.index_cast %add3A_187 : i32 to index
      %get3A_189 = tpu.vector_load %arg8[%get3A_188] {strides = array<i32>} : memref<16400xi32, #tpu.memory_space<vmem>>, vector<16xi32>,
      %add3A_190 = arith.addi %add3A_183, %get3A_189 : vector<16xi32>
      %mul3A_191 = arith.constant 16 : i32
      %mul3A_192 = arith.muli %add3A_165, %mul3A_191 : i32
      %add3A_193 = arith.constant 4100 : i32
      %add3A_194 = arith.addi %add3A_193, %mul3A_192 : i32
      %get3A_195 = arith.index_cast %add3A_194 : i32 to index
      %get3A_196 = tpu.vector_load %arg8[%get3A_195] {strides = array<i32>} : memref<16400xi32, #tpu.memory_space<vmem>>, vector<16xi32>,
      %add3A_197 = arith.addi %add3A_190, %get3A_196 : vector<16xi32>
      %mul3A_198 = arith.constant 16 : i32
      %mul3A_199 = arith.muli %add3A_165, %mul3A_198 : i32
      %add3A_200 = arith.constant 5125 : i32
      %add3A_201 = arith.addi %add3A_200, %mul3A_199 : i32
      %get3A_202 = arith.index_cast %add3A_201 : i32 to index
      %get3A_203 = tpu.vector_load %arg8[%get3A_202] {strides = array<i32>} : memref<16400xi32, #tpu.memory_space<vmem>>, vector<16xi32>,
      %add3A_204 = arith.addi %add3A_197, %get3A_203 : vector<16xi32>
      %mul3A_205 = arith.constant 16 : i32
      %mul3A_206 = arith.muli %add3A_165, %mul3A_205 : i32
      %add3A_207 = arith.constant 6150 : i32
      %add3A_208 = arith.addi %add3A_207, %mul3A_206 : i32
      %get3A_209 = arith.index_cast %add3A_208 : i32 to index
      %get3A_210 = tpu.vector_load %arg8[%get3A_209] {strides = array<i32>} : memref<16400xi32, #tpu.memory_space<vmem>>, vector<16xi32>,
      %add3A_211 = arith.addi %add3A_204, %get3A_210 : vector<16xi32>
      %mul3A_212 = arith.constant 16 : i32
      %mul3A_213 = arith.muli %add3A_165, %mul3A_212 : i32
      %add3A_214 = arith.constant 7175 : i32
      %add3A_215 = arith.addi %add3A_214, %mul3A_213 : i32
      %get3A_216 = arith.index_cast %add3A_215 : i32 to index
      %get3A_217 = tpu.vector_load %arg8[%get3A_216] {strides = array<i32>} : memref<16400xi32, #tpu.memory_space<vmem>>, vector<16xi32>,
      %add3A_218 = arith.addi %add3A_211, %get3A_217 : vector<16xi32>
      %mul3A_219 = arith.constant 16 : i32
      %mul3A_220 = arith.muli %add3A_165, %mul3A_219 : i32
      %add3A_221 = arith.constant 8200 : i32
      %add3A_222 = arith.addi %add3A_221, %mul3A_220 : i32
      %get3A_223 = arith.index_cast %add3A_222 : i32 to index
      %get3A_224 = tpu.vector_load %arg8[%get3A_223] {strides = array<i32>} : memref<16400xi32, #tpu.memory_space<vmem>>, vector<16xi32>,
      %add3A_225 = arith.addi %add3A_218, %get3A_224 : vector<16xi32>
      %mul3A_226 = arith.constant 16 : i32
      %mul3A_227 = arith.muli %add3A_165, %mul3A_226 : i32
      %add3A_228 = arith.constant 9225 : i32
      %add3A_229 = arith.addi %add3A_228, %mul3A_227 : i32
      %get3A_230 = arith.index_cast %add3A_229 : i32 to index
      %get3A_231 = tpu.vector_load %arg8[%get3A_230] {strides = array<i32>} : memref<16400xi32, #tpu.memory_space<vmem>>, vector<16xi32>,
      %add3A_232 = arith.addi %add3A_225, %get3A_231 : vector<16xi32>
      %mul3A_233 = arith.constant 16 : i32
      %mul3A_234 = arith.muli %add3A_165, %mul3A_233 : i32
      %add3A_235 = arith.constant 10250 : i32
      %add3A_236 = arith.addi %add3A_235, %mul3A_234 : i32
      %get3A_237 = arith.index_cast %add3A_236 : i32 to index
      %get3A_238 = tpu.vector_load %arg8[%get3A_237] {strides = array<i32>} : memref<16400xi32, #tpu.memory_space<vmem>>, vector<16xi32>,
      %add3A_239 = arith.addi %add3A_232, %get3A_238 : vector<16xi32>
      %mul3A_240 = arith.constant 16 : i32
      %mul3A_241 = arith.muli %add3A_165, %mul3A_240 : i32
      %add3A_242 = arith.constant 11275 : i32
      %add3A_243 = arith.addi %add3A_242, %mul3A_241 : i32
      %get3A_244 = arith.index_cast %add3A_243 : i32 to index
      %get3A_245 = tpu.vector_load %arg8[%get3A_244] {strides = array<i32>} : memref<16400xi32, #tpu.memory_space<vmem>>, vector<16xi32>,
      %add3A_246 = arith.addi %add3A_239, %get3A_245 : vector<16xi32>
      %mul3A_247 = arith.constant 16 : i32
      %mul3A_248 = arith.muli %add3A_165, %mul3A_247 : i32
      %add3A_249 = arith.constant 12300 : i32
      %add3A_250 = arith.addi %add3A_249, %mul3A_248 : i32
      %get3A_251 = arith.index_cast %add3A_250 : i32 to index
      %get3A_252 = tpu.vector_load %arg8[%get3A_251] {strides = array<i32>} : memref<16400xi32, #tpu.memory_space<vmem>>, vector<16xi32>,
      %add3A_253 = arith.addi %add3A_246, %get3A_252 : vector<16xi32>
      %mul3A_254 = arith.constant 16 : i32
      %mul3A_255 = arith.muli %add3A_165, %mul3A_254 : i32
      %add3A_256 = arith.constant 13325 : i32
      %add3A_257 = arith.addi %add3A_256, %mul3A_255 : i32
      %get3A_258 = arith.index_cast %add3A_257 : i32 to index
      %get3A_259 = tpu.vector_load %arg8[%get3A_258] {strides = array<i32>} : memref<16400xi32, #tpu.memory_space<vmem>>, vector<16xi32>,
      %add3A_260 = arith.addi %add3A_253, %get3A_259 : vector<16xi32>
      %mul3A_261 = arith.constant 16 : i32
      %mul3A_262 = arith.muli %add3A_165, %mul3A_261 : i32
      %add3A_263 = arith.constant 14350 : i32
      %add3A_264 = arith.addi %add3A_263, %mul3A_262 : i32
      %get3A_265 = arith.index_cast %add3A_264 : i32 to index
      %get3A_266 = tpu.vector_load %arg8[%get3A_265] {strides = array<i32>} : memref<16400xi32, #tpu.memory_space<vmem>>, vector<16xi32>,
      %add3A_267 = arith.addi %add3A_260, %get3A_266 : vector<16xi32>
      %mul3A_268 = arith.constant 16 : i32
      %mul3A_269 = arith.muli %add3A_165, %mul3A_268 : i32
      %add3A_270 = arith.constant 15375 : i32
      %add3A_271 = arith.addi %add3A_270, %mul3A_269 : i32
      %get3A_272 = arith.index_cast %add3A_271 : i32 to index
      %get3A_273 = tpu.vector_load %arg8[%get3A_272] {strides = array<i32>} : memref<16400xi32, #tpu.memory_space<vmem>>, vector<16xi32>,
      %add3A_274 = arith.addi %add3A_267, %get3A_273 : vector<16xi32>
      %mul3A_275 = arith.constant 16 : i32
      %mul3A_276 = arith.muli %add3A_165, %mul3A_275 : i32
      %swap3A_277 = arith.index_cast %mul3A_276 : i32 to index
      %swap3A_278 = tpu.vector_load %arg9[%swap3A_277] {strides = array<i32>} : memref<1024xi32, #tpu.memory_space<vmem>>, vector<16xi32>,
      tpu.vector_store %arg9[%swap3A_277], %add3A_274 {strides = array<i32>} : memref<1024xi32, #tpu.memory_space<vmem>>, vector<16xi32>,
    }
    %scan3A_43 = arith.constant 32 : i32
    "tpu.region"() ({
      %run_scoped3A = tpu.sem_alloc : memref<!tpu.dma_semaphore, #tpu.memory_space<semaphore_mem>>
      %dma_start3A_44 = arith.constant 0 : i32
      %dma_start3A_45 = tpu.memref_slice %arg4[%add3A, %dma_start3A_44] : memref<32x1024xi32, #tpu.memory_space<hbm>> -> memref<1x1024xi32, #tpu.memory_space<hbm>>
      %dma_start3A_46 = tpu.memref_squeeze %dma_start3A_45 : memref<1x1024xi32, #tpu.memory_space<hbm>> -> memref<1024xi32, #tpu.memory_space<hbm>>
      %dma_start3A_47 = arith.constant 0 : i32
      %dma_start3A_48 = tpu.memref_slice %arg4[%add3A, %dma_start3A_47] : memref<32x1024xi32, #tpu.memory_space<hbm>> -> memref<1x1024xi32, #tpu.memory_space<hbm>>
      %dma_start3A_49 = tpu.memref_squeeze %dma_start3A_48 : memref<1x1024xi32, #tpu.memory_space<hbm>> -> memref<1024xi32, #tpu.memory_space<hbm>>
      tpu.enqueue_dma source(%arg9 : memref<1024xi32, #tpu.memory_space<vmem>>) target(%dma_start3A_49 : memref<1024xi32, #tpu.memory_space<hbm>>) target_semaphore(%run_scoped3A : memref<!tpu.dma_semaphore, #tpu.memory_space<semaphore_mem>>)
      %dma_wait3A_50 = arith.constant 0 : i32
      %dma_wait3A_51 = tpu.memref_slice %arg4[%add3A, %dma_wait3A_50] : memref<32x1024xi32, #tpu.memory_space<hbm>> -> memref<1x1024xi32, #tpu.memory_space<hbm>>
      %dma_wait3A_52 = tpu.memref_squeeze %dma_wait3A_51 : memref<1x1024xi32, #tpu.memory_space<hbm>> -> memref<1024xi32, #tpu.memory_space<hbm>>
      %dma_wait3A_53 = arith.constant 0 : i32
      %dma_wait3A_54 = tpu.memref_slice %arg4[%add3A, %dma_wait3A_53] : memref<32x1024xi32, #tpu.memory_space<hbm>> -> memref<1x1024xi32, #tpu.memory_space<hbm>>
      %dma_wait3A_55 = tpu.memref_squeeze %dma_wait3A_54 : memref<1x1024xi32, #tpu.memory_space<hbm>> -> memref<1024xi32, #tpu.memory_space<hbm>>
      tpu.wait_dma2 semaphore(%run_scoped3A : memref<!tpu.dma_semaphore, #tpu.memory_space<semaphore_mem>>) src(%arg9 : memref<1024xi32, #tpu.memory_space<vmem>>) dst(%dma_wait3A_55 : memref<1024xi32, #tpu.memory_space<hbm>>)
      tpu.yield
    }) : () -> ()
    return
  }
}

#map = affine_map<(d0, d1) -> (0)>
#map1 = affine_map<(d0, d1) -> (0, 0)>
module attributes {stable_mosaic.version = 14 : i64} {
  func.func @hist(%arg0: i32, %arg1: i32, %arg2: memref<1048576xi32, #tpu.memory_space<hbm>>, %arg3: memref<16xi32, #tpu.memory_space<hbm>>, %arg4: memref<32x2048xi32, #tpu.memory_space<hbm>>, %arg5: memref<16384xi32, #tpu.memory_space<vmem>>, %arg6: memref<16384xi32, #tpu.memory_space<vmem>>, %arg7: memref<16xi32, #tpu.memory_space<vmem>>, %arg8: memref<32784xi32, #tpu.memory_space<vmem>>, %arg9: memref<2048xi32, #tpu.memory_space<vmem>>, %arg10: memref<!tpu.dma_semaphore, #tpu.memory_space<semaphore_mem>>, %arg11: memref<!tpu.dma_semaphore, #tpu.memory_space<semaphore_mem>>) attributes {dimension_semantics = [#tpu.dimension_semantics<core_parallel>, #tpu.dimension_semantics<subcore_parallel>], iteration_bounds = array<i64: 2, 16>, scalar_prefetch = 0 : i64, scratch_operands = 7 : i64, tpu.core_type = #tpu.core_type<sc_vector_subcore>, window_params = [{transform_indices = #map}, {transform_indices = #map}, {transform_indices = #map1}]} {
    %mul3A = arith.constant 2 : i32
    %mul3A_0 = arith.muli %arg1, %mul3A : i32
    %add3A = arith.addi %mul3A_0, %arg0 : i32
    %mul3A_1 = arith.constant 32768 : i32
    %mul3A_2 = arith.muli %add3A, %mul3A_1 : i32
    %dma_start3A = tpu.memref_slice %arg2[%mul3A_2] : memref<1048576xi32, #tpu.memory_space<hbm>> -> memref<16384xi32, #tpu.memory_space<hbm>>
    %dma_start3A_3 = tpu.memref_slice %arg2[%mul3A_2] : memref<1048576xi32, #tpu.memory_space<hbm>> -> memref<16384xi32, #tpu.memory_space<hbm>>
    tpu.enqueue_dma source(%dma_start3A_3 : memref<16384xi32, #tpu.memory_space<hbm>>) target(%arg5 : memref<16384xi32, #tpu.memory_space<vmem>>) target_semaphore(%arg10 : memref<!tpu.dma_semaphore, #tpu.memory_space<semaphore_mem>>)
    "tpu.region"() ({
      %run_scoped3A = tpu.sem_alloc : memref<!tpu.dma_semaphore, #tpu.memory_space<semaphore_mem>>
      tpu.enqueue_dma source(%arg3 : memref<16xi32, #tpu.memory_space<hbm>>) target(%arg7 : memref<16xi32, #tpu.memory_space<vmem>>) target_semaphore(%run_scoped3A : memref<!tpu.dma_semaphore, #tpu.memory_space<semaphore_mem>>)
      tpu.wait_dma2 semaphore(%run_scoped3A : memref<!tpu.dma_semaphore, #tpu.memory_space<semaphore_mem>>) src(%arg3 : memref<16xi32, #tpu.memory_space<hbm>>) dst(%arg7 : memref<16xi32, #tpu.memory_space<vmem>>)
      tpu.yield
    }) : () -> ()
    %get3A = arith.constant 0 : index
    %get3A_4 = tpu.vector_load %arg7[%get3A] {strides = array<i32>} : memref<16xi32, #tpu.memory_space<vmem>>, vector<16xi32>,
    %broadcast_in_dim3A = arith.constant 0 : i32
    %broadcast_in_dim3A_5 = vector.broadcast %broadcast_in_dim3A : i32 to vector<16xi32>
    %scan3A = arith.constant 0 : i32
    %scan3A_6 = arith.constant 0 : i32
    %scan3A_7 = arith.constant 128 : i32
    %scan3A_8 = arith.addi %scan3A_6, %scan3A_7 : i32
    %scan3A_9 = arith.constant 1 : i32
    scf.for %scan3A_44 = %scan3A_6 to %scan3A_8 step %scan3A_9  : i32 {
      %mul3A_45 = arith.constant 16 : i32
      %mul3A_46 = arith.muli %scan3A_44, %mul3A_45 : i32
      %add3A_47 = arith.constant 0 : i32
      %add3A_48 = arith.addi %mul3A_46, %add3A_47 : i32
      %mul3A_49 = arith.constant 16 : i32
      %mul3A_50 = arith.muli %add3A_48, %mul3A_49 : i32
      %swap3A_51 = arith.index_cast %mul3A_50 : i32 to index
      %swap3A_52 = tpu.vector_load %arg8[%swap3A_51] {strides = array<i32>} : memref<32784xi32, #tpu.memory_space<vmem>>, vector<16xi32>,
      tpu.vector_store %arg8[%swap3A_51], %broadcast_in_dim3A_5 {strides = array<i32>} : memref<32784xi32, #tpu.memory_space<vmem>>, vector<16xi32>,
      %mul3A_53 = arith.constant 16 : i32
      %mul3A_54 = arith.muli %scan3A_44, %mul3A_53 : i32
      %add3A_55 = arith.constant 1 : i32
      %add3A_56 = arith.addi %mul3A_54, %add3A_55 : i32
      %mul3A_57 = arith.constant 16 : i32
      %mul3A_58 = arith.muli %add3A_56, %mul3A_57 : i32
      %swap3A_59 = arith.index_cast %mul3A_58 : i32 to index
      %swap3A_60 = tpu.vector_load %arg8[%swap3A_59] {strides = array<i32>} : memref<32784xi32, #tpu.memory_space<vmem>>, vector<16xi32>,
      tpu.vector_store %arg8[%swap3A_59], %broadcast_in_dim3A_5 {strides = array<i32>} : memref<32784xi32, #tpu.memory_space<vmem>>, vector<16xi32>,
      %mul3A_61 = arith.constant 16 : i32
      %mul3A_62 = arith.muli %scan3A_44, %mul3A_61 : i32
      %add3A_63 = arith.constant 2 : i32
      %add3A_64 = arith.addi %mul3A_62, %add3A_63 : i32
      %mul3A_65 = arith.constant 16 : i32
      %mul3A_66 = arith.muli %add3A_64, %mul3A_65 : i32
      %swap3A_67 = arith.index_cast %mul3A_66 : i32 to index
      %swap3A_68 = tpu.vector_load %arg8[%swap3A_67] {strides = array<i32>} : memref<32784xi32, #tpu.memory_space<vmem>>, vector<16xi32>,
      tpu.vector_store %arg8[%swap3A_67], %broadcast_in_dim3A_5 {strides = array<i32>} : memref<32784xi32, #tpu.memory_space<vmem>>, vector<16xi32>,
      %mul3A_69 = arith.constant 16 : i32
      %mul3A_70 = arith.muli %scan3A_44, %mul3A_69 : i32
      %add3A_71 = arith.constant 3 : i32
      %add3A_72 = arith.addi %mul3A_70, %add3A_71 : i32
      %mul3A_73 = arith.constant 16 : i32
      %mul3A_74 = arith.muli %add3A_72, %mul3A_73 : i32
      %swap3A_75 = arith.index_cast %mul3A_74 : i32 to index
      %swap3A_76 = tpu.vector_load %arg8[%swap3A_75] {strides = array<i32>} : memref<32784xi32, #tpu.memory_space<vmem>>, vector<16xi32>,
      tpu.vector_store %arg8[%swap3A_75], %broadcast_in_dim3A_5 {strides = array<i32>} : memref<32784xi32, #tpu.memory_space<vmem>>, vector<16xi32>,
      %mul3A_77 = arith.constant 16 : i32
      %mul3A_78 = arith.muli %scan3A_44, %mul3A_77 : i32
      %add3A_79 = arith.constant 4 : i32
      %add3A_80 = arith.addi %mul3A_78, %add3A_79 : i32
      %mul3A_81 = arith.constant 16 : i32
      %mul3A_82 = arith.muli %add3A_80, %mul3A_81 : i32
      %swap3A_83 = arith.index_cast %mul3A_82 : i32 to index
      %swap3A_84 = tpu.vector_load %arg8[%swap3A_83] {strides = array<i32>} : memref<32784xi32, #tpu.memory_space<vmem>>, vector<16xi32>,
      tpu.vector_store %arg8[%swap3A_83], %broadcast_in_dim3A_5 {strides = array<i32>} : memref<32784xi32, #tpu.memory_space<vmem>>, vector<16xi32>,
      %mul3A_85 = arith.constant 16 : i32
      %mul3A_86 = arith.muli %scan3A_44, %mul3A_85 : i32
      %add3A_87 = arith.constant 5 : i32
      %add3A_88 = arith.addi %mul3A_86, %add3A_87 : i32
      %mul3A_89 = arith.constant 16 : i32
      %mul3A_90 = arith.muli %add3A_88, %mul3A_89 : i32
      %swap3A_91 = arith.index_cast %mul3A_90 : i32 to index
      %swap3A_92 = tpu.vector_load %arg8[%swap3A_91] {strides = array<i32>} : memref<32784xi32, #tpu.memory_space<vmem>>, vector<16xi32>,
      tpu.vector_store %arg8[%swap3A_91], %broadcast_in_dim3A_5 {strides = array<i32>} : memref<32784xi32, #tpu.memory_space<vmem>>, vector<16xi32>,
      %mul3A_93 = arith.constant 16 : i32
      %mul3A_94 = arith.muli %scan3A_44, %mul3A_93 : i32
      %add3A_95 = arith.constant 6 : i32
      %add3A_96 = arith.addi %mul3A_94, %add3A_95 : i32
      %mul3A_97 = arith.constant 16 : i32
      %mul3A_98 = arith.muli %add3A_96, %mul3A_97 : i32
      %swap3A_99 = arith.index_cast %mul3A_98 : i32 to index
      %swap3A_100 = tpu.vector_load %arg8[%swap3A_99] {strides = array<i32>} : memref<32784xi32, #tpu.memory_space<vmem>>, vector<16xi32>,
      tpu.vector_store %arg8[%swap3A_99], %broadcast_in_dim3A_5 {strides = array<i32>} : memref<32784xi32, #tpu.memory_space<vmem>>, vector<16xi32>,
      %mul3A_101 = arith.constant 16 : i32
      %mul3A_102 = arith.muli %scan3A_44, %mul3A_101 : i32
      %add3A_103 = arith.constant 7 : i32
      %add3A_104 = arith.addi %mul3A_102, %add3A_103 : i32
      %mul3A_105 = arith.constant 16 : i32
      %mul3A_106 = arith.muli %add3A_104, %mul3A_105 : i32
      %swap3A_107 = arith.index_cast %mul3A_106 : i32 to index
      %swap3A_108 = tpu.vector_load %arg8[%swap3A_107] {strides = array<i32>} : memref<32784xi32, #tpu.memory_space<vmem>>, vector<16xi32>,
      tpu.vector_store %arg8[%swap3A_107], %broadcast_in_dim3A_5 {strides = array<i32>} : memref<32784xi32, #tpu.memory_space<vmem>>, vector<16xi32>,
      %mul3A_109 = arith.constant 16 : i32
      %mul3A_110 = arith.muli %scan3A_44, %mul3A_109 : i32
      %add3A_111 = arith.constant 8 : i32
      %add3A_112 = arith.addi %mul3A_110, %add3A_111 : i32
      %mul3A_113 = arith.constant 16 : i32
      %mul3A_114 = arith.muli %add3A_112, %mul3A_113 : i32
      %swap3A_115 = arith.index_cast %mul3A_114 : i32 to index
      %swap3A_116 = tpu.vector_load %arg8[%swap3A_115] {strides = array<i32>} : memref<32784xi32, #tpu.memory_space<vmem>>, vector<16xi32>,
      tpu.vector_store %arg8[%swap3A_115], %broadcast_in_dim3A_5 {strides = array<i32>} : memref<32784xi32, #tpu.memory_space<vmem>>, vector<16xi32>,
      %mul3A_117 = arith.constant 16 : i32
      %mul3A_118 = arith.muli %scan3A_44, %mul3A_117 : i32
      %add3A_119 = arith.constant 9 : i32
      %add3A_120 = arith.addi %mul3A_118, %add3A_119 : i32
      %mul3A_121 = arith.constant 16 : i32
      %mul3A_122 = arith.muli %add3A_120, %mul3A_121 : i32
      %swap3A_123 = arith.index_cast %mul3A_122 : i32 to index
      %swap3A_124 = tpu.vector_load %arg8[%swap3A_123] {strides = array<i32>} : memref<32784xi32, #tpu.memory_space<vmem>>, vector<16xi32>,
      tpu.vector_store %arg8[%swap3A_123], %broadcast_in_dim3A_5 {strides = array<i32>} : memref<32784xi32, #tpu.memory_space<vmem>>, vector<16xi32>,
      %mul3A_125 = arith.constant 16 : i32
      %mul3A_126 = arith.muli %scan3A_44, %mul3A_125 : i32
      %add3A_127 = arith.constant 10 : i32
      %add3A_128 = arith.addi %mul3A_126, %add3A_127 : i32
      %mul3A_129 = arith.constant 16 : i32
      %mul3A_130 = arith.muli %add3A_128, %mul3A_129 : i32
      %swap3A_131 = arith.index_cast %mul3A_130 : i32 to index
      %swap3A_132 = tpu.vector_load %arg8[%swap3A_131] {strides = array<i32>} : memref<32784xi32, #tpu.memory_space<vmem>>, vector<16xi32>,
      tpu.vector_store %arg8[%swap3A_131], %broadcast_in_dim3A_5 {strides = array<i32>} : memref<32784xi32, #tpu.memory_space<vmem>>, vector<16xi32>,
      %mul3A_133 = arith.constant 16 : i32
      %mul3A_134 = arith.muli %scan3A_44, %mul3A_133 : i32
      %add3A_135 = arith.constant 11 : i32
      %add3A_136 = arith.addi %mul3A_134, %add3A_135 : i32
      %mul3A_137 = arith.constant 16 : i32
      %mul3A_138 = arith.muli %add3A_136, %mul3A_137 : i32
      %swap3A_139 = arith.index_cast %mul3A_138 : i32 to index
      %swap3A_140 = tpu.vector_load %arg8[%swap3A_139] {strides = array<i32>} : memref<32784xi32, #tpu.memory_space<vmem>>, vector<16xi32>,
      tpu.vector_store %arg8[%swap3A_139], %broadcast_in_dim3A_5 {strides = array<i32>} : memref<32784xi32, #tpu.memory_space<vmem>>, vector<16xi32>,
      %mul3A_141 = arith.constant 16 : i32
      %mul3A_142 = arith.muli %scan3A_44, %mul3A_141 : i32
      %add3A_143 = arith.constant 12 : i32
      %add3A_144 = arith.addi %mul3A_142, %add3A_143 : i32
      %mul3A_145 = arith.constant 16 : i32
      %mul3A_146 = arith.muli %add3A_144, %mul3A_145 : i32
      %swap3A_147 = arith.index_cast %mul3A_146 : i32 to index
      %swap3A_148 = tpu.vector_load %arg8[%swap3A_147] {strides = array<i32>} : memref<32784xi32, #tpu.memory_space<vmem>>, vector<16xi32>,
      tpu.vector_store %arg8[%swap3A_147], %broadcast_in_dim3A_5 {strides = array<i32>} : memref<32784xi32, #tpu.memory_space<vmem>>, vector<16xi32>,
      %mul3A_149 = arith.constant 16 : i32
      %mul3A_150 = arith.muli %scan3A_44, %mul3A_149 : i32
      %add3A_151 = arith.constant 13 : i32
      %add3A_152 = arith.addi %mul3A_150, %add3A_151 : i32
      %mul3A_153 = arith.constant 16 : i32
      %mul3A_154 = arith.muli %add3A_152, %mul3A_153 : i32
      %swap3A_155 = arith.index_cast %mul3A_154 : i32 to index
      %swap3A_156 = tpu.vector_load %arg8[%swap3A_155] {strides = array<i32>} : memref<32784xi32, #tpu.memory_space<vmem>>, vector<16xi32>,
      tpu.vector_store %arg8[%swap3A_155], %broadcast_in_dim3A_5 {strides = array<i32>} : memref<32784xi32, #tpu.memory_space<vmem>>, vector<16xi32>,
      %mul3A_157 = arith.constant 16 : i32
      %mul3A_158 = arith.muli %scan3A_44, %mul3A_157 : i32
      %add3A_159 = arith.constant 14 : i32
      %add3A_160 = arith.addi %mul3A_158, %add3A_159 : i32
      %mul3A_161 = arith.constant 16 : i32
      %mul3A_162 = arith.muli %add3A_160, %mul3A_161 : i32
      %swap3A_163 = arith.index_cast %mul3A_162 : i32 to index
      %swap3A_164 = tpu.vector_load %arg8[%swap3A_163] {strides = array<i32>} : memref<32784xi32, #tpu.memory_space<vmem>>, vector<16xi32>,
      tpu.vector_store %arg8[%swap3A_163], %broadcast_in_dim3A_5 {strides = array<i32>} : memref<32784xi32, #tpu.memory_space<vmem>>, vector<16xi32>,
      %mul3A_165 = arith.constant 16 : i32
      %mul3A_166 = arith.muli %scan3A_44, %mul3A_165 : i32
      %add3A_167 = arith.constant 15 : i32
      %add3A_168 = arith.addi %mul3A_166, %add3A_167 : i32
      %mul3A_169 = arith.constant 16 : i32
      %mul3A_170 = arith.muli %add3A_168, %mul3A_169 : i32
      %swap3A_171 = arith.index_cast %mul3A_170 : i32 to index
      %swap3A_172 = tpu.vector_load %arg8[%swap3A_171] {strides = array<i32>} : memref<32784xi32, #tpu.memory_space<vmem>>, vector<16xi32>,
      tpu.vector_store %arg8[%swap3A_171], %broadcast_in_dim3A_5 {strides = array<i32>} : memref<32784xi32, #tpu.memory_space<vmem>>, vector<16xi32>,
    }
    %scan3A_10 = arith.constant 128 : i32
    %swap3A = arith.constant 32768 : index
    %swap3A_11 = tpu.vector_load %arg8[%swap3A] {strides = array<i32>} : memref<32784xi32, #tpu.memory_space<vmem>>, vector<16xi32>,
    tpu.vector_store %arg8[%swap3A], %broadcast_in_dim3A_5 {strides = array<i32>} : memref<32784xi32, #tpu.memory_space<vmem>>, vector<16xi32>,
    %iota3A = tpu.iota {dimensions = array<i32: 0>} : vector<16xi32>
    %mul3A_12 = arith.constant 2049 : i32
    %mul3A_13 = vector.broadcast %mul3A_12 : i32 to vector<16xi32>
    %mul3A_14 = arith.muli %iota3A, %mul3A_13 : vector<16xi32>
    %broadcast_in_dim3A_15 = arith.constant 1 : i32
    %broadcast_in_dim3A_16 = vector.broadcast %broadcast_in_dim3A_15 : i32 to vector<16xi32>
    %dma_wait3A = tpu.memref_slice %arg2[%mul3A_2] : memref<1048576xi32, #tpu.memory_space<hbm>> -> memref<16384xi32, #tpu.memory_space<hbm>>
    %dma_wait3A_17 = tpu.memref_slice %arg2[%mul3A_2] : memref<1048576xi32, #tpu.memory_space<hbm>> -> memref<16384xi32, #tpu.memory_space<hbm>>
    tpu.wait_dma2 semaphore(%arg10 : memref<!tpu.dma_semaphore, #tpu.memory_space<semaphore_mem>>) src(%dma_wait3A_17 : memref<16384xi32, #tpu.memory_space<hbm>>) dst(%arg5 : memref<16384xi32, #tpu.memory_space<vmem>>)
    %add3A_18 = arith.constant 16384 : i32
    %add3A_19 = arith.addi %mul3A_2, %add3A_18 : i32
    %dma_start3A_20 = tpu.memref_slice %arg2[%add3A_19] : memref<1048576xi32, #tpu.memory_space<hbm>> -> memref<16384xi32, #tpu.memory_space<hbm>>
    %dma_start3A_21 = tpu.memref_slice %arg2[%add3A_19] : memref<1048576xi32, #tpu.memory_space<hbm>> -> memref<16384xi32, #tpu.memory_space<hbm>>
    tpu.enqueue_dma source(%dma_start3A_21 : memref<16384xi32, #tpu.memory_space<hbm>>) target(%arg6 : memref<16384xi32, #tpu.memory_space<vmem>>) target_semaphore(%arg11 : memref<!tpu.dma_semaphore, #tpu.memory_space<semaphore_mem>>)
    %scan3A_22 = arith.constant 0 : i32
    %scan3A_23 = arith.constant 2097151 : i32
    %scan3A_24 = arith.constant 0 : i32
    %scan3A_25 = arith.constant 64 : i32
    %scan3A_26 = arith.addi %scan3A_24, %scan3A_25 : i32
    %scan3A_27 = arith.constant 1 : i32
    scf.for %scan3A_44 = %scan3A_24 to %scan3A_26 step %scan3A_27  : i32 {
      %mul3A_45 = arith.constant 16 : i32
      %mul3A_46 = arith.muli %scan3A_44, %mul3A_45 : i32
      %add3A_47 = arith.constant 0 : i32
      %add3A_48 = arith.addi %mul3A_46, %add3A_47 : i32
      %mul3A_49 = arith.constant 16 : i32
      %mul3A_50 = arith.muli %add3A_48, %mul3A_49 : i32
      %get3A_51 = arith.index_cast %mul3A_50 : i32 to index
      %get3A_52 = tpu.vector_load %arg5[%get3A_51] {strides = array<i32>} : memref<16384xi32, #tpu.memory_space<vmem>>, vector<16xi32>,
      %sub3A = arith.subi %get3A_52, %get3A_4 : vector<16xi32>
      %le3A = vector.broadcast %scan3A_23 : i32 to vector<16xi32>
      %le3A_53 = arith.cmpi ule, %sub3A, %le3A : vector<16xi32>
      %shift_right_logical3A = arith.constant 10 : i32
      %shift_right_logical3A_54 = vector.broadcast %shift_right_logical3A : i32 to vector<16xi32>
      %shift_right_logical3A_55 = arith.shrui %sub3A, %shift_right_logical3A_54 : vector<16xi32>
      %add3A_56 = arith.addi %mul3A_14, %shift_right_logical3A_55 : vector<16xi32>
      tpu.vector_store_idx %arg8[%add3A_56], %broadcast_in_dim3A_16 masked %le3A_53 {add = true} : memref<32784xi32, #tpu.memory_space<vmem>>[vector<16xi32>], vector<16xi32>, vector<16xi1>
      %mul3A_57 = arith.constant 16 : i32
      %mul3A_58 = arith.muli %scan3A_44, %mul3A_57 : i32
      %add3A_59 = arith.constant 1 : i32
      %add3A_60 = arith.addi %mul3A_58, %add3A_59 : i32
      %mul3A_61 = arith.constant 16 : i32
      %mul3A_62 = arith.muli %add3A_60, %mul3A_61 : i32
      %get3A_63 = arith.index_cast %mul3A_62 : i32 to index
      %get3A_64 = tpu.vector_load %arg5[%get3A_63] {strides = array<i32>} : memref<16384xi32, #tpu.memory_space<vmem>>, vector<16xi32>,
      %sub3A_65 = arith.subi %get3A_64, %get3A_4 : vector<16xi32>
      %le3A_66 = vector.broadcast %scan3A_23 : i32 to vector<16xi32>
      %le3A_67 = arith.cmpi ule, %sub3A_65, %le3A_66 : vector<16xi32>
      %shift_right_logical3A_68 = arith.constant 10 : i32
      %shift_right_logical3A_69 = vector.broadcast %shift_right_logical3A_68 : i32 to vector<16xi32>
      %shift_right_logical3A_70 = arith.shrui %sub3A_65, %shift_right_logical3A_69 : vector<16xi32>
      %add3A_71 = arith.addi %mul3A_14, %shift_right_logical3A_70 : vector<16xi32>
      tpu.vector_store_idx %arg8[%add3A_71], %broadcast_in_dim3A_16 masked %le3A_67 {add = true} : memref<32784xi32, #tpu.memory_space<vmem>>[vector<16xi32>], vector<16xi32>, vector<16xi1>
      %mul3A_72 = arith.constant 16 : i32
      %mul3A_73 = arith.muli %scan3A_44, %mul3A_72 : i32
      %add3A_74 = arith.constant 2 : i32
      %add3A_75 = arith.addi %mul3A_73, %add3A_74 : i32
      %mul3A_76 = arith.constant 16 : i32
      %mul3A_77 = arith.muli %add3A_75, %mul3A_76 : i32
      %get3A_78 = arith.index_cast %mul3A_77 : i32 to index
      %get3A_79 = tpu.vector_load %arg5[%get3A_78] {strides = array<i32>} : memref<16384xi32, #tpu.memory_space<vmem>>, vector<16xi32>,
      %sub3A_80 = arith.subi %get3A_79, %get3A_4 : vector<16xi32>
      %le3A_81 = vector.broadcast %scan3A_23 : i32 to vector<16xi32>
      %le3A_82 = arith.cmpi ule, %sub3A_80, %le3A_81 : vector<16xi32>
      %shift_right_logical3A_83 = arith.constant 10 : i32
      %shift_right_logical3A_84 = vector.broadcast %shift_right_logical3A_83 : i32 to vector<16xi32>
      %shift_right_logical3A_85 = arith.shrui %sub3A_80, %shift_right_logical3A_84 : vector<16xi32>
      %add3A_86 = arith.addi %mul3A_14, %shift_right_logical3A_85 : vector<16xi32>
      tpu.vector_store_idx %arg8[%add3A_86], %broadcast_in_dim3A_16 masked %le3A_82 {add = true} : memref<32784xi32, #tpu.memory_space<vmem>>[vector<16xi32>], vector<16xi32>, vector<16xi1>
      %mul3A_87 = arith.constant 16 : i32
      %mul3A_88 = arith.muli %scan3A_44, %mul3A_87 : i32
      %add3A_89 = arith.constant 3 : i32
      %add3A_90 = arith.addi %mul3A_88, %add3A_89 : i32
      %mul3A_91 = arith.constant 16 : i32
      %mul3A_92 = arith.muli %add3A_90, %mul3A_91 : i32
      %get3A_93 = arith.index_cast %mul3A_92 : i32 to index
      %get3A_94 = tpu.vector_load %arg5[%get3A_93] {strides = array<i32>} : memref<16384xi32, #tpu.memory_space<vmem>>, vector<16xi32>,
      %sub3A_95 = arith.subi %get3A_94, %get3A_4 : vector<16xi32>
      %le3A_96 = vector.broadcast %scan3A_23 : i32 to vector<16xi32>
      %le3A_97 = arith.cmpi ule, %sub3A_95, %le3A_96 : vector<16xi32>
      %shift_right_logical3A_98 = arith.constant 10 : i32
      %shift_right_logical3A_99 = vector.broadcast %shift_right_logical3A_98 : i32 to vector<16xi32>
      %shift_right_logical3A_100 = arith.shrui %sub3A_95, %shift_right_logical3A_99 : vector<16xi32>
      %add3A_101 = arith.addi %mul3A_14, %shift_right_logical3A_100 : vector<16xi32>
      tpu.vector_store_idx %arg8[%add3A_101], %broadcast_in_dim3A_16 masked %le3A_97 {add = true} : memref<32784xi32, #tpu.memory_space<vmem>>[vector<16xi32>], vector<16xi32>, vector<16xi1>
      %mul3A_102 = arith.constant 16 : i32
      %mul3A_103 = arith.muli %scan3A_44, %mul3A_102 : i32
      %add3A_104 = arith.constant 4 : i32
      %add3A_105 = arith.addi %mul3A_103, %add3A_104 : i32
      %mul3A_106 = arith.constant 16 : i32
      %mul3A_107 = arith.muli %add3A_105, %mul3A_106 : i32
      %get3A_108 = arith.index_cast %mul3A_107 : i32 to index
      %get3A_109 = tpu.vector_load %arg5[%get3A_108] {strides = array<i32>} : memref<16384xi32, #tpu.memory_space<vmem>>, vector<16xi32>,
      %sub3A_110 = arith.subi %get3A_109, %get3A_4 : vector<16xi32>
      %le3A_111 = vector.broadcast %scan3A_23 : i32 to vector<16xi32>
      %le3A_112 = arith.cmpi ule, %sub3A_110, %le3A_111 : vector<16xi32>
      %shift_right_logical3A_113 = arith.constant 10 : i32
      %shift_right_logical3A_114 = vector.broadcast %shift_right_logical3A_113 : i32 to vector<16xi32>
      %shift_right_logical3A_115 = arith.shrui %sub3A_110, %shift_right_logical3A_114 : vector<16xi32>
      %add3A_116 = arith.addi %mul3A_14, %shift_right_logical3A_115 : vector<16xi32>
      tpu.vector_store_idx %arg8[%add3A_116], %broadcast_in_dim3A_16 masked %le3A_112 {add = true} : memref<32784xi32, #tpu.memory_space<vmem>>[vector<16xi32>], vector<16xi32>, vector<16xi1>
      %mul3A_117 = arith.constant 16 : i32
      %mul3A_118 = arith.muli %scan3A_44, %mul3A_117 : i32
      %add3A_119 = arith.constant 5 : i32
      %add3A_120 = arith.addi %mul3A_118, %add3A_119 : i32
      %mul3A_121 = arith.constant 16 : i32
      %mul3A_122 = arith.muli %add3A_120, %mul3A_121 : i32
      %get3A_123 = arith.index_cast %mul3A_122 : i32 to index
      %get3A_124 = tpu.vector_load %arg5[%get3A_123] {strides = array<i32>} : memref<16384xi32, #tpu.memory_space<vmem>>, vector<16xi32>,
      %sub3A_125 = arith.subi %get3A_124, %get3A_4 : vector<16xi32>
      %le3A_126 = vector.broadcast %scan3A_23 : i32 to vector<16xi32>
      %le3A_127 = arith.cmpi ule, %sub3A_125, %le3A_126 : vector<16xi32>
      %shift_right_logical3A_128 = arith.constant 10 : i32
      %shift_right_logical3A_129 = vector.broadcast %shift_right_logical3A_128 : i32 to vector<16xi32>
      %shift_right_logical3A_130 = arith.shrui %sub3A_125, %shift_right_logical3A_129 : vector<16xi32>
      %add3A_131 = arith.addi %mul3A_14, %shift_right_logical3A_130 : vector<16xi32>
      tpu.vector_store_idx %arg8[%add3A_131], %broadcast_in_dim3A_16 masked %le3A_127 {add = true} : memref<32784xi32, #tpu.memory_space<vmem>>[vector<16xi32>], vector<16xi32>, vector<16xi1>
      %mul3A_132 = arith.constant 16 : i32
      %mul3A_133 = arith.muli %scan3A_44, %mul3A_132 : i32
      %add3A_134 = arith.constant 6 : i32
      %add3A_135 = arith.addi %mul3A_133, %add3A_134 : i32
      %mul3A_136 = arith.constant 16 : i32
      %mul3A_137 = arith.muli %add3A_135, %mul3A_136 : i32
      %get3A_138 = arith.index_cast %mul3A_137 : i32 to index
      %get3A_139 = tpu.vector_load %arg5[%get3A_138] {strides = array<i32>} : memref<16384xi32, #tpu.memory_space<vmem>>, vector<16xi32>,
      %sub3A_140 = arith.subi %get3A_139, %get3A_4 : vector<16xi32>
      %le3A_141 = vector.broadcast %scan3A_23 : i32 to vector<16xi32>
      %le3A_142 = arith.cmpi ule, %sub3A_140, %le3A_141 : vector<16xi32>
      %shift_right_logical3A_143 = arith.constant 10 : i32
      %shift_right_logical3A_144 = vector.broadcast %shift_right_logical3A_143 : i32 to vector<16xi32>
      %shift_right_logical3A_145 = arith.shrui %sub3A_140, %shift_right_logical3A_144 : vector<16xi32>
      %add3A_146 = arith.addi %mul3A_14, %shift_right_logical3A_145 : vector<16xi32>
      tpu.vector_store_idx %arg8[%add3A_146], %broadcast_in_dim3A_16 masked %le3A_142 {add = true} : memref<32784xi32, #tpu.memory_space<vmem>>[vector<16xi32>], vector<16xi32>, vector<16xi1>
      %mul3A_147 = arith.constant 16 : i32
      %mul3A_148 = arith.muli %scan3A_44, %mul3A_147 : i32
      %add3A_149 = arith.constant 7 : i32
      %add3A_150 = arith.addi %mul3A_148, %add3A_149 : i32
      %mul3A_151 = arith.constant 16 : i32
      %mul3A_152 = arith.muli %add3A_150, %mul3A_151 : i32
      %get3A_153 = arith.index_cast %mul3A_152 : i32 to index
      %get3A_154 = tpu.vector_load %arg5[%get3A_153] {strides = array<i32>} : memref<16384xi32, #tpu.memory_space<vmem>>, vector<16xi32>,
      %sub3A_155 = arith.subi %get3A_154, %get3A_4 : vector<16xi32>
      %le3A_156 = vector.broadcast %scan3A_23 : i32 to vector<16xi32>
      %le3A_157 = arith.cmpi ule, %sub3A_155, %le3A_156 : vector<16xi32>
      %shift_right_logical3A_158 = arith.constant 10 : i32
      %shift_right_logical3A_159 = vector.broadcast %shift_right_logical3A_158 : i32 to vector<16xi32>
      %shift_right_logical3A_160 = arith.shrui %sub3A_155, %shift_right_logical3A_159 : vector<16xi32>
      %add3A_161 = arith.addi %mul3A_14, %shift_right_logical3A_160 : vector<16xi32>
      tpu.vector_store_idx %arg8[%add3A_161], %broadcast_in_dim3A_16 masked %le3A_157 {add = true} : memref<32784xi32, #tpu.memory_space<vmem>>[vector<16xi32>], vector<16xi32>, vector<16xi1>
      %mul3A_162 = arith.constant 16 : i32
      %mul3A_163 = arith.muli %scan3A_44, %mul3A_162 : i32
      %add3A_164 = arith.constant 8 : i32
      %add3A_165 = arith.addi %mul3A_163, %add3A_164 : i32
      %mul3A_166 = arith.constant 16 : i32
      %mul3A_167 = arith.muli %add3A_165, %mul3A_166 : i32
      %get3A_168 = arith.index_cast %mul3A_167 : i32 to index
      %get3A_169 = tpu.vector_load %arg5[%get3A_168] {strides = array<i32>} : memref<16384xi32, #tpu.memory_space<vmem>>, vector<16xi32>,
      %sub3A_170 = arith.subi %get3A_169, %get3A_4 : vector<16xi32>
      %le3A_171 = vector.broadcast %scan3A_23 : i32 to vector<16xi32>
      %le3A_172 = arith.cmpi ule, %sub3A_170, %le3A_171 : vector<16xi32>
      %shift_right_logical3A_173 = arith.constant 10 : i32
      %shift_right_logical3A_174 = vector.broadcast %shift_right_logical3A_173 : i32 to vector<16xi32>
      %shift_right_logical3A_175 = arith.shrui %sub3A_170, %shift_right_logical3A_174 : vector<16xi32>
      %add3A_176 = arith.addi %mul3A_14, %shift_right_logical3A_175 : vector<16xi32>
      tpu.vector_store_idx %arg8[%add3A_176], %broadcast_in_dim3A_16 masked %le3A_172 {add = true} : memref<32784xi32, #tpu.memory_space<vmem>>[vector<16xi32>], vector<16xi32>, vector<16xi1>
      %mul3A_177 = arith.constant 16 : i32
      %mul3A_178 = arith.muli %scan3A_44, %mul3A_177 : i32
      %add3A_179 = arith.constant 9 : i32
      %add3A_180 = arith.addi %mul3A_178, %add3A_179 : i32
      %mul3A_181 = arith.constant 16 : i32
      %mul3A_182 = arith.muli %add3A_180, %mul3A_181 : i32
      %get3A_183 = arith.index_cast %mul3A_182 : i32 to index
      %get3A_184 = tpu.vector_load %arg5[%get3A_183] {strides = array<i32>} : memref<16384xi32, #tpu.memory_space<vmem>>, vector<16xi32>,
      %sub3A_185 = arith.subi %get3A_184, %get3A_4 : vector<16xi32>
      %le3A_186 = vector.broadcast %scan3A_23 : i32 to vector<16xi32>
      %le3A_187 = arith.cmpi ule, %sub3A_185, %le3A_186 : vector<16xi32>
      %shift_right_logical3A_188 = arith.constant 10 : i32
      %shift_right_logical3A_189 = vector.broadcast %shift_right_logical3A_188 : i32 to vector<16xi32>
      %shift_right_logical3A_190 = arith.shrui %sub3A_185, %shift_right_logical3A_189 : vector<16xi32>
      %add3A_191 = arith.addi %mul3A_14, %shift_right_logical3A_190 : vector<16xi32>
      tpu.vector_store_idx %arg8[%add3A_191], %broadcast_in_dim3A_16 masked %le3A_187 {add = true} : memref<32784xi32, #tpu.memory_space<vmem>>[vector<16xi32>], vector<16xi32>, vector<16xi1>
      %mul3A_192 = arith.constant 16 : i32
      %mul3A_193 = arith.muli %scan3A_44, %mul3A_192 : i32
      %add3A_194 = arith.constant 10 : i32
      %add3A_195 = arith.addi %mul3A_193, %add3A_194 : i32
      %mul3A_196 = arith.constant 16 : i32
      %mul3A_197 = arith.muli %add3A_195, %mul3A_196 : i32
      %get3A_198 = arith.index_cast %mul3A_197 : i32 to index
      %get3A_199 = tpu.vector_load %arg5[%get3A_198] {strides = array<i32>} : memref<16384xi32, #tpu.memory_space<vmem>>, vector<16xi32>,
      %sub3A_200 = arith.subi %get3A_199, %get3A_4 : vector<16xi32>
      %le3A_201 = vector.broadcast %scan3A_23 : i32 to vector<16xi32>
      %le3A_202 = arith.cmpi ule, %sub3A_200, %le3A_201 : vector<16xi32>
      %shift_right_logical3A_203 = arith.constant 10 : i32
      %shift_right_logical3A_204 = vector.broadcast %shift_right_logical3A_203 : i32 to vector<16xi32>
      %shift_right_logical3A_205 = arith.shrui %sub3A_200, %shift_right_logical3A_204 : vector<16xi32>
      %add3A_206 = arith.addi %mul3A_14, %shift_right_logical3A_205 : vector<16xi32>
      tpu.vector_store_idx %arg8[%add3A_206], %broadcast_in_dim3A_16 masked %le3A_202 {add = true} : memref<32784xi32, #tpu.memory_space<vmem>>[vector<16xi32>], vector<16xi32>, vector<16xi1>
      %mul3A_207 = arith.constant 16 : i32
      %mul3A_208 = arith.muli %scan3A_44, %mul3A_207 : i32
      %add3A_209 = arith.constant 11 : i32
      %add3A_210 = arith.addi %mul3A_208, %add3A_209 : i32
      %mul3A_211 = arith.constant 16 : i32
      %mul3A_212 = arith.muli %add3A_210, %mul3A_211 : i32
      %get3A_213 = arith.index_cast %mul3A_212 : i32 to index
      %get3A_214 = tpu.vector_load %arg5[%get3A_213] {strides = array<i32>} : memref<16384xi32, #tpu.memory_space<vmem>>, vector<16xi32>,
      %sub3A_215 = arith.subi %get3A_214, %get3A_4 : vector<16xi32>
      %le3A_216 = vector.broadcast %scan3A_23 : i32 to vector<16xi32>
      %le3A_217 = arith.cmpi ule, %sub3A_215, %le3A_216 : vector<16xi32>
      %shift_right_logical3A_218 = arith.constant 10 : i32
      %shift_right_logical3A_219 = vector.broadcast %shift_right_logical3A_218 : i32 to vector<16xi32>
      %shift_right_logical3A_220 = arith.shrui %sub3A_215, %shift_right_logical3A_219 : vector<16xi32>
      %add3A_221 = arith.addi %mul3A_14, %shift_right_logical3A_220 : vector<16xi32>
      tpu.vector_store_idx %arg8[%add3A_221], %broadcast_in_dim3A_16 masked %le3A_217 {add = true} : memref<32784xi32, #tpu.memory_space<vmem>>[vector<16xi32>], vector<16xi32>, vector<16xi1>
      %mul3A_222 = arith.constant 16 : i32
      %mul3A_223 = arith.muli %scan3A_44, %mul3A_222 : i32
      %add3A_224 = arith.constant 12 : i32
      %add3A_225 = arith.addi %mul3A_223, %add3A_224 : i32
      %mul3A_226 = arith.constant 16 : i32
      %mul3A_227 = arith.muli %add3A_225, %mul3A_226 : i32
      %get3A_228 = arith.index_cast %mul3A_227 : i32 to index
      %get3A_229 = tpu.vector_load %arg5[%get3A_228] {strides = array<i32>} : memref<16384xi32, #tpu.memory_space<vmem>>, vector<16xi32>,
      %sub3A_230 = arith.subi %get3A_229, %get3A_4 : vector<16xi32>
      %le3A_231 = vector.broadcast %scan3A_23 : i32 to vector<16xi32>
      %le3A_232 = arith.cmpi ule, %sub3A_230, %le3A_231 : vector<16xi32>
      %shift_right_logical3A_233 = arith.constant 10 : i32
      %shift_right_logical3A_234 = vector.broadcast %shift_right_logical3A_233 : i32 to vector<16xi32>
      %shift_right_logical3A_235 = arith.shrui %sub3A_230, %shift_right_logical3A_234 : vector<16xi32>
      %add3A_236 = arith.addi %mul3A_14, %shift_right_logical3A_235 : vector<16xi32>
      tpu.vector_store_idx %arg8[%add3A_236], %broadcast_in_dim3A_16 masked %le3A_232 {add = true} : memref<32784xi32, #tpu.memory_space<vmem>>[vector<16xi32>], vector<16xi32>, vector<16xi1>
      %mul3A_237 = arith.constant 16 : i32
      %mul3A_238 = arith.muli %scan3A_44, %mul3A_237 : i32
      %add3A_239 = arith.constant 13 : i32
      %add3A_240 = arith.addi %mul3A_238, %add3A_239 : i32
      %mul3A_241 = arith.constant 16 : i32
      %mul3A_242 = arith.muli %add3A_240, %mul3A_241 : i32
      %get3A_243 = arith.index_cast %mul3A_242 : i32 to index
      %get3A_244 = tpu.vector_load %arg5[%get3A_243] {strides = array<i32>} : memref<16384xi32, #tpu.memory_space<vmem>>, vector<16xi32>,
      %sub3A_245 = arith.subi %get3A_244, %get3A_4 : vector<16xi32>
      %le3A_246 = vector.broadcast %scan3A_23 : i32 to vector<16xi32>
      %le3A_247 = arith.cmpi ule, %sub3A_245, %le3A_246 : vector<16xi32>
      %shift_right_logical3A_248 = arith.constant 10 : i32
      %shift_right_logical3A_249 = vector.broadcast %shift_right_logical3A_248 : i32 to vector<16xi32>
      %shift_right_logical3A_250 = arith.shrui %sub3A_245, %shift_right_logical3A_249 : vector<16xi32>
      %add3A_251 = arith.addi %mul3A_14, %shift_right_logical3A_250 : vector<16xi32>
      tpu.vector_store_idx %arg8[%add3A_251], %broadcast_in_dim3A_16 masked %le3A_247 {add = true} : memref<32784xi32, #tpu.memory_space<vmem>>[vector<16xi32>], vector<16xi32>, vector<16xi1>
      %mul3A_252 = arith.constant 16 : i32
      %mul3A_253 = arith.muli %scan3A_44, %mul3A_252 : i32
      %add3A_254 = arith.constant 14 : i32
      %add3A_255 = arith.addi %mul3A_253, %add3A_254 : i32
      %mul3A_256 = arith.constant 16 : i32
      %mul3A_257 = arith.muli %add3A_255, %mul3A_256 : i32
      %get3A_258 = arith.index_cast %mul3A_257 : i32 to index
      %get3A_259 = tpu.vector_load %arg5[%get3A_258] {strides = array<i32>} : memref<16384xi32, #tpu.memory_space<vmem>>, vector<16xi32>,
      %sub3A_260 = arith.subi %get3A_259, %get3A_4 : vector<16xi32>
      %le3A_261 = vector.broadcast %scan3A_23 : i32 to vector<16xi32>
      %le3A_262 = arith.cmpi ule, %sub3A_260, %le3A_261 : vector<16xi32>
      %shift_right_logical3A_263 = arith.constant 10 : i32
      %shift_right_logical3A_264 = vector.broadcast %shift_right_logical3A_263 : i32 to vector<16xi32>
      %shift_right_logical3A_265 = arith.shrui %sub3A_260, %shift_right_logical3A_264 : vector<16xi32>
      %add3A_266 = arith.addi %mul3A_14, %shift_right_logical3A_265 : vector<16xi32>
      tpu.vector_store_idx %arg8[%add3A_266], %broadcast_in_dim3A_16 masked %le3A_262 {add = true} : memref<32784xi32, #tpu.memory_space<vmem>>[vector<16xi32>], vector<16xi32>, vector<16xi1>
      %mul3A_267 = arith.constant 16 : i32
      %mul3A_268 = arith.muli %scan3A_44, %mul3A_267 : i32
      %add3A_269 = arith.constant 15 : i32
      %add3A_270 = arith.addi %mul3A_268, %add3A_269 : i32
      %mul3A_271 = arith.constant 16 : i32
      %mul3A_272 = arith.muli %add3A_270, %mul3A_271 : i32
      %get3A_273 = arith.index_cast %mul3A_272 : i32 to index
      %get3A_274 = tpu.vector_load %arg5[%get3A_273] {strides = array<i32>} : memref<16384xi32, #tpu.memory_space<vmem>>, vector<16xi32>,
      %sub3A_275 = arith.subi %get3A_274, %get3A_4 : vector<16xi32>
      %le3A_276 = vector.broadcast %scan3A_23 : i32 to vector<16xi32>
      %le3A_277 = arith.cmpi ule, %sub3A_275, %le3A_276 : vector<16xi32>
      %shift_right_logical3A_278 = arith.constant 10 : i32
      %shift_right_logical3A_279 = vector.broadcast %shift_right_logical3A_278 : i32 to vector<16xi32>
      %shift_right_logical3A_280 = arith.shrui %sub3A_275, %shift_right_logical3A_279 : vector<16xi32>
      %add3A_281 = arith.addi %mul3A_14, %shift_right_logical3A_280 : vector<16xi32>
      tpu.vector_store_idx %arg8[%add3A_281], %broadcast_in_dim3A_16 masked %le3A_277 {add = true} : memref<32784xi32, #tpu.memory_space<vmem>>[vector<16xi32>], vector<16xi32>, vector<16xi1>
    }
    %scan3A_28 = arith.constant 64 : i32
    %dma_wait3A_29 = tpu.memref_slice %arg2[%add3A_19] : memref<1048576xi32, #tpu.memory_space<hbm>> -> memref<16384xi32, #tpu.memory_space<hbm>>
    %dma_wait3A_30 = tpu.memref_slice %arg2[%add3A_19] : memref<1048576xi32, #tpu.memory_space<hbm>> -> memref<16384xi32, #tpu.memory_space<hbm>>
    tpu.wait_dma2 semaphore(%arg11 : memref<!tpu.dma_semaphore, #tpu.memory_space<semaphore_mem>>) src(%dma_wait3A_30 : memref<16384xi32, #tpu.memory_space<hbm>>) dst(%arg6 : memref<16384xi32, #tpu.memory_space<vmem>>)
    %scan3A_31 = arith.constant 0 : i32
    %scan3A_32 = arith.constant 2097151 : i32
    %scan3A_33 = arith.constant 0 : i32
    %scan3A_34 = arith.constant 64 : i32
    %scan3A_35 = arith.addi %scan3A_33, %scan3A_34 : i32
    %scan3A_36 = arith.constant 1 : i32
    scf.for %scan3A_44 = %scan3A_33 to %scan3A_35 step %scan3A_36  : i32 {
      %mul3A_45 = arith.constant 16 : i32
      %mul3A_46 = arith.muli %scan3A_44, %mul3A_45 : i32
      %add3A_47 = arith.constant 0 : i32
      %add3A_48 = arith.addi %mul3A_46, %add3A_47 : i32
      %mul3A_49 = arith.constant 16 : i32
      %mul3A_50 = arith.muli %add3A_48, %mul3A_49 : i32
      %get3A_51 = arith.index_cast %mul3A_50 : i32 to index
      %get3A_52 = tpu.vector_load %arg6[%get3A_51] {strides = array<i32>} : memref<16384xi32, #tpu.memory_space<vmem>>, vector<16xi32>,
      %sub3A = arith.subi %get3A_52, %get3A_4 : vector<16xi32>
      %le3A = vector.broadcast %scan3A_32 : i32 to vector<16xi32>
      %le3A_53 = arith.cmpi ule, %sub3A, %le3A : vector<16xi32>
      %shift_right_logical3A = arith.constant 10 : i32
      %shift_right_logical3A_54 = vector.broadcast %shift_right_logical3A : i32 to vector<16xi32>
      %shift_right_logical3A_55 = arith.shrui %sub3A, %shift_right_logical3A_54 : vector<16xi32>
      %add3A_56 = arith.addi %mul3A_14, %shift_right_logical3A_55 : vector<16xi32>
      tpu.vector_store_idx %arg8[%add3A_56], %broadcast_in_dim3A_16 masked %le3A_53 {add = true} : memref<32784xi32, #tpu.memory_space<vmem>>[vector<16xi32>], vector<16xi32>, vector<16xi1>
      %mul3A_57 = arith.constant 16 : i32
      %mul3A_58 = arith.muli %scan3A_44, %mul3A_57 : i32
      %add3A_59 = arith.constant 1 : i32
      %add3A_60 = arith.addi %mul3A_58, %add3A_59 : i32
      %mul3A_61 = arith.constant 16 : i32
      %mul3A_62 = arith.muli %add3A_60, %mul3A_61 : i32
      %get3A_63 = arith.index_cast %mul3A_62 : i32 to index
      %get3A_64 = tpu.vector_load %arg6[%get3A_63] {strides = array<i32>} : memref<16384xi32, #tpu.memory_space<vmem>>, vector<16xi32>,
      %sub3A_65 = arith.subi %get3A_64, %get3A_4 : vector<16xi32>
      %le3A_66 = vector.broadcast %scan3A_32 : i32 to vector<16xi32>
      %le3A_67 = arith.cmpi ule, %sub3A_65, %le3A_66 : vector<16xi32>
      %shift_right_logical3A_68 = arith.constant 10 : i32
      %shift_right_logical3A_69 = vector.broadcast %shift_right_logical3A_68 : i32 to vector<16xi32>
      %shift_right_logical3A_70 = arith.shrui %sub3A_65, %shift_right_logical3A_69 : vector<16xi32>
      %add3A_71 = arith.addi %mul3A_14, %shift_right_logical3A_70 : vector<16xi32>
      tpu.vector_store_idx %arg8[%add3A_71], %broadcast_in_dim3A_16 masked %le3A_67 {add = true} : memref<32784xi32, #tpu.memory_space<vmem>>[vector<16xi32>], vector<16xi32>, vector<16xi1>
      %mul3A_72 = arith.constant 16 : i32
      %mul3A_73 = arith.muli %scan3A_44, %mul3A_72 : i32
      %add3A_74 = arith.constant 2 : i32
      %add3A_75 = arith.addi %mul3A_73, %add3A_74 : i32
      %mul3A_76 = arith.constant 16 : i32
      %mul3A_77 = arith.muli %add3A_75, %mul3A_76 : i32
      %get3A_78 = arith.index_cast %mul3A_77 : i32 to index
      %get3A_79 = tpu.vector_load %arg6[%get3A_78] {strides = array<i32>} : memref<16384xi32, #tpu.memory_space<vmem>>, vector<16xi32>,
      %sub3A_80 = arith.subi %get3A_79, %get3A_4 : vector<16xi32>
      %le3A_81 = vector.broadcast %scan3A_32 : i32 to vector<16xi32>
      %le3A_82 = arith.cmpi ule, %sub3A_80, %le3A_81 : vector<16xi32>
      %shift_right_logical3A_83 = arith.constant 10 : i32
      %shift_right_logical3A_84 = vector.broadcast %shift_right_logical3A_83 : i32 to vector<16xi32>
      %shift_right_logical3A_85 = arith.shrui %sub3A_80, %shift_right_logical3A_84 : vector<16xi32>
      %add3A_86 = arith.addi %mul3A_14, %shift_right_logical3A_85 : vector<16xi32>
      tpu.vector_store_idx %arg8[%add3A_86], %broadcast_in_dim3A_16 masked %le3A_82 {add = true} : memref<32784xi32, #tpu.memory_space<vmem>>[vector<16xi32>], vector<16xi32>, vector<16xi1>
      %mul3A_87 = arith.constant 16 : i32
      %mul3A_88 = arith.muli %scan3A_44, %mul3A_87 : i32
      %add3A_89 = arith.constant 3 : i32
      %add3A_90 = arith.addi %mul3A_88, %add3A_89 : i32
      %mul3A_91 = arith.constant 16 : i32
      %mul3A_92 = arith.muli %add3A_90, %mul3A_91 : i32
      %get3A_93 = arith.index_cast %mul3A_92 : i32 to index
      %get3A_94 = tpu.vector_load %arg6[%get3A_93] {strides = array<i32>} : memref<16384xi32, #tpu.memory_space<vmem>>, vector<16xi32>,
      %sub3A_95 = arith.subi %get3A_94, %get3A_4 : vector<16xi32>
      %le3A_96 = vector.broadcast %scan3A_32 : i32 to vector<16xi32>
      %le3A_97 = arith.cmpi ule, %sub3A_95, %le3A_96 : vector<16xi32>
      %shift_right_logical3A_98 = arith.constant 10 : i32
      %shift_right_logical3A_99 = vector.broadcast %shift_right_logical3A_98 : i32 to vector<16xi32>
      %shift_right_logical3A_100 = arith.shrui %sub3A_95, %shift_right_logical3A_99 : vector<16xi32>
      %add3A_101 = arith.addi %mul3A_14, %shift_right_logical3A_100 : vector<16xi32>
      tpu.vector_store_idx %arg8[%add3A_101], %broadcast_in_dim3A_16 masked %le3A_97 {add = true} : memref<32784xi32, #tpu.memory_space<vmem>>[vector<16xi32>], vector<16xi32>, vector<16xi1>
      %mul3A_102 = arith.constant 16 : i32
      %mul3A_103 = arith.muli %scan3A_44, %mul3A_102 : i32
      %add3A_104 = arith.constant 4 : i32
      %add3A_105 = arith.addi %mul3A_103, %add3A_104 : i32
      %mul3A_106 = arith.constant 16 : i32
      %mul3A_107 = arith.muli %add3A_105, %mul3A_106 : i32
      %get3A_108 = arith.index_cast %mul3A_107 : i32 to index
      %get3A_109 = tpu.vector_load %arg6[%get3A_108] {strides = array<i32>} : memref<16384xi32, #tpu.memory_space<vmem>>, vector<16xi32>,
      %sub3A_110 = arith.subi %get3A_109, %get3A_4 : vector<16xi32>
      %le3A_111 = vector.broadcast %scan3A_32 : i32 to vector<16xi32>
      %le3A_112 = arith.cmpi ule, %sub3A_110, %le3A_111 : vector<16xi32>
      %shift_right_logical3A_113 = arith.constant 10 : i32
      %shift_right_logical3A_114 = vector.broadcast %shift_right_logical3A_113 : i32 to vector<16xi32>
      %shift_right_logical3A_115 = arith.shrui %sub3A_110, %shift_right_logical3A_114 : vector<16xi32>
      %add3A_116 = arith.addi %mul3A_14, %shift_right_logical3A_115 : vector<16xi32>
      tpu.vector_store_idx %arg8[%add3A_116], %broadcast_in_dim3A_16 masked %le3A_112 {add = true} : memref<32784xi32, #tpu.memory_space<vmem>>[vector<16xi32>], vector<16xi32>, vector<16xi1>
      %mul3A_117 = arith.constant 16 : i32
      %mul3A_118 = arith.muli %scan3A_44, %mul3A_117 : i32
      %add3A_119 = arith.constant 5 : i32
      %add3A_120 = arith.addi %mul3A_118, %add3A_119 : i32
      %mul3A_121 = arith.constant 16 : i32
      %mul3A_122 = arith.muli %add3A_120, %mul3A_121 : i32
      %get3A_123 = arith.index_cast %mul3A_122 : i32 to index
      %get3A_124 = tpu.vector_load %arg6[%get3A_123] {strides = array<i32>} : memref<16384xi32, #tpu.memory_space<vmem>>, vector<16xi32>,
      %sub3A_125 = arith.subi %get3A_124, %get3A_4 : vector<16xi32>
      %le3A_126 = vector.broadcast %scan3A_32 : i32 to vector<16xi32>
      %le3A_127 = arith.cmpi ule, %sub3A_125, %le3A_126 : vector<16xi32>
      %shift_right_logical3A_128 = arith.constant 10 : i32
      %shift_right_logical3A_129 = vector.broadcast %shift_right_logical3A_128 : i32 to vector<16xi32>
      %shift_right_logical3A_130 = arith.shrui %sub3A_125, %shift_right_logical3A_129 : vector<16xi32>
      %add3A_131 = arith.addi %mul3A_14, %shift_right_logical3A_130 : vector<16xi32>
      tpu.vector_store_idx %arg8[%add3A_131], %broadcast_in_dim3A_16 masked %le3A_127 {add = true} : memref<32784xi32, #tpu.memory_space<vmem>>[vector<16xi32>], vector<16xi32>, vector<16xi1>
      %mul3A_132 = arith.constant 16 : i32
      %mul3A_133 = arith.muli %scan3A_44, %mul3A_132 : i32
      %add3A_134 = arith.constant 6 : i32
      %add3A_135 = arith.addi %mul3A_133, %add3A_134 : i32
      %mul3A_136 = arith.constant 16 : i32
      %mul3A_137 = arith.muli %add3A_135, %mul3A_136 : i32
      %get3A_138 = arith.index_cast %mul3A_137 : i32 to index
      %get3A_139 = tpu.vector_load %arg6[%get3A_138] {strides = array<i32>} : memref<16384xi32, #tpu.memory_space<vmem>>, vector<16xi32>,
      %sub3A_140 = arith.subi %get3A_139, %get3A_4 : vector<16xi32>
      %le3A_141 = vector.broadcast %scan3A_32 : i32 to vector<16xi32>
      %le3A_142 = arith.cmpi ule, %sub3A_140, %le3A_141 : vector<16xi32>
      %shift_right_logical3A_143 = arith.constant 10 : i32
      %shift_right_logical3A_144 = vector.broadcast %shift_right_logical3A_143 : i32 to vector<16xi32>
      %shift_right_logical3A_145 = arith.shrui %sub3A_140, %shift_right_logical3A_144 : vector<16xi32>
      %add3A_146 = arith.addi %mul3A_14, %shift_right_logical3A_145 : vector<16xi32>
      tpu.vector_store_idx %arg8[%add3A_146], %broadcast_in_dim3A_16 masked %le3A_142 {add = true} : memref<32784xi32, #tpu.memory_space<vmem>>[vector<16xi32>], vector<16xi32>, vector<16xi1>
      %mul3A_147 = arith.constant 16 : i32
      %mul3A_148 = arith.muli %scan3A_44, %mul3A_147 : i32
      %add3A_149 = arith.constant 7 : i32
      %add3A_150 = arith.addi %mul3A_148, %add3A_149 : i32
      %mul3A_151 = arith.constant 16 : i32
      %mul3A_152 = arith.muli %add3A_150, %mul3A_151 : i32
      %get3A_153 = arith.index_cast %mul3A_152 : i32 to index
      %get3A_154 = tpu.vector_load %arg6[%get3A_153] {strides = array<i32>} : memref<16384xi32, #tpu.memory_space<vmem>>, vector<16xi32>,
      %sub3A_155 = arith.subi %get3A_154, %get3A_4 : vector<16xi32>
      %le3A_156 = vector.broadcast %scan3A_32 : i32 to vector<16xi32>
      %le3A_157 = arith.cmpi ule, %sub3A_155, %le3A_156 : vector<16xi32>
      %shift_right_logical3A_158 = arith.constant 10 : i32
      %shift_right_logical3A_159 = vector.broadcast %shift_right_logical3A_158 : i32 to vector<16xi32>
      %shift_right_logical3A_160 = arith.shrui %sub3A_155, %shift_right_logical3A_159 : vector<16xi32>
      %add3A_161 = arith.addi %mul3A_14, %shift_right_logical3A_160 : vector<16xi32>
      tpu.vector_store_idx %arg8[%add3A_161], %broadcast_in_dim3A_16 masked %le3A_157 {add = true} : memref<32784xi32, #tpu.memory_space<vmem>>[vector<16xi32>], vector<16xi32>, vector<16xi1>
      %mul3A_162 = arith.constant 16 : i32
      %mul3A_163 = arith.muli %scan3A_44, %mul3A_162 : i32
      %add3A_164 = arith.constant 8 : i32
      %add3A_165 = arith.addi %mul3A_163, %add3A_164 : i32
      %mul3A_166 = arith.constant 16 : i32
      %mul3A_167 = arith.muli %add3A_165, %mul3A_166 : i32
      %get3A_168 = arith.index_cast %mul3A_167 : i32 to index
      %get3A_169 = tpu.vector_load %arg6[%get3A_168] {strides = array<i32>} : memref<16384xi32, #tpu.memory_space<vmem>>, vector<16xi32>,
      %sub3A_170 = arith.subi %get3A_169, %get3A_4 : vector<16xi32>
      %le3A_171 = vector.broadcast %scan3A_32 : i32 to vector<16xi32>
      %le3A_172 = arith.cmpi ule, %sub3A_170, %le3A_171 : vector<16xi32>
      %shift_right_logical3A_173 = arith.constant 10 : i32
      %shift_right_logical3A_174 = vector.broadcast %shift_right_logical3A_173 : i32 to vector<16xi32>
      %shift_right_logical3A_175 = arith.shrui %sub3A_170, %shift_right_logical3A_174 : vector<16xi32>
      %add3A_176 = arith.addi %mul3A_14, %shift_right_logical3A_175 : vector<16xi32>
      tpu.vector_store_idx %arg8[%add3A_176], %broadcast_in_dim3A_16 masked %le3A_172 {add = true} : memref<32784xi32, #tpu.memory_space<vmem>>[vector<16xi32>], vector<16xi32>, vector<16xi1>
      %mul3A_177 = arith.constant 16 : i32
      %mul3A_178 = arith.muli %scan3A_44, %mul3A_177 : i32
      %add3A_179 = arith.constant 9 : i32
      %add3A_180 = arith.addi %mul3A_178, %add3A_179 : i32
      %mul3A_181 = arith.constant 16 : i32
      %mul3A_182 = arith.muli %add3A_180, %mul3A_181 : i32
      %get3A_183 = arith.index_cast %mul3A_182 : i32 to index
      %get3A_184 = tpu.vector_load %arg6[%get3A_183] {strides = array<i32>} : memref<16384xi32, #tpu.memory_space<vmem>>, vector<16xi32>,
      %sub3A_185 = arith.subi %get3A_184, %get3A_4 : vector<16xi32>
      %le3A_186 = vector.broadcast %scan3A_32 : i32 to vector<16xi32>
      %le3A_187 = arith.cmpi ule, %sub3A_185, %le3A_186 : vector<16xi32>
      %shift_right_logical3A_188 = arith.constant 10 : i32
      %shift_right_logical3A_189 = vector.broadcast %shift_right_logical3A_188 : i32 to vector<16xi32>
      %shift_right_logical3A_190 = arith.shrui %sub3A_185, %shift_right_logical3A_189 : vector<16xi32>
      %add3A_191 = arith.addi %mul3A_14, %shift_right_logical3A_190 : vector<16xi32>
      tpu.vector_store_idx %arg8[%add3A_191], %broadcast_in_dim3A_16 masked %le3A_187 {add = true} : memref<32784xi32, #tpu.memory_space<vmem>>[vector<16xi32>], vector<16xi32>, vector<16xi1>
      %mul3A_192 = arith.constant 16 : i32
      %mul3A_193 = arith.muli %scan3A_44, %mul3A_192 : i32
      %add3A_194 = arith.constant 10 : i32
      %add3A_195 = arith.addi %mul3A_193, %add3A_194 : i32
      %mul3A_196 = arith.constant 16 : i32
      %mul3A_197 = arith.muli %add3A_195, %mul3A_196 : i32
      %get3A_198 = arith.index_cast %mul3A_197 : i32 to index
      %get3A_199 = tpu.vector_load %arg6[%get3A_198] {strides = array<i32>} : memref<16384xi32, #tpu.memory_space<vmem>>, vector<16xi32>,
      %sub3A_200 = arith.subi %get3A_199, %get3A_4 : vector<16xi32>
      %le3A_201 = vector.broadcast %scan3A_32 : i32 to vector<16xi32>
      %le3A_202 = arith.cmpi ule, %sub3A_200, %le3A_201 : vector<16xi32>
      %shift_right_logical3A_203 = arith.constant 10 : i32
      %shift_right_logical3A_204 = vector.broadcast %shift_right_logical3A_203 : i32 to vector<16xi32>
      %shift_right_logical3A_205 = arith.shrui %sub3A_200, %shift_right_logical3A_204 : vector<16xi32>
      %add3A_206 = arith.addi %mul3A_14, %shift_right_logical3A_205 : vector<16xi32>
      tpu.vector_store_idx %arg8[%add3A_206], %broadcast_in_dim3A_16 masked %le3A_202 {add = true} : memref<32784xi32, #tpu.memory_space<vmem>>[vector<16xi32>], vector<16xi32>, vector<16xi1>
      %mul3A_207 = arith.constant 16 : i32
      %mul3A_208 = arith.muli %scan3A_44, %mul3A_207 : i32
      %add3A_209 = arith.constant 11 : i32
      %add3A_210 = arith.addi %mul3A_208, %add3A_209 : i32
      %mul3A_211 = arith.constant 16 : i32
      %mul3A_212 = arith.muli %add3A_210, %mul3A_211 : i32
      %get3A_213 = arith.index_cast %mul3A_212 : i32 to index
      %get3A_214 = tpu.vector_load %arg6[%get3A_213] {strides = array<i32>} : memref<16384xi32, #tpu.memory_space<vmem>>, vector<16xi32>,
      %sub3A_215 = arith.subi %get3A_214, %get3A_4 : vector<16xi32>
      %le3A_216 = vector.broadcast %scan3A_32 : i32 to vector<16xi32>
      %le3A_217 = arith.cmpi ule, %sub3A_215, %le3A_216 : vector<16xi32>
      %shift_right_logical3A_218 = arith.constant 10 : i32
      %shift_right_logical3A_219 = vector.broadcast %shift_right_logical3A_218 : i32 to vector<16xi32>
      %shift_right_logical3A_220 = arith.shrui %sub3A_215, %shift_right_logical3A_219 : vector<16xi32>
      %add3A_221 = arith.addi %mul3A_14, %shift_right_logical3A_220 : vector<16xi32>
      tpu.vector_store_idx %arg8[%add3A_221], %broadcast_in_dim3A_16 masked %le3A_217 {add = true} : memref<32784xi32, #tpu.memory_space<vmem>>[vector<16xi32>], vector<16xi32>, vector<16xi1>
      %mul3A_222 = arith.constant 16 : i32
      %mul3A_223 = arith.muli %scan3A_44, %mul3A_222 : i32
      %add3A_224 = arith.constant 12 : i32
      %add3A_225 = arith.addi %mul3A_223, %add3A_224 : i32
      %mul3A_226 = arith.constant 16 : i32
      %mul3A_227 = arith.muli %add3A_225, %mul3A_226 : i32
      %get3A_228 = arith.index_cast %mul3A_227 : i32 to index
      %get3A_229 = tpu.vector_load %arg6[%get3A_228] {strides = array<i32>} : memref<16384xi32, #tpu.memory_space<vmem>>, vector<16xi32>,
      %sub3A_230 = arith.subi %get3A_229, %get3A_4 : vector<16xi32>
      %le3A_231 = vector.broadcast %scan3A_32 : i32 to vector<16xi32>
      %le3A_232 = arith.cmpi ule, %sub3A_230, %le3A_231 : vector<16xi32>
      %shift_right_logical3A_233 = arith.constant 10 : i32
      %shift_right_logical3A_234 = vector.broadcast %shift_right_logical3A_233 : i32 to vector<16xi32>
      %shift_right_logical3A_235 = arith.shrui %sub3A_230, %shift_right_logical3A_234 : vector<16xi32>
      %add3A_236 = arith.addi %mul3A_14, %shift_right_logical3A_235 : vector<16xi32>
      tpu.vector_store_idx %arg8[%add3A_236], %broadcast_in_dim3A_16 masked %le3A_232 {add = true} : memref<32784xi32, #tpu.memory_space<vmem>>[vector<16xi32>], vector<16xi32>, vector<16xi1>
      %mul3A_237 = arith.constant 16 : i32
      %mul3A_238 = arith.muli %scan3A_44, %mul3A_237 : i32
      %add3A_239 = arith.constant 13 : i32
      %add3A_240 = arith.addi %mul3A_238, %add3A_239 : i32
      %mul3A_241 = arith.constant 16 : i32
      %mul3A_242 = arith.muli %add3A_240, %mul3A_241 : i32
      %get3A_243 = arith.index_cast %mul3A_242 : i32 to index
      %get3A_244 = tpu.vector_load %arg6[%get3A_243] {strides = array<i32>} : memref<16384xi32, #tpu.memory_space<vmem>>, vector<16xi32>,
      %sub3A_245 = arith.subi %get3A_244, %get3A_4 : vector<16xi32>
      %le3A_246 = vector.broadcast %scan3A_32 : i32 to vector<16xi32>
      %le3A_247 = arith.cmpi ule, %sub3A_245, %le3A_246 : vector<16xi32>
      %shift_right_logical3A_248 = arith.constant 10 : i32
      %shift_right_logical3A_249 = vector.broadcast %shift_right_logical3A_248 : i32 to vector<16xi32>
      %shift_right_logical3A_250 = arith.shrui %sub3A_245, %shift_right_logical3A_249 : vector<16xi32>
      %add3A_251 = arith.addi %mul3A_14, %shift_right_logical3A_250 : vector<16xi32>
      tpu.vector_store_idx %arg8[%add3A_251], %broadcast_in_dim3A_16 masked %le3A_247 {add = true} : memref<32784xi32, #tpu.memory_space<vmem>>[vector<16xi32>], vector<16xi32>, vector<16xi1>
      %mul3A_252 = arith.constant 16 : i32
      %mul3A_253 = arith.muli %scan3A_44, %mul3A_252 : i32
      %add3A_254 = arith.constant 14 : i32
      %add3A_255 = arith.addi %mul3A_253, %add3A_254 : i32
      %mul3A_256 = arith.constant 16 : i32
      %mul3A_257 = arith.muli %add3A_255, %mul3A_256 : i32
      %get3A_258 = arith.index_cast %mul3A_257 : i32 to index
      %get3A_259 = tpu.vector_load %arg6[%get3A_258] {strides = array<i32>} : memref<16384xi32, #tpu.memory_space<vmem>>, vector<16xi32>,
      %sub3A_260 = arith.subi %get3A_259, %get3A_4 : vector<16xi32>
      %le3A_261 = vector.broadcast %scan3A_32 : i32 to vector<16xi32>
      %le3A_262 = arith.cmpi ule, %sub3A_260, %le3A_261 : vector<16xi32>
      %shift_right_logical3A_263 = arith.constant 10 : i32
      %shift_right_logical3A_264 = vector.broadcast %shift_right_logical3A_263 : i32 to vector<16xi32>
      %shift_right_logical3A_265 = arith.shrui %sub3A_260, %shift_right_logical3A_264 : vector<16xi32>
      %add3A_266 = arith.addi %mul3A_14, %shift_right_logical3A_265 : vector<16xi32>
      tpu.vector_store_idx %arg8[%add3A_266], %broadcast_in_dim3A_16 masked %le3A_262 {add = true} : memref<32784xi32, #tpu.memory_space<vmem>>[vector<16xi32>], vector<16xi32>, vector<16xi1>
      %mul3A_267 = arith.constant 16 : i32
      %mul3A_268 = arith.muli %scan3A_44, %mul3A_267 : i32
      %add3A_269 = arith.constant 15 : i32
      %add3A_270 = arith.addi %mul3A_268, %add3A_269 : i32
      %mul3A_271 = arith.constant 16 : i32
      %mul3A_272 = arith.muli %add3A_270, %mul3A_271 : i32
      %get3A_273 = arith.index_cast %mul3A_272 : i32 to index
      %get3A_274 = tpu.vector_load %arg6[%get3A_273] {strides = array<i32>} : memref<16384xi32, #tpu.memory_space<vmem>>, vector<16xi32>,
      %sub3A_275 = arith.subi %get3A_274, %get3A_4 : vector<16xi32>
      %le3A_276 = vector.broadcast %scan3A_32 : i32 to vector<16xi32>
      %le3A_277 = arith.cmpi ule, %sub3A_275, %le3A_276 : vector<16xi32>
      %shift_right_logical3A_278 = arith.constant 10 : i32
      %shift_right_logical3A_279 = vector.broadcast %shift_right_logical3A_278 : i32 to vector<16xi32>
      %shift_right_logical3A_280 = arith.shrui %sub3A_275, %shift_right_logical3A_279 : vector<16xi32>
      %add3A_281 = arith.addi %mul3A_14, %shift_right_logical3A_280 : vector<16xi32>
      tpu.vector_store_idx %arg8[%add3A_281], %broadcast_in_dim3A_16 masked %le3A_277 {add = true} : memref<32784xi32, #tpu.memory_space<vmem>>[vector<16xi32>], vector<16xi32>, vector<16xi1>
    }
    %scan3A_37 = arith.constant 64 : i32
    %scan3A_38 = arith.constant 0 : i32
    %scan3A_39 = arith.constant 0 : i32
    %scan3A_40 = arith.constant 64 : i32
    %scan3A_41 = arith.addi %scan3A_39, %scan3A_40 : i32
    %scan3A_42 = arith.constant 1 : i32
    scf.for %scan3A_44 = %scan3A_39 to %scan3A_41 step %scan3A_42  : i32 {
      %mul3A_45 = arith.constant 2 : i32
      %mul3A_46 = arith.muli %scan3A_44, %mul3A_45 : i32
      %add3A_47 = arith.constant 0 : i32
      %add3A_48 = arith.addi %mul3A_46, %add3A_47 : i32
      %mul3A_49 = arith.constant 16 : i32
      %mul3A_50 = arith.muli %add3A_48, %mul3A_49 : i32
      %get3A_51 = arith.index_cast %mul3A_50 : i32 to index
      %get3A_52 = tpu.vector_load %arg8[%get3A_51] {strides = array<i32>} : memref<32784xi32, #tpu.memory_space<vmem>>, vector<16xi32>,
      %mul3A_53 = arith.constant 16 : i32
      %mul3A_54 = arith.muli %add3A_48, %mul3A_53 : i32
      %add3A_55 = arith.constant 2049 : i32
      %add3A_56 = arith.addi %add3A_55, %mul3A_54 : i32
      %get3A_57 = arith.index_cast %add3A_56 : i32 to index
      %get3A_58 = tpu.vector_load %arg8[%get3A_57] {strides = array<i32>} : memref<32784xi32, #tpu.memory_space<vmem>>, vector<16xi32>,
      %add3A_59 = arith.addi %get3A_52, %get3A_58 : vector<16xi32>
      %mul3A_60 = arith.constant 16 : i32
      %mul3A_61 = arith.muli %add3A_48, %mul3A_60 : i32
      %add3A_62 = arith.constant 4098 : i32
      %add3A_63 = arith.addi %add3A_62, %mul3A_61 : i32
      %get3A_64 = arith.index_cast %add3A_63 : i32 to index
      %get3A_65 = tpu.vector_load %arg8[%get3A_64] {strides = array<i32>} : memref<32784xi32, #tpu.memory_space<vmem>>, vector<16xi32>,
      %add3A_66 = arith.addi %add3A_59, %get3A_65 : vector<16xi32>
      %mul3A_67 = arith.constant 16 : i32
      %mul3A_68 = arith.muli %add3A_48, %mul3A_67 : i32
      %add3A_69 = arith.constant 6147 : i32
      %add3A_70 = arith.addi %add3A_69, %mul3A_68 : i32
      %get3A_71 = arith.index_cast %add3A_70 : i32 to index
      %get3A_72 = tpu.vector_load %arg8[%get3A_71] {strides = array<i32>} : memref<32784xi32, #tpu.memory_space<vmem>>, vector<16xi32>,
      %add3A_73 = arith.addi %add3A_66, %get3A_72 : vector<16xi32>
      %mul3A_74 = arith.constant 16 : i32
      %mul3A_75 = arith.muli %add3A_48, %mul3A_74 : i32
      %add3A_76 = arith.constant 8196 : i32
      %add3A_77 = arith.addi %add3A_76, %mul3A_75 : i32
      %get3A_78 = arith.index_cast %add3A_77 : i32 to index
      %get3A_79 = tpu.vector_load %arg8[%get3A_78] {strides = array<i32>} : memref<32784xi32, #tpu.memory_space<vmem>>, vector<16xi32>,
      %add3A_80 = arith.addi %add3A_73, %get3A_79 : vector<16xi32>
      %mul3A_81 = arith.constant 16 : i32
      %mul3A_82 = arith.muli %add3A_48, %mul3A_81 : i32
      %add3A_83 = arith.constant 10245 : i32
      %add3A_84 = arith.addi %add3A_83, %mul3A_82 : i32
      %get3A_85 = arith.index_cast %add3A_84 : i32 to index
      %get3A_86 = tpu.vector_load %arg8[%get3A_85] {strides = array<i32>} : memref<32784xi32, #tpu.memory_space<vmem>>, vector<16xi32>,
      %add3A_87 = arith.addi %add3A_80, %get3A_86 : vector<16xi32>
      %mul3A_88 = arith.constant 16 : i32
      %mul3A_89 = arith.muli %add3A_48, %mul3A_88 : i32
      %add3A_90 = arith.constant 12294 : i32
      %add3A_91 = arith.addi %add3A_90, %mul3A_89 : i32
      %get3A_92 = arith.index_cast %add3A_91 : i32 to index
      %get3A_93 = tpu.vector_load %arg8[%get3A_92] {strides = array<i32>} : memref<32784xi32, #tpu.memory_space<vmem>>, vector<16xi32>,
      %add3A_94 = arith.addi %add3A_87, %get3A_93 : vector<16xi32>
      %mul3A_95 = arith.constant 16 : i32
      %mul3A_96 = arith.muli %add3A_48, %mul3A_95 : i32
      %add3A_97 = arith.constant 14343 : i32
      %add3A_98 = arith.addi %add3A_97, %mul3A_96 : i32
      %get3A_99 = arith.index_cast %add3A_98 : i32 to index
      %get3A_100 = tpu.vector_load %arg8[%get3A_99] {strides = array<i32>} : memref<32784xi32, #tpu.memory_space<vmem>>, vector<16xi32>,
      %add3A_101 = arith.addi %add3A_94, %get3A_100 : vector<16xi32>
      %mul3A_102 = arith.constant 16 : i32
      %mul3A_103 = arith.muli %add3A_48, %mul3A_102 : i32
      %add3A_104 = arith.constant 16392 : i32
      %add3A_105 = arith.addi %add3A_104, %mul3A_103 : i32
      %get3A_106 = arith.index_cast %add3A_105 : i32 to index
      %get3A_107 = tpu.vector_load %arg8[%get3A_106] {strides = array<i32>} : memref<32784xi32, #tpu.memory_space<vmem>>, vector<16xi32>,
      %add3A_108 = arith.addi %add3A_101, %get3A_107 : vector<16xi32>
      %mul3A_109 = arith.constant 16 : i32
      %mul3A_110 = arith.muli %add3A_48, %mul3A_109 : i32
      %add3A_111 = arith.constant 18441 : i32
      %add3A_112 = arith.addi %add3A_111, %mul3A_110 : i32
      %get3A_113 = arith.index_cast %add3A_112 : i32 to index
      %get3A_114 = tpu.vector_load %arg8[%get3A_113] {strides = array<i32>} : memref<32784xi32, #tpu.memory_space<vmem>>, vector<16xi32>,
      %add3A_115 = arith.addi %add3A_108, %get3A_114 : vector<16xi32>
      %mul3A_116 = arith.constant 16 : i32
      %mul3A_117 = arith.muli %add3A_48, %mul3A_116 : i32
      %add3A_118 = arith.constant 20490 : i32
      %add3A_119 = arith.addi %add3A_118, %mul3A_117 : i32
      %get3A_120 = arith.index_cast %add3A_119 : i32 to index
      %get3A_121 = tpu.vector_load %arg8[%get3A_120] {strides = array<i32>} : memref<32784xi32, #tpu.memory_space<vmem>>, vector<16xi32>,
      %add3A_122 = arith.addi %add3A_115, %get3A_121 : vector<16xi32>
      %mul3A_123 = arith.constant 16 : i32
      %mul3A_124 = arith.muli %add3A_48, %mul3A_123 : i32
      %add3A_125 = arith.constant 22539 : i32
      %add3A_126 = arith.addi %add3A_125, %mul3A_124 : i32
      %get3A_127 = arith.index_cast %add3A_126 : i32 to index
      %get3A_128 = tpu.vector_load %arg8[%get3A_127] {strides = array<i32>} : memref<32784xi32, #tpu.memory_space<vmem>>, vector<16xi32>,
      %add3A_129 = arith.addi %add3A_122, %get3A_128 : vector<16xi32>
      %mul3A_130 = arith.constant 16 : i32
      %mul3A_131 = arith.muli %add3A_48, %mul3A_130 : i32
      %add3A_132 = arith.constant 24588 : i32
      %add3A_133 = arith.addi %add3A_132, %mul3A_131 : i32
      %get3A_134 = arith.index_cast %add3A_133 : i32 to index
      %get3A_135 = tpu.vector_load %arg8[%get3A_134] {strides = array<i32>} : memref<32784xi32, #tpu.memory_space<vmem>>, vector<16xi32>,
      %add3A_136 = arith.addi %add3A_129, %get3A_135 : vector<16xi32>
      %mul3A_137 = arith.constant 16 : i32
      %mul3A_138 = arith.muli %add3A_48, %mul3A_137 : i32
      %add3A_139 = arith.constant 26637 : i32
      %add3A_140 = arith.addi %add3A_139, %mul3A_138 : i32
      %get3A_141 = arith.index_cast %add3A_140 : i32 to index
      %get3A_142 = tpu.vector_load %arg8[%get3A_141] {strides = array<i32>} : memref<32784xi32, #tpu.memory_space<vmem>>, vector<16xi32>,
      %add3A_143 = arith.addi %add3A_136, %get3A_142 : vector<16xi32>
      %mul3A_144 = arith.constant 16 : i32
      %mul3A_145 = arith.muli %add3A_48, %mul3A_144 : i32
      %add3A_146 = arith.constant 28686 : i32
      %add3A_147 = arith.addi %add3A_146, %mul3A_145 : i32
      %get3A_148 = arith.index_cast %add3A_147 : i32 to index
      %get3A_149 = tpu.vector_load %arg8[%get3A_148] {strides = array<i32>} : memref<32784xi32, #tpu.memory_space<vmem>>, vector<16xi32>,
      %add3A_150 = arith.addi %add3A_143, %get3A_149 : vector<16xi32>
      %mul3A_151 = arith.constant 16 : i32
      %mul3A_152 = arith.muli %add3A_48, %mul3A_151 : i32
      %add3A_153 = arith.constant 30735 : i32
      %add3A_154 = arith.addi %add3A_153, %mul3A_152 : i32
      %get3A_155 = arith.index_cast %add3A_154 : i32 to index
      %get3A_156 = tpu.vector_load %arg8[%get3A_155] {strides = array<i32>} : memref<32784xi32, #tpu.memory_space<vmem>>, vector<16xi32>,
      %add3A_157 = arith.addi %add3A_150, %get3A_156 : vector<16xi32>
      %mul3A_158 = arith.constant 16 : i32
      %mul3A_159 = arith.muli %add3A_48, %mul3A_158 : i32
      %swap3A_160 = arith.index_cast %mul3A_159 : i32 to index
      %swap3A_161 = tpu.vector_load %arg9[%swap3A_160] {strides = array<i32>} : memref<2048xi32, #tpu.memory_space<vmem>>, vector<16xi32>,
      tpu.vector_store %arg9[%swap3A_160], %add3A_157 {strides = array<i32>} : memref<2048xi32, #tpu.memory_space<vmem>>, vector<16xi32>,
      %mul3A_162 = arith.constant 2 : i32
      %mul3A_163 = arith.muli %scan3A_44, %mul3A_162 : i32
      %add3A_164 = arith.constant 1 : i32
      %add3A_165 = arith.addi %mul3A_163, %add3A_164 : i32
      %mul3A_166 = arith.constant 16 : i32
      %mul3A_167 = arith.muli %add3A_165, %mul3A_166 : i32
      %get3A_168 = arith.index_cast %mul3A_167 : i32 to index
      %get3A_169 = tpu.vector_load %arg8[%get3A_168] {strides = array<i32>} : memref<32784xi32, #tpu.memory_space<vmem>>, vector<16xi32>,
      %mul3A_170 = arith.constant 16 : i32
      %mul3A_171 = arith.muli %add3A_165, %mul3A_170 : i32
      %add3A_172 = arith.constant 2049 : i32
      %add3A_173 = arith.addi %add3A_172, %mul3A_171 : i32
      %get3A_174 = arith.index_cast %add3A_173 : i32 to index
      %get3A_175 = tpu.vector_load %arg8[%get3A_174] {strides = array<i32>} : memref<32784xi32, #tpu.memory_space<vmem>>, vector<16xi32>,
      %add3A_176 = arith.addi %get3A_169, %get3A_175 : vector<16xi32>
      %mul3A_177 = arith.constant 16 : i32
      %mul3A_178 = arith.muli %add3A_165, %mul3A_177 : i32
      %add3A_179 = arith.constant 4098 : i32
      %add3A_180 = arith.addi %add3A_179, %mul3A_178 : i32
      %get3A_181 = arith.index_cast %add3A_180 : i32 to index
      %get3A_182 = tpu.vector_load %arg8[%get3A_181] {strides = array<i32>} : memref<32784xi32, #tpu.memory_space<vmem>>, vector<16xi32>,
      %add3A_183 = arith.addi %add3A_176, %get3A_182 : vector<16xi32>
      %mul3A_184 = arith.constant 16 : i32
      %mul3A_185 = arith.muli %add3A_165, %mul3A_184 : i32
      %add3A_186 = arith.constant 6147 : i32
      %add3A_187 = arith.addi %add3A_186, %mul3A_185 : i32
      %get3A_188 = arith.index_cast %add3A_187 : i32 to index
      %get3A_189 = tpu.vector_load %arg8[%get3A_188] {strides = array<i32>} : memref<32784xi32, #tpu.memory_space<vmem>>, vector<16xi32>,
      %add3A_190 = arith.addi %add3A_183, %get3A_189 : vector<16xi32>
      %mul3A_191 = arith.constant 16 : i32
      %mul3A_192 = arith.muli %add3A_165, %mul3A_191 : i32
      %add3A_193 = arith.constant 8196 : i32
      %add3A_194 = arith.addi %add3A_193, %mul3A_192 : i32
      %get3A_195 = arith.index_cast %add3A_194 : i32 to index
      %get3A_196 = tpu.vector_load %arg8[%get3A_195] {strides = array<i32>} : memref<32784xi32, #tpu.memory_space<vmem>>, vector<16xi32>,
      %add3A_197 = arith.addi %add3A_190, %get3A_196 : vector<16xi32>
      %mul3A_198 = arith.constant 16 : i32
      %mul3A_199 = arith.muli %add3A_165, %mul3A_198 : i32
      %add3A_200 = arith.constant 10245 : i32
      %add3A_201 = arith.addi %add3A_200, %mul3A_199 : i32
      %get3A_202 = arith.index_cast %add3A_201 : i32 to index
      %get3A_203 = tpu.vector_load %arg8[%get3A_202] {strides = array<i32>} : memref<32784xi32, #tpu.memory_space<vmem>>, vector<16xi32>,
      %add3A_204 = arith.addi %add3A_197, %get3A_203 : vector<16xi32>
      %mul3A_205 = arith.constant 16 : i32
      %mul3A_206 = arith.muli %add3A_165, %mul3A_205 : i32
      %add3A_207 = arith.constant 12294 : i32
      %add3A_208 = arith.addi %add3A_207, %mul3A_206 : i32
      %get3A_209 = arith.index_cast %add3A_208 : i32 to index
      %get3A_210 = tpu.vector_load %arg8[%get3A_209] {strides = array<i32>} : memref<32784xi32, #tpu.memory_space<vmem>>, vector<16xi32>,
      %add3A_211 = arith.addi %add3A_204, %get3A_210 : vector<16xi32>
      %mul3A_212 = arith.constant 16 : i32
      %mul3A_213 = arith.muli %add3A_165, %mul3A_212 : i32
      %add3A_214 = arith.constant 14343 : i32
      %add3A_215 = arith.addi %add3A_214, %mul3A_213 : i32
      %get3A_216 = arith.index_cast %add3A_215 : i32 to index
      %get3A_217 = tpu.vector_load %arg8[%get3A_216] {strides = array<i32>} : memref<32784xi32, #tpu.memory_space<vmem>>, vector<16xi32>,
      %add3A_218 = arith.addi %add3A_211, %get3A_217 : vector<16xi32>
      %mul3A_219 = arith.constant 16 : i32
      %mul3A_220 = arith.muli %add3A_165, %mul3A_219 : i32
      %add3A_221 = arith.constant 16392 : i32
      %add3A_222 = arith.addi %add3A_221, %mul3A_220 : i32
      %get3A_223 = arith.index_cast %add3A_222 : i32 to index
      %get3A_224 = tpu.vector_load %arg8[%get3A_223] {strides = array<i32>} : memref<32784xi32, #tpu.memory_space<vmem>>, vector<16xi32>,
      %add3A_225 = arith.addi %add3A_218, %get3A_224 : vector<16xi32>
      %mul3A_226 = arith.constant 16 : i32
      %mul3A_227 = arith.muli %add3A_165, %mul3A_226 : i32
      %add3A_228 = arith.constant 18441 : i32
      %add3A_229 = arith.addi %add3A_228, %mul3A_227 : i32
      %get3A_230 = arith.index_cast %add3A_229 : i32 to index
      %get3A_231 = tpu.vector_load %arg8[%get3A_230] {strides = array<i32>} : memref<32784xi32, #tpu.memory_space<vmem>>, vector<16xi32>,
      %add3A_232 = arith.addi %add3A_225, %get3A_231 : vector<16xi32>
      %mul3A_233 = arith.constant 16 : i32
      %mul3A_234 = arith.muli %add3A_165, %mul3A_233 : i32
      %add3A_235 = arith.constant 20490 : i32
      %add3A_236 = arith.addi %add3A_235, %mul3A_234 : i32
      %get3A_237 = arith.index_cast %add3A_236 : i32 to index
      %get3A_238 = tpu.vector_load %arg8[%get3A_237] {strides = array<i32>} : memref<32784xi32, #tpu.memory_space<vmem>>, vector<16xi32>,
      %add3A_239 = arith.addi %add3A_232, %get3A_238 : vector<16xi32>
      %mul3A_240 = arith.constant 16 : i32
      %mul3A_241 = arith.muli %add3A_165, %mul3A_240 : i32
      %add3A_242 = arith.constant 22539 : i32
      %add3A_243 = arith.addi %add3A_242, %mul3A_241 : i32
      %get3A_244 = arith.index_cast %add3A_243 : i32 to index
      %get3A_245 = tpu.vector_load %arg8[%get3A_244] {strides = array<i32>} : memref<32784xi32, #tpu.memory_space<vmem>>, vector<16xi32>,
      %add3A_246 = arith.addi %add3A_239, %get3A_245 : vector<16xi32>
      %mul3A_247 = arith.constant 16 : i32
      %mul3A_248 = arith.muli %add3A_165, %mul3A_247 : i32
      %add3A_249 = arith.constant 24588 : i32
      %add3A_250 = arith.addi %add3A_249, %mul3A_248 : i32
      %get3A_251 = arith.index_cast %add3A_250 : i32 to index
      %get3A_252 = tpu.vector_load %arg8[%get3A_251] {strides = array<i32>} : memref<32784xi32, #tpu.memory_space<vmem>>, vector<16xi32>,
      %add3A_253 = arith.addi %add3A_246, %get3A_252 : vector<16xi32>
      %mul3A_254 = arith.constant 16 : i32
      %mul3A_255 = arith.muli %add3A_165, %mul3A_254 : i32
      %add3A_256 = arith.constant 26637 : i32
      %add3A_257 = arith.addi %add3A_256, %mul3A_255 : i32
      %get3A_258 = arith.index_cast %add3A_257 : i32 to index
      %get3A_259 = tpu.vector_load %arg8[%get3A_258] {strides = array<i32>} : memref<32784xi32, #tpu.memory_space<vmem>>, vector<16xi32>,
      %add3A_260 = arith.addi %add3A_253, %get3A_259 : vector<16xi32>
      %mul3A_261 = arith.constant 16 : i32
      %mul3A_262 = arith.muli %add3A_165, %mul3A_261 : i32
      %add3A_263 = arith.constant 28686 : i32
      %add3A_264 = arith.addi %add3A_263, %mul3A_262 : i32
      %get3A_265 = arith.index_cast %add3A_264 : i32 to index
      %get3A_266 = tpu.vector_load %arg8[%get3A_265] {strides = array<i32>} : memref<32784xi32, #tpu.memory_space<vmem>>, vector<16xi32>,
      %add3A_267 = arith.addi %add3A_260, %get3A_266 : vector<16xi32>
      %mul3A_268 = arith.constant 16 : i32
      %mul3A_269 = arith.muli %add3A_165, %mul3A_268 : i32
      %add3A_270 = arith.constant 30735 : i32
      %add3A_271 = arith.addi %add3A_270, %mul3A_269 : i32
      %get3A_272 = arith.index_cast %add3A_271 : i32 to index
      %get3A_273 = tpu.vector_load %arg8[%get3A_272] {strides = array<i32>} : memref<32784xi32, #tpu.memory_space<vmem>>, vector<16xi32>,
      %add3A_274 = arith.addi %add3A_267, %get3A_273 : vector<16xi32>
      %mul3A_275 = arith.constant 16 : i32
      %mul3A_276 = arith.muli %add3A_165, %mul3A_275 : i32
      %swap3A_277 = arith.index_cast %mul3A_276 : i32 to index
      %swap3A_278 = tpu.vector_load %arg9[%swap3A_277] {strides = array<i32>} : memref<2048xi32, #tpu.memory_space<vmem>>, vector<16xi32>,
      tpu.vector_store %arg9[%swap3A_277], %add3A_274 {strides = array<i32>} : memref<2048xi32, #tpu.memory_space<vmem>>, vector<16xi32>,
    }
    %scan3A_43 = arith.constant 64 : i32
    "tpu.region"() ({
      %run_scoped3A = tpu.sem_alloc : memref<!tpu.dma_semaphore, #tpu.memory_space<semaphore_mem>>
      %dma_start3A_44 = arith.constant 0 : i32
      %dma_start3A_45 = tpu.memref_slice %arg4[%add3A, %dma_start3A_44] : memref<32x2048xi32, #tpu.memory_space<hbm>> -> memref<1x2048xi32, #tpu.memory_space<hbm>>
      %dma_start3A_46 = tpu.memref_squeeze %dma_start3A_45 : memref<1x2048xi32, #tpu.memory_space<hbm>> -> memref<2048xi32, #tpu.memory_space<hbm>>
      %dma_start3A_47 = arith.constant 0 : i32
      %dma_start3A_48 = tpu.memref_slice %arg4[%add3A, %dma_start3A_47] : memref<32x2048xi32, #tpu.memory_space<hbm>> -> memref<1x2048xi32, #tpu.memory_space<hbm>>
      %dma_start3A_49 = tpu.memref_squeeze %dma_start3A_48 : memref<1x2048xi32, #tpu.memory_space<hbm>> -> memref<2048xi32, #tpu.memory_space<hbm>>
      tpu.enqueue_dma source(%arg9 : memref<2048xi32, #tpu.memory_space<vmem>>) target(%dma_start3A_49 : memref<2048xi32, #tpu.memory_space<hbm>>) target_semaphore(%run_scoped3A : memref<!tpu.dma_semaphore, #tpu.memory_space<semaphore_mem>>)
      %dma_wait3A_50 = arith.constant 0 : i32
      %dma_wait3A_51 = tpu.memref_slice %arg4[%add3A, %dma_wait3A_50] : memref<32x2048xi32, #tpu.memory_space<hbm>> -> memref<1x2048xi32, #tpu.memory_space<hbm>>
      %dma_wait3A_52 = tpu.memref_squeeze %dma_wait3A_51 : memref<1x2048xi32, #tpu.memory_space<hbm>> -> memref<2048xi32, #tpu.memory_space<hbm>>
      %dma_wait3A_53 = arith.constant 0 : i32
      %dma_wait3A_54 = tpu.memref_slice %arg4[%add3A, %dma_wait3A_53] : memref<32x2048xi32, #tpu.memory_space<hbm>> -> memref<1x2048xi32, #tpu.memory_space<hbm>>
      %dma_wait3A_55 = tpu.memref_squeeze %dma_wait3A_54 : memref<1x2048xi32, #tpu.memory_space<hbm>> -> memref<2048xi32, #tpu.memory_space<hbm>>
      tpu.wait_dma2 semaphore(%run_scoped3A : memref<!tpu.dma_semaphore, #tpu.memory_space<semaphore_mem>>) src(%arg9 : memref<2048xi32, #tpu.memory_space<vmem>>) dst(%dma_wait3A_55 : memref<2048xi32, #tpu.memory_space<hbm>>)
      tpu.yield
    }) : () -> ()
    return
  }
}

module attributes {stable_mosaic.version = 14 : i64} {
  func.func @_stats_keys_body(%arg0: i32, %arg1: memref<256x128xf32, #tpu.memory_space<vmem>>, %arg2: memref<256x128xf32, #tpu.memory_space<vmem>>, %arg3: memref<256x128xi32, #tpu.memory_space<vmem>>, %arg4: memref<1x128xf32, #tpu.memory_space<vmem>>) attributes {dimension_semantics = [#tpu.dimension_semantics<arbitrary>], iteration_bounds = array<i64: 32>, scalar_prefetch = 0 : i64, scratch_operands = 0 : i64, tpu.core_type = #tpu.core_type<tc>, window_params = [{transform_indices = @transform_0, window_bounds = array<i64: 256, 128>}, {transform_indices = @transform_1, window_bounds = array<i64: 256, 128>}, {transform_indices = @transform_2, window_bounds = array<i64: 256, 128>}, {pipeline_mode = #tpu.pipeline_mode<synchronous>, transform_indices = @transform_3, window_bounds = array<i64: 1, 128>}]} {
    %get3A = arith.constant 0 : index
    %get3A_0 = arith.constant 0 : index
    %get3A_1 = vector.load %arg1[%get3A, %get3A_0] : memref<256x128xf32, #tpu.memory_space<vmem>>, vector<256x128xf32>
    %get3A_2 = arith.constant 0 : index
    %get3A_3 = arith.constant 0 : index
    %get3A_4 = vector.load %arg2[%get3A_2, %get3A_3] : memref<256x128xf32, #tpu.memory_space<vmem>>, vector<256x128xf32>
    %gt3A = arith.constant 0.000000e+00 : f32
    %gt3A_5 = vector.broadcast %gt3A : f32 to vector<256x128xf32>
    %gt3A_6 = arith.cmpf ogt, %get3A_4, %gt3A_5 : vector<256x128xf32>
    %eq3A = arith.constant 0.000000e+00 : f32
    %eq3A_7 = vector.broadcast %eq3A : f32 to vector<256x128xf32>
    %eq3A_8 = arith.cmpf oeq, %get3A_4, %eq3A_7 : vector<256x128xf32>
    %max3A = arith.constant 0.000000e+00 : f32
    %max3A_9 = vector.broadcast %max3A : f32 to vector<256x128xf32>
    %max3A_10 = arith.maximumf %get3A_1, %max3A_9 : vector<256x128xf32>
    %mul3A = arith.mulf %get3A_1, %get3A_4 : vector<256x128xf32>
    %sub3A = arith.subf %max3A_10, %mul3A : vector<256x128xf32>
    %abs3A = math.absf %get3A_1 : vector<256x128xf32>
    %neg3A = arith.constant 0.000000e+00 : f32
    %neg3A_11 = vector.broadcast %neg3A : f32 to vector<256x128xf32>
    %neg3A_12 = arith.subf %neg3A_11, %abs3A : vector<256x128xf32>
    %exp3A = math.exp %neg3A_12 : vector<256x128xf32>
    %log1p3A = math.log1p %exp3A : vector<256x128xf32>
    %add3A = arith.addf %sub3A, %log1p3A : vector<256x128xf32>
    %bitcast_convert_type3A = tpu.bitcast %get3A_1 : vector<256x128xf32> -> vector<256x128xi32>
    %ge3A = arith.constant -2147483648 : i32
    %ge3A_13 = vector.broadcast %ge3A : i32 to vector<256x128xi32>
    %ge3A_14 = arith.cmpi uge, %bitcast_convert_type3A, %ge3A_13 : vector<256x128xi32>
    %not3A = arith.constant dense<-1> : vector<256x128xi32>
    %not3A_15 = arith.xori %bitcast_convert_type3A, %not3A : vector<256x128xi32>
    %or3A = arith.constant -2147483648 : i32
    %or3A_16 = vector.broadcast %or3A : i32 to vector<256x128xi32>
    %or3A_17 = arith.ori %bitcast_convert_type3A, %or3A_16 : vector<256x128xi32>
    %select_n3A = arith.select %ge3A_14, %not3A_15, %or3A_17 : vector<256x128xi1>, vector<256x128xi32>
    %jit3A = arith.constant -1 : i32
    %broadcast_in_dim3A = vector.broadcast %jit3A : i32 to vector<256x128xi32>
    %select_n3A_18 = arith.select %eq3A_8, %select_n3A, %broadcast_in_dim3A : vector<256x128xi1>, vector<256x128xi32>
    %swap3A = arith.constant 0 : index
    %swap3A_19 = arith.constant 0 : index
    %swap3A_20 = vector.load %arg3[%swap3A, %swap3A_19] : memref<256x128xi32, #tpu.memory_space<vmem>>, vector<256x128xi32>
    tpu.vector_store %arg3[%swap3A, %swap3A_19], %select_n3A_18 {strides = array<i32>} : memref<256x128xi32, #tpu.memory_space<vmem>>, vector<256x128xi32>,
    %convert_element_type3A = arith.extui %gt3A_6 : vector<256x128xi1> to vector<256x128xi32>
    %convert_element_type3A_21 = arith.sitofp %convert_element_type3A : vector<256x128xi32> to vector<256x128xf32>
    %reduce_sum3A = vector.shape_cast %convert_element_type3A_21 : vector<256x128xf32> to vector<1x256x128xf32>
    %reduce_sum3A_22 = arith.constant dense<0.000000e+00> : vector<1xf32>
    %reduce_sum3A_23 = vector.multi_reduction <add>, %reduce_sum3A, %reduce_sum3A_22 [1, 2] : vector<1x256x128xf32> to vector<1xf32>
    %reduce_sum3A_24 = vector.shape_cast %reduce_sum3A_23 : vector<1xf32> to vector<1x1x1xf32>
    %reduce_sum3A_25 = vector.extract %reduce_sum3A_24[0, 0, 0] : f32 from vector<1x1x1xf32>
    %convert_element_type3A_26 = arith.extui %eq3A_8 : vector<256x128xi1> to vector<256x128xi32>
    %convert_element_type3A_27 = arith.sitofp %convert_element_type3A_26 : vector<256x128xi32> to vector<256x128xf32>
    %reduce_sum3A_28 = vector.shape_cast %convert_element_type3A_27 : vector<256x128xf32> to vector<1x256x128xf32>
    %reduce_sum3A_29 = arith.constant dense<0.000000e+00> : vector<1xf32>
    %reduce_sum3A_30 = vector.multi_reduction <add>, %reduce_sum3A_28, %reduce_sum3A_29 [1, 2] : vector<1x256x128xf32> to vector<1xf32>
    %reduce_sum3A_31 = vector.shape_cast %reduce_sum3A_30 : vector<1xf32> to vector<1x1x1xf32>
    %reduce_sum3A_32 = vector.extract %reduce_sum3A_31[0, 0, 0] : f32 from vector<1x1x1xf32>
    %jit3A_33 = arith.constant 0.000000e+00 : f32
    %broadcast_in_dim3A_34 = vector.broadcast %jit3A_33 : f32 to vector<256x128xf32>
    %select_n3A_35 = arith.select %gt3A_6, %add3A, %broadcast_in_dim3A_34 : vector<256x128xi1>, vector<256x128xf32>
    %reduce_sum3A_36 = vector.shape_cast %select_n3A_35 : vector<256x128xf32> to vector<1x256x128xf32>
    %reduce_sum3A_37 = arith.constant dense<0.000000e+00> : vector<1xf32>
    %reduce_sum3A_38 = vector.multi_reduction <add>, %reduce_sum3A_36, %reduce_sum3A_37 [1, 2] : vector<1x256x128xf32> to vector<1xf32>
    %reduce_sum3A_39 = vector.shape_cast %reduce_sum3A_38 : vector<1xf32> to vector<1x1x1xf32>
    %reduce_sum3A_40 = vector.extract %reduce_sum3A_39[0, 0, 0] : f32 from vector<1x1x1xf32>
    %jit3A_41 = arith.constant 0.000000e+00 : f32
    %broadcast_in_dim3A_42 = vector.broadcast %jit3A_41 : f32 to vector<256x128xf32>
    %select_n3A_43 = arith.select %eq3A_8, %add3A, %broadcast_in_dim3A_42 : vector<256x128xi1>, vector<256x128xf32>
    %reduce_sum3A_44 = vector.shape_cast %select_n3A_43 : vector<256x128xf32> to vector<1x256x128xf32>
    %reduce_sum3A_45 = arith.constant dense<0.000000e+00> : vector<1xf32>
    %reduce_sum3A_46 = vector.multi_reduction <add>, %reduce_sum3A_44, %reduce_sum3A_45 [1, 2] : vector<1x256x128xf32> to vector<1xf32>
    %reduce_sum3A_47 = vector.shape_cast %reduce_sum3A_46 : vector<1xf32> to vector<1x1x1xf32>
    %reduce_sum3A_48 = vector.extract %reduce_sum3A_47[0, 0, 0] : f32 from vector<1x1x1xf32>
    %jit3A_49 = arith.constant 0xFF800000 : f32
    %broadcast_in_dim3A_50 = vector.broadcast %jit3A_49 : f32 to vector<256x128xf32>
    %select_n3A_51 = arith.select %eq3A_8, %get3A_1, %broadcast_in_dim3A_50 : vector<256x128xi1>, vector<256x128xf32>
    %reduce_max3A = vector.shape_cast %select_n3A_51 : vector<256x128xf32> to vector<1x256x128xf32>
    %reduce_max3A_52 = arith.constant dense<0xFF800000> : vector<1xf32>
    %reduce_max3A_53 = vector.multi_reduction <maximumf>, %reduce_max3A, %reduce_max3A_52 [1, 2] : vector<1x256x128xf32> to vector<1xf32>
    %reduce_max3A_54 = vector.shape_cast %reduce_max3A_53 : vector<1xf32> to vector<1x1x1xf32>
    %reduce_max3A_55 = vector.extract %reduce_max3A_54[0, 0, 0] : f32 from vector<1x1x1xf32>
    %jit3A_56 = arith.constant 0xFF800000 : f32
    %broadcast_in_dim3A_57 = vector.broadcast %jit3A_56 : f32 to vector<256x128xf32>
    %select_n3A_58 = arith.select %gt3A_6, %get3A_1, %broadcast_in_dim3A_57 : vector<256x128xi1>, vector<256x128xf32>
    %reduce_max3A_59 = vector.shape_cast %select_n3A_58 : vector<256x128xf32> to vector<1x256x128xf32>
    %reduce_max3A_60 = arith.constant dense<0xFF800000> : vector<1xf32>
    %reduce_max3A_61 = vector.multi_reduction <maximumf>, %reduce_max3A_59, %reduce_max3A_60 [1, 2] : vector<1x256x128xf32> to vector<1xf32>
    %reduce_max3A_62 = vector.shape_cast %reduce_max3A_61 : vector<1xf32> to vector<1x1x1xf32>
    %reduce_max3A_63 = vector.extract %reduce_max3A_62[0, 0, 0] : f32 from vector<1x1x1xf32>
    %iota3A = tpu.iota {dimensions = array<i32: 1>} : vector<1x128xi32>
    %eq3A_64 = arith.constant 0 : i32
    %eq3A_65 = vector.broadcast %eq3A_64 : i32 to vector<1x128xi32>
    %eq3A_66 = arith.cmpi eq, %iota3A, %eq3A_65 : vector<1x128xi32>
    %jit3A_67 = arith.constant 0.000000e+00 : f32
    %broadcast_in_dim3A_68 = vector.broadcast %reduce_sum3A_25 : f32 to vector<1x128xf32>
    %broadcast_in_dim3A_69 = vector.broadcast %jit3A_67 : f32 to vector<1x128xf32>
    %select_n3A_70 = arith.select %eq3A_66, %broadcast_in_dim3A_68, %broadcast_in_dim3A_69 : vector<1x128xi1>, vector<1x128xf32>
    %eq3A_71 = arith.constant 1 : i32
    %eq3A_72 = vector.broadcast %eq3A_71 : i32 to vector<1x128xi32>
    %eq3A_73 = arith.cmpi eq, %iota3A, %eq3A_72 : vector<1x128xi32>
    %jit3A_74 = arith.constant 0.000000e+00 : f32
    %broadcast_in_dim3A_75 = vector.broadcast %reduce_sum3A_32 : f32 to vector<1x128xf32>
    %broadcast_in_dim3A_76 = vector.broadcast %jit3A_74 : f32 to vector<1x128xf32>
    %select_n3A_77 = arith.select %eq3A_73, %broadcast_in_dim3A_75, %broadcast_in_dim3A_76 : vector<1x128xi1>, vector<1x128xf32>
    %add3A_78 = arith.addf %select_n3A_70, %select_n3A_77 : vector<1x128xf32>
    %eq3A_79 = arith.constant 2 : i32
    %eq3A_80 = vector.broadcast %eq3A_79 : i32 to vector<1x128xi32>
    %eq3A_81 = arith.cmpi eq, %iota3A, %eq3A_80 : vector<1x128xi32>
    %jit3A_82 = arith.constant 0.000000e+00 : f32
    %broadcast_in_dim3A_83 = vector.broadcast %reduce_sum3A_40 : f32 to vector<1x128xf32>
    %broadcast_in_dim3A_84 = vector.broadcast %jit3A_82 : f32 to vector<1x128xf32>
    %select_n3A_85 = arith.select %eq3A_81, %broadcast_in_dim3A_83, %broadcast_in_dim3A_84 : vector<1x128xi1>, vector<1x128xf32>
    %add3A_86 = arith.addf %add3A_78, %select_n3A_85 : vector<1x128xf32>
    %eq3A_87 = arith.constant 3 : i32
    %eq3A_88 = vector.broadcast %eq3A_87 : i32 to vector<1x128xi32>
    %eq3A_89 = arith.cmpi eq, %iota3A, %eq3A_88 : vector<1x128xi32>
    %jit3A_90 = arith.constant 0.000000e+00 : f32
    %broadcast_in_dim3A_91 = vector.broadcast %reduce_sum3A_48 : f32 to vector<1x128xf32>
    %broadcast_in_dim3A_92 = vector.broadcast %jit3A_90 : f32 to vector<1x128xf32>
    %select_n3A_93 = arith.select %eq3A_89, %broadcast_in_dim3A_91, %broadcast_in_dim3A_92 : vector<1x128xi1>, vector<1x128xf32>
    %add3A_94 = arith.addf %add3A_86, %select_n3A_93 : vector<1x128xf32>
    %eq3A_95 = arith.constant 4 : i32
    %eq3A_96 = vector.broadcast %eq3A_95 : i32 to vector<1x128xi32>
    %eq3A_97 = arith.cmpi eq, %iota3A, %eq3A_96 : vector<1x128xi32>
    %jit3A_98 = arith.constant 0xFF800000 : f32
    %broadcast_in_dim3A_99 = vector.broadcast %reduce_max3A_55 : f32 to vector<1x128xf32>
    %broadcast_in_dim3A_100 = vector.broadcast %jit3A_98 : f32 to vector<1x128xf32>
    %select_n3A_101 = arith.select %eq3A_97, %broadcast_in_dim3A_99, %broadcast_in_dim3A_100 : vector<1x128xi1>, vector<1x128xf32>
    %eq3A_102 = arith.constant 5 : i32
    %eq3A_103 = vector.broadcast %eq3A_102 : i32 to vector<1x128xi32>
    %eq3A_104 = arith.cmpi eq, %iota3A, %eq3A_103 : vector<1x128xi32>
    %jit3A_105 = arith.constant 0xFF800000 : f32
    %broadcast_in_dim3A_106 = vector.broadcast %reduce_max3A_63 : f32 to vector<1x128xf32>
    %broadcast_in_dim3A_107 = vector.broadcast %jit3A_105 : f32 to vector<1x128xf32>
    %select_n3A_108 = arith.select %eq3A_104, %broadcast_in_dim3A_106, %broadcast_in_dim3A_107 : vector<1x128xi1>, vector<1x128xf32>
    %max3A_109 = arith.maximumf %select_n3A_101, %select_n3A_108 : vector<1x128xf32>
    %eq3A_110 = arith.constant 0 : i32
    %eq3A_111 = arith.cmpi eq, %arg0, %eq3A_110 : i32
    %convert_element_type3A_112 = arith.extui %eq3A_111 : i1 to i32
    %cond3A = arith.constant 0 : i32
    %cond3A_113 = arith.cmpi ne, %convert_element_type3A_112, %cond3A : i32
    scf.if %cond3A_113 {
      %ge3A_128 = arith.constant 4 : i32
      %ge3A_129 = vector.broadcast %ge3A_128 : i32 to vector<1x128xi32>
      %ge3A_130 = arith.cmpi sge, %iota3A, %ge3A_129 : vector<1x128xi32>
      %jit3A_131 = arith.constant 0xFF800000 : f32
      %jit3A_132 = arith.constant 0.000000e+00 : f32
      %broadcast_in_dim3A_133 = vector.broadcast %jit3A_131 : f32 to vector<1x128xf32>
      %broadcast_in_dim3A_134 = vector.broadcast %jit3A_132 : f32 to vector<1x128xf32>
      %select_n3A_135 = arith.select %ge3A_130, %broadcast_in_dim3A_133, %broadcast_in_dim3A_134 : vector<1x128xi1>, vector<1x128xf32>
      %swap3A_136 = arith.constant 0 : index
      %swap3A_137 = arith.constant 0 : index
      %swap3A_138 = vector.load %arg4[%swap3A_136, %swap3A_137] : memref<1x128xf32, #tpu.memory_space<vmem>>, vector<1x128xf32>
      tpu.vector_store %arg4[%swap3A_136, %swap3A_137], %select_n3A_135 {strides = array<i32>} : memref<1x128xf32, #tpu.memory_space<vmem>>, vector<1x128xf32>,
    } else {
    }
    %get3A_114 = arith.constant 0 : index
    %get3A_115 = arith.constant 0 : index
    %get3A_116 = vector.load %arg4[%get3A_114, %get3A_115] : memref<1x128xf32, #tpu.memory_space<vmem>>, vector<1x128xf32>
    %add3A_117 = arith.addf %get3A_116, %add3A_94 : vector<1x128xf32>
    %swap3A_118 = arith.constant 0 : index
    %swap3A_119 = arith.constant 0 : index
    %swap3A_120 = vector.load %arg4[%swap3A_118, %swap3A_119] : memref<1x128xf32, #tpu.memory_space<vmem>>, vector<1x128xf32>
    tpu.vector_store %arg4[%swap3A_118, %swap3A_119], %add3A_117 {strides = array<i32>} : memref<1x128xf32, #tpu.memory_space<vmem>>, vector<1x128xf32>,
    %get3A_121 = arith.constant 0 : index
    %get3A_122 = arith.constant 0 : index
    %get3A_123 = vector.load %arg4[%get3A_121, %get3A_122] : memref<1x128xf32, #tpu.memory_space<vmem>>, vector<1x128xf32>
    %max3A_124 = arith.maximumf %get3A_123, %max3A_109 : vector<1x128xf32>
    %swap3A_125 = arith.constant 0 : index
    %swap3A_126 = arith.constant 0 : index
    %swap3A_127 = vector.load %arg4[%swap3A_125, %swap3A_126] : memref<1x128xf32, #tpu.memory_space<vmem>>, vector<1x128xf32>
    tpu.vector_store %arg4[%swap3A_125, %swap3A_126], %max3A_124 {strides = array<i32>} : memref<1x128xf32, #tpu.memory_space<vmem>>, vector<1x128xf32>,
    return
  }
  func.func @transform_0(%arg0: i32) -> (i32, i32) {
    %c0_i32 = arith.constant 0 : i32
    %c0_i32_0 = arith.constant 0 : i32
    return %arg0, %c0_i32 : i32, i32
  }
  func.func @transform_1(%arg0: i32) -> (i32, i32) {
    %c0_i32 = arith.constant 0 : i32
    %c0_i32_0 = arith.constant 0 : i32
    return %arg0, %c0_i32 : i32, i32
  }
  func.func @transform_2(%arg0: i32) -> (i32, i32) {
    %c0_i32 = arith.constant 0 : i32
    %c0_i32_0 = arith.constant 0 : i32
    return %arg0, %c0_i32 : i32, i32
  }
  func.func @transform_3(%arg0: i32) -> (i32, i32) {
    %c0_i32 = arith.constant 0 : i32
    %c0_i32_0 = arith.constant 0 : i32
    %c0_i32_1 = arith.constant 0 : i32
    return %c0_i32, %c0_i32_0 : i32, i32
  }
}

module attributes {stable_mosaic.version = 14 : i64} {
  func.func @_sless_body(%arg0: i32, %arg1: memref<512x128xi32, #tpu.memory_space<vmem>>, %arg2: memref<1x1xi32, #tpu.memory_space<smem>>, %arg3: memref<1x128xf32, #tpu.memory_space<vmem>>) attributes {dimension_semantics = [#tpu.dimension_semantics<arbitrary>], iteration_bounds = array<i64: 16>, scalar_prefetch = 0 : i64, scratch_operands = 0 : i64, tpu.core_type = #tpu.core_type<tc>, window_params = [{transform_indices = @transform_0, window_bounds = array<i64: 512, 128>}, {transform_indices = @transform_1, window_bounds = array<i64: 1, 1>}, {pipeline_mode = #tpu.pipeline_mode<synchronous>, transform_indices = @transform_2, window_bounds = array<i64: 1, 128>}]} {
    %get3A = arith.constant 0 : index
    %get3A_0 = arith.constant 0 : index
    %get3A_1 = vector.load %arg1[%get3A, %get3A_0] : memref<512x128xi32, #tpu.memory_space<vmem>>, vector<512x128xi32>
    %get3A_2 = arith.constant 0 : index
    %get3A_3 = arith.constant 0 : index
    %get3A_4 = memref.load %arg2[%get3A_2, %get3A_3] : memref<1x1xi32, #tpu.memory_space<smem>>
    %lt3A = vector.broadcast %get3A_4 : i32 to vector<512x128xi32>
    %lt3A_5 = arith.cmpi ult, %get3A_1, %lt3A : vector<512x128xi32>
    %lt3A_6 = arith.constant -2147483648 : i32
    %lt3A_7 = vector.broadcast %lt3A_6 : i32 to vector<512x128xi32>
    %lt3A_8 = arith.cmpi ult, %get3A_1, %lt3A_7 : vector<512x128xi32>
    %not3A = arith.constant dense<-1> : vector<512x128xi32>
    %not3A_9 = arith.xori %get3A_1, %not3A : vector<512x128xi32>
    %xor3A = arith.constant -2147483648 : i32
    %xor3A_10 = vector.broadcast %xor3A : i32 to vector<512x128xi32>
    %xor3A_11 = arith.xori %get3A_1, %xor3A_10 : vector<512x128xi32>
    %select_n3A = arith.select %lt3A_8, %not3A_9, %xor3A_11 : vector<512x128xi1>, vector<512x128xi32>
    %bitcast_convert_type3A = tpu.bitcast %select_n3A : vector<512x128xi32> -> vector<512x128xf32>
    %max3A = arith.constant 0.000000e+00 : f32
    %max3A_12 = vector.broadcast %max3A : f32 to vector<512x128xf32>
    %max3A_13 = arith.maximumf %bitcast_convert_type3A, %max3A_12 : vector<512x128xf32>
    %abs3A = math.absf %bitcast_convert_type3A : vector<512x128xf32>
    %neg3A = arith.constant 0.000000e+00 : f32
    %neg3A_14 = vector.broadcast %neg3A : f32 to vector<512x128xf32>
    %neg3A_15 = arith.subf %neg3A_14, %abs3A : vector<512x128xf32>
    %exp3A = math.exp %neg3A_15 : vector<512x128xf32>
    %log1p3A = math.log1p %exp3A : vector<512x128xf32>
    %add3A = arith.addf %max3A_13, %log1p3A : vector<512x128xf32>
    %jit3A = arith.constant 0.000000e+00 : f32
    %broadcast_in_dim3A = vector.broadcast %jit3A : f32 to vector<512x128xf32>
    %select_n3A_16 = arith.select %lt3A_5, %add3A, %broadcast_in_dim3A : vector<512x128xi1>, vector<512x128xf32>
    %reduce_sum3A = arith.constant dense<0.000000e+00> : vector<128xf32>
    %reduce_sum3A_17 = vector.multi_reduction <add>, %select_n3A_16, %reduce_sum3A [0] : vector<512x128xf32> to vector<128xf32>
    %broadcast_in_dim3A_18 = vector.shape_cast %reduce_sum3A_17 : vector<128xf32> to vector<1x128xf32>
    %eq3A = arith.constant 0 : i32
    %eq3A_19 = arith.cmpi eq, %arg0, %eq3A : i32
    %convert_element_type3A = arith.extui %eq3A_19 : i1 to i32
    %cond3A = arith.constant 0 : i32
    %cond3A_20 = arith.cmpi ne, %convert_element_type3A, %cond3A : i32
    scf.if %cond3A_20 {
      %broadcast_in_dim3A_27 = arith.constant 0.000000e+00 : f32
      %broadcast_in_dim3A_28 = vector.broadcast %broadcast_in_dim3A_27 : f32 to vector<1x128xf32>
      %swap3A_29 = arith.constant 0 : index
      %swap3A_30 = arith.constant 0 : index
      %swap3A_31 = vector.load %arg3[%swap3A_29, %swap3A_30] : memref<1x128xf32, #tpu.memory_space<vmem>>, vector<1x128xf32>
      tpu.vector_store %arg3[%swap3A_29, %swap3A_30], %broadcast_in_dim3A_28 {strides = array<i32>} : memref<1x128xf32, #tpu.memory_space<vmem>>, vector<1x128xf32>,
    } else {
    }
    %get3A_21 = arith.constant 0 : index
    %get3A_22 = arith.constant 0 : index
    %get3A_23 = vector.load %arg3[%get3A_21, %get3A_22] : memref<1x128xf32, #tpu.memory_space<vmem>>, vector<1x128xf32>
    %add3A_24 = arith.addf %get3A_23, %broadcast_in_dim3A_18 : vector<1x128xf32>
    %swap3A = arith.constant 0 : index
    %swap3A_25 = arith.constant 0 : index
    %swap3A_26 = vector.load %arg3[%swap3A, %swap3A_25] : memref<1x128xf32, #tpu.memory_space<vmem>>, vector<1x128xf32>
    tpu.vector_store %arg3[%swap3A, %swap3A_25], %add3A_24 {strides = array<i32>} : memref<1x128xf32, #tpu.memory_space<vmem>>, vector<1x128xf32>,
    return
  }
  func.func @transform_0(%arg0: i32) -> (i32, i32) {
    %c0_i32 = arith.constant 0 : i32
    %c0_i32_0 = arith.constant 0 : i32
    return %arg0, %c0_i32 : i32, i32
  }
  func.func @transform_1(%arg0: i32) -> (i32, i32) {
    %c0_i32 = arith.constant 0 : i32
    %c0_i32_0 = arith.constant 0 : i32
    %c0_i32_1 = arith.constant 0 : i32
    return %c0_i32, %c0_i32_0 : i32, i32
  }
  func.func @transform_2(%arg0: i32) -> (i32, i32) {
    %c0_i32 = arith.constant 0 : i32
    %c0_i32_0 = arith.constant 0 : i32
    %c0_i32_1 = arith.constant 0 : i32
    return %c0_i32, %c0_i32_0 : i32, i32
  }
}

</mosaic_0001>

<sc_bundles>
// kernel: kernel.10.cloned.1.call-start
scs
__scs_entry_jumppad:
0x0: {  	(pc) =	sbr.rel $0x88, $3  }
0x1: {  	(tag) =	ssettag $0x0;
	lr =	simm.s32 $0x1  }
0x2: {  	[smem:$0x3F9F] =	sst lr;
	_ =	strace $0xD0000000  }
0x3: {  	_ = 	snop  }
0x4: {  	_ = 	snop  }
0x5: {  	_ = 	snop  }
0x6: {  	_ = 	snop  }
0x7: {  	_ = 	snop  }
__scs_overlays_trampoline_lowered:
0x8: {  	[smem:$0x3FAE] =	sst s0  }
0x9: {  	[smem:$0x3FAF] =	sst s1  }
0xa: {  	[smem:$0x3FB0] =	sst s2  }
0xb: {  	[smem:$0x3FB1] =	sst s3  }
0xc: {  	[smem:$0x3FB2] =	sst s4  }
0xd: {  	[smem:$0x3FB3] =	sst s5  }
0xe: {  	[smem:$0x3FB4] =	sst s6  }
0xf: {  	[smem:$0x3FB5] =	sst s7  }
0x10: {  	[smem:$0x3FB6] =	sst s8  }
0x11: {  	[smem:$0x3FB7] =	sst s9;
	s0 =	simm.s32 @!p0 $0x0  }
0x12: {  	s1 =	sld [smem:$0x3F9D];
	s0 =	simm.s32 @p0 $0x1  }
0x13: {  	[smem:$0x3FB8] =	sst s0;
	s0 =	simm.s32 @!p1 $0x0  }
0x14: {  	s2 =	sld [smem:$0x3F9C];
	s0 =	simm.s32 @p1 $0x1  }
0x15: {  	[smem:$0x3FB9] =	sst s0;
	s0 =	simm.s32 @!p2 $0x0  }
0x16: {  	s3 =	sld [smem:$0x3FDB];
	s0 =	simm.s32 @p2 $0x1  }
0x17: {  	s4 =	simm.s32 $0x1BF5;
	[smem:$0x3FBB] =	sst s0  }
0x18: {  	s0 =	sld [smem:$0x3F9E];
	_ =	swait.ge [sflag:s4], $0x0  }
0x19: {  	s7 =	sld [smem:$0x3F9F]  }
0x1a: {  	s8 =	sadd.s32 $0xFFFFE003, lr  }
0x1b: {  	s9 =	sadd.s32 $0xFFFFFEF7, lr;
	s5 =	simm.s32 $0xFFFFFFFF;
	p2 =	slt.u32 s8, $0xFFFFF086  }
0x1c: {  	p1 =	slt.u32 s9, $0xF7A;
	s5 =	simm.s32 @!p2 $0x0  }
0x1d: {  	s5 =	simm.s32 @p1 $0x1;
	p0 =	seq.s32 s7, s2  }
0x1e: {  	s7 =	smul.u32 @!p0 $0xF7A, s2;
	p2 =	seq.s32 @!p0 s5, $0x0  }
0x1f: {  	s9 =	smul.u32 $0xF7A, s1;
	s8 =	simm.s32 @!p0 $0x1BF5;
	p2 =	por !p2, p0  }
0x20: {  	[sflag:s8] =	ssyncset.s32 @!p0 $0xFFFFF086;
	s6 =	sadd.s32 @!p0 s3, s7;
	s7 =	simm.s32 @!p0 $0x108  }
0x21: {  	s3 =	sadd.s32 s3, s9;
	s6 =	sadd.s32 @!p0 $0x88, s6;
	s7 =	simm.s32 @p2 $0x1082  }
0x22: {  	[simem:s7], [sflag:s8] =	dma.local @!p0 [hbm:s6], $0xF7A  }
0x23: {  	s9 =	sor.u32 $0xD0000000, s2;
	s6 =	simm.s32 $0x108;
	_ =	swait.ge @!p0 [sflag:s8], $0x0  }
0x24: {  	s3 =	sadd.s32 $0x88, s3;
	s6 =	simm.s32 @!p1 $0x1082;
	[sflag:s4] =	ssyncset.s32 $0xFFFFF086  }
0x25: {  	[simem:s6], [sflag:s4] =	dma.local [hbm:s3], $0xF7A  }
0x26: {  	[smem:$0x3F9F] =	sst s1;
	(tag) =	ssettag s2;
	_ =	strace s9  }
0x27: {  	s1 =	sld [smem:$0x3FAF]  }
0x28: {  	s2 =	sld [smem:$0x3FB0]  }
0x29: {  	s4 =	sld [smem:$0x3FB2]  }
0x2a: {  	p0 =	seq.s32 s5, $0x0;
	s5 =	sld [smem:$0x3FB3]  }
0x2b: {  	s6 =	sld [smem:$0x3FB4]  }
0x2c: {  	s7 =	sld [smem:$0x3FB5]  }
0x2d: {  	s3 =	simm.s32 $0x108;
	s8 =	sld [smem:$0x3FB6]  }
0x2e: {  	s3 =	simm.s32 @!p0 $0x1082;
	s9 =	sld [smem:$0x3FB7]  }
0x2f: {  	lr =	sadd.s32 s0, s3;
	s0 =	sld [smem:$0x3FAE]  }
0x30: {  	s3 =	sld [smem:$0x3FB1]  }
0x31: {  	[smem:$0x3FBA] =	sst s10  }
0x32: {  	s10 =	sld [smem:$0x3FB8];
	_ =	sdelay $0x3  }
0x33: {  	p0 =	seq.s32 s10, $0x1;
	s10 =	sld [smem:$0x3FBA];
	_ =	sdelay $0x3  }
0x34: {  	[smem:$0x3FBA] =	sst s10  }
0x35: {  	s10 =	sld [smem:$0x3FB9];
	_ =	sdelay $0x3  }
0x36: {  	p1 =	seq.s32 s10, $0x1;
	s10 =	sld [smem:$0x3FBA];
	_ =	sdelay $0x3  }
0x37: {  	[smem:$0x3FBA] =	sst s10  }
0x38: {  	s10 =	sld [smem:$0x3FBB]  }
0x39: {  	_ = 	snop;
	(pc) =	sbr.ind lr, $3  }
0x3a: {  	_ = 	snop  }
0x3b: {  	_ = 	snop  }
0x3c: {  	p2 =	seq.s32 s10, $0x1;
	s10 =	sld [smem:$0x3FBA]  }
0x3d: {  	_ =	shalt  }
0x3e: {  	_ =	shalt  }
0x3f: {  	_ =	shalt  }
0x40: {  	_ =	shalt  }
0x41: {  	_ =	shalt  }
0x42: {  	_ =	shalt  }
0x43: {  	_ =	shalt  }
0x44: {  	_ =	shalt  }
0x45: {  	_ =	shalt  }
0x46: {  	_ =	shalt  }
0x47: {  	_ =	shalt  }
0x48: {  	_ =	shalt  }
0x49: {  	_ =	shalt  }
0x4a: {  	_ =	shalt  }
0x4b: {  	_ =	shalt  }
0x4c: {  	_ =	shalt  }
0x4d: {  	_ =	shalt  }
0x4e: {  	_ =	shalt  }
0x4f: {  	_ =	shalt  }
0x50: {  	_ =	shalt  }
0x51: {  	_ =	shalt  }
0x52: {  	_ =	shalt  }
0x53: {  	_ =	shalt  }
0x54: {  	_ =	shalt  }
0x55: {  	_ =	shalt  }
0x56: {  	_ =	shalt  }
0x57: {  	_ =	shalt  }
0x58: {  	_ =	shalt  }
0x59: {  	_ =	shalt  }
0x5a: {  	_ =	shalt  }
0x5b: {  	_ =	shalt  }
0x5c: {  	_ =	shalt  }
0x5d: {  	_ =	shalt  }
0x5e: {  	_ =	shalt  }
0x5f: {  	_ =	shalt  }
0x60: {  	_ =	shalt  }
0x61: {  	_ =	shalt  }
0x62: {  	_ =	shalt  }
0x63: {  	_ =	shalt  }
0x64: {  	_ =	shalt  }
0x65: {  	_ =	shalt  }
0x66: {  	_ =	shalt  }
0x67: {  	_ =	shalt  }
0x68: {  	_ =	shalt  }
0x69: {  	_ =	shalt  }
0x6a: {  	_ =	shalt  }
0x6b: {  	_ =	shalt  }
0x6c: {  	_ =	shalt  }
0x6d: {  	_ =	shalt  }
0x6e: {  	_ =	shalt  }
0x6f: {  	_ =	shalt  }
0x70: {  	_ =	shalt  }
0x71: {  	_ =	shalt  }
0x72: {  	_ =	shalt  }
0x73: {  	_ =	shalt  }
0x74: {  	_ =	shalt  }
0x75: {  	_ =	shalt  }
0x76: {  	_ =	shalt  }
0x77: {  	_ =	shalt  }
0x78: {  	_ =	shalt  }
0x79: {  	_ =	shalt  }
0x7a: {  	_ =	shalt  }
0x7b: {  	_ =	shalt  }
0x7c: {  	_ =	shalt  }
0x7d: {  	_ =	shalt  }
0x7e: {  	_ =	shalt  }
0x7f: {  	_ =	shalt  }
0x80: {  	_ =	shalt  }
0x81: {  	_ =	shalt  }
0x82: {  	_ =	shalt  }
0x83: {  	_ =	shalt  }
0x84: {  	_ =	shalt  }
0x85: {  	_ =	shalt  }
0x86: {  	_ =	shalt  }
0x87: {  	_ =	shalt  }
.Lfunc_end0:
.L_simem_size_0:
called_computation.1_lowered:
.L_overlay_start_0:
0x88: {  	s2 =	sld [smem:$0x3FD9]  }
0x89: {  	s3 =	sld [smem:$0x3FFE];
	_ =	sdelay $0x1  }
0x8a: {  	s1 =	srdreg.scid  }
0x8b: {  	s0 =	sand.u32 $0x1, s1  }
0x8c: {  	s16 =	sshll.u32 s0, $0xA;
	s2 =	sadd.s32 s3, s2  }
0x8d: {  	s2 =	sadd.s32 s2, s16  }
0x8e: {  	[smem:$0x3FC6] =	sst s2  }
0x8f: {  	_ = 	snop  }
0x90: {  	(tm) =	ssettm $0x1  }
0x91: {  	s17 =	sld [smem:$0x3FFB];
	_ =	sdelay $0x3  }
0x92: {  	_ =	strace s17  }
0x93: {  	s2 =	sld [smem:$0x3FFC];
	_ =	sdelay $0x3  }
0x94: {  	_ =	strace s2  }
0x95: {  	s2 =	sld [smem:$0x3FFD];
	_ =	sdelay $0x3  }
0x96: {  	_ =	strace s2  }
0x97: {  	_ =	strace $0x8FFFFFFF  }
0x98: {  	s18 =	sld [smem:$0x3FDB];
	_ =	sdelay $0x1  }
0x99: {  	s19 =	simm.s32 $_scs_section_size  }
0x9a: {  	s4 =	simm.s32 $_size__tile_overlayer_lowered;
	s5 =	simm.s32 $_tile_overlayer_lowered  }
0x9b: {  	s22 =	simm.s32 $0x1BFF;
	s21 =	sshll.u32 s5, $0x1;
	s2 =	sadd.s32 s19, s18  }
0x9c: {  	s6 =	simm.s32 $0x0;
	s20 =	sshll.u32 s4, $0x1;
	s4 =	sadd.s32 s21, s2  }
0x9d: {  	[timem:s6], [sflag:s22] =	dma.local [hbm:s4], s20  }
0x9e: {  	_ =	swait.ge [sflag:s22], s20  }
0x9f: {  	s3 =	ssub.s32 $0x0, s20;
	[sflag:s22] =	ssyncset.done $0x0  }
0xa0: {  	[sflag:s22] =	ssyncadd.s32 s3;
	_ =	sdelay $0x1  }
0xa1: {  	s23 =	simm.s32 $0x1B8B  }
0xa2: {  	_ =	swait.ge [sflag:s23], $0x1  }
0xa3: {  	[sflag:s23] =	ssyncset.done $0x0  }
0xa4: {  	s25 =	simm.s32 $0x1B8E;
	s24 =	sld [smem:$0x3FFE];
	[sflag:s23] =	ssyncadd.s32 $0xFFFFFFFF  }
0xa5: {  	s26 =	simm.s32 $execute0_lowered;
	[smem:$0x3FD2] =	sst s25  }
0xa6: {  	s4 =	sshll.u32 s26, $0x1;
	_ =	strace $0x80000049;
	[dreg:$0x1] =	wrdreg $0xFFFFFFFF  }
0xa7: {  	s28 =	simm.s32 $_size_execute0_lowered;
	s2 =	sadd.s32 s2, s4;
	[dreg:$0x0] =	wrdreg $0x0  }
0xa8: {  	s4 =	sshll.u32 s28, $0x1;
	[dreg:$0x2] =	wrdreg s2  }
0xa9: {  	[dreg:$0x3] =	wrdreg s4  }
0xaa: {  	[dreg:$0x4] =	wrdreg $0xC0  }
0xab: {  	_ =	task [dreg:s6], $0x5FFFF  }
0xac: {  	[dreg:$0x1] =	wrdreg $0xFFFFFFFF  }
0xad: {  	[dreg:$0x0] =	wrdreg $0x60  }
0xae: {  	[dreg:$0x2] =	wrdreg s24  }
0xaf: {  	[dreg:$0x3] =	wrdreg $0x9  }
0xb0: {  	_ =	task.clear_ibuf [dreg:s6], $0x4FFFF;
	_ =	strace $0x90000049  }
0xb1: {  	s29 =	simm.s32 $0x9;
	_ =	strace $0x8000004B  }
0xb2: {  	_ =	swait.ge [sflag:s29], $0x1  }
0xb3: {  	[sflag:s29] =	ssyncadd.s32 $0xFFFFFFFF  }
0xb4: {  	_ =	strace $0x9000004B  }
0xb5: {  	_ =	sfence  }
0xb6: {  	s30 =	sld [smem:$0x0];
	_ =	sdelay $0x2  }
0xb7: {  	s31 =	sshll.u32 s1, $0xD;
	s1 =	sshrl.u32 s1, $0x2  }
0xb8: {  	s3 =	sand.u32 $0x4000, s31;
	s1 =	sadd.s32 s1, s30  }
0xb9: {  	s0 =	sor.u32 s3, s0;
	s1 =	sshll.u32 s1, $0x11  }
0xba: {  	s0 =	sor.u32 s1, s0  }
0xbb: {  	s0 =	sadd.s32 $0x8F2B, s0  }
0xbc: {  	[sflag:s0] =	ssyncadd.remote.s32 $0x1  }
0xbd: {  	_ =	sfence.sel $0xFFFF  }
0xbe: {  	[dreg:$0x0] =	wrdreg $0xFFFFFFFF;
	(pc) =	sbr.abs _section_cstart, $3  }
0xbf: {  	[dreg:$0x1] =	wrdreg $0xFFFFFFFF  }
0xc0: {  	_ =	task.clear_ibuf [dreg:s6], $0x2FFFF;
	_ =	strace $0x9FFFFFFF  }
0xc1: {  	(tm) =	ssettm $0x7FFFFFFF  }
tec
execute0_lowered:
.L_overlay_start_1:
0x0: {  	(tag) =	ssettag $0x1  }
0x1: {  	s4 =	rddreg [dreg:$0x0]  }
0x2: {  	s0 =	rddreg [dreg:$0x1]  }
0x3: {  	s2 =	simm.s32 $0x0;
	s1 =	stileid.u32;
	s5 =	srdreg.scid  }
0x4: {  	s10 =	simm.s32 $0x1;
	s11 =	simm.s32 $0x4000;
	s12 =	simm.s32 $0x8080  }
0x5: {  	s13 =	simm.s32 $0x2;
	s14 =	simm.s32 $0x80;
	s15 =	simm.s32 $0x400  }
0x6: {  	s16 =	simm.s32 $0x10100;
	s17 =	simm.s32 $0x0;
	[smem:$0x7FF] =	sst s2  }
0x7: {  	s3 =	sshll.u32 s1, $0x9;
	s5 =	sand.u32 $0x1, s5;
	s7 =	sshll.u32 s1, $0x1  }
0x8: {  	_ =	strace $0x8000004A;
	s6 =	sand.u32 $0x1800, s3;
	s3 =	sadd.s32 $0x20000, s4  }
0x9: {  	s7 =	sor.u32 s5, s7;
	s5 =	ssub.s32 $0x2, s5;
	s6 =	sadd.s32 s6, s4  }
0xa: {  	s8 =	sshll.u32 s7, $0xC;
	s7 =	sshll.u32 s7, $0x4;
	s9 =	sshrl.u32 s5, $0x1  }
0xb: {  	s4 =	sadd.s32 s4, s8;
	s7 =	sand.u32 $0x70, s7;
	s31 =	ssub.s32 s5, s9  }
0xc: {  	v1 =	vlaneseq.u32;
	s8 =	simm.s32 $0x8000;
	s9 =	simm.s32 $0x3;
	s6 =	sadd.s32 s7, s6  }
0xd: {  	v0 =	vimm.s32 $0x0;
	v2 =	vimm.s32 $0x1;
	v1 =	vmul.u32 $0x801, v1;
	s5 =	sadd.s32 $0x800, s4;
	s7 =	smax.u32 s31, $0x1;
	s6 =	sadd.s32 $0x22A00, s6  }
.LBB2_1:
0xe: {  	[tilespmem:s2], [sflag:$0x1] =	stream.linear.gather [hbm4b:s4+s2], $0x4000, $0x38;
	[tilespmem:$0x10900] =	vst v63  }
0xf: {  	_ = 	snop  }
0x10: {  	[tilespmem:s8], [sflag:$0x3] =	stream.linear.gather [hbm4b:s3+s2], $0x80, $0x38;
	[tilespmem:$0x10900] =	vst v63  }
0x11: {  	_ =	swait.ge [sflag:s9], $0x80  }
0x12: {  	[sflag:s9] =	ssyncset.done $0x0  }
0x13: {  	[sflag:s9] =	ssyncadd.s32 $0xFFFFFF80  }
0x14: {  	s18 =	simm.s32 $0x0;
	s19 =	simm.s32 $0x400;
	v3 =	vld [tilespmem:$0x8000]  }
.LBB2_2:
0x15: {  	p0 =	sne.s32 s19, $0x1FC00;
	[tilespmem:s18+$0x8170] =	vst v0  }
0x16: {  	[tilespmem:s18+$0x8080] =	vst v0  }
0x17: {  	[tilespmem:s18+$0x8090] =	vst v0  }
0x18: {  	[tilespmem:s18+$0x80A0] =	vst v0  }
0x19: {  	[tilespmem:s18+$0x80B0] =	vst v0  }
0x1a: {  	[tilespmem:s18+$0x80C0] =	vst v0  }
0x1b: {  	[tilespmem:s18+$0x80D0] =	vst v0  }
0x1c: {  	[tilespmem:s18+$0x80E0] =	vst v0  }
0x1d: {  	[tilespmem:s18+$0x80F0] =	vst v0  }
0x1e: {  	[tilespmem:s18+$0x8100] =	vst v0  }
0x1f: {  	[tilespmem:s18+$0x8110] =	vst v0  }
.Ltmp0:
0x20: {  	[tilespmem:s18+$0x8120] =	vst v0;
	(pc) =	sbr.rel @p0 .LBB2_2-.Ltmp0, $4  }
0x21: {  	[tilespmem:s18+$0x8130] =	vst v0  }
0x22: {  	[tilespmem:s18+$0x8140] =	vst v0  }
0x23: {  	[tilespmem:s18+$0x8150] =	vst v0  }
0x24: {  	[tilespmem:s18+$0x8160] =	vst v0;
	s18 =	sshra.s32 s19, $0x2;
	s19 =	sadd.s32 $0x400, s19  }
0x25: {  	[tilespmem:s18+$0x8170] =	vst v0  }
0x26: {  	[tilespmem:s18+$0x8080] =	vst v0  }
0x27: {  	[tilespmem:s18+$0x8090] =	vst v0  }
0x28: {  	[tilespmem:s18+$0x80A0] =	vst v0  }
0x29: {  	[tilespmem:s18+$0x80B0] =	vst v0  }
0x2a: {  	[tilespmem:s18+$0x80C0] =	vst v0  }
0x2b: {  	[tilespmem:s18+$0x80D0] =	vst v0  }
0x2c: {  	[tilespmem:s18+$0x80E0] =	vst v0  }
0x2d: {  	[tilespmem:s18+$0x80F0] =	vst v0  }
0x2e: {  	[tilespmem:s18+$0x8100] =	vst v0  }
0x2f: {  	[tilespmem:s18+$0x8110] =	vst v0  }
0x30: {  	[tilespmem:s18+$0x8120] =	vst v0  }
0x31: {  	[tilespmem:s18+$0x8130] =	vst v0  }
0x32: {  	[tilespmem:s18+$0x8140] =	vst v0  }
0x33: {  	[tilespmem:s18+$0x8150] =	vst v0  }
0x34: {  	[tilespmem:s18+$0x8160] =	vst v0  }
0x35: {  	[tilespmem:$0x10080] =	vst v0  }
0x36: {  	_ =	swait.ge [sflag:s10], $0x4000  }
0x37: {  	[sflag:s10] =	ssyncset.done $0x0  }
0x38: {  	s18 =	simm.s32 $0x0;
	[sflag:s10] =	ssyncadd.s32 $0xFFFFC000  }
0x39: {  	[tilespmem:s11], [sflag:$0x2] =	stream.linear.gather [hbm4b:s5+s18], $0x4000, $0x38;
	[tilespmem:$0x10900] =	vst v63  }
.LBB2_4:
0x3a: {  	s19 =	sshra.s32 s18, $0x2  }
0x3b: {  	v4 =	vld [tilespmem:s19+$0x0];
	_ =	sdelay $0x4  }
0x3c: {  	v4 =	vsub.s32 v4, v3  }
0x3d: {  	vm0 =	vlt.u32 v4, $0x200000;
	v4 =	vshrl.u32 v4, $0xA  }
0x3e: {  	v4 =	vadd.s32 v1, v4;
	_ =	sdelay $0x4  }
0x3f: {  	[tilespmem:v4+s12+$0x0] =	vst.idx.add.s32.msk vm0, v2  }
0x40: {  	v4 =	vld [tilespmem:s19+$0x10];
	_ =	sdelay $0x4  }
0x41: {  	v4 =	vsub.s32 v4, v3  }
0x42: {  	vm13 =	vlt.u32 v4, $0x200000;
	v4 =	vshrl.u32 v4, $0xA  }
0x43: {  	v4 =	vadd.s32 v1, v4;
	_ =	sdelay $0x4  }
0x44: {  	[tilespmem:v4+s12+$0x0] =	vst.idx.add.s32.msk vm13, v2  }
0x45: {  	v4 =	vld [tilespmem:s19+$0x20];
	_ =	sdelay $0x4  }
0x46: {  	v4 =	vsub.s32 v4, v3  }
0x47: {  	vm14 =	vlt.u32 v4, $0x200000;
	v4 =	vshrl.u32 v4, $0xA  }
0x48: {  	v4 =	vadd.s32 v1, v4;
	_ =	sdelay $0x4  }
0x49: {  	[tilespmem:v4+s12+$0x0] =	vst.idx.add.s32.msk vm14, v2  }
0x4a: {  	v4 =	vld [tilespmem:s19+$0x30];
	_ =	sdelay $0x4  }
0x4b: {  	v4 =	vsub.s32 v4, v3  }
0x4c: {  	vm15 =	vlt.u32 v4, $0x200000;
	v4 =	vshrl.u32 v4, $0xA  }
0x4d: {  	v4 =	vadd.s32 v1, v4;
	_ =	sdelay $0x4  }
0x4e: {  	[tilespmem:v4+s12+$0x0] =	vst.idx.add.s32.msk vm15, v2  }
0x4f: {  	v4 =	vld [tilespmem:s19+$0x40];
	_ =	sdelay $0x4  }
0x50: {  	v4 =	vsub.s32 v4, v3  }
0x51: {  	vm4 =	vlt.u32 v4, $0x200000;
	v4 =	vshrl.u32 v4, $0xA  }
0x52: {  	v4 =	vadd.s32 v1, v4;
	_ =	sdelay $0x4  }
0x53: {  	[tilespmem:v4+s12+$0x0] =	vst.idx.add.s32.msk vm4, v2  }
0x54: {  	v4 =	vld [tilespmem:s19+$0x50];
	_ =	sdelay $0x4  }
0x55: {  	v4 =	vsub.s32 v4, v3  }
0x56: {  	vm5 =	vlt.u32 v4, $0x200000;
	v4 =	vshrl.u32 v4, $0xA  }
0x57: {  	v4 =	vadd.s32 v1, v4;
	_ =	sdelay $0x4  }
0x58: {  	[tilespmem:v4+s12+$0x0] =	vst.idx.add.s32.msk vm5, v2  }
0x59: {  	v4 =	vld [tilespmem:s19+$0x60];
	_ =	sdelay $0x4  }
0x5a: {  	v4 =	vsub.s32 v4, v3  }
0x5b: {  	vm6 =	vlt.u32 v4, $0x200000;
	v4 =	vshrl.u32 v4, $0xA  }
0x5c: {  	v4 =	vadd.s32 v1, v4;
	_ =	sdelay $0x4  }
0x5d: {  	[tilespmem:v4+s12+$0x0] =	vst.idx.add.s32.msk vm6, v2  }
0x5e: {  	v4 =	vld [tilespmem:s19+$0x70];
	_ =	sdelay $0x4  }
0x5f: {  	v4 =	vsub.s32 v4, v3  }
0x60: {  	vm7 =	vlt.u32 v4, $0x200000;
	v4 =	vshrl.u32 v4, $0xA  }
0x61: {  	v4 =	vadd.s32 v1, v4;
	_ =	sdelay $0x4  }
0x62: {  	[tilespmem:v4+s12+$0x0] =	vst.idx.add.s32.msk vm7, v2  }
0x63: {  	v4 =	vld [tilespmem:s19+$0x80];
	_ =	sdelay $0x4  }
0x64: {  	v4 =	vsub.s32 v4, v3  }
0x65: {  	vm8 =	vlt.u32 v4, $0x200000;
	v4 =	vshrl.u32 v4, $0xA  }
0x66: {  	v4 =	vadd.s32 v1, v4;
	_ =	sdelay $0x4  }
0x67: {  	[tilespmem:v4+s12+$0x0] =	vst.idx.add.s32.msk vm8, v2  }
0x68: {  	v4 =	vld [tilespmem:s19+$0x90];
	_ =	sdelay $0x4  }
0x69: {  	v4 =	vsub.s32 v4, v3  }
0x6a: {  	vm9 =	vlt.u32 v4, $0x200000;
	v4 =	vshrl.u32 v4, $0xA  }
0x6b: {  	v4 =	vadd.s32 v1, v4;
	_ =	sdelay $0x4  }
0x6c: {  	[tilespmem:v4+s12+$0x0] =	vst.idx.add.s32.msk vm9, v2  }
0x6d: {  	v4 =	vld [tilespmem:s19+$0xA0];
	_ =	sdelay $0x4  }
0x6e: {  	v4 =	vsub.s32 v4, v3  }
0x6f: {  	vm10 =	vlt.u32 v4, $0x200000;
	v4 =	vshrl.u32 v4, $0xA  }
0x70: {  	v4 =	vadd.s32 v1, v4;
	_ =	sdelay $0x4  }
0x71: {  	[tilespmem:v4+s12+$0x0] =	vst.idx.add.s32.msk vm10, v2  }
0x72: {  	v4 =	vld [tilespmem:s19+$0xB0];
	_ =	sdelay $0x4  }
0x73: {  	v4 =	vsub.s32 v4, v3  }
0x74: {  	vm11 =	vlt.u32 v4, $0x200000;
	v4 =	vshrl.u32 v4, $0xA  }
0x75: {  	v4 =	vadd.s32 v1, v4;
	_ =	sdelay $0x4  }
0x76: {  	[tilespmem:v4+s12+$0x0] =	vst.idx.add.s32.msk vm11, v2  }
0x77: {  	v4 =	vld [tilespmem:s19+$0xC0];
	_ =	sdelay $0x4  }
0x78: {  	v4 =	vsub.s32 v4, v3  }
0x79: {  	vm12 =	vlt.u32 v4, $0x200000;
	v4 =	vshrl.u32 v4, $0xA  }
0x7a: {  	v4 =	vadd.s32 v1, v4;
	_ =	sdelay $0x4  }
0x7b: {  	[tilespmem:v4+s12+$0x0] =	vst.idx.add.s32.msk vm12, v2  }
0x7c: {  	v4 =	vld [tilespmem:s19+$0xD0];
	_ =	sdelay $0x4  }
0x7d: {  	v4 =	vsub.s32 v4, v3  }
0x7e: {  	vm13 =	vlt.u32 v4, $0x200000;
	v4 =	vshrl.u32 v4, $0xA  }
0x7f: {  	v4 =	vadd.s32 v1, v4;
	_ =	sdelay $0x4  }
0x80: {  	[tilespmem:v4+s12+$0x0] =	vst.idx.add.s32.msk vm13, v2  }
0x81: {  	v4 =	vld [tilespmem:s19+$0xE0];
	_ =	sdelay $0x4  }
0x82: {  	v4 =	vsub.s32 v4, v3  }
0x83: {  	vm14 =	vlt.u32 v4, $0x200000;
	v4 =	vshrl.u32 v4, $0xA  }
0x84: {  	v4 =	vadd.s32 v1, v4;
	_ =	sdelay $0x4  }
0x85: {  	[tilespmem:v4+s12+$0x0] =	vst.idx.add.s32.msk vm14, v2  }
0x86: {  	v4 =	vld [tilespmem:s19+$0xF0];
	_ =	sdelay $0x4  }
0x87: {  	v4 =	vsub.s32 v4, v3  }
0x88: {  	vm15 =	vlt.u32 v4, $0x200000;
	v4 =	vshrl.u32 v4, $0xA  }
0x89: {  	p0 =	sne.s32 s18, $0xFC00;
	v4 =	vadd.s32 v1, v4  }
.Ltmp1:
0x8a: {  	_ = 	snop;
	(pc) =	sbr.rel @p0 .LBB2_4-.Ltmp1, $2  }
0x8b: {  	_ =	sdelay $0x2  }
0x8c: {  	s18 =	sadd.s32 $0x400, s18;
	[tilespmem:v4+s12+$0x0] =	vst.idx.add.s32.msk vm15, v2  }
0x8d: {  	_ =	swait.ge [sflag:s13], $0x4000  }
0x8e: {  	[sflag:s13] =	ssyncset.done $0x0  }
0x8f: {  	s18 =	simm.s32 $0x0;
	[sflag:s13] =	ssyncadd.s32 $0xFFFFC000  }
.LBB2_6:
0x90: {  	s19 =	sshra.s32 s18, $0x2  }
0x91: {  	v4 =	vld [tilespmem:s19+$0x4000];
	_ =	sdelay $0x4  }
0x92: {  	v4 =	vsub.s32 v4, v3  }
0x93: {  	vm0 =	vlt.u32 v4, $0x200000;
	v4 =	vshrl.u32 v4, $0xA  }
0x94: {  	v4 =	vadd.s32 v1, v4;
	_ =	sdelay $0x4  }
0x95: {  	[tilespmem:v4+s12+$0x0] =	vst.idx.add.s32.msk vm0, v2  }
0x96: {  	v4 =	vld [tilespmem:s19+$0x4010];
	_ =	sdelay $0x4  }
0x97: {  	v4 =	vsub.s32 v4, v3  }
0x98: {  	vm13 =	vlt.u32 v4, $0x200000;
	v4 =	vshrl.u32 v4, $0xA  }
0x99: {  	v4 =	vadd.s32 v1, v4;
	_ =	sdelay $0x4  }
0x9a: {  	[tilespmem:v4+s12+$0x0] =	vst.idx.add.s32.msk vm13, v2  }
0x9b: {  	v4 =	vld [tilespmem:s19+$0x4020];
	_ =	sdelay $0x4  }
0x9c: {  	v4 =	vsub.s32 v4, v3  }
0x9d: {  	vm14 =	vlt.u32 v4, $0x200000;
	v4 =	vshrl.u32 v4, $0xA  }
0x9e: {  	v4 =	vadd.s32 v1, v4;
	_ =	sdelay $0x4  }
0x9f: {  	[tilespmem:v4+s12+$0x0] =	vst.idx.add.s32.msk vm14, v2  }
0xa0: {  	v4 =	vld [tilespmem:s19+$0x4030];
	_ =	sdelay $0x4  }
0xa1: {  	v4 =	vsub.s32 v4, v3  }
0xa2: {  	vm15 =	vlt.u32 v4, $0x200000;
	v4 =	vshrl.u32 v4, $0xA  }
0xa3: {  	v4 =	vadd.s32 v1, v4;
	_ =	sdelay $0x4  }
0xa4: {  	[tilespmem:v4+s12+$0x0] =	vst.idx.add.s32.msk vm15, v2  }
0xa5: {  	v4 =	vld [tilespmem:s19+$0x4040];
	_ =	sdelay $0x4  }
0xa6: {  	v4 =	vsub.s32 v4, v3  }
0xa7: {  	vm4 =	vlt.u32 v4, $0x200000;
	v4 =	vshrl.u32 v4, $0xA  }
0xa8: {  	v4 =	vadd.s32 v1, v4;
	_ =	sdelay $0x4  }
0xa9: {  	[tilespmem:v4+s12+$0x0] =	vst.idx.add.s32.msk vm4, v2  }
0xaa: {  	v4 =	vld [tilespmem:s19+$0x4050];
	_ =	sdelay $0x4  }
0xab: {  	v4 =	vsub.s32 v4, v3  }
0xac: {  	vm5 =	vlt.u32 v4, $0x200000;
	v4 =	vshrl.u32 v4, $0xA  }
0xad: {  	v4 =	vadd.s32 v1, v4;
	_ =	sdelay $0x4  }
0xae: {  	[tilespmem:v4+s12+$0x0] =	vst.idx.add.s32.msk vm5, v2  }
0xaf: {  	v4 =	vld [tilespmem:s19+$0x4060];
	_ =	sdelay $0x4  }
0xb0: {  	v4 =	vsub.s32 v4, v3  }
0xb1: {  	vm6 =	vlt.u32 v4, $0x200000;
	v4 =	vshrl.u32 v4, $0xA  }
0xb2: {  	v4 =	vadd.s32 v1, v4;
	_ =	sdelay $0x4  }
0xb3: {  	[tilespmem:v4+s12+$0x0] =	vst.idx.add.s32.msk vm6, v2  }
0xb4: {  	v4 =	vld [tilespmem:s19+$0x4070];
	_ =	sdelay $0x4  }
0xb5: {  	v4 =	vsub.s32 v4, v3  }
0xb6: {  	vm7 =	vlt.u32 v4, $0x200000;
	v4 =	vshrl.u32 v4, $0xA  }
0xb7: {  	v4 =	vadd.s32 v1, v4;
	_ =	sdelay $0x4  }
0xb8: {  	[tilespmem:v4+s12+$0x0] =	vst.idx.add.s32.msk vm7, v2  }
0xb9: {  	v4 =	vld [tilespmem:s19+$0x4080];
	_ =	sdelay $0x4  }
0xba: {  	v4 =	vsub.s32 v4, v3  }
0xbb: {  	vm8 =	vlt.u32 v4, $0x200000;
	v4 =	vshrl.u32 v4, $0xA  }
0xbc: {  	v4 =	vadd.s32 v1, v4;
	_ =	sdelay $0x4  }
0xbd: {  	[tilespmem:v4+s12+$0x0] =	vst.idx.add.s32.msk vm8, v2  }
0xbe: {  	v4 =	vld [tilespmem:s19+$0x4090];
	_ =	sdelay $0x4  }
0xbf: {  	v4 =	vsub.s32 v4, v3  }
0xc0: {  	vm9 =	vlt.u32 v4, $0x200000;
	v4 =	vshrl.u32 v4, $0xA  }
0xc1: {  	v4 =	vadd.s32 v1, v4;
	_ =	sdelay $0x4  }
0xc2: {  	[tilespmem:v4+s12+$0x0] =	vst.idx.add.s32.msk vm9, v2  }
0xc3: {  	v4 =	vld [tilespmem:s19+$0x40A0];
	_ =	sdelay $0x4  }
0xc4: {  	v4 =	vsub.s32 v4, v3  }
0xc5: {  	vm10 =	vlt.u32 v4, $0x200000;
	v4 =	vshrl.u32 v4, $0xA  }
0xc6: {  	v4 =	vadd.s32 v1, v4;
	_ =	sdelay $0x4  }
0xc7: {  	[tilespmem:v4+s12+$0x0] =	vst.idx.add.s32.msk vm10, v2  }
0xc8: {  	v4 =	vld [tilespmem:s19+$0x40B0];
	_ =	sdelay $0x4  }
0xc9: {  	v4 =	vsub.s32 v4, v3  }
0xca: {  	vm11 =	vlt.u32 v4, $0x200000;
	v4 =	vshrl.u32 v4, $0xA  }
0xcb: {  	v4 =	vadd.s32 v1, v4;
	_ =	sdelay $0x4  }
0xcc: {  	[tilespmem:v4+s12+$0x0] =	vst.idx.add.s32.msk vm11, v2  }
0xcd: {  	v4 =	vld [tilespmem:s19+$0x40C0];
	_ =	sdelay $0x4  }
0xce: {  	v4 =	vsub.s32 v4, v3  }
0xcf: {  	vm12 =	vlt.u32 v4, $0x200000;
	v4 =	vshrl.u32 v4, $0xA  }
0xd0: {  	v4 =	vadd.s32 v1, v4;
	_ =	sdelay $0x4  }
0xd1: {  	[tilespmem:v4+s12+$0x0] =	vst.idx.add.s32.msk vm12, v2  }
0xd2: {  	v4 =	vld [tilespmem:s19+$0x40D0];
	_ =	sdelay $0x4  }
0xd3: {  	v4 =	vsub.s32 v4, v3  }
0xd4: {  	vm13 =	vlt.u32 v4, $0x200000;
	v4 =	vshrl.u32 v4, $0xA  }
0xd5: {  	v4 =	vadd.s32 v1, v4;
	_ =	sdelay $0x4  }
0xd6: {  	[tilespmem:v4+s12+$0x0] =	vst.idx.add.s32.msk vm13, v2  }
0xd7: {  	v4 =	vld [tilespmem:s19+$0x40E0];
	_ =	sdelay $0x4  }
0xd8: {  	v4 =	vsub.s32 v4, v3  }
0xd9: {  	vm14 =	vlt.u32 v4, $0x200000;
	v4 =	vshrl.u32 v4, $0xA  }
0xda: {  	v4 =	vadd.s32 v1, v4;
	_ =	sdelay $0x4  }
0xdb: {  	[tilespmem:v4+s12+$0x0] =	vst.idx.add.s32.msk vm14, v2  }
0xdc: {  	v4 =	vld [tilespmem:s19+$0x40F0];
	_ =	sdelay $0x4  }
0xdd: {  	v4 =	vsub.s32 v4, v3  }
0xde: {  	vm15 =	vlt.u32 v4, $0x200000;
	v4 =	vshrl.u32 v4, $0xA  }
0xdf: {  	p0 =	sne.s32 s18, $0xFC00;
	v4 =	vadd.s32 v1, v4  }
.Ltmp2:
0xe0: {  	_ = 	snop;
	(pc) =	sbr.rel @p0 .LBB2_6-.Ltmp2, $2  }
0xe1: {  	_ =	sdelay $0x2  }
0xe2: {  	s18 =	sadd.s32 $0x400, s18;
	[tilespmem:v4+s12+$0x0] =	vst.idx.add.s32.msk vm15, v2  }
0xe3: {  	s18 =	simm.s32 $0x0  }
0xe4: {  	v3 =	vld [tilespmem:s18+$0x8090]  }
0xe5: {  	v4 =	vld [tilespmem:s18+$0x8891]  }
0xe6: {  	v5 =	vld [tilespmem:s18+$0x9092]  }
0xe7: {  	v6 =	vld [tilespmem:s18+$0x9893]  }
0xe8: {  	v7 =	vld [tilespmem:s18+$0xA094]  }
0xe9: {  	v8 =	vld [tilespmem:s18+$0xA895]  }
0xea: {  	v9 =	vld [tilespmem:s18+$0xB096]  }
0xeb: {  	v3 =	vadd.s32 v3, v4;
	v4 =	vld [tilespmem:s18+$0xB897]  }
0xec: {  	v3 =	vadd.s32 v5, v3;
	v5 =	vld [tilespmem:s18+$0xC098]  }
0xed: {  	v3 =	vadd.s32 v6, v3;
	v6 =	vld [tilespmem:s18+$0xC899]  }
0xee: {  	v3 =	vadd.s32 v7, v3;
	v7 =	vld [tilespmem:s18+$0xD09A]  }
0xef: {  	v3 =	vadd.s32 v8, v3;
	v8 =	vld [tilespmem:s18+$0xD89B]  }
0xf0: {  	v3 =	vadd.s32 v9, v3;
	v9 =	vld [tilespmem:s18+$0xE09C]  }
0xf1: {  	v3 =	vadd.s32 v4, v3;
	v4 =	vld [tilespmem:s18+$0xE89D]  }
0xf2: {  	v3 =	vadd.s32 v5, v3;
	v5 =	vld [tilespmem:s18+$0xF09E]  }
0xf3: {  	v3 =	vadd.s32 v6, v3;
	v6 =	vld [tilespmem:s18+$0xF89F]  }
0xf4: {  	v3 =	vadd.s32 v7, v3;
	v7 =	vld [tilespmem:s18+$0x8080]  }
0xf5: {  	v3 =	vadd.s32 v8, v3;
	v8 =	vld [tilespmem:s18+$0x8881]  }
0xf6: {  	v3 =	vadd.s32 v9, v3;
	v9 =	vld [tilespmem:s18+$0x9082]  }
0xf7: {  	v3 =	vadd.s32 v4, v3;
	v4 =	vld [tilespmem:s18+$0x9883]  }
0xf8: {  	v3 =	vadd.s32 v5, v3;
	v5 =	vld [tilespmem:s18+$0xA084]  }
0xf9: {  	v3 =	vadd.s32 v6, v3;
	v6 =	vld [tilespmem:s18+$0xA885]  }
0xfa: {  	[tilespmem:s18+$0x10110] =	vst v3;
	v3 =	vadd.s32 v7, v8;
	v7 =	vld [tilespmem:s18+$0xB086]  }
0xfb: {  	v8 =	vld [tilespmem:s18+$0xB887];
	v3 =	vadd.s32 v9, v3  }
0xfc: {  	v9 =	vld [tilespmem:s18+$0xC088];
	v3 =	vadd.s32 v4, v3  }
0xfd: {  	v10 =	vld [tilespmem:s18+$0xC889];
	v3 =	vadd.s32 v5, v3  }
0xfe: {  	v11 =	vld [tilespmem:s18+$0xD08A];
	v3 =	vadd.s32 v6, v3  }
0xff: {  	v12 =	vld [tilespmem:s18+$0xD88B];
	v3 =	vadd.s32 v7, v3  }
0x100: {  	v4 =	vld [tilespmem:s18+$0xE08C];
	v3 =	vadd.s32 v8, v3  }
0x101: {  	v5 =	vld [tilespmem:s18+$0xE88D];
	v3 =	vadd.s32 v9, v3  }
0x102: {  	v6 =	vld [tilespmem:s18+$0xF08E];
	v3 =	vadd.s32 v10, v3  }
0x103: {  	s20 =	simm.s32 $0x20;
	v7 =	vld [tilespmem:s18+$0xF88F];
	v8 =	vadd.s32 v11, v3  }
0x104: {  	s19 =	simm.s32 $0x100;
	v3 =	vld [tilespmem:s20+$0x8090];
	v8 =	vadd.s32 v12, v8  }
.LBB2_8:
0x105: {  	p0 =	sne.s32 s19, $0x1F80;
	v9 =	vld [tilespmem:s20+$0x8891];
	v4 =	vadd.s32 v4, v8  }
0x106: {  	v8 =	vld [tilespmem:s20+$0x9092];
	v4 =	vadd.s32 v5, v4  }
0x107: {  	v5 =	vld [tilespmem:s20+$0x9893];
	v4 =	vadd.s32 v6, v4  }
0x108: {  	v6 =	vld [tilespmem:s20+$0xA094];
	v4 =	vadd.s32 v7, v4  }
0x109: {  	v7 =	vld [tilespmem:s20+$0xA895];
	[tilespmem:s18+$0x10100] =	vst v4;
	s18 =	smov.u32 s20  }
0x10a: {  	v3 =	vadd.s32 v3, v9;
	v4 =	vld [tilespmem:s18+$0xB096]  }
0x10b: {  	v3 =	vadd.s32 v8, v3;
	v8 =	vld [tilespmem:s18+$0xB897]  }
0x10c: {  	v3 =	vadd.s32 v5, v3;
	v5 =	vld [tilespmem:s18+$0xC098]  }
0x10d: {  	v3 =	vadd.s32 v6, v3;
	v6 =	vld [tilespmem:s18+$0xC899]  }
0x10e: {  	v3 =	vadd.s32 v7, v3;
	v7 =	vld [tilespmem:s18+$0xD09A]  }
0x10f: {  	v3 =	vadd.s32 v4, v3;
	v4 =	vld [tilespmem:s18+$0xD89B]  }
0x110: {  	v3 =	vadd.s32 v8, v3;
	v8 =	vld [tilespmem:s18+$0xE09C]  }
0x111: {  	v3 =	vadd.s32 v5, v3;
	v5 =	vld [tilespmem:s18+$0xE89D]  }
0x112: {  	v3 =	vadd.s32 v6, v3;
	v6 =	vld [tilespmem:s18+$0xF09E]  }
0x113: {  	v3 =	vadd.s32 v7, v3;
	v7 =	vld [tilespmem:s18+$0xF89F]  }
0x114: {  	v9 =	vld [tilespmem:s18+$0x8080];
	v3 =	vadd.s32 v4, v3  }
0x115: {  	v4 =	vld [tilespmem:s18+$0x8881];
	v3 =	vadd.s32 v8, v3  }
0x116: {  	v8 =	vld [tilespmem:s18+$0x9082];
	v3 =	vadd.s32 v5, v3  }
0x117: {  	v5 =	vld [tilespmem:s18+$0x9883];
	v3 =	vadd.s32 v6, v3  }
0x118: {  	v6 =	vld [tilespmem:s18+$0xA084];
	v3 =	vadd.s32 v7, v3  }
0x119: {  	v7 =	vld [tilespmem:s18+$0xA885];
	[tilespmem:s18+$0x10110] =	vst v3  }
0x11a: {  	v3 =	vadd.s32 v9, v4;
	v4 =	vld [tilespmem:s18+$0xB086]  }
0x11b: {  	v3 =	vadd.s32 v8, v3;
	v8 =	vld [tilespmem:s18+$0xB887]  }
0x11c: {  	v3 =	vadd.s32 v5, v3;
	v5 =	vld [tilespmem:s18+$0xC088]  }
0x11d: {  	v3 =	vadd.s32 v6, v3;
	v6 =	vld [tilespmem:s18+$0xC889]  }
0x11e: {  	v3 =	vadd.s32 v7, v3;
	v7 =	vld [tilespmem:s18+$0xD08A]  }
0x11f: {  	v3 =	vadd.s32 v4, v3;
	v9 =	vld [tilespmem:s18+$0xD88B]  }
.Ltmp3:
0x120: {  	v3 =	vadd.s32 v8, v3;
	v4 =	vld [tilespmem:s18+$0xE08C];
	(pc) =	sbr.rel @p0 .LBB2_8-.Ltmp3, $4  }
0x121: {  	v3 =	vadd.s32 v5, v3;
	v5 =	vld [tilespmem:s18+$0xE88D]  }
0x122: {  	v3 =	vadd.s32 v6, v3;
	v6 =	vld [tilespmem:s18+$0xF08E]  }
0x123: {  	s20 =	sshra.s32 s19, $0x2;
	v8 =	vadd.s32 v7, v3;
	v7 =	vld [tilespmem:s18+$0xF88F]  }
0x124: {  	s19 =	sadd.s32 $0x80, s19;
	v3 =	vld [tilespmem:s20+$0x8090];
	v8 =	vadd.s32 v9, v8  }
0x125: {  	v9 =	vld [tilespmem:s20+$0x8891];
	v4 =	vadd.s32 v4, v8  }
0x126: {  	v35 =	vld [tilespmem:s20+$0x9092];
	v4 =	vadd.s32 v5, v4  }
0x127: {  	v36 =	vld [tilespmem:s20+$0x9893];
	v4 =	vadd.s32 v6, v4  }
0x128: {  	v37 =	vld [tilespmem:s20+$0xA094];
	v4 =	vadd.s32 v7, v4  }
0x129: {  	v38 =	vld [tilespmem:s20+$0xA895];
	[tilespmem:s18+$0x10100] =	vst v4  }
0x12a: {  	v4 =	vld [tilespmem:s20+$0xB096]  }
0x12b: {  	v3 =	vadd.s32 v3, v9;
	v39 =	vld [tilespmem:s20+$0xB897]  }
0x12c: {  	v40 =	vld [tilespmem:s20+$0xC098];
	v3 =	vadd.s32 v35, v3  }
0x12d: {  	v41 =	vld [tilespmem:s20+$0xC899];
	v3 =	vadd.s32 v36, v3  }
0x12e: {  	v42 =	vld [tilespmem:s20+$0xD09A];
	v3 =	vadd.s32 v37, v3  }
0x12f: {  	v43 =	vld [tilespmem:s20+$0xD89B];
	v3 =	vadd.s32 v38, v3  }
0x130: {  	v44 =	vld [tilespmem:s20+$0xE09C];
	v3 =	vadd.s32 v4, v3  }
0x131: {  	v45 =	vld [tilespmem:s20+$0xE89D];
	v3 =	vadd.s32 v39, v3  }
0x132: {  	v46 =	vld [tilespmem:s20+$0xF09E];
	v3 =	vadd.s32 v40, v3  }
0x133: {  	v47 =	vld [tilespmem:s20+$0xF89F];
	v3 =	vadd.s32 v41, v3  }
0x134: {  	v48 =	vld [tilespmem:s20+$0x8080];
	v3 =	vadd.s32 v42, v3  }
0x135: {  	v49 =	vld [tilespmem:s20+$0x8881];
	v3 =	vadd.s32 v43, v3  }
0x136: {  	v50 =	vld [tilespmem:s20+$0x9082];
	v3 =	vadd.s32 v44, v3  }
0x137: {  	v51 =	vld [tilespmem:s20+$0x9883];
	v3 =	vadd.s32 v45, v3  }
0x138: {  	v52 =	vld [tilespmem:s20+$0xA084];
	v3 =	vadd.s32 v46, v3  }
0x139: {  	v53 =	vld [tilespmem:s20+$0xA885];
	v3 =	vadd.s32 v47, v3  }
0x13a: {  	v54 =	vld [tilespmem:s20+$0xB086];
	[tilespmem:s20+$0x10110] =	vst v3;
	v3 =	vadd.s32 v48, v49  }
0x13b: {  	v55 =	vld [tilespmem:s20+$0xB887];
	v3 =	vadd.s32 v50, v3  }
0x13c: {  	v56 =	vld [tilespmem:s20+$0xC088];
	v3 =	vadd.s32 v51, v3  }
0x13d: {  	v57 =	vld [tilespmem:s20+$0xC889];
	v3 =	vadd.s32 v52, v3  }
0x13e: {  	v58 =	vld [tilespmem:s20+$0xD08A];
	v3 =	vadd.s32 v53, v3  }
0x13f: {  	v59 =	vld [tilespmem:s20+$0xD88B];
	v3 =	vadd.s32 v54, v3  }
0x140: {  	v60 =	vld [tilespmem:s20+$0xE08C];
	v3 =	vadd.s32 v55, v3  }
0x141: {  	v61 =	vld [tilespmem:s20+$0xE88D];
	v3 =	vadd.s32 v56, v3  }
0x142: {  	v62 =	vld [tilespmem:s20+$0xF08E];
	v3 =	vadd.s32 v57, v3  }
0x143: {  	v63 =	vld [tilespmem:s20+$0xF88F];
	v3 =	vadd.s32 v58, v3  }
0x144: {  	v3 =	vadd.s32 v59, v3  }
0x145: {  	v3 =	vadd.s32 v60, v3  }
0x146: {  	v3 =	vadd.s32 v61, v3  }
0x147: {  	s17 =	sadd.s32 $0x1, s17;
	v3 =	vadd.s32 v62, v3  }
0x148: {  	p0 =	sne.s32 s17, s7;
	v3 =	vadd.s32 v63, v3  }
.Ltmp4:
0x149: {  	[tilespmem:s20+$0x10100] =	vst v3;
	(pc) =	sbr.rel @p0 .LBB2_1-.Ltmp4, $4  }
0x14a: {  	[hbm4b:s6+s14] =	stream.strided.scatter [tilespmem:s16], [sflag:$0x3], $0x800, s15, s14, $0x38;
	[tilespmem:$0x10900] =	vst v63  }
0x14b: {  	_ =	swait.ge [sflag:s9], $0x800  }
0x14c: {  	[sflag:s9] =	ssyncset.done $0x0  }
0x14d: {  	[sflag:s9] =	ssyncadd.s32 $0xFFFFF800  }
0x14e: {  	_ =	sfence.sel $0x180000  }
0x14f: {  	[bflag:$0x0] =	sbarrier.arrive $0xFFFF  }
0x150: {  	p0 =	sne.s32 s1, $0x0;
	_ =	strace $0x9000004A  }
0x151: {  	s0 =	sadd.s32 @!p0 $0x100000, s0;
	[bflag:$0x2] =	sbarrier.arrive $0xFFFF  }
0x152: {  	[sflag:s0] =	ssyncadd.tile.s32 @!p0 $0x1;
	_ =	shalt  }
.Lfunc_end2:
_tile_overlayer_lowered:
.L_overlay_start_2:
0x153: {  	(tag) =	ssettag $0x2  }
0x154: {  	s0 =	rddreg [dreg:$0x0];
	s2 =	stileid.u32  }
0x155: {  	s1 =	rddreg [dreg:$0x1];
	p0 =	sne.s32 s2, $0x0  }
0x156: {  	s3 =	rddreg [dreg:$0x2];
	[bflag:$0x3] =	sbarrier.arrive $0xFFFF;
	s2 =	simm.s32 @!p0 $0x1C03  }
0x157: {  	[timem:s3], [sflag:s2] =	dma.local @!p0 [hbm:s0], s1  }
0x158: {  	s0 =	simm.s32 @!p0 $0x3  }
0x159: {  	_ =	swait.ge @!p0 [sflag:s0], s1  }
0x15a: {  	s1 =	ssub.s32 @!p0 $0x0, s1;
	[sflag:s0] =	ssyncset.done @!p0 $0x0  }
0x15b: {  	[sflag:s0] =	ssyncadd.s32 @!p0 s1  }
0x15c: {  	[bflag:$0x3] =	sbarrier.arrive $0xFFFF  }
0x15d: {  	_ =	shalt  }

// kernel: kernel.13.cloned.1.call-start
scs
__scs_entry_jumppad:
0x0: {  	(pc) =	sbr.rel $0x88, $3  }
0x1: {  	(tag) =	ssettag $0x0;
	lr =	simm.s32 $0x1  }
0x2: {  	[smem:$0x3F9F] =	sst lr;
	_ =	strace $0xD0000000  }
0x3: {  	_ = 	snop  }
0x4: {  	_ = 	snop  }
0x5: {  	_ = 	snop  }
0x6: {  	_ = 	snop  }
0x7: {  	_ = 	snop  }
__scs_overlays_trampoline_lowered:
0x8: {  	[smem:$0x3FAE] =	sst s0  }
0x9: {  	[smem:$0x3FAF] =	sst s1  }
0xa: {  	[smem:$0x3FB0] =	sst s2  }
0xb: {  	[smem:$0x3FB1] =	sst s3  }
0xc: {  	[smem:$0x3FB2] =	sst s4  }
0xd: {  	[smem:$0x3FB3] =	sst s5  }
0xe: {  	[smem:$0x3FB4] =	sst s6  }
0xf: {  	[smem:$0x3FB5] =	sst s7  }
0x10: {  	[smem:$0x3FB6] =	sst s8  }
0x11: {  	[smem:$0x3FB7] =	sst s9;
	s0 =	simm.s32 @!p0 $0x0  }
0x12: {  	s1 =	sld [smem:$0x3F9D];
	s0 =	simm.s32 @p0 $0x1  }
0x13: {  	[smem:$0x3FB8] =	sst s0;
	s0 =	simm.s32 @!p1 $0x0  }
0x14: {  	s2 =	sld [smem:$0x3F9C];
	s0 =	simm.s32 @p1 $0x1  }
0x15: {  	[smem:$0x3FB9] =	sst s0;
	s0 =	simm.s32 @!p2 $0x0  }
0x16: {  	s3 =	sld [smem:$0x3FDB];
	s0 =	simm.s32 @p2 $0x1  }
0x17: {  	s4 =	simm.s32 $0x1BF5;
	[smem:$0x3FBB] =	sst s0  }
0x18: {  	s0 =	sld [smem:$0x3F9E];
	_ =	swait.ge [sflag:s4], $0x0  }
0x19: {  	s7 =	sld [smem:$0x3F9F]  }
0x1a: {  	s8 =	sadd.s32 $0xFFFFE003, lr  }
0x1b: {  	s9 =	sadd.s32 $0xFFFFFEF7, lr;
	s5 =	simm.s32 $0xFFFFFFFF;
	p2 =	slt.u32 s8, $0xFFFFF086  }
0x1c: {  	p1 =	slt.u32 s9, $0xF7A;
	s5 =	simm.s32 @!p2 $0x0  }
0x1d: {  	s5 =	simm.s32 @p1 $0x1;
	p0 =	seq.s32 s7, s2  }
0x1e: {  	s7 =	smul.u32 @!p0 $0xF7A, s2;
	p2 =	seq.s32 @!p0 s5, $0x0  }
0x1f: {  	s9 =	smul.u32 $0xF7A, s1;
	s8 =	simm.s32 @!p0 $0x1BF5;
	p2 =	por !p2, p0  }
0x20: {  	[sflag:s8] =	ssyncset.s32 @!p0 $0xFFFFF086;
	s6 =	sadd.s32 @!p0 s3, s7;
	s7 =	simm.s32 @!p0 $0x108  }
0x21: {  	s3 =	sadd.s32 s3, s9;
	s6 =	sadd.s32 @!p0 $0x88, s6;
	s7 =	simm.s32 @p2 $0x1082  }
0x22: {  	[simem:s7], [sflag:s8] =	dma.local @!p0 [hbm:s6], $0xF7A  }
0x23: {  	s9 =	sor.u32 $0xD0000000, s2;
	s6 =	simm.s32 $0x108;
	_ =	swait.ge @!p0 [sflag:s8], $0x0  }
0x24: {  	s3 =	sadd.s32 $0x88, s3;
	s6 =	simm.s32 @!p1 $0x1082;
	[sflag:s4] =	ssyncset.s32 $0xFFFFF086  }
0x25: {  	[simem:s6], [sflag:s4] =	dma.local [hbm:s3], $0xF7A  }
0x26: {  	[smem:$0x3F9F] =	sst s1;
	(tag) =	ssettag s2;
	_ =	strace s9  }
0x27: {  	s1 =	sld [smem:$0x3FAF]  }
0x28: {  	s2 =	sld [smem:$0x3FB0]  }
0x29: {  	s4 =	sld [smem:$0x3FB2]  }
0x2a: {  	p0 =	seq.s32 s5, $0x0;
	s5 =	sld [smem:$0x3FB3]  }
0x2b: {  	s6 =	sld [smem:$0x3FB4]  }
0x2c: {  	s7 =	sld [smem:$0x3FB5]  }
0x2d: {  	s3 =	simm.s32 $0x108;
	s8 =	sld [smem:$0x3FB6]  }
0x2e: {  	s3 =	simm.s32 @!p0 $0x1082;
	s9 =	sld [smem:$0x3FB7]  }
0x2f: {  	lr =	sadd.s32 s0, s3;
	s0 =	sld [smem:$0x3FAE]  }
0x30: {  	s3 =	sld [smem:$0x3FB1]  }
0x31: {  	[smem:$0x3FBA] =	sst s10  }
0x32: {  	s10 =	sld [smem:$0x3FB8];
	_ =	sdelay $0x3  }
0x33: {  	p0 =	seq.s32 s10, $0x1;
	s10 =	sld [smem:$0x3FBA];
	_ =	sdelay $0x3  }
0x34: {  	[smem:$0x3FBA] =	sst s10  }
0x35: {  	s10 =	sld [smem:$0x3FB9];
	_ =	sdelay $0x3  }
0x36: {  	p1 =	seq.s32 s10, $0x1;
	s10 =	sld [smem:$0x3FBA];
	_ =	sdelay $0x3  }
0x37: {  	[smem:$0x3FBA] =	sst s10  }
0x38: {  	s10 =	sld [smem:$0x3FBB]  }
0x39: {  	_ = 	snop;
	(pc) =	sbr.ind lr, $3  }
0x3a: {  	_ = 	snop  }
0x3b: {  	_ = 	snop  }
0x3c: {  	p2 =	seq.s32 s10, $0x1;
	s10 =	sld [smem:$0x3FBA]  }
0x3d: {  	_ =	shalt  }
0x3e: {  	_ =	shalt  }
0x3f: {  	_ =	shalt  }
0x40: {  	_ =	shalt  }
0x41: {  	_ =	shalt  }
0x42: {  	_ =	shalt  }
0x43: {  	_ =	shalt  }
0x44: {  	_ =	shalt  }
0x45: {  	_ =	shalt  }
0x46: {  	_ =	shalt  }
0x47: {  	_ =	shalt  }
0x48: {  	_ =	shalt  }
0x49: {  	_ =	shalt  }
0x4a: {  	_ =	shalt  }
0x4b: {  	_ =	shalt  }
0x4c: {  	_ =	shalt  }
0x4d: {  	_ =	shalt  }
0x4e: {  	_ =	shalt  }
0x4f: {  	_ =	shalt  }
0x50: {  	_ =	shalt  }
0x51: {  	_ =	shalt  }
0x52: {  	_ =	shalt  }
0x53: {  	_ =	shalt  }
0x54: {  	_ =	shalt  }
0x55: {  	_ =	shalt  }
0x56: {  	_ =	shalt  }
0x57: {  	_ =	shalt  }
0x58: {  	_ =	shalt  }
0x59: {  	_ =	shalt  }
0x5a: {  	_ =	shalt  }
0x5b: {  	_ =	shalt  }
0x5c: {  	_ =	shalt  }
0x5d: {  	_ =	shalt  }
0x5e: {  	_ =	shalt  }
0x5f: {  	_ =	shalt  }
0x60: {  	_ =	shalt  }
0x61: {  	_ =	shalt  }
0x62: {  	_ =	shalt  }
0x63: {  	_ =	shalt  }
0x64: {  	_ =	shalt  }
0x65: {  	_ =	shalt  }
0x66: {  	_ =	shalt  }
0x67: {  	_ =	shalt  }
0x68: {  	_ =	shalt  }
0x69: {  	_ =	shalt  }
0x6a: {  	_ =	shalt  }
0x6b: {  	_ =	shalt  }
0x6c: {  	_ =	shalt  }
0x6d: {  	_ =	shalt  }
0x6e: {  	_ =	shalt  }
0x6f: {  	_ =	shalt  }
0x70: {  	_ =	shalt  }
0x71: {  	_ =	shalt  }
0x72: {  	_ =	shalt  }
0x73: {  	_ =	shalt  }
0x74: {  	_ =	shalt  }
0x75: {  	_ =	shalt  }
0x76: {  	_ =	shalt  }
0x77: {  	_ =	shalt  }
0x78: {  	_ =	shalt  }
0x79: {  	_ =	shalt  }
0x7a: {  	_ =	shalt  }
0x7b: {  	_ =	shalt  }
0x7c: {  	_ =	shalt  }
0x7d: {  	_ =	shalt  }
0x7e: {  	_ =	shalt  }
0x7f: {  	_ =	shalt  }
0x80: {  	_ =	shalt  }
0x81: {  	_ =	shalt  }
0x82: {  	_ =	shalt  }
0x83: {  	_ =	shalt  }
0x84: {  	_ =	shalt  }
0x85: {  	_ =	shalt  }
0x86: {  	_ =	shalt  }
0x87: {  	_ =	shalt  }
.Lfunc_end0:
.L_simem_size_0:
called_computation.2_lowered:
.L_overlay_start_0:
0x88: {  	s2 =	sld [smem:$0x3FD9]  }
0x89: {  	s3 =	sld [smem:$0x3FFE];
	_ =	sdelay $0x1  }
0x8a: {  	s1 =	srdreg.scid  }
0x8b: {  	s0 =	sand.u32 $0x1, s1  }
0x8c: {  	s16 =	sshll.u32 s0, $0xA;
	s2 =	sadd.s32 s3, s2  }
0x8d: {  	s2 =	sadd.s32 s2, s16  }
0x8e: {  	[smem:$0x3FC6] =	sst s2  }
0x8f: {  	_ = 	snop  }
0x90: {  	(tm) =	ssettm $0x1  }
0x91: {  	s17 =	sld [smem:$0x3FFB];
	_ =	sdelay $0x3  }
0x92: {  	_ =	strace s17  }
0x93: {  	s2 =	sld [smem:$0x3FFC];
	_ =	sdelay $0x3  }
0x94: {  	_ =	strace s2  }
0x95: {  	s2 =	sld [smem:$0x3FFD];
	_ =	sdelay $0x3  }
0x96: {  	_ =	strace s2  }
0x97: {  	_ =	strace $0x8FFFFFFF  }
0x98: {  	s18 =	sld [smem:$0x3FDB];
	_ =	sdelay $0x1  }
0x99: {  	s19 =	simm.s32 $_scs_section_size  }
0x9a: {  	s4 =	simm.s32 $_size__tile_overlayer_lowered;
	s5 =	simm.s32 $_tile_overlayer_lowered  }
0x9b: {  	s22 =	simm.s32 $0x1BFF;
	s21 =	sshll.u32 s5, $0x1;
	s2 =	sadd.s32 s19, s18  }
0x9c: {  	s6 =	simm.s32 $0x0;
	s20 =	sshll.u32 s4, $0x1;
	s4 =	sadd.s32 s21, s2  }
0x9d: {  	[timem:s6], [sflag:s22] =	dma.local [hbm:s4], s20  }
0x9e: {  	_ =	swait.ge [sflag:s22], s20  }
0x9f: {  	s3 =	ssub.s32 $0x0, s20;
	[sflag:s22] =	ssyncset.done $0x0  }
0xa0: {  	[sflag:s22] =	ssyncadd.s32 s3;
	_ =	sdelay $0x1  }
0xa1: {  	s23 =	simm.s32 $0x1B8B  }
0xa2: {  	_ =	swait.ge [sflag:s23], $0x1  }
0xa3: {  	[sflag:s23] =	ssyncset.done $0x0  }
0xa4: {  	s25 =	simm.s32 $0x1B8E;
	s24 =	sld [smem:$0x3FFE];
	[sflag:s23] =	ssyncadd.s32 $0xFFFFFFFF  }
0xa5: {  	s26 =	simm.s32 $execute0_lowered;
	[smem:$0x3FD2] =	sst s25  }
0xa6: {  	s4 =	sshll.u32 s26, $0x1;
	_ =	strace $0x8000004C;
	[dreg:$0x1] =	wrdreg $0xFFFFFFFF  }
0xa7: {  	s28 =	simm.s32 $_size_execute0_lowered;
	s2 =	sadd.s32 s2, s4;
	[dreg:$0x0] =	wrdreg $0x0  }
0xa8: {  	s4 =	sshll.u32 s28, $0x1;
	[dreg:$0x2] =	wrdreg s2  }
0xa9: {  	[dreg:$0x3] =	wrdreg s4  }
0xaa: {  	[dreg:$0x4] =	wrdreg $0xC0  }
0xab: {  	_ =	task [dreg:s6], $0x5FFFF  }
0xac: {  	[dreg:$0x1] =	wrdreg $0xFFFFFFFF  }
0xad: {  	[dreg:$0x0] =	wrdreg $0x60  }
0xae: {  	[dreg:$0x2] =	wrdreg s24  }
0xaf: {  	[dreg:$0x3] =	wrdreg $0x9  }
0xb0: {  	_ =	task.clear_ibuf [dreg:s6], $0x4FFFF;
	_ =	strace $0x9000004C  }
0xb1: {  	s29 =	simm.s32 $0x9;
	_ =	strace $0x8000004E  }
0xb2: {  	_ =	swait.ge [sflag:s29], $0x1  }
0xb3: {  	[sflag:s29] =	ssyncadd.s32 $0xFFFFFFFF  }
0xb4: {  	_ =	strace $0x9000004E  }
0xb5: {  	_ =	sfence  }
0xb6: {  	s30 =	sld [smem:$0x0];
	_ =	sdelay $0x2  }
0xb7: {  	s31 =	sshll.u32 s1, $0xD;
	s1 =	sshrl.u32 s1, $0x2  }
0xb8: {  	s3 =	sand.u32 $0x4000, s31;
	s1 =	sadd.s32 s1, s30  }
0xb9: {  	s0 =	sor.u32 s3, s0;
	s1 =	sshll.u32 s1, $0x11  }
0xba: {  	s0 =	sor.u32 s1, s0  }
0xbb: {  	s0 =	sadd.s32 $0x8F2B, s0  }
0xbc: {  	[sflag:s0] =	ssyncadd.remote.s32 $0x1  }
0xbd: {  	_ =	sfence.sel $0xFFFF  }
0xbe: {  	[dreg:$0x0] =	wrdreg $0xFFFFFFFF;
	(pc) =	sbr.abs _section_cstart, $3  }
0xbf: {  	[dreg:$0x1] =	wrdreg $0xFFFFFFFF  }
0xc0: {  	_ =	task.clear_ibuf [dreg:s6], $0x2FFFF;
	_ =	strace $0x9FFFFFFF  }
0xc1: {  	(tm) =	ssettm $0x7FFFFFFF  }
tec
execute0_lowered:
.L_overlay_start_1:
0x0: {  	(tag) =	ssettag $0x1  }
0x1: {  	s4 =	rddreg [dreg:$0x0]  }
0x2: {  	s0 =	rddreg [dreg:$0x1]  }
0x3: {  	s2 =	simm.s32 $0x0;
	s1 =	stileid.u32;
	s5 =	srdreg.scid  }
0x4: {  	s10 =	simm.s32 $0x1;
	s11 =	simm.s32 $0x4000;
	s12 =	simm.s32 $0x8080  }
0x5: {  	s13 =	simm.s32 $0x2;
	s14 =	simm.s32 $0x80;
	s15 =	simm.s32 $0x400  }
0x6: {  	s16 =	simm.s32 $0xC100;
	s17 =	simm.s32 $0x0;
	[smem:$0x7FF] =	sst s2  }
0x7: {  	s3 =	sshll.u32 s1, $0x8;
	s5 =	sand.u32 $0x1, s5;
	s7 =	sshll.u32 s1, $0x1  }
0x8: {  	_ =	strace $0x8000004D;
	s6 =	sand.u32 $0xC00, s3;
	s3 =	sadd.s32 $0x20000, s4  }
0x9: {  	s7 =	sor.u32 s5, s7;
	s5 =	ssub.s32 $0x2, s5;
	s6 =	sadd.s32 s6, s4  }
0xa: {  	s8 =	sshll.u32 s7, $0xC;
	s7 =	sshll.u32 s7, $0x4;
	s9 =	sshrl.u32 s5, $0x1  }
0xb: {  	s4 =	sadd.s32 s4, s8;
	s7 =	sand.u32 $0x70, s7;
	s31 =	ssub.s32 s5, s9  }
0xc: {  	v1 =	vlaneseq.u32;
	s8 =	simm.s32 $0x8000;
	s9 =	simm.s32 $0x3;
	s6 =	sadd.s32 s7, s6  }
0xd: {  	v0 =	vimm.s32 $0x0;
	v2 =	vimm.s32 $0x1;
	v1 =	vmul.u32 $0x401, v1;
	s5 =	sadd.s32 $0x800, s4;
	s7 =	smax.u32 s31, $0x1;
	s6 =	sadd.s32 $0x20400, s6  }
.LBB2_1:
0xe: {  	[tilespmem:s2], [sflag:$0x1] =	stream.linear.gather [hbm4b:s4+s2], $0x4000, $0x38;
	[tilespmem:$0xC500] =	vst v63  }
0xf: {  	_ = 	snop  }
0x10: {  	[tilespmem:s8], [sflag:$0x3] =	stream.linear.gather [hbm4b:s3+s2], $0x80, $0x38;
	[tilespmem:$0xC500] =	vst v63  }
0x11: {  	_ =	swait.ge [sflag:s9], $0x80  }
0x12: {  	[sflag:s9] =	ssyncset.done $0x0  }
0x13: {  	[sflag:s9] =	ssyncadd.s32 $0xFFFFFF80  }
0x14: {  	s18 =	simm.s32 $0x0;
	s19 =	simm.s32 $0x400;
	v3 =	vld [tilespmem:$0x8000]  }
.LBB2_2:
0x15: {  	p0 =	sne.s32 s19, $0xFC00;
	[tilespmem:s18+$0x8170] =	vst v0  }
0x16: {  	[tilespmem:s18+$0x8080] =	vst v0  }
0x17: {  	[tilespmem:s18+$0x8090] =	vst v0  }
0x18: {  	[tilespmem:s18+$0x80A0] =	vst v0  }
0x19: {  	[tilespmem:s18+$0x80B0] =	vst v0  }
0x1a: {  	[tilespmem:s18+$0x80C0] =	vst v0  }
0x1b: {  	[tilespmem:s18+$0x80D0] =	vst v0  }
0x1c: {  	[tilespmem:s18+$0x80E0] =	vst v0  }
0x1d: {  	[tilespmem:s18+$0x80F0] =	vst v0  }
0x1e: {  	[tilespmem:s18+$0x8100] =	vst v0  }
0x1f: {  	[tilespmem:s18+$0x8110] =	vst v0  }
.Ltmp0:
0x20: {  	[tilespmem:s18+$0x8120] =	vst v0;
	(pc) =	sbr.rel @p0 .LBB2_2-.Ltmp0, $4  }
0x21: {  	[tilespmem:s18+$0x8130] =	vst v0  }
0x22: {  	[tilespmem:s18+$0x8140] =	vst v0  }
0x23: {  	[tilespmem:s18+$0x8150] =	vst v0  }
0x24: {  	[tilespmem:s18+$0x8160] =	vst v0;
	s18 =	sshra.s32 s19, $0x2;
	s19 =	sadd.s32 $0x400, s19  }
0x25: {  	[tilespmem:s18+$0x8170] =	vst v0  }
0x26: {  	[tilespmem:s18+$0x8080] =	vst v0  }
0x27: {  	[tilespmem:s18+$0x8090] =	vst v0  }
0x28: {  	[tilespmem:s18+$0x80A0] =	vst v0  }
0x29: {  	[tilespmem:s18+$0x80B0] =	vst v0  }
0x2a: {  	[tilespmem:s18+$0x80C0] =	vst v0  }
0x2b: {  	[tilespmem:s18+$0x80D0] =	vst v0  }
0x2c: {  	[tilespmem:s18+$0x80E0] =	vst v0  }
0x2d: {  	[tilespmem:s18+$0x80F0] =	vst v0  }
0x2e: {  	[tilespmem:s18+$0x8100] =	vst v0  }
0x2f: {  	[tilespmem:s18+$0x8110] =	vst v0  }
0x30: {  	[tilespmem:s18+$0x8120] =	vst v0  }
0x31: {  	[tilespmem:s18+$0x8130] =	vst v0  }
0x32: {  	[tilespmem:s18+$0x8140] =	vst v0  }
0x33: {  	[tilespmem:s18+$0x8150] =	vst v0  }
0x34: {  	[tilespmem:s18+$0x8160] =	vst v0  }
0x35: {  	[tilespmem:$0xC080] =	vst v0  }
0x36: {  	_ =	swait.ge [sflag:s10], $0x4000  }
0x37: {  	[sflag:s10] =	ssyncset.done $0x0  }
0x38: {  	s18 =	simm.s32 $0x0;
	[sflag:s10] =	ssyncadd.s32 $0xFFFFC000  }
0x39: {  	[tilespmem:s11], [sflag:$0x2] =	stream.linear.gather [hbm4b:s5+s18], $0x4000, $0x38;
	[tilespmem:$0xC500] =	vst v63  }
.LBB2_4:
0x3a: {  	s19 =	sshra.s32 s18, $0x2  }
0x3b: {  	v4 =	vld [tilespmem:s19+$0x0];
	_ =	sdelay $0x4  }
0x3c: {  	v4 =	vsub.s32 v4, v3  }
0x3d: {  	vm0 =	vlt.u32 v4, $0x400  }
0x3e: {  	v4 =	vadd.s32 v1, v4;
	_ =	sdelay $0x4  }
0x3f: {  	[tilespmem:v4+s12+$0x0] =	vst.idx.add.s32.msk vm0, v2  }
0x40: {  	v4 =	vld [tilespmem:s19+$0x10];
	_ =	sdelay $0x4  }
0x41: {  	v4 =	vsub.s32 v4, v3  }
0x42: {  	vm13 =	vlt.u32 v4, $0x400  }
0x43: {  	v4 =	vadd.s32 v1, v4;
	_ =	sdelay $0x4  }
0x44: {  	[tilespmem:v4+s12+$0x0] =	vst.idx.add.s32.msk vm13, v2  }
0x45: {  	v4 =	vld [tilespmem:s19+$0x20];
	_ =	sdelay $0x4  }
0x46: {  	v4 =	vsub.s32 v4, v3  }
0x47: {  	vm14 =	vlt.u32 v4, $0x400  }
0x48: {  	v4 =	vadd.s32 v1, v4;
	_ =	sdelay $0x4  }
0x49: {  	[tilespmem:v4+s12+$0x0] =	vst.idx.add.s32.msk vm14, v2  }
0x4a: {  	v4 =	vld [tilespmem:s19+$0x30];
	_ =	sdelay $0x4  }
0x4b: {  	v4 =	vsub.s32 v4, v3  }
0x4c: {  	vm15 =	vlt.u32 v4, $0x400  }
0x4d: {  	v4 =	vadd.s32 v1, v4;
	_ =	sdelay $0x4  }
0x4e: {  	[tilespmem:v4+s12+$0x0] =	vst.idx.add.s32.msk vm15, v2  }
0x4f: {  	v4 =	vld [tilespmem:s19+$0x40];
	_ =	sdelay $0x4  }
0x50: {  	v4 =	vsub.s32 v4, v3  }
0x51: {  	vm4 =	vlt.u32 v4, $0x400  }
0x52: {  	v4 =	vadd.s32 v1, v4;
	_ =	sdelay $0x4  }
0x53: {  	[tilespmem:v4+s12+$0x0] =	vst.idx.add.s32.msk vm4, v2  }
0x54: {  	v4 =	vld [tilespmem:s19+$0x50];
	_ =	sdelay $0x4  }
0x55: {  	v4 =	vsub.s32 v4, v3  }
0x56: {  	vm5 =	vlt.u32 v4, $0x400  }
0x57: {  	v4 =	vadd.s32 v1, v4;
	_ =	sdelay $0x4  }
0x58: {  	[tilespmem:v4+s12+$0x0] =	vst.idx.add.s32.msk vm5, v2  }
0x59: {  	v4 =	vld [tilespmem:s19+$0x60];
	_ =	sdelay $0x4  }
0x5a: {  	v4 =	vsub.s32 v4, v3  }
0x5b: {  	vm6 =	vlt.u32 v4, $0x400  }
0x5c: {  	v4 =	vadd.s32 v1, v4;
	_ =	sdelay $0x4  }
0x5d: {  	[tilespmem:v4+s12+$0x0] =	vst.idx.add.s32.msk vm6, v2  }
0x5e: {  	v4 =	vld [tilespmem:s19+$0x70];
	_ =	sdelay $0x4  }
0x5f: {  	v4 =	vsub.s32 v4, v3  }
0x60: {  	vm7 =	vlt.u32 v4, $0x400  }
0x61: {  	v4 =	vadd.s32 v1, v4;
	_ =	sdelay $0x4  }
0x62: {  	[tilespmem:v4+s12+$0x0] =	vst.idx.add.s32.msk vm7, v2  }
0x63: {  	v4 =	vld [tilespmem:s19+$0x80];
	_ =	sdelay $0x4  }
0x64: {  	v4 =	vsub.s32 v4, v3  }
0x65: {  	vm8 =	vlt.u32 v4, $0x400  }
0x66: {  	v4 =	vadd.s32 v1, v4;
	_ =	sdelay $0x4  }
0x67: {  	[tilespmem:v4+s12+$0x0] =	vst.idx.add.s32.msk vm8, v2  }
0x68: {  	v4 =	vld [tilespmem:s19+$0x90];
	_ =	sdelay $0x4  }
0x69: {  	v4 =	vsub.s32 v4, v3  }
0x6a: {  	vm9 =	vlt.u32 v4, $0x400  }
0x6b: {  	v4 =	vadd.s32 v1, v4;
	_ =	sdelay $0x4  }
0x6c: {  	[tilespmem:v4+s12+$0x0] =	vst.idx.add.s32.msk vm9, v2  }
0x6d: {  	v4 =	vld [tilespmem:s19+$0xA0];
	_ =	sdelay $0x4  }
0x6e: {  	v4 =	vsub.s32 v4, v3  }
0x6f: {  	vm10 =	vlt.u32 v4, $0x400  }
0x70: {  	v4 =	vadd.s32 v1, v4;
	_ =	sdelay $0x4  }
0x71: {  	[tilespmem:v4+s12+$0x0] =	vst.idx.add.s32.msk vm10, v2  }
0x72: {  	v4 =	vld [tilespmem:s19+$0xB0];
	_ =	sdelay $0x4  }
0x73: {  	v4 =	vsub.s32 v4, v3  }
0x74: {  	vm11 =	vlt.u32 v4, $0x400  }
0x75: {  	v4 =	vadd.s32 v1, v4;
	_ =	sdelay $0x4  }
0x76: {  	[tilespmem:v4+s12+$0x0] =	vst.idx.add.s32.msk vm11, v2  }
0x77: {  	v4 =	vld [tilespmem:s19+$0xC0];
	_ =	sdelay $0x4  }
0x78: {  	v4 =	vsub.s32 v4, v3  }
0x79: {  	vm12 =	vlt.u32 v4, $0x400  }
0x7a: {  	v4 =	vadd.s32 v1, v4;
	_ =	sdelay $0x4  }
0x7b: {  	[tilespmem:v4+s12+$0x0] =	vst.idx.add.s32.msk vm12, v2  }
0x7c: {  	v4 =	vld [tilespmem:s19+$0xD0];
	_ =	sdelay $0x4  }
0x7d: {  	v4 =	vsub.s32 v4, v3  }
0x7e: {  	vm13 =	vlt.u32 v4, $0x400  }
0x7f: {  	v4 =	vadd.s32 v1, v4;
	_ =	sdelay $0x4  }
0x80: {  	[tilespmem:v4+s12+$0x0] =	vst.idx.add.s32.msk vm13, v2  }
0x81: {  	v4 =	vld [tilespmem:s19+$0xE0];
	_ =	sdelay $0x4  }
0x82: {  	v4 =	vsub.s32 v4, v3  }
0x83: {  	vm14 =	vlt.u32 v4, $0x400  }
0x84: {  	v4 =	vadd.s32 v1, v4;
	_ =	sdelay $0x4  }
0x85: {  	[tilespmem:v4+s12+$0x0] =	vst.idx.add.s32.msk vm14, v2  }
0x86: {  	v4 =	vld [tilespmem:s19+$0xF0];
	_ =	sdelay $0x4  }
0x87: {  	v4 =	vsub.s32 v4, v3  }
0x88: {  	vm15 =	vlt.u32 v4, $0x400  }
0x89: {  	p0 =	sne.s32 s18, $0xFC00;
	v4 =	vadd.s32 v1, v4  }
.Ltmp1:
0x8a: {  	_ = 	snop;
	(pc) =	sbr.rel @p0 .LBB2_4-.Ltmp1, $2  }
0x8b: {  	_ =	sdelay $0x2  }
0x8c: {  	s18 =	sadd.s32 $0x400, s18;
	[tilespmem:v4+s12+$0x0] =	vst.idx.add.s32.msk vm15, v2  }
0x8d: {  	_ =	swait.ge [sflag:s13], $0x4000  }
0x8e: {  	[sflag:s13] =	ssyncset.done $0x0  }
0x8f: {  	s18 =	simm.s32 $0x0;
	[sflag:s13] =	ssyncadd.s32 $0xFFFFC000  }
.LBB2_6:
0x90: {  	s19 =	sshra.s32 s18, $0x2  }
0x91: {  	v4 =	vld [tilespmem:s19+$0x4000];
	_ =	sdelay $0x4  }
0x92: {  	v4 =	vsub.s32 v4, v3  }
0x93: {  	vm0 =	vlt.u32 v4, $0x400  }
0x94: {  	v4 =	vadd.s32 v1, v4;
	_ =	sdelay $0x4  }
0x95: {  	[tilespmem:v4+s12+$0x0] =	vst.idx.add.s32.msk vm0, v2  }
0x96: {  	v4 =	vld [tilespmem:s19+$0x4010];
	_ =	sdelay $0x4  }
0x97: {  	v4 =	vsub.s32 v4, v3  }
0x98: {  	vm13 =	vlt.u32 v4, $0x400  }
0x99: {  	v4 =	vadd.s32 v1, v4;
	_ =	sdelay $0x4  }
0x9a: {  	[tilespmem:v4+s12+$0x0] =	vst.idx.add.s32.msk vm13, v2  }
0x9b: {  	v4 =	vld [tilespmem:s19+$0x4020];
	_ =	sdelay $0x4  }
0x9c: {  	v4 =	vsub.s32 v4, v3  }
0x9d: {  	vm14 =	vlt.u32 v4, $0x400  }
0x9e: {  	v4 =	vadd.s32 v1, v4;
	_ =	sdelay $0x4  }
0x9f: {  	[tilespmem:v4+s12+$0x0] =	vst.idx.add.s32.msk vm14, v2  }
0xa0: {  	v4 =	vld [tilespmem:s19+$0x4030];
	_ =	sdelay $0x4  }
0xa1: {  	v4 =	vsub.s32 v4, v3  }
0xa2: {  	vm15 =	vlt.u32 v4, $0x400  }
0xa3: {  	v4 =	vadd.s32 v1, v4;
	_ =	sdelay $0x4  }
0xa4: {  	[tilespmem:v4+s12+$0x0] =	vst.idx.add.s32.msk vm15, v2  }
0xa5: {  	v4 =	vld [tilespmem:s19+$0x4040];
	_ =	sdelay $0x4  }
0xa6: {  	v4 =	vsub.s32 v4, v3  }
0xa7: {  	vm4 =	vlt.u32 v4, $0x400  }
0xa8: {  	v4 =	vadd.s32 v1, v4;
	_ =	sdelay $0x4  }
0xa9: {  	[tilespmem:v4+s12+$0x0] =	vst.idx.add.s32.msk vm4, v2  }
0xaa: {  	v4 =	vld [tilespmem:s19+$0x4050];
	_ =	sdelay $0x4  }
0xab: {  	v4 =	vsub.s32 v4, v3  }
0xac: {  	vm5 =	vlt.u32 v4, $0x400  }
0xad: {  	v4 =	vadd.s32 v1, v4;
	_ =	sdelay $0x4  }
0xae: {  	[tilespmem:v4+s12+$0x0] =	vst.idx.add.s32.msk vm5, v2  }
0xaf: {  	v4 =	vld [tilespmem:s19+$0x4060];
	_ =	sdelay $0x4  }
0xb0: {  	v4 =	vsub.s32 v4, v3  }
0xb1: {  	vm6 =	vlt.u32 v4, $0x400  }
0xb2: {  	v4 =	vadd.s32 v1, v4;
	_ =	sdelay $0x4  }
0xb3: {  	[tilespmem:v4+s12+$0x0] =	vst.idx.add.s32.msk vm6, v2  }
0xb4: {  	v4 =	vld [tilespmem:s19+$0x4070];
	_ =	sdelay $0x4  }
0xb5: {  	v4 =	vsub.s32 v4, v3  }
0xb6: {  	vm7 =	vlt.u32 v4, $0x400  }
0xb7: {  	v4 =	vadd.s32 v1, v4;
	_ =	sdelay $0x4  }
0xb8: {  	[tilespmem:v4+s12+$0x0] =	vst.idx.add.s32.msk vm7, v2  }
0xb9: {  	v4 =	vld [tilespmem:s19+$0x4080];
	_ =	sdelay $0x4  }
0xba: {  	v4 =	vsub.s32 v4, v3  }
0xbb: {  	vm8 =	vlt.u32 v4, $0x400  }
0xbc: {  	v4 =	vadd.s32 v1, v4;
	_ =	sdelay $0x4  }
0xbd: {  	[tilespmem:v4+s12+$0x0] =	vst.idx.add.s32.msk vm8, v2  }
0xbe: {  	v4 =	vld [tilespmem:s19+$0x4090];
	_ =	sdelay $0x4  }
0xbf: {  	v4 =	vsub.s32 v4, v3  }
0xc0: {  	vm9 =	vlt.u32 v4, $0x400  }
0xc1: {  	v4 =	vadd.s32 v1, v4;
	_ =	sdelay $0x4  }
0xc2: {  	[tilespmem:v4+s12+$0x0] =	vst.idx.add.s32.msk vm9, v2  }
0xc3: {  	v4 =	vld [tilespmem:s19+$0x40A0];
	_ =	sdelay $0x4  }
0xc4: {  	v4 =	vsub.s32 v4, v3  }
0xc5: {  	vm10 =	vlt.u32 v4, $0x400  }
0xc6: {  	v4 =	vadd.s32 v1, v4;
	_ =	sdelay $0x4  }
0xc7: {  	[tilespmem:v4+s12+$0x0] =	vst.idx.add.s32.msk vm10, v2  }
0xc8: {  	v4 =	vld [tilespmem:s19+$0x40B0];
	_ =	sdelay $0x4  }
0xc9: {  	v4 =	vsub.s32 v4, v3  }
0xca: {  	vm11 =	vlt.u32 v4, $0x400  }
0xcb: {  	v4 =	vadd.s32 v1, v4;
	_ =	sdelay $0x4  }
0xcc: {  	[tilespmem:v4+s12+$0x0] =	vst.idx.add.s32.msk vm11, v2  }
0xcd: {  	v4 =	vld [tilespmem:s19+$0x40C0];
	_ =	sdelay $0x4  }
0xce: {  	v4 =	vsub.s32 v4, v3  }
0xcf: {  	vm12 =	vlt.u32 v4, $0x400  }
0xd0: {  	v4 =	vadd.s32 v1, v4;
	_ =	sdelay $0x4  }
0xd1: {  	[tilespmem:v4+s12+$0x0] =	vst.idx.add.s32.msk vm12, v2  }
0xd2: {  	v4 =	vld [tilespmem:s19+$0x40D0];
	_ =	sdelay $0x4  }
0xd3: {  	v4 =	vsub.s32 v4, v3  }
0xd4: {  	vm13 =	vlt.u32 v4, $0x400  }
0xd5: {  	v4 =	vadd.s32 v1, v4;
	_ =	sdelay $0x4  }
0xd6: {  	[tilespmem:v4+s12+$0x0] =	vst.idx.add.s32.msk vm13, v2  }
0xd7: {  	v4 =	vld [tilespmem:s19+$0x40E0];
	_ =	sdelay $0x4  }
0xd8: {  	v4 =	vsub.s32 v4, v3  }
0xd9: {  	vm14 =	vlt.u32 v4, $0x400  }
0xda: {  	v4 =	vadd.s32 v1, v4;
	_ =	sdelay $0x4  }
0xdb: {  	[tilespmem:v4+s12+$0x0] =	vst.idx.add.s32.msk vm14, v2  }
0xdc: {  	v4 =	vld [tilespmem:s19+$0x40F0];
	_ =	sdelay $0x4  }
0xdd: {  	v4 =	vsub.s32 v4, v3  }
0xde: {  	vm15 =	vlt.u32 v4, $0x400  }
0xdf: {  	p0 =	sne.s32 s18, $0xFC00;
	v4 =	vadd.s32 v1, v4  }
.Ltmp2:
0xe0: {  	_ = 	snop;
	(pc) =	sbr.rel @p0 .LBB2_6-.Ltmp2, $2  }
0xe1: {  	_ =	sdelay $0x2  }
0xe2: {  	s18 =	sadd.s32 $0x400, s18;
	[tilespmem:v4+s12+$0x0] =	vst.idx.add.s32.msk vm15, v2  }
0xe3: {  	s18 =	simm.s32 $0x0  }
0xe4: {  	v3 =	vld [tilespmem:s18+$0x8090]  }
0xe5: {  	v4 =	vld [tilespmem:s18+$0x8491]  }
0xe6: {  	v5 =	vld [tilespmem:s18+$0x8892]  }
0xe7: {  	v6 =	vld [tilespmem:s18+$0x8C93]  }
0xe8: {  	v7 =	vld [tilespmem:s18+$0x9094]  }
0xe9: {  	v8 =	vld [tilespmem:s18+$0x9495]  }
0xea: {  	v9 =	vld [tilespmem:s18+$0x9896]  }
0xeb: {  	v3 =	vadd.s32 v3, v4;
	v4 =	vld [tilespmem:s18+$0x9C97]  }
0xec: {  	v3 =	vadd.s32 v5, v3;
	v5 =	vld [tilespmem:s18+$0xA098]  }
0xed: {  	v3 =	vadd.s32 v6, v3;
	v6 =	vld [tilespmem:s18+$0xA499]  }
0xee: {  	v3 =	vadd.s32 v7, v3;
	v7 =	vld [tilespmem:s18+$0xA89A]  }
0xef: {  	v3 =	vadd.s32 v8, v3;
	v8 =	vld [tilespmem:s18+$0xAC9B]  }
0xf0: {  	v3 =	vadd.s32 v9, v3;
	v9 =	vld [tilespmem:s18+$0xB09C]  }
0xf1: {  	v3 =	vadd.s32 v4, v3;
	v4 =	vld [tilespmem:s18+$0xB49D]  }
0xf2: {  	v3 =	vadd.s32 v5, v3;
	v5 =	vld [tilespmem:s18+$0xB89E]  }
0xf3: {  	v3 =	vadd.s32 v6, v3;
	v6 =	vld [tilespmem:s18+$0xBC9F]  }
0xf4: {  	v3 =	vadd.s32 v7, v3;
	v7 =	vld [tilespmem:s18+$0x8080]  }
0xf5: {  	v3 =	vadd.s32 v8, v3;
	v8 =	vld [tilespmem:s18+$0x8481]  }
0xf6: {  	v3 =	vadd.s32 v9, v3;
	v9 =	vld [tilespmem:s18+$0x8882]  }
0xf7: {  	v3 =	vadd.s32 v4, v3;
	v4 =	vld [tilespmem:s18+$0x8C83]  }
0xf8: {  	v3 =	vadd.s32 v5, v3;
	v5 =	vld [tilespmem:s18+$0x9084]  }
0xf9: {  	v3 =	vadd.s32 v6, v3;
	v6 =	vld [tilespmem:s18+$0x9485]  }
0xfa: {  	[tilespmem:s18+$0xC110] =	vst v3;
	v3 =	vadd.s32 v7, v8;
	v7 =	vld [tilespmem:s18+$0x9886]  }
0xfb: {  	v8 =	vld [tilespmem:s18+$0x9C87];
	v3 =	vadd.s32 v9, v3  }
0xfc: {  	v9 =	vld [tilespmem:s18+$0xA088];
	v3 =	vadd.s32 v4, v3  }
0xfd: {  	v10 =	vld [tilespmem:s18+$0xA489];
	v3 =	vadd.s32 v5, v3  }
0xfe: {  	v11 =	vld [tilespmem:s18+$0xA88A];
	v3 =	vadd.s32 v6, v3  }
0xff: {  	v12 =	vld [tilespmem:s18+$0xAC8B];
	v3 =	vadd.s32 v7, v3  }
0x100: {  	v4 =	vld [tilespmem:s18+$0xB08C];
	v3 =	vadd.s32 v8, v3  }
0x101: {  	v5 =	vld [tilespmem:s18+$0xB48D];
	v3 =	vadd.s32 v9, v3  }
0x102: {  	v6 =	vld [tilespmem:s18+$0xB88E];
	v3 =	vadd.s32 v10, v3  }
0x103: {  	s20 =	simm.s32 $0x20;
	v7 =	vld [tilespmem:s18+$0xBC8F];
	v8 =	vadd.s32 v11, v3  }
0x104: {  	s19 =	simm.s32 $0x100;
	v3 =	vld [tilespmem:s20+$0x8090];
	v8 =	vadd.s32 v12, v8  }
.LBB2_8:
0x105: {  	p0 =	sne.s32 s19, $0xF80;
	v9 =	vld [tilespmem:s20+$0x8491];
	v4 =	vadd.s32 v4, v8  }
0x106: {  	v8 =	vld [tilespmem:s20+$0x8892];
	v4 =	vadd.s32 v5, v4  }
0x107: {  	v5 =	vld [tilespmem:s20+$0x8C93];
	v4 =	vadd.s32 v6, v4  }
0x108: {  	v6 =	vld [tilespmem:s20+$0x9094];
	v4 =	vadd.s32 v7, v4  }
0x109: {  	v7 =	vld [tilespmem:s20+$0x9495];
	[tilespmem:s18+$0xC100] =	vst v4;
	s18 =	smov.u32 s20  }
0x10a: {  	v3 =	vadd.s32 v3, v9;
	v4 =	vld [tilespmem:s18+$0x9896]  }
0x10b: {  	v3 =	vadd.s32 v8, v3;
	v8 =	vld [tilespmem:s18+$0x9C97]  }
0x10c: {  	v3 =	vadd.s32 v5, v3;
	v5 =	vld [tilespmem:s18+$0xA098]  }
0x10d: {  	v3 =	vadd.s32 v6, v3;
	v6 =	vld [tilespmem:s18+$0xA499]  }
0x10e: {  	v3 =	vadd.s32 v7, v3;
	v7 =	vld [tilespmem:s18+$0xA89A]  }
0x10f: {  	v3 =	vadd.s32 v4, v3;
	v4 =	vld [tilespmem:s18+$0xAC9B]  }
0x110: {  	v3 =	vadd.s32 v8, v3;
	v8 =	vld [tilespmem:s18+$0xB09C]  }
0x111: {  	v3 =	vadd.s32 v5, v3;
	v5 =	vld [tilespmem:s18+$0xB49D]  }
0x112: {  	v3 =	vadd.s32 v6, v3;
	v6 =	vld [tilespmem:s18+$0xB89E]  }
0x113: {  	v3 =	vadd.s32 v7, v3;
	v7 =	vld [tilespmem:s18+$0xBC9F]  }
0x114: {  	v9 =	vld [tilespmem:s18+$0x8080];
	v3 =	vadd.s32 v4, v3  }
0x115: {  	v4 =	vld [tilespmem:s18+$0x8481];
	v3 =	vadd.s32 v8, v3  }
0x116: {  	v8 =	vld [tilespmem:s18+$0x8882];
	v3 =	vadd.s32 v5, v3  }
0x117: {  	v5 =	vld [tilespmem:s18+$0x8C83];
	v3 =	vadd.s32 v6, v3  }
0x118: {  	v6 =	vld [tilespmem:s18+$0x9084];
	v3 =	vadd.s32 v7, v3  }
0x119: {  	v7 =	vld [tilespmem:s18+$0x9485];
	[tilespmem:s18+$0xC110] =	vst v3  }
0x11a: {  	v3 =	vadd.s32 v9, v4;
	v4 =	vld [tilespmem:s18+$0x9886]  }
0x11b: {  	v3 =	vadd.s32 v8, v3;
	v8 =	vld [tilespmem:s18+$0x9C87]  }
0x11c: {  	v3 =	vadd.s32 v5, v3;
	v5 =	vld [tilespmem:s18+$0xA088]  }
0x11d: {  	v3 =	vadd.s32 v6, v3;
	v6 =	vld [tilespmem:s18+$0xA489]  }
0x11e: {  	v3 =	vadd.s32 v7, v3;
	v7 =	vld [tilespmem:s18+$0xA88A]  }
0x11f: {  	v3 =	vadd.s32 v4, v3;
	v9 =	vld [tilespmem:s18+$0xAC8B]  }
.Ltmp3:
0x120: {  	v3 =	vadd.s32 v8, v3;
	v4 =	vld [tilespmem:s18+$0xB08C];
	(pc) =	sbr.rel @p0 .LBB2_8-.Ltmp3, $4  }
0x121: {  	v3 =	vadd.s32 v5, v3;
	v5 =	vld [tilespmem:s18+$0xB48D]  }
0x122: {  	v3 =	vadd.s32 v6, v3;
	v6 =	vld [tilespmem:s18+$0xB88E]  }
0x123: {  	s20 =	sshra.s32 s19, $0x2;
	v8 =	vadd.s32 v7, v3;
	v7 =	vld [tilespmem:s18+$0xBC8F]  }
0x124: {  	s19 =	sadd.s32 $0x80, s19;
	v3 =	vld [tilespmem:s20+$0x8090];
	v8 =	vadd.s32 v9, v8  }
0x125: {  	v9 =	vld [tilespmem:s20+$0x8491];
	v4 =	vadd.s32 v4, v8  }
0x126: {  	v35 =	vld [tilespmem:s20+$0x8892];
	v4 =	vadd.s32 v5, v4  }
0x127: {  	v36 =	vld [tilespmem:s20+$0x8C93];
	v4 =	vadd.s32 v6, v4  }
0x128: {  	v37 =	vld [tilespmem:s20+$0x9094];
	v4 =	vadd.s32 v7, v4  }
0x129: {  	v38 =	vld [tilespmem:s20+$0x9495];
	[tilespmem:s18+$0xC100] =	vst v4  }
0x12a: {  	v4 =	vld [tilespmem:s20+$0x9896]  }
0x12b: {  	v3 =	vadd.s32 v3, v9;
	v39 =	vld [tilespmem:s20+$0x9C97]  }
0x12c: {  	v40 =	vld [tilespmem:s20+$0xA098];
	v3 =	vadd.s32 v35, v3  }
0x12d: {  	v41 =	vld [tilespmem:s20+$0xA499];
	v3 =	vadd.s32 v36, v3  }
0x12e: {  	v42 =	vld [tilespmem:s20+$0xA89A];
	v3 =	vadd.s32 v37, v3  }
0x12f: {  	v43 =	vld [tilespmem:s20+$0xAC9B];
	v3 =	vadd.s32 v38, v3  }
0x130: {  	v44 =	vld [tilespmem:s20+$0xB09C];
	v3 =	vadd.s32 v4, v3  }
0x131: {  	v45 =	vld [tilespmem:s20+$0xB49D];
	v3 =	vadd.s32 v39, v3  }
0x132: {  	v46 =	vld [tilespmem:s20+$0xB89E];
	v3 =	vadd.s32 v40, v3  }
0x133: {  	v47 =	vld [tilespmem:s20+$0xBC9F];
	v3 =	vadd.s32 v41, v3  }
0x134: {  	v48 =	vld [tilespmem:s20+$0x8080];
	v3 =	vadd.s32 v42, v3  }
0x135: {  	v49 =	vld [tilespmem:s20+$0x8481];
	v3 =	vadd.s32 v43, v3  }
0x136: {  	v50 =	vld [tilespmem:s20+$0x8882];
	v3 =	vadd.s32 v44, v3  }
0x137: {  	v51 =	vld [tilespmem:s20+$0x8C83];
	v3 =	vadd.s32 v45, v3  }
0x138: {  	v52 =	vld [tilespmem:s20+$0x9084];
	v3 =	vadd.s32 v46, v3  }
0x139: {  	v53 =	vld [tilespmem:s20+$0x9485];
	v3 =	vadd.s32 v47, v3  }
0x13a: {  	v54 =	vld [tilespmem:s20+$0x9886];
	[tilespmem:s20+$0xC110] =	vst v3;
	v3 =	vadd.s32 v48, v49  }
0x13b: {  	v55 =	vld [tilespmem:s20+$0x9C87];
	v3 =	vadd.s32 v50, v3  }
0x13c: {  	v56 =	vld [tilespmem:s20+$0xA088];
	v3 =	vadd.s32 v51, v3  }
0x13d: {  	v57 =	vld [tilespmem:s20+$0xA489];
	v3 =	vadd.s32 v52, v3  }
0x13e: {  	v58 =	vld [tilespmem:s20+$0xA88A];
	v3 =	vadd.s32 v53, v3  }
0x13f: {  	v59 =	vld [tilespmem:s20+$0xAC8B];
	v3 =	vadd.s32 v54, v3  }
0x140: {  	v60 =	vld [tilespmem:s20+$0xB08C];
	v3 =	vadd.s32 v55, v3  }
0x141: {  	v61 =	vld [tilespmem:s20+$0xB48D];
	v3 =	vadd.s32 v56, v3  }
0x142: {  	v62 =	vld [tilespmem:s20+$0xB88E];
	v3 =	vadd.s32 v57, v3  }
0x143: {  	v63 =	vld [tilespmem:s20+$0xBC8F];
	v3 =	vadd.s32 v58, v3  }
0x144: {  	v3 =	vadd.s32 v59, v3  }
0x145: {  	v3 =	vadd.s32 v60, v3  }
0x146: {  	v3 =	vadd.s32 v61, v3  }
0x147: {  	s17 =	sadd.s32 $0x1, s17;
	v3 =	vadd.s32 v62, v3  }
0x148: {  	p0 =	sne.s32 s17, s7;
	v3 =	vadd.s32 v63, v3  }
.Ltmp4:
0x149: {  	[tilespmem:s20+$0xC100] =	vst v3;
	(pc) =	sbr.rel @p0 .LBB2_1-.Ltmp4, $4  }
0x14a: {  	[hbm4b:s6+s14] =	stream.strided.scatter [tilespmem:s16], [sflag:$0x3], $0x400, s15, s14, $0x38;
	[tilespmem:$0xC500] =	vst v63  }
0x14b: {  	_ =	swait.ge [sflag:s9], $0x400  }
0x14c: {  	[sflag:s9] =	ssyncset.done $0x0  }
0x14d: {  	[sflag:s9] =	ssyncadd.s32 $0xFFFFFC00  }
0x14e: {  	_ =	sfence.sel $0x180000  }
0x14f: {  	[bflag:$0x0] =	sbarrier.arrive $0xFFFF  }
0x150: {  	p0 =	sne.s32 s1, $0x0;
	_ =	strace $0x9000004D  }
0x151: {  	s0 =	sadd.s32 @!p0 $0x100000, s0;
	[bflag:$0x2] =	sbarrier.arrive $0xFFFF  }
0x152: {  	[sflag:s0] =	ssyncadd.tile.s32 @!p0 $0x1;
	_ =	shalt  }
.Lfunc_end2:
_tile_overlayer_lowered:
.L_overlay_start_2:
0x153: {  	(tag) =	ssettag $0x2  }
0x154: {  	s0 =	rddreg [dreg:$0x0];
	s2 =	stileid.u32  }
0x155: {  	s1 =	rddreg [dreg:$0x1];
	p0 =	sne.s32 s2, $0x0  }
0x156: {  	s3 =	rddreg [dreg:$0x2];
	[bflag:$0x3] =	sbarrier.arrive $0xFFFF;
	s2 =	simm.s32 @!p0 $0x1C03  }
0x157: {  	[timem:s3], [sflag:s2] =	dma.local @!p0 [hbm:s0], s1  }
0x158: {  	s0 =	simm.s32 @!p0 $0x3  }
0x159: {  	_ =	swait.ge @!p0 [sflag:s0], s1  }
0x15a: {  	s1 =	ssub.s32 @!p0 $0x0, s1;
	[sflag:s0] =	ssyncset.done @!p0 $0x0  }
0x15b: {  	[sflag:s0] =	ssyncadd.s32 @!p0 s1  }
0x15c: {  	[bflag:$0x3] =	sbarrier.arrive $0xFFFF  }
0x15d: {  	_ =	shalt  }

// kernel: kernel.7.cloned.1.call-start
scs
__scs_entry_jumppad:
0x0: {  	(pc) =	sbr.rel $0x88, $3  }
0x1: {  	(tag) =	ssettag $0x0;
	lr =	simm.s32 $0x1  }
0x2: {  	[smem:$0x3F9F] =	sst lr;
	_ =	strace $0xD0000000  }
0x3: {  	_ = 	snop  }
0x4: {  	_ = 	snop  }
0x5: {  	_ = 	snop  }
0x6: {  	_ = 	snop  }
0x7: {  	_ = 	snop  }
__scs_overlays_trampoline_lowered:
0x8: {  	[smem:$0x3FAE] =	sst s0  }
0x9: {  	[smem:$0x3FAF] =	sst s1  }
0xa: {  	[smem:$0x3FB0] =	sst s2  }
0xb: {  	[smem:$0x3FB1] =	sst s3  }
0xc: {  	[smem:$0x3FB2] =	sst s4  }
0xd: {  	[smem:$0x3FB3] =	sst s5  }
0xe: {  	[smem:$0x3FB4] =	sst s6  }
0xf: {  	[smem:$0x3FB5] =	sst s7  }
0x10: {  	[smem:$0x3FB6] =	sst s8  }
0x11: {  	[smem:$0x3FB7] =	sst s9;
	s0 =	simm.s32 @!p0 $0x0  }
0x12: {  	s1 =	sld [smem:$0x3F9D];
	s0 =	simm.s32 @p0 $0x1  }
0x13: {  	[smem:$0x3FB8] =	sst s0;
	s0 =	simm.s32 @!p1 $0x0  }
0x14: {  	s2 =	sld [smem:$0x3F9C];
	s0 =	simm.s32 @p1 $0x1  }
0x15: {  	[smem:$0x3FB9] =	sst s0;
	s0 =	simm.s32 @!p2 $0x0  }
0x16: {  	s3 =	sld [smem:$0x3FDB];
	s0 =	simm.s32 @p2 $0x1  }
0x17: {  	s4 =	simm.s32 $0x1BF5;
	[smem:$0x3FBB] =	sst s0  }
0x18: {  	s0 =	sld [smem:$0x3F9E];
	_ =	swait.ge [sflag:s4], $0x0  }
0x19: {  	s7 =	sld [smem:$0x3F9F]  }
0x1a: {  	s8 =	sadd.s32 $0xFFFFE003, lr  }
0x1b: {  	s9 =	sadd.s32 $0xFFFFFEF7, lr;
	s5 =	simm.s32 $0xFFFFFFFF;
	p2 =	slt.u32 s8, $0xFFFFF086  }
0x1c: {  	p1 =	slt.u32 s9, $0xF7A;
	s5 =	simm.s32 @!p2 $0x0  }
0x1d: {  	s5 =	simm.s32 @p1 $0x1;
	p0 =	seq.s32 s7, s2  }
0x1e: {  	s7 =	smul.u32 @!p0 $0xF7A, s2;
	p2 =	seq.s32 @!p0 s5, $0x0  }
0x1f: {  	s9 =	smul.u32 $0xF7A, s1;
	s8 =	simm.s32 @!p0 $0x1BF5;
	p2 =	por !p2, p0  }
0x20: {  	[sflag:s8] =	ssyncset.s32 @!p0 $0xFFFFF086;
	s6 =	sadd.s32 @!p0 s3, s7;
	s7 =	simm.s32 @!p0 $0x108  }
0x21: {  	s3 =	sadd.s32 s3, s9;
	s6 =	sadd.s32 @!p0 $0x88, s6;
	s7 =	simm.s32 @p2 $0x1082  }
0x22: {  	[simem:s7], [sflag:s8] =	dma.local @!p0 [hbm:s6], $0xF7A  }
0x23: {  	s9 =	sor.u32 $0xD0000000, s2;
	s6 =	simm.s32 $0x108;
	_ =	swait.ge @!p0 [sflag:s8], $0x0  }
0x24: {  	s3 =	sadd.s32 $0x88, s3;
	s6 =	simm.s32 @!p1 $0x1082;
	[sflag:s4] =	ssyncset.s32 $0xFFFFF086  }
0x25: {  	[simem:s6], [sflag:s4] =	dma.local [hbm:s3], $0xF7A  }
0x26: {  	[smem:$0x3F9F] =	sst s1;
	(tag) =	ssettag s2;
	_ =	strace s9  }
0x27: {  	s1 =	sld [smem:$0x3FAF]  }
0x28: {  	s2 =	sld [smem:$0x3FB0]  }
0x29: {  	s4 =	sld [smem:$0x3FB2]  }
0x2a: {  	p0 =	seq.s32 s5, $0x0;
	s5 =	sld [smem:$0x3FB3]  }
0x2b: {  	s6 =	sld [smem:$0x3FB4]  }
0x2c: {  	s7 =	sld [smem:$0x3FB5]  }
0x2d: {  	s3 =	simm.s32 $0x108;
	s8 =	sld [smem:$0x3FB6]  }
0x2e: {  	s3 =	simm.s32 @!p0 $0x1082;
	s9 =	sld [smem:$0x3FB7]  }
0x2f: {  	lr =	sadd.s32 s0, s3;
	s0 =	sld [smem:$0x3FAE]  }
0x30: {  	s3 =	sld [smem:$0x3FB1]  }
0x31: {  	[smem:$0x3FBA] =	sst s10  }
0x32: {  	s10 =	sld [smem:$0x3FB8];
	_ =	sdelay $0x3  }
0x33: {  	p0 =	seq.s32 s10, $0x1;
	s10 =	sld [smem:$0x3FBA];
	_ =	sdelay $0x3  }
0x34: {  	[smem:$0x3FBA] =	sst s10  }
0x35: {  	s10 =	sld [smem:$0x3FB9];
	_ =	sdelay $0x3  }
0x36: {  	p1 =	seq.s32 s10, $0x1;
	s10 =	sld [smem:$0x3FBA];
	_ =	sdelay $0x3  }
0x37: {  	[smem:$0x3FBA] =	sst s10  }
0x38: {  	s10 =	sld [smem:$0x3FBB]  }
0x39: {  	_ = 	snop;
	(pc) =	sbr.ind lr, $3  }
0x3a: {  	_ = 	snop  }
0x3b: {  	_ = 	snop  }
0x3c: {  	p2 =	seq.s32 s10, $0x1;
	s10 =	sld [smem:$0x3FBA]  }
0x3d: {  	_ =	shalt  }
0x3e: {  	_ =	shalt  }
0x3f: {  	_ =	shalt  }
0x40: {  	_ =	shalt  }
0x41: {  	_ =	shalt  }
0x42: {  	_ =	shalt  }
0x43: {  	_ =	shalt  }
0x44: {  	_ =	shalt  }
0x45: {  	_ =	shalt  }
0x46: {  	_ =	shalt  }
0x47: {  	_ =	shalt  }
0x48: {  	_ =	shalt  }
0x49: {  	_ =	shalt  }
0x4a: {  	_ =	shalt  }
0x4b: {  	_ =	shalt  }
0x4c: {  	_ =	shalt  }
0x4d: {  	_ =	shalt  }
0x4e: {  	_ =	shalt  }
0x4f: {  	_ =	shalt  }
0x50: {  	_ =	shalt  }
0x51: {  	_ =	shalt  }
0x52: {  	_ =	shalt  }
0x53: {  	_ =	shalt  }
0x54: {  	_ =	shalt  }
0x55: {  	_ =	shalt  }
0x56: {  	_ =	shalt  }
0x57: {  	_ =	shalt  }
0x58: {  	_ =	shalt  }
0x59: {  	_ =	shalt  }
0x5a: {  	_ =	shalt  }
0x5b: {  	_ =	shalt  }
0x5c: {  	_ =	shalt  }
0x5d: {  	_ =	shalt  }
0x5e: {  	_ =	shalt  }
0x5f: {  	_ =	shalt  }
0x60: {  	_ =	shalt  }
0x61: {  	_ =	shalt  }
0x62: {  	_ =	shalt  }
0x63: {  	_ =	shalt  }
0x64: {  	_ =	shalt  }
0x65: {  	_ =	shalt  }
0x66: {  	_ =	shalt  }
0x67: {  	_ =	shalt  }
0x68: {  	_ =	shalt  }
0x69: {  	_ =	shalt  }
0x6a: {  	_ =	shalt  }
0x6b: {  	_ =	shalt  }
0x6c: {  	_ =	shalt  }
0x6d: {  	_ =	shalt  }
0x6e: {  	_ =	shalt  }
0x6f: {  	_ =	shalt  }
0x70: {  	_ =	shalt  }
0x71: {  	_ =	shalt  }
0x72: {  	_ =	shalt  }
0x73: {  	_ =	shalt  }
0x74: {  	_ =	shalt  }
0x75: {  	_ =	shalt  }
0x76: {  	_ =	shalt  }
0x77: {  	_ =	shalt  }
0x78: {  	_ =	shalt  }
0x79: {  	_ =	shalt  }
0x7a: {  	_ =	shalt  }
0x7b: {  	_ =	shalt  }
0x7c: {  	_ =	shalt  }
0x7d: {  	_ =	shalt  }
0x7e: {  	_ =	shalt  }
0x7f: {  	_ =	shalt  }
0x80: {  	_ =	shalt  }
0x81: {  	_ =	shalt  }
0x82: {  	_ =	shalt  }
0x83: {  	_ =	shalt  }
0x84: {  	_ =	shalt  }
0x85: {  	_ =	shalt  }
0x86: {  	_ =	shalt  }
0x87: {  	_ =	shalt  }
.Lfunc_end0:
.L_simem_size_0:
called_computation_lowered:
.L_overlay_start_0:
0x88: {  	s2 =	sld [smem:$0x3FD9]  }
0x89: {  	s3 =	sld [smem:$0x3FFE];
	_ =	sdelay $0x1  }
0x8a: {  	s1 =	srdreg.scid  }
0x8b: {  	s0 =	sand.u32 $0x1, s1  }
0x8c: {  	s16 =	sshll.u32 s0, $0xA;
	s2 =	sadd.s32 s3, s2  }
0x8d: {  	s2 =	sadd.s32 s2, s16  }
0x8e: {  	[smem:$0x3FC6] =	sst s2  }
0x8f: {  	_ = 	snop  }
0x90: {  	(tm) =	ssettm $0x1  }
0x91: {  	s17 =	sld [smem:$0x3FFB];
	_ =	sdelay $0x3  }
0x92: {  	_ =	strace s17  }
0x93: {  	s2 =	sld [smem:$0x3FFC];
	_ =	sdelay $0x3  }
0x94: {  	_ =	strace s2  }
0x95: {  	s2 =	sld [smem:$0x3FFD];
	_ =	sdelay $0x3  }
0x96: {  	_ =	strace s2  }
0x97: {  	_ =	strace $0x8FFFFFFF  }
0x98: {  	s18 =	sld [smem:$0x3FDB];
	_ =	sdelay $0x1  }
0x99: {  	s19 =	simm.s32 $_scs_section_size  }
0x9a: {  	s4 =	simm.s32 $_size__tile_overlayer_lowered;
	s5 =	simm.s32 $_tile_overlayer_lowered  }
0x9b: {  	s22 =	simm.s32 $0x1BFF;
	s21 =	sshll.u32 s5, $0x1;
	s2 =	sadd.s32 s19, s18  }
0x9c: {  	s6 =	simm.s32 $0x0;
	s20 =	sshll.u32 s4, $0x1;
	s4 =	sadd.s32 s21, s2  }
0x9d: {  	[timem:s6], [sflag:s22] =	dma.local [hbm:s4], s20  }
0x9e: {  	_ =	swait.ge [sflag:s22], s20  }
0x9f: {  	s3 =	ssub.s32 $0x0, s20;
	[sflag:s22] =	ssyncset.done $0x0  }
0xa0: {  	[sflag:s22] =	ssyncadd.s32 s3;
	_ =	sdelay $0x1  }
0xa1: {  	s23 =	simm.s32 $0x1B8B  }
0xa2: {  	_ =	swait.ge [sflag:s23], $0x1  }
0xa3: {  	[sflag:s23] =	ssyncset.done $0x0  }
0xa4: {  	s25 =	simm.s32 $0x1B8E;
	s24 =	sld [smem:$0x3FFE];
	[sflag:s23] =	ssyncadd.s32 $0xFFFFFFFF  }
0xa5: {  	s26 =	simm.s32 $execute0_lowered;
	[smem:$0x3FD2] =	sst s25  }
0xa6: {  	s4 =	sshll.u32 s26, $0x1;
	_ =	strace $0x80000046;
	[dreg:$0x1] =	wrdreg $0xFFFFFFFF  }
0xa7: {  	s28 =	simm.s32 $_size_execute0_lowered;
	s2 =	sadd.s32 s2, s4;
	[dreg:$0x0] =	wrdreg $0x0  }
0xa8: {  	s4 =	sshll.u32 s28, $0x1;
	[dreg:$0x2] =	wrdreg s2  }
0xa9: {  	[dreg:$0x3] =	wrdreg s4  }
0xaa: {  	[dreg:$0x4] =	wrdreg $0xC0  }
0xab: {  	_ =	task [dreg:s6], $0x5FFFF  }
0xac: {  	[dreg:$0x1] =	wrdreg $0xFFFFFFFF  }
0xad: {  	[dreg:$0x0] =	wrdreg $0x60  }
0xae: {  	[dreg:$0x2] =	wrdreg s24  }
0xaf: {  	[dreg:$0x3] =	wrdreg $0x9  }
0xb0: {  	_ =	task.clear_ibuf [dreg:s6], $0x4FFFF;
	_ =	strace $0x90000046  }
0xb1: {  	s29 =	simm.s32 $0x9;
	_ =	strace $0x80000048  }
0xb2: {  	_ =	swait.ge [sflag:s29], $0x1  }
0xb3: {  	[sflag:s29] =	ssyncadd.s32 $0xFFFFFFFF  }
0xb4: {  	_ =	strace $0x90000048  }
0xb5: {  	_ =	sfence  }
0xb6: {  	s30 =	sld [smem:$0x0];
	_ =	sdelay $0x2  }
0xb7: {  	s31 =	sshll.u32 s1, $0xD;
	s1 =	sshrl.u32 s1, $0x2  }
0xb8: {  	s3 =	sand.u32 $0x4000, s31;
	s1 =	sadd.s32 s1, s30  }
0xb9: {  	s0 =	sor.u32 s3, s0;
	s1 =	sshll.u32 s1, $0x11  }
0xba: {  	s0 =	sor.u32 s1, s0  }
0xbb: {  	s0 =	sadd.s32 $0x8F2B, s0  }
0xbc: {  	[sflag:s0] =	ssyncadd.remote.s32 $0x1  }
0xbd: {  	_ =	sfence.sel $0xFFFF  }
0xbe: {  	[dreg:$0x0] =	wrdreg $0xFFFFFFFF;
	(pc) =	sbr.abs _section_cstart, $3  }
0xbf: {  	[dreg:$0x1] =	wrdreg $0xFFFFFFFF  }
0xc0: {  	_ =	task.clear_ibuf [dreg:s6], $0x2FFFF;
	_ =	strace $0x9FFFFFFF  }
0xc1: {  	(tm) =	ssettm $0x7FFFFFFF  }
tec
execute0_lowered:
.L_overlay_start_1:
0x0: {  	(tag) =	ssettag $0x1  }
0x1: {  	s4 =	rddreg [dreg:$0x0]  }
0x2: {  	s0 =	rddreg [dreg:$0x1]  }
0x3: {  	s2 =	simm.s32 $0x0;
	s1 =	stileid.u32;
	s5 =	srdreg.scid  }
0x4: {  	s10 =	simm.s32 $0x1;
	s11 =	simm.s32 $0x4000;
	s12 =	simm.s32 $0x8080  }
0x5: {  	s13 =	simm.s32 $0x2;
	s14 =	simm.s32 $0x80;
	s15 =	simm.s32 $0x400  }
0x6: {  	s16 =	simm.s32 $0x10100;
	s17 =	simm.s32 $0x0;
	[smem:$0x7FF] =	sst s2  }
0x7: {  	s3 =	sshll.u32 s1, $0x9;
	s5 =	sand.u32 $0x1, s5;
	s7 =	sshll.u32 s1, $0x1  }
0x8: {  	_ =	strace $0x80000047;
	s6 =	sand.u32 $0x1800, s3;
	s3 =	sadd.s32 $0x20000, s4  }
0x9: {  	s7 =	sor.u32 s5, s7;
	s5 =	ssub.s32 $0x2, s5;
	s6 =	sadd.s32 s6, s4  }
0xa: {  	s8 =	sshll.u32 s7, $0xC;
	s7 =	sshll.u32 s7, $0x4;
	s9 =	sshrl.u32 s5, $0x1  }
0xb: {  	s4 =	sadd.s32 s4, s8;
	s7 =	sand.u32 $0x70, s7;
	s31 =	ssub.s32 s5, s9  }
0xc: {  	v1 =	vlaneseq.u32;
	s8 =	simm.s32 $0x8000;
	s9 =	simm.s32 $0x3;
	s6 =	sadd.s32 s7, s6  }
0xd: {  	v0 =	vimm.s32 $0x0;
	v2 =	vimm.s32 $0x1;
	v1 =	vmul.u32 $0x801, v1;
	s5 =	sadd.s32 $0x800, s4;
	s7 =	smax.u32 s31, $0x1;
	s6 =	sadd.s32 $0x20200, s6  }
.LBB2_1:
0xe: {  	[tilespmem:s2], [sflag:$0x1] =	stream.linear.gather [hbm4b:s4+s2], $0x4000, $0x38;
	[tilespmem:$0x10900] =	vst v63  }
0xf: {  	_ = 	snop  }
0x10: {  	[tilespmem:s8], [sflag:$0x3] =	stream.linear.gather [hbm4b:s3+s2], $0x80, $0x38;
	[tilespmem:$0x10900] =	vst v63  }
0x11: {  	_ =	swait.ge [sflag:s9], $0x80  }
0x12: {  	[sflag:s9] =	ssyncset.done $0x0  }
0x13: {  	[sflag:s9] =	ssyncadd.s32 $0xFFFFFF80  }
0x14: {  	s18 =	simm.s32 $0x0;
	s19 =	simm.s32 $0x400;
	v3 =	vld [tilespmem:$0x8000]  }
.LBB2_2:
0x15: {  	p0 =	sne.s32 s19, $0x1FC00;
	[tilespmem:s18+$0x8170] =	vst v0  }
0x16: {  	[tilespmem:s18+$0x8080] =	vst v0  }
0x17: {  	[tilespmem:s18+$0x8090] =	vst v0  }
0x18: {  	[tilespmem:s18+$0x80A0] =	vst v0  }
0x19: {  	[tilespmem:s18+$0x80B0] =	vst v0  }
0x1a: {  	[tilespmem:s18+$0x80C0] =	vst v0  }
0x1b: {  	[tilespmem:s18+$0x80D0] =	vst v0  }
0x1c: {  	[tilespmem:s18+$0x80E0] =	vst v0  }
0x1d: {  	[tilespmem:s18+$0x80F0] =	vst v0  }
0x1e: {  	[tilespmem:s18+$0x8100] =	vst v0  }
0x1f: {  	[tilespmem:s18+$0x8110] =	vst v0  }
.Ltmp0:
0x20: {  	[tilespmem:s18+$0x8120] =	vst v0;
	(pc) =	sbr.rel @p0 .LBB2_2-.Ltmp0, $4  }
0x21: {  	[tilespmem:s18+$0x8130] =	vst v0  }
0x22: {  	[tilespmem:s18+$0x8140] =	vst v0  }
0x23: {  	[tilespmem:s18+$0x8150] =	vst v0  }
0x24: {  	[tilespmem:s18+$0x8160] =	vst v0;
	s18 =	sshra.s32 s19, $0x2;
	s19 =	sadd.s32 $0x400, s19  }
0x25: {  	[tilespmem:s18+$0x8170] =	vst v0  }
0x26: {  	[tilespmem:s18+$0x8080] =	vst v0  }
0x27: {  	[tilespmem:s18+$0x8090] =	vst v0  }
0x28: {  	[tilespmem:s18+$0x80A0] =	vst v0  }
0x29: {  	[tilespmem:s18+$0x80B0] =	vst v0  }
0x2a: {  	[tilespmem:s18+$0x80C0] =	vst v0  }
0x2b: {  	[tilespmem:s18+$0x80D0] =	vst v0  }
0x2c: {  	[tilespmem:s18+$0x80E0] =	vst v0  }
0x2d: {  	[tilespmem:s18+$0x80F0] =	vst v0  }
0x2e: {  	[tilespmem:s18+$0x8100] =	vst v0  }
0x2f: {  	[tilespmem:s18+$0x8110] =	vst v0  }
0x30: {  	[tilespmem:s18+$0x8120] =	vst v0  }
0x31: {  	[tilespmem:s18+$0x8130] =	vst v0  }
0x32: {  	[tilespmem:s18+$0x8140] =	vst v0  }
0x33: {  	[tilespmem:s18+$0x8150] =	vst v0  }
0x34: {  	[tilespmem:s18+$0x8160] =	vst v0  }
0x35: {  	[tilespmem:$0x10080] =	vst v0  }
0x36: {  	_ =	swait.ge [sflag:s10], $0x4000  }
0x37: {  	[sflag:s10] =	ssyncset.done $0x0  }
0x38: {  	s18 =	simm.s32 $0x0;
	[sflag:s10] =	ssyncadd.s32 $0xFFFFC000  }
0x39: {  	[tilespmem:s11], [sflag:$0x2] =	stream.linear.gather [hbm4b:s5+s18], $0x4000, $0x38;
	[tilespmem:$0x10900] =	vst v63  }
.LBB2_4:
0x3a: {  	s19 =	sshra.s32 s18, $0x2  }
0x3b: {  	v4 =	vld [tilespmem:s19+$0x0];
	_ =	sdelay $0x4  }
0x3c: {  	v4 =	vsub.s32 v4, v3  }
0x3d: {  	vm0 =	vne.s32 v4, $0xFFFFFFFF;
	v4 =	vshrl.u32 v4, $0x15  }
0x3e: {  	v4 =	vadd.s32 v1, v4;
	_ =	sdelay $0x4  }
0x3f: {  	[tilespmem:v4+s12+$0x0] =	vst.idx.add.s32.msk vm0, v2  }
0x40: {  	v4 =	vld [tilespmem:s19+$0x10];
	_ =	sdelay $0x4  }
0x41: {  	v4 =	vsub.s32 v4, v3  }
0x42: {  	vm13 =	vne.s32 v4, $0xFFFFFFFF;
	v4 =	vshrl.u32 v4, $0x15  }
0x43: {  	v4 =	vadd.s32 v1, v4;
	_ =	sdelay $0x4  }
0x44: {  	[tilespmem:v4+s12+$0x0] =	vst.idx.add.s32.msk vm13, v2  }
0x45: {  	v4 =	vld [tilespmem:s19+$0x20];
	_ =	sdelay $0x4  }
0x46: {  	v4 =	vsub.s32 v4, v3  }
0x47: {  	vm14 =	vne.s32 v4, $0xFFFFFFFF;
	v4 =	vshrl.u32 v4, $0x15  }
0x48: {  	v4 =	vadd.s32 v1, v4;
	_ =	sdelay $0x4  }
0x49: {  	[tilespmem:v4+s12+$0x0] =	vst.idx.add.s32.msk vm14, v2  }
0x4a: {  	v4 =	vld [tilespmem:s19+$0x30];
	_ =	sdelay $0x4  }
0x4b: {  	v4 =	vsub.s32 v4, v3  }
0x4c: {  	vm15 =	vne.s32 v4, $0xFFFFFFFF;
	v4 =	vshrl.u32 v4, $0x15  }
0x4d: {  	v4 =	vadd.s32 v1, v4;
	_ =	sdelay $0x4  }
0x4e: {  	[tilespmem:v4+s12+$0x0] =	vst.idx.add.s32.msk vm15, v2  }
0x4f: {  	v4 =	vld [tilespmem:s19+$0x40];
	_ =	sdelay $0x4  }
0x50: {  	v4 =	vsub.s32 v4, v3  }
0x51: {  	vm4 =	vne.s32 v4, $0xFFFFFFFF;
	v4 =	vshrl.u32 v4, $0x15  }
0x52: {  	v4 =	vadd.s32 v1, v4;
	_ =	sdelay $0x4  }
0x53: {  	[tilespmem:v4+s12+$0x0] =	vst.idx.add.s32.msk vm4, v2  }
0x54: {  	v4 =	vld [tilespmem:s19+$0x50];
	_ =	sdelay $0x4  }
0x55: {  	v4 =	vsub.s32 v4, v3  }
0x56: {  	vm5 =	vne.s32 v4, $0xFFFFFFFF;
	v4 =	vshrl.u32 v4, $0x15  }
0x57: {  	v4 =	vadd.s32 v1, v4;
	_ =	sdelay $0x4  }
0x58: {  	[tilespmem:v4+s12+$0x0] =	vst.idx.add.s32.msk vm5, v2  }
0x59: {  	v4 =	vld [tilespmem:s19+$0x60];
	_ =	sdelay $0x4  }
0x5a: {  	v4 =	vsub.s32 v4, v3  }
0x5b: {  	vm6 =	vne.s32 v4, $0xFFFFFFFF;
	v4 =	vshrl.u32 v4, $0x15  }
0x5c: {  	v4 =	vadd.s32 v1, v4;
	_ =	sdelay $0x4  }
0x5d: {  	[tilespmem:v4+s12+$0x0] =	vst.idx.add.s32.msk vm6, v2  }
0x5e: {  	v4 =	vld [tilespmem:s19+$0x70];
	_ =	sdelay $0x4  }
0x5f: {  	v4 =	vsub.s32 v4, v3  }
0x60: {  	vm7 =	vne.s32 v4, $0xFFFFFFFF;
	v4 =	vshrl.u32 v4, $0x15  }
0x61: {  	v4 =	vadd.s32 v1, v4;
	_ =	sdelay $0x4  }
0x62: {  	[tilespmem:v4+s12+$0x0] =	vst.idx.add.s32.msk vm7, v2  }
0x63: {  	v4 =	vld [tilespmem:s19+$0x80];
	_ =	sdelay $0x4  }
0x64: {  	v4 =	vsub.s32 v4, v3  }
0x65: {  	vm8 =	vne.s32 v4, $0xFFFFFFFF;
	v4 =	vshrl.u32 v4, $0x15  }
0x66: {  	v4 =	vadd.s32 v1, v4;
	_ =	sdelay $0x4  }
0x67: {  	[tilespmem:v4+s12+$0x0] =	vst.idx.add.s32.msk vm8, v2  }
0x68: {  	v4 =	vld [tilespmem:s19+$0x90];
	_ =	sdelay $0x4  }
0x69: {  	v4 =	vsub.s32 v4, v3  }
0x6a: {  	vm9 =	vne.s32 v4, $0xFFFFFFFF;
	v4 =	vshrl.u32 v4, $0x15  }
0x6b: {  	v4 =	vadd.s32 v1, v4;
	_ =	sdelay $0x4  }
0x6c: {  	[tilespmem:v4+s12+$0x0] =	vst.idx.add.s32.msk vm9, v2  }
0x6d: {  	v4 =	vld [tilespmem:s19+$0xA0];
	_ =	sdelay $0x4  }
0x6e: {  	v4 =	vsub.s32 v4, v3  }
0x6f: {  	vm10 =	vne.s32 v4, $0xFFFFFFFF;
	v4 =	vshrl.u32 v4, $0x15  }
0x70: {  	v4 =	vadd.s32 v1, v4;
	_ =	sdelay $0x4  }
0x71: {  	[tilespmem:v4+s12+$0x0] =	vst.idx.add.s32.msk vm10, v2  }
0x72: {  	v4 =	vld [tilespmem:s19+$0xB0];
	_ =	sdelay $0x4  }
0x73: {  	v4 =	vsub.s32 v4, v3  }
0x74: {  	vm11 =	vne.s32 v4, $0xFFFFFFFF;
	v4 =	vshrl.u32 v4, $0x15  }
0x75: {  	v4 =	vadd.s32 v1, v4;
	_ =	sdelay $0x4  }
0x76: {  	[tilespmem:v4+s12+$0x0] =	vst.idx.add.s32.msk vm11, v2  }
0x77: {  	v4 =	vld [tilespmem:s19+$0xC0];
	_ =	sdelay $0x4  }
0x78: {  	v4 =	vsub.s32 v4, v3  }
0x79: {  	vm12 =	vne.s32 v4, $0xFFFFFFFF;
	v4 =	vshrl.u32 v4, $0x15  }
0x7a: {  	v4 =	vadd.s32 v1, v4;
	_ =	sdelay $0x4  }
0x7b: {  	[tilespmem:v4+s12+$0x0] =	vst.idx.add.s32.msk vm12, v2  }
0x7c: {  	v4 =	vld [tilespmem:s19+$0xD0];
	_ =	sdelay $0x4  }
0x7d: {  	v4 =	vsub.s32 v4, v3  }
0x7e: {  	vm13 =	vne.s32 v4, $0xFFFFFFFF;
	v4 =	vshrl.u32 v4, $0x15  }
0x7f: {  	v4 =	vadd.s32 v1, v4;
	_ =	sdelay $0x4  }
0x80: {  	[tilespmem:v4+s12+$0x0] =	vst.idx.add.s32.msk vm13, v2  }
0x81: {  	v4 =	vld [tilespmem:s19+$0xE0];
	_ =	sdelay $0x4  }
0x82: {  	v4 =	vsub.s32 v4, v3  }
0x83: {  	vm14 =	vne.s32 v4, $0xFFFFFFFF;
	v4 =	vshrl.u32 v4, $0x15  }
0x84: {  	v4 =	vadd.s32 v1, v4;
	_ =	sdelay $0x4  }
0x85: {  	[tilespmem:v4+s12+$0x0] =	vst.idx.add.s32.msk vm14, v2  }
0x86: {  	v4 =	vld [tilespmem:s19+$0xF0];
	_ =	sdelay $0x4  }
0x87: {  	v4 =	vsub.s32 v4, v3  }
0x88: {  	vm15 =	vne.s32 v4, $0xFFFFFFFF;
	v4 =	vshrl.u32 v4, $0x15  }
0x89: {  	p0 =	sne.s32 s18, $0xFC00;
	v4 =	vadd.s32 v1, v4  }
.Ltmp1:
0x8a: {  	_ = 	snop;
	(pc) =	sbr.rel @p0 .LBB2_4-.Ltmp1, $2  }
0x8b: {  	_ =	sdelay $0x2  }
0x8c: {  	s18 =	sadd.s32 $0x400, s18;
	[tilespmem:v4+s12+$0x0] =	vst.idx.add.s32.msk vm15, v2  }
0x8d: {  	_ =	swait.ge [sflag:s13], $0x4000  }
0x8e: {  	[sflag:s13] =	ssyncset.done $0x0  }
0x8f: {  	s18 =	simm.s32 $0x0;
	[sflag:s13] =	ssyncadd.s32 $0xFFFFC000  }
.LBB2_6:
0x90: {  	s19 =	sshra.s32 s18, $0x2  }
0x91: {  	v4 =	vld [tilespmem:s19+$0x4000];
	_ =	sdelay $0x4  }
0x92: {  	v4 =	vsub.s32 v4, v3  }
0x93: {  	vm0 =	vne.s32 v4, $0xFFFFFFFF;
	v4 =	vshrl.u32 v4, $0x15  }
0x94: {  	v4 =	vadd.s32 v1, v4;
	_ =	sdelay $0x4  }
0x95: {  	[tilespmem:v4+s12+$0x0] =	vst.idx.add.s32.msk vm0, v2  }
0x96: {  	v4 =	vld [tilespmem:s19+$0x4010];
	_ =	sdelay $0x4  }
0x97: {  	v4 =	vsub.s32 v4, v3  }
0x98: {  	vm13 =	vne.s32 v4, $0xFFFFFFFF;
	v4 =	vshrl.u32 v4, $0x15  }
0x99: {  	v4 =	vadd.s32 v1, v4;
	_ =	sdelay $0x4  }
0x9a: {  	[tilespmem:v4+s12+$0x0] =	vst.idx.add.s32.msk vm13, v2  }
0x9b: {  	v4 =	vld [tilespmem:s19+$0x4020];
	_ =	sdelay $0x4  }
0x9c: {  	v4 =	vsub.s32 v4, v3  }
0x9d: {  	vm14 =	vne.s32 v4, $0xFFFFFFFF;
	v4 =	vshrl.u32 v4, $0x15  }
0x9e: {  	v4 =	vadd.s32 v1, v4;
	_ =	sdelay $0x4  }
0x9f: {  	[tilespmem:v4+s12+$0x0] =	vst.idx.add.s32.msk vm14, v2  }
0xa0: {  	v4 =	vld [tilespmem:s19+$0x4030];
	_ =	sdelay $0x4  }
0xa1: {  	v4 =	vsub.s32 v4, v3  }
0xa2: {  	vm15 =	vne.s32 v4, $0xFFFFFFFF;
	v4 =	vshrl.u32 v4, $0x15  }
0xa3: {  	v4 =	vadd.s32 v1, v4;
	_ =	sdelay $0x4  }
0xa4: {  	[tilespmem:v4+s12+$0x0] =	vst.idx.add.s32.msk vm15, v2  }
0xa5: {  	v4 =	vld [tilespmem:s19+$0x4040];
	_ =	sdelay $0x4  }
0xa6: {  	v4 =	vsub.s32 v4, v3  }
0xa7: {  	vm4 =	vne.s32 v4, $0xFFFFFFFF;
	v4 =	vshrl.u32 v4, $0x15  }
0xa8: {  	v4 =	vadd.s32 v1, v4;
	_ =	sdelay $0x4  }
0xa9: {  	[tilespmem:v4+s12+$0x0] =	vst.idx.add.s32.msk vm4, v2  }
0xaa: {  	v4 =	vld [tilespmem:s19+$0x4050];
	_ =	sdelay $0x4  }
0xab: {  	v4 =	vsub.s32 v4, v3  }
0xac: {  	vm5 =	vne.s32 v4, $0xFFFFFFFF;
	v4 =	vshrl.u32 v4, $0x15  }
0xad: {  	v4 =	vadd.s32 v1, v4;
	_ =	sdelay $0x4  }
0xae: {  	[tilespmem:v4+s12+$0x0] =	vst.idx.add.s32.msk vm5, v2  }
0xaf: {  	v4 =	vld [tilespmem:s19+$0x4060];
	_ =	sdelay $0x4  }
0xb0: {  	v4 =	vsub.s32 v4, v3  }
0xb1: {  	vm6 =	vne.s32 v4, $0xFFFFFFFF;
	v4 =	vshrl.u32 v4, $0x15  }
0xb2: {  	v4 =	vadd.s32 v1, v4;
	_ =	sdelay $0x4  }
0xb3: {  	[tilespmem:v4+s12+$0x0] =	vst.idx.add.s32.msk vm6, v2  }
0xb4: {  	v4 =	vld [tilespmem:s19+$0x4070];
	_ =	sdelay $0x4  }
0xb5: {  	v4 =	vsub.s32 v4, v3  }
0xb6: {  	vm7 =	vne.s32 v4, $0xFFFFFFFF;
	v4 =	vshrl.u32 v4, $0x15  }
0xb7: {  	v4 =	vadd.s32 v1, v4;
	_ =	sdelay $0x4  }
0xb8: {  	[tilespmem:v4+s12+$0x0] =	vst.idx.add.s32.msk vm7, v2  }
0xb9: {  	v4 =	vld [tilespmem:s19+$0x4080];
	_ =	sdelay $0x4  }
0xba: {  	v4 =	vsub.s32 v4, v3  }
0xbb: {  	vm8 =	vne.s32 v4, $0xFFFFFFFF;
	v4 =	vshrl.u32 v4, $0x15  }
0xbc: {  	v4 =	vadd.s32 v1, v4;
	_ =	sdelay $0x4  }
0xbd: {  	[tilespmem:v4+s12+$0x0] =	vst.idx.add.s32.msk vm8, v2  }
0xbe: {  	v4 =	vld [tilespmem:s19+$0x4090];
	_ =	sdelay $0x4  }
0xbf: {  	v4 =	vsub.s32 v4, v3  }
0xc0: {  	vm9 =	vne.s32 v4, $0xFFFFFFFF;
	v4 =	vshrl.u32 v4, $0x15  }
0xc1: {  	v4 =	vadd.s32 v1, v4;
	_ =	sdelay $0x4  }
0xc2: {  	[tilespmem:v4+s12+$0x0] =	vst.idx.add.s32.msk vm9, v2  }
0xc3: {  	v4 =	vld [tilespmem:s19+$0x40A0];
	_ =	sdelay $0x4  }
0xc4: {  	v4 =	vsub.s32 v4, v3  }
0xc5: {  	vm10 =	vne.s32 v4, $0xFFFFFFFF;
	v4 =	vshrl.u32 v4, $0x15  }
0xc6: {  	v4 =	vadd.s32 v1, v4;
	_ =	sdelay $0x4  }
0xc7: {  	[tilespmem:v4+s12+$0x0] =	vst.idx.add.s32.msk vm10, v2  }
0xc8: {  	v4 =	vld [tilespmem:s19+$0x40B0];
	_ =	sdelay $0x4  }
0xc9: {  	v4 =	vsub.s32 v4, v3  }
0xca: {  	vm11 =	vne.s32 v4, $0xFFFFFFFF;
	v4 =	vshrl.u32 v4, $0x15  }
0xcb: {  	v4 =	vadd.s32 v1, v4;
	_ =	sdelay $0x4  }
0xcc: {  	[tilespmem:v4+s12+$0x0] =	vst.idx.add.s32.msk vm11, v2  }
0xcd: {  	v4 =	vld [tilespmem:s19+$0x40C0];
	_ =	sdelay $0x4  }
0xce: {  	v4 =	vsub.s32 v4, v3  }
0xcf: {  	vm12 =	vne.s32 v4, $0xFFFFFFFF;
	v4 =	vshrl.u32 v4, $0x15  }
0xd0: {  	v4 =	vadd.s32 v1, v4;
	_ =	sdelay $0x4  }
0xd1: {  	[tilespmem:v4+s12+$0x0] =	vst.idx.add.s32.msk vm12, v2  }
0xd2: {  	v4 =	vld [tilespmem:s19+$0x40D0];
	_ =	sdelay $0x4  }
0xd3: {  	v4 =	vsub.s32 v4, v3  }
0xd4: {  	vm13 =	vne.s32 v4, $0xFFFFFFFF;
	v4 =	vshrl.u32 v4, $0x15  }
0xd5: {  	v4 =	vadd.s32 v1, v4;
	_ =	sdelay $0x4  }
0xd6: {  	[tilespmem:v4+s12+$0x0] =	vst.idx.add.s32.msk vm13, v2  }
0xd7: {  	v4 =	vld [tilespmem:s19+$0x40E0];
	_ =	sdelay $0x4  }
0xd8: {  	v4 =	vsub.s32 v4, v3  }
0xd9: {  	vm14 =	vne.s32 v4, $0xFFFFFFFF;
	v4 =	vshrl.u32 v4, $0x15  }
0xda: {  	v4 =	vadd.s32 v1, v4;
	_ =	sdelay $0x4  }
0xdb: {  	[tilespmem:v4+s12+$0x0] =	vst.idx.add.s32.msk vm14, v2  }
0xdc: {  	v4 =	vld [tilespmem:s19+$0x40F0];
	_ =	sdelay $0x4  }
0xdd: {  	v4 =	vsub.s32 v4, v3  }
0xde: {  	vm15 =	vne.s32 v4, $0xFFFFFFFF;
	v4 =	vshrl.u32 v4, $0x15  }
0xdf: {  	p0 =	sne.s32 s18, $0xFC00;
	v4 =	vadd.s32 v1, v4  }
.Ltmp2:
0xe0: {  	_ = 	snop;
	(pc) =	sbr.rel @p0 .LBB2_6-.Ltmp2, $2  }
0xe1: {  	_ =	sdelay $0x2  }
0xe2: {  	s18 =	sadd.s32 $0x400, s18;
	[tilespmem:v4+s12+$0x0] =	vst.idx.add.s32.msk vm15, v2  }
0xe3: {  	s18 =	simm.s32 $0x0  }
0xe4: {  	v3 =	vld [tilespmem:s18+$0x8090]  }
0xe5: {  	v4 =	vld [tilespmem:s18+$0x8891]  }
0xe6: {  	v5 =	vld [tilespmem:s18+$0x9092]  }
0xe7: {  	v6 =	vld [tilespmem:s18+$0x9893]  }
0xe8: {  	v7 =	vld [tilespmem:s18+$0xA094]  }
0xe9: {  	v8 =	vld [tilespmem:s18+$0xA895]  }
0xea: {  	v9 =	vld [tilespmem:s18+$0xB096]  }
0xeb: {  	v3 =	vadd.s32 v3, v4;
	v4 =	vld [tilespmem:s18+$0xB897]  }
0xec: {  	v3 =	vadd.s32 v5, v3;
	v5 =	vld [tilespmem:s18+$0xC098]  }
0xed: {  	v3 =	vadd.s32 v6, v3;
	v6 =	vld [tilespmem:s18+$0xC899]  }
0xee: {  	v3 =	vadd.s32 v7, v3;
	v7 =	vld [tilespmem:s18+$0xD09A]  }
0xef: {  	v3 =	vadd.s32 v8, v3;
	v8 =	vld [tilespmem:s18+$0xD89B]  }
0xf0: {  	v3 =	vadd.s32 v9, v3;
	v9 =	vld [tilespmem:s18+$0xE09C]  }
0xf1: {  	v3 =	vadd.s32 v4, v3;
	v4 =	vld [tilespmem:s18+$0xE89D]  }
0xf2: {  	v3 =	vadd.s32 v5, v3;
	v5 =	vld [tilespmem:s18+$0xF09E]  }
0xf3: {  	v3 =	vadd.s32 v6, v3;
	v6 =	vld [tilespmem:s18+$0xF89F]  }
0xf4: {  	v3 =	vadd.s32 v7, v3;
	v7 =	vld [tilespmem:s18+$0x8080]  }
0xf5: {  	v3 =	vadd.s32 v8, v3;
	v8 =	vld [tilespmem:s18+$0x8881]  }
0xf6: {  	v3 =	vadd.s32 v9, v3;
	v9 =	vld [tilespmem:s18+$0x9082]  }
0xf7: {  	v3 =	vadd.s32 v4, v3;
	v4 =	vld [tilespmem:s18+$0x9883]  }
0xf8: {  	v3 =	vadd.s32 v5, v3;
	v5 =	vld [tilespmem:s18+$0xA084]  }
0xf9: {  	v3 =	vadd.s32 v6, v3;
	v6 =	vld [tilespmem:s18+$0xA885]  }
0xfa: {  	[tilespmem:s18+$0x10110] =	vst v3;
	v3 =	vadd.s32 v7, v8;
	v7 =	vld [tilespmem:s18+$0xB086]  }
0xfb: {  	v8 =	vld [tilespmem:s18+$0xB887];
	v3 =	vadd.s32 v9, v3  }
0xfc: {  	v9 =	vld [tilespmem:s18+$0xC088];
	v3 =	vadd.s32 v4, v3  }
0xfd: {  	v10 =	vld [tilespmem:s18+$0xC889];
	v3 =	vadd.s32 v5, v3  }
0xfe: {  	v11 =	vld [tilespmem:s18+$0xD08A];
	v3 =	vadd.s32 v6, v3  }
0xff: {  	v12 =	vld [tilespmem:s18+$0xD88B];
	v3 =	vadd.s32 v7, v3  }
0x100: {  	v4 =	vld [tilespmem:s18+$0xE08C];
	v3 =	vadd.s32 v8, v3  }
0x101: {  	v5 =	vld [tilespmem:s18+$0xE88D];
	v3 =	vadd.s32 v9, v3  }
0x102: {  	v6 =	vld [tilespmem:s18+$0xF08E];
	v3 =	vadd.s32 v10, v3  }
0x103: {  	s20 =	simm.s32 $0x20;
	v7 =	vld [tilespmem:s18+$0xF88F];
	v8 =	vadd.s32 v11, v3  }
0x104: {  	s19 =	simm.s32 $0x100;
	v3 =	vld [tilespmem:s20+$0x8090];
	v8 =	vadd.s32 v12, v8  }
.LBB2_8:
0x105: {  	p0 =	sne.s32 s19, $0x1F80;
	v9 =	vld [tilespmem:s20+$0x8891];
	v4 =	vadd.s32 v4, v8  }
0x106: {  	v8 =	vld [tilespmem:s20+$0x9092];
	v4 =	vadd.s32 v5, v4  }
0x107: {  	v5 =	vld [tilespmem:s20+$0x9893];
	v4 =	vadd.s32 v6, v4  }
0x108: {  	v6 =	vld [tilespmem:s20+$0xA094];
	v4 =	vadd.s32 v7, v4  }
0x109: {  	v7 =	vld [tilespmem:s20+$0xA895];
	[tilespmem:s18+$0x10100] =	vst v4;
	s18 =	smov.u32 s20  }
0x10a: {  	v3 =	vadd.s32 v3, v9;
	v4 =	vld [tilespmem:s18+$0xB096]  }
0x10b: {  	v3 =	vadd.s32 v8, v3;
	v8 =	vld [tilespmem:s18+$0xB897]  }
0x10c: {  	v3 =	vadd.s32 v5, v3;
	v5 =	vld [tilespmem:s18+$0xC098]  }
0x10d: {  	v3 =	vadd.s32 v6, v3;
	v6 =	vld [tilespmem:s18+$0xC899]  }
0x10e: {  	v3 =	vadd.s32 v7, v3;
	v7 =	vld [tilespmem:s18+$0xD09A]  }
0x10f: {  	v3 =	vadd.s32 v4, v3;
	v4 =	vld [tilespmem:s18+$0xD89B]  }
0x110: {  	v3 =	vadd.s32 v8, v3;
	v8 =	vld [tilespmem:s18+$0xE09C]  }
0x111: {  	v3 =	vadd.s32 v5, v3;
	v5 =	vld [tilespmem:s18+$0xE89D]  }
0x112: {  	v3 =	vadd.s32 v6, v3;
	v6 =	vld [tilespmem:s18+$0xF09E]  }
0x113: {  	v3 =	vadd.s32 v7, v3;
	v7 =	vld [tilespmem:s18+$0xF89F]  }
0x114: {  	v9 =	vld [tilespmem:s18+$0x8080];
	v3 =	vadd.s32 v4, v3  }
0x115: {  	v4 =	vld [tilespmem:s18+$0x8881];
	v3 =	vadd.s32 v8, v3  }
0x116: {  	v8 =	vld [tilespmem:s18+$0x9082];
	v3 =	vadd.s32 v5, v3  }
0x117: {  	v5 =	vld [tilespmem:s18+$0x9883];
	v3 =	vadd.s32 v6, v3  }
0x118: {  	v6 =	vld [tilespmem:s18+$0xA084];
	v3 =	vadd.s32 v7, v3  }
0x119: {  	v7 =	vld [tilespmem:s18+$0xA885];
	[tilespmem:s18+$0x10110] =	vst v3  }
0x11a: {  	v3 =	vadd.s32 v9, v4;
	v4 =	vld [tilespmem:s18+$0xB086]  }
0x11b: {  	v3 =	vadd.s32 v8, v3;
	v8 =	vld [tilespmem:s18+$0xB887]  }
0x11c: {  	v3 =	vadd.s32 v5, v3;
	v5 =	vld [tilespmem:s18+$0xC088]  }
0x11d: {  	v3 =	vadd.s32 v6, v3;
	v6 =	vld [tilespmem:s18+$0xC889]  }
0x11e: {  	v3 =	vadd.s32 v7, v3;
	v7 =	vld [tilespmem:s18+$0xD08A]  }
0x11f: {  	v3 =	vadd.s32 v4, v3;
	v9 =	vld [tilespmem:s18+$0xD88B]  }
.Ltmp3:
0x120: {  	v3 =	vadd.s32 v8, v3;
	v4 =	vld [tilespmem:s18+$0xE08C];
	(pc) =	sbr.rel @p0 .LBB2_8-.Ltmp3, $4  }
0x121: {  	v3 =	vadd.s32 v5, v3;
	v5 =	vld [tilespmem:s18+$0xE88D]  }
0x122: {  	v3 =	vadd.s32 v6, v3;
	v6 =	vld [tilespmem:s18+$0xF08E]  }
0x123: {  	s20 =	sshra.s32 s19, $0x2;
	v8 =	vadd.s32 v7, v3;
	v7 =	vld [tilespmem:s18+$0xF88F]  }
0x124: {  	s19 =	sadd.s32 $0x80, s19;
	v3 =	vld [tilespmem:s20+$0x8090];
	v8 =	vadd.s32 v9, v8  }
0x125: {  	v9 =	vld [tilespmem:s20+$0x8891];
	v4 =	vadd.s32 v4, v8  }
0x126: {  	v35 =	vld [tilespmem:s20+$0x9092];
	v4 =	vadd.s32 v5, v4  }
0x127: {  	v36 =	vld [tilespmem:s20+$0x9893];
	v4 =	vadd.s32 v6, v4  }
0x128: {  	v37 =	vld [tilespmem:s20+$0xA094];
	v4 =	vadd.s32 v7, v4  }
0x129: {  	v38 =	vld [tilespmem:s20+$0xA895];
	[tilespmem:s18+$0x10100] =	vst v4  }
0x12a: {  	v4 =	vld [tilespmem:s20+$0xB096]  }
0x12b: {  	v3 =	vadd.s32 v3, v9;
	v39 =	vld [tilespmem:s20+$0xB897]  }
0x12c: {  	v40 =	vld [tilespmem:s20+$0xC098];
	v3 =	vadd.s32 v35, v3  }
0x12d: {  	v41 =	vld [tilespmem:s20+$0xC899];
	v3 =	vadd.s32 v36, v3  }
0x12e: {  	v42 =	vld [tilespmem:s20+$0xD09A];
	v3 =	vadd.s32 v37, v3  }
0x12f: {  	v43 =	vld [tilespmem:s20+$0xD89B];
	v3 =	vadd.s32 v38, v3  }
0x130: {  	v44 =	vld [tilespmem:s20+$0xE09C];
	v3 =	vadd.s32 v4, v3  }
0x131: {  	v45 =	vld [tilespmem:s20+$0xE89D];
	v3 =	vadd.s32 v39, v3  }
0x132: {  	v46 =	vld [tilespmem:s20+$0xF09E];
	v3 =	vadd.s32 v40, v3  }
0x133: {  	v47 =	vld [tilespmem:s20+$0xF89F];
	v3 =	vadd.s32 v41, v3  }
0x134: {  	v48 =	vld [tilespmem:s20+$0x8080];
	v3 =	vadd.s32 v42, v3  }
0x135: {  	v49 =	vld [tilespmem:s20+$0x8881];
	v3 =	vadd.s32 v43, v3  }
0x136: {  	v50 =	vld [tilespmem:s20+$0x9082];
	v3 =	vadd.s32 v44, v3  }
0x137: {  	v51 =	vld [tilespmem:s20+$0x9883];
	v3 =	vadd.s32 v45, v3  }
0x138: {  	v52 =	vld [tilespmem:s20+$0xA084];
	v3 =	vadd.s32 v46, v3  }
0x139: {  	v53 =	vld [tilespmem:s20+$0xA885];
	v3 =	vadd.s32 v47, v3  }
0x13a: {  	v54 =	vld [tilespmem:s20+$0xB086];
	[tilespmem:s20+$0x10110] =	vst v3;
	v3 =	vadd.s32 v48, v49  }
0x13b: {  	v55 =	vld [tilespmem:s20+$0xB887];
	v3 =	vadd.s32 v50, v3  }
0x13c: {  	v56 =	vld [tilespmem:s20+$0xC088];
	v3 =	vadd.s32 v51, v3  }
0x13d: {  	v57 =	vld [tilespmem:s20+$0xC889];
	v3 =	vadd.s32 v52, v3  }
0x13e: {  	v58 =	vld [tilespmem:s20+$0xD08A];
	v3 =	vadd.s32 v53, v3  }
0x13f: {  	v59 =	vld [tilespmem:s20+$0xD88B];
	v3 =	vadd.s32 v54, v3  }
0x140: {  	v60 =	vld [tilespmem:s20+$0xE08C];
	v3 =	vadd.s32 v55, v3  }
0x141: {  	v61 =	vld [tilespmem:s20+$0xE88D];
	v3 =	vadd.s32 v56, v3  }
0x142: {  	v62 =	vld [tilespmem:s20+$0xF08E];
	v3 =	vadd.s32 v57, v3  }
0x143: {  	v63 =	vld [tilespmem:s20+$0xF88F];
	v3 =	vadd.s32 v58, v3  }
0x144: {  	v3 =	vadd.s32 v59, v3  }
0x145: {  	v3 =	vadd.s32 v60, v3  }
0x146: {  	v3 =	vadd.s32 v61, v3  }
0x147: {  	s17 =	sadd.s32 $0x1, s17;
	v3 =	vadd.s32 v62, v3  }
0x148: {  	p0 =	sne.s32 s17, s7;
	v3 =	vadd.s32 v63, v3  }
.Ltmp4:
0x149: {  	[tilespmem:s20+$0x10100] =	vst v3;
	(pc) =	sbr.rel @p0 .LBB2_1-.Ltmp4, $4  }
0x14a: {  	[hbm4b:s6+s14] =	stream.strided.scatter [tilespmem:s16], [sflag:$0x3], $0x800, s15, s14, $0x38;
	[tilespmem:$0x10900] =	vst v63  }
0x14b: {  	_ =	swait.ge [sflag:s9], $0x800  }
0x14c: {  	[sflag:s9] =	ssyncset.done $0x0  }
0x14d: {  	[sflag:s9] =	ssyncadd.s32 $0xFFFFF800  }
0x14e: {  	_ =	sfence.sel $0x180000  }
0x14f: {  	[bflag:$0x0] =	sbarrier.arrive $0xFFFF  }
0x150: {  	p0 =	sne.s32 s1, $0x0;
	_ =	strace $0x90000047  }
0x151: {  	s0 =	sadd.s32 @!p0 $0x100000, s0;
	[bflag:$0x2] =	sbarrier.arrive $0xFFFF  }
0x152: {  	[sflag:s0] =	ssyncadd.tile.s32 @!p0 $0x1;
	_ =	shalt  }
.Lfunc_end2:
_tile_overlayer_lowered:
.L_overlay_start_2:
0x153: {  	(tag) =	ssettag $0x2  }
0x154: {  	s0 =	rddreg [dreg:$0x0];
	s2 =	stileid.u32  }
0x155: {  	s1 =	rddreg [dreg:$0x1];
	p0 =	sne.s32 s2, $0x0  }
0x156: {  	s3 =	rddreg [dreg:$0x2];
	[bflag:$0x3] =	sbarrier.arrive $0xFFFF;
	s2 =	simm.s32 @!p0 $0x1C03  }
0x157: {  	[timem:s3], [sflag:s2] =	dma.local @!p0 [hbm:s0], s1  }
0x158: {  	s0 =	simm.s32 @!p0 $0x3  }
0x159: {  	_ =	swait.ge @!p0 [sflag:s0], s1  }
0x15a: {  	s1 =	ssub.s32 @!p0 $0x0, s1;
	[sflag:s0] =	ssyncset.done @!p0 $0x0  }
0x15b: {  	[sflag:s0] =	ssyncadd.s32 @!p0 s1  }
0x15c: {  	[bflag:$0x3] =	sbarrier.arrive $0xFFFF  }
0x15d: {  	_ =	shalt  }

</sc_bundles>
